<compile_context>
chip_gen: v7x
topology: tpu7x:2x2x1
jax: 0.10.2.dev20260603
libtpu: 0.0.44.dev20260713+nightly
codegen_flags: <defaults>
</compile_context>

<pallas_src>
import functools

import jax
import jax.numpy as jnp
from jax import lax
from jax.experimental import pallas as pl
from jax.experimental.pallas import tpu as pltpu
from jax.experimental.pallas import tpu_sc as plsc

N = 10000
E = 320000
D = 128

_NC = 2
_NS = 16
_TILES = _NC * _NS
_CH = 128
_NCHUNKS = E // _CH
_RING = 3
_IRING = 6
_RPT = 624
_RPT_LAST = N - 15 * _RPT



_ROWS = 5000
_GRID = N // _ROWS

_DNT = (((1,), (1,)), ((), ()))

def _mm(x, w):
    return lax.dot_general(x, w, _DNT, preferred_element_type=jnp.float32)

def _row_spec():
    return pl.BlockSpec((_ROWS, D), lambda i: (i, 0))

def _full_spec():
    return pl.BlockSpec((D, D), lambda i: (0, 0))

def _bias_spec():
    return pl.BlockSpec((1, D), lambda i: (0, 0))


def _enc_body(x, w0, b0, w1, b1, w2, b2, wg, o):
    h = jnp.maximum(_mm(x[...], w0[...]) + b0[...], 0.0)
    h = jnp.maximum(_mm(h, w1[...]) + b1[...], 0.0)
    h = _mm(h, w2[...]) + b2[...]
    o[...] = _mm(h, wg[...])


def _encode_g0(x, w0, b0, w1, b1, w2, b2, wg0):
    return pl.pallas_call(
        _enc_body,
        grid=(_GRID,),
        in_specs=[_row_spec(), _full_spec(), _bias_spec(), _full_spec(),
                  _bias_spec(), _full_spec(), _bias_spec(), _full_spec()],
        out_specs=_row_spec(),
        out_shape=jax.ShapeDtypeStruct((N, D), jnp.float32),
    )(x, w0, b0, w1, b1, w2, b2, wg0)


def _comb_g1_body(p, bg, wg, o):
    h = jnp.maximum(p[0] + p[1] + bg[...], 0.0)
    o[...] = _mm(h, wg[...])


def _combine_g1(p, bg0, wg1):
    return pl.pallas_call(
        _comb_g1_body,
        grid=(_GRID,),
        in_specs=[pl.BlockSpec((2, _ROWS, D), lambda i: (0, i, 0)),
                  _bias_spec(), _full_spec()],
        out_specs=_row_spec(),
        out_shape=jax.ShapeDtypeStruct((N, D), jnp.float32),
    )(p, bg0, wg1)


def _dec_body(p, bg, w0, b0, w1, b1, w2, b2, o):
    h = jnp.maximum(p[0] + p[1] + bg[...], 0.0)
    h = jnp.maximum(_mm(h, w0[...]) + b0[...], 0.0)
    h = jnp.maximum(_mm(h, w1[...]) + b1[...], 0.0)
    o[...] = _mm(h, w2[...]) + b2[...]


def _combine_decode(p, bg1, w0, b0, w1, b1, w2, b2):
    return pl.pallas_call(
        _dec_body,
        grid=(_GRID,),
        in_specs=[pl.BlockSpec((2, _ROWS, D), lambda i: (0, i, 0)),
                  _bias_spec(), _full_spec(), _bias_spec(), _full_spec(),
                  _bias_spec(), _full_spec(), _bias_spec()],
        out_specs=_row_spec(),
        out_shape=jax.ShapeDtypeStruct((N, D), jnp.float32),
    )(p, bg1, w0, b0, w1, b1, w2, b2)



def _edge_agg(m, edge_index, zrows_hbm):
    mesh = plsc.VectorSubcoreMesh(core_axis_name="c", subcore_axis_name="s")

    @functools.partial(
        pl.kernel,
        out_type=jax.ShapeDtypeStruct((_NC, N, D), jnp.float32),
        mesh=mesh,
        scratch_types=[
            pltpu.VMEM((_IRING, 1, _CH), jnp.int32),
            pltpu.VMEM((_IRING, 1, _CH), jnp.int32),
            pltpu.VMEM((_RING, _CH, D), jnp.float32),
            pltpu.VMEM_SHARED((N, D), jnp.float32),
            [pltpu.SemaphoreType.DMA] * _IRING,
            [pltpu.SemaphoreType.DMA] * _RING,
            [pltpu.SemaphoreType.DMA] * _RING,
            pltpu.SemaphoreType.DMA,
        ],
    )
    def k(m_hbm, edge_hbm, z_hbm, out_hbm, src_v, dst_v, rows, acc,
          isems, gsems, ssems, zsem):
        c = lax.axis_index("c")
        s = lax.axis_index("s")
        wid = c * _NS + s
        nch = jnp.where(wid < 4, 79, 78)
        base = wid * 78 + jnp.minimum(wid, 4)

        @pl.when(s < _NS - 1)
        def _():
            pltpu.async_copy(z_hbm.at[pl.ds(0, _RPT)],
                             acc.at[pl.ds(s * _RPT, _RPT)], zsem)

        @pl.when(s == _NS - 1)
        def _():
            pltpu.async_copy(z_hbm, acc.at[pl.ds((_NS - 1) * _RPT, _RPT_LAST)],
                             zsem)

        def off(j):
            return (base + j) * _CH

        def idx_start(j, ib):
            pltpu.async_copy(edge_hbm.at[pl.ds(0, 1), pl.ds(off(j), _CH)],
                             src_v.at[ib], isems[ib])
            pltpu.async_copy(edge_hbm.at[pl.ds(1, 1), pl.ds(off(j), _CH)],
                             dst_v.at[ib], isems[ib])

        def idx_wait(j, ib):
            pltpu.make_async_copy(
                edge_hbm.at[pl.ds(0, 1), pl.ds(off(j), _CH)],
                src_v.at[ib], isems[ib]).wait()
            pltpu.make_async_copy(
                edge_hbm.at[pl.ds(1, 1), pl.ds(off(j), _CH)],
                dst_v.at[ib], isems[ib]).wait()

        def gather_start(ib, rb):
            pltpu.async_copy(m_hbm.at[src_v.at[ib, 0]], rows.at[rb],
                             gsems[rb])

        def gather_wait(ib, rb):
            pltpu.make_async_copy(m_hbm.at[src_v.at[ib, 0]], rows.at[rb],
                                  gsems[rb]).wait()

        def scat_start(ib, rb):
            pltpu.async_copy(rows.at[rb], acc.at[dst_v.at[ib, 0]], ssems[rb],
                             add=True)

        def scat_wait(ib, rb):
            pltpu.make_async_copy(rows.at[rb], acc.at[dst_v.at[ib, 0]],
                                  ssems[rb]).wait()

        idx_start(0, 0)
        idx_start(1, 1)
        idx_wait(0, 0)
        gather_start(0, 0)

        @pl.when(s < _NS - 1)
        def _():
            pltpu.make_async_copy(z_hbm.at[pl.ds(0, _RPT)],
                                  acc.at[pl.ds(s * _RPT, _RPT)], zsem).wait()

        @pl.when(s == _NS - 1)
        def _():
            pltpu.make_async_copy(
                z_hbm, acc.at[pl.ds((_NS - 1) * _RPT, _RPT_LAST)], zsem).wait()
        plsc.subcore_barrier()

        def outer(i):
            for u in range(_IRING):
                j = i + u

                @pl.when(j < nch)
                def _():
                    @pl.when(j >= 2)
                    def _():
                        scat_wait((u + 4) % _IRING, (u + 1) % _RING)

                    @pl.when(j + 2 < nch)
                    def _():
                        idx_start(j + 2, (u + 2) % _IRING)

                    @pl.when(j + 1 < nch)
                    def _():
                        idx_wait(j + 1, (u + 1) % _IRING)
                        gather_start((u + 1) % _IRING, (u + 1) % _RING)

                    gather_wait(u % _IRING, u % _RING)
                    scat_start(u % _IRING, u % _RING)
        pl.loop(0, nch, step=_IRING)(outer)

        @pl.when(wid < 4)
        def _():
            scat_wait(5, 2)
            scat_wait(0, 0)

        @pl.when(wid >= 4)
        def _():
            scat_wait(4, 1)
            scat_wait(5, 2)

        plsc.subcore_barrier()

        @pl.when(s < _NS - 1)
        def _():
            pltpu.sync_copy(acc.at[pl.ds(s * _RPT, _RPT)],
                            out_hbm.at[c, pl.ds(s * _RPT, _RPT)])

        @pl.when(s == _NS - 1)
        def _():
            pltpu.sync_copy(acc.at[pl.ds((_NS - 1) * _RPT, _RPT_LAST)],
                            out_hbm.at[c, pl.ds((_NS - 1) * _RPT, _RPT_LAST)])

    return k(m, edge_index, zrows_hbm)



def kernel(x, edge_index, W_enc0, b_enc0, W_enc1, b_enc1, W_enc2, b_enc2,
           W_g0, b_g0, W_g1, b_g1, W_dec0, b_dec0, W_dec1, b_dec1,
           W_dec2, b_dec2):
    zrows = jnp.zeros((_RPT_LAST, D), jnp.float32)

    r = lambda b: b.reshape(1, D)
    m1 = _encode_g0(x, W_enc0, r(b_enc0), W_enc1, r(b_enc1),
                    W_enc2, r(b_enc2), W_g0)
    p1 = _edge_agg(m1, edge_index, zrows)
    m2 = _combine_g1(p1, r(b_g0), W_g1)
    p2 = _edge_agg(m2, edge_index, zrows)
    out = _combine_decode(p2, r(b_g1), W_dec0, r(b_dec0), W_dec1,
                          r(b_dec1), W_dec2, r(b_dec2))
    return out

# --- scband reference (transcript-rebuilt; emitter-appended) ---
"""Pipeline reference for scband-hgn-12910671692012 (READ-ONLY COPY).

The authoritative reference and input builder live on the scoring server;
editing this copy changes nothing except your own understanding.
"""

import jax, jax.numpy as jnp
import numpy as np

N = 10000
E = 320000
IN_DIM = 128
ENC_DIM = 128
LATENT = 128
DEC_DIM = 128
OUT_DIM = 128


def _lin(x, W, b):
    return x @ W.T + b


def setup_inputs(seed: int = 0):
    key = jax.random.key(seed)
    ks = jax.random.split(key, 24)
    inp = {}
    inp['x'] = jax.random.normal(ks[0], (N, IN_DIM), dtype=jnp.float32)
    inp['edge_index'] = jax.random.randint(ks[1], (2, E), 0, N, dtype=jnp.int32)

    def w(k, o, i):
        return jax.random.normal(k, (o, i), dtype=jnp.float32) * 0.05

    def b(k, o):
        return jax.random.normal(k, (o,), dtype=jnp.float32) * 0.05

    inp['W_enc0'] = w(ks[2], ENC_DIM, IN_DIM); inp['b_enc0'] = b(ks[3], ENC_DIM)
    inp['W_enc1'] = w(ks[4], ENC_DIM, ENC_DIM); inp['b_enc1'] = b(ks[5], ENC_DIM)
    inp['W_enc2'] = w(ks[6], LATENT, ENC_DIM); inp['b_enc2'] = b(ks[7], LATENT)
    inp['W_g0'] = w(ks[8], LATENT, LATENT); inp['b_g0'] = b(ks[9], LATENT)
    inp['W_g1'] = w(ks[10], LATENT, LATENT); inp['b_g1'] = b(ks[11], LATENT)
    inp['W_dec0'] = w(ks[12], DEC_DIM, LATENT); inp['b_dec0'] = b(ks[13], DEC_DIM)
    inp['W_dec1'] = w(ks[14], DEC_DIM, DEC_DIM); inp['b_dec1'] = b(ks[15], DEC_DIM)
    inp['W_dec2'] = w(ks[16], OUT_DIM, DEC_DIM); inp['b_dec2'] = b(ks[17], OUT_DIM)
    return inp


def reference(x, edge_index, W_enc0, b_enc0, W_enc1, b_enc1, W_enc2, b_enc2, W_g0, b_g0, W_g1, b_g1, W_dec0, b_dec0, W_dec1, b_dec1, W_dec2, b_dec2):
    # encoder: Linear->ReLU, [Linear->ReLU->Dropout(eval: identity)] x1, Linear
    h = jax.nn.relu(_lin(x, W_enc0, b_enc0))
    h = jax.nn.relu(_lin(h, W_enc1, b_enc1))
    h = _lin(h, W_enc2, b_enc2)
    # GCNConv layers (normalize=False): h' = scatter_add over edges of (h @ W^T)[src] into dst, plus bias
    src = edge_index[0]
    dst = edge_index[1]
    for Wg, bg in ((W_g0, b_g0), (W_g1, b_g1)):
        m = h @ Wg.T
        agg = jax.ops.segment_sum(m[src], dst, num_segments=N)
        h = jax.nn.relu(agg + bg)
    # decoder
    h = jax.nn.relu(_lin(h, W_dec0, b_dec0))
    h = jax.nn.relu(_lin(h, W_dec1, b_dec1))
    out = _lin(h, W_dec2, b_dec2)
    return out

if __name__ == "__main__":
    import jax
    _d = setup_inputs()
    print(jax.jit(kernel)(*tuple(_d.values())))

</pallas_src>

<mosaic_0001>
#map = affine_map<(d0, d1) -> (0, 0)>
#map1 = affine_map<(d0, d1) -> (0, 0, 0)>
module attributes {stable_mosaic.version = 14 : i64} {
  func.func @k(%arg0: i32, %arg1: i32, %arg2: memref<10000x128xf32, #tpu.memory_space<hbm>>, %arg3: memref<2x320000xi32, #tpu.memory_space<hbm>>, %arg4: memref<640x128xf32, #tpu.memory_space<hbm>>, %arg5: memref<2x10000x128xf32, #tpu.memory_space<hbm>>, %arg6: memref<6x1x128xi32, #tpu.memory_space<vmem>>, %arg7: memref<6x1x128xi32, #tpu.memory_space<vmem>>, %arg8: memref<3x128x128xf32, #tpu.memory_space<vmem>>, %arg9: memref<10000x128xf32, #tpu.memory_space<vmem_shared>>, %arg10: memref<!tpu.dma_semaphore, #tpu.memory_space<semaphore_mem>>, %arg11: memref<!tpu.dma_semaphore, #tpu.memory_space<semaphore_mem>>, %arg12: memref<!tpu.dma_semaphore, #tpu.memory_space<semaphore_mem>>, %arg13: memref<!tpu.dma_semaphore, #tpu.memory_space<semaphore_mem>>, %arg14: memref<!tpu.dma_semaphore, #tpu.memory_space<semaphore_mem>>, %arg15: memref<!tpu.dma_semaphore, #tpu.memory_space<semaphore_mem>>, %arg16: memref<!tpu.dma_semaphore, #tpu.memory_space<semaphore_mem>>, %arg17: memref<!tpu.dma_semaphore, #tpu.memory_space<semaphore_mem>>, %arg18: memref<!tpu.dma_semaphore, #tpu.memory_space<semaphore_mem>>, %arg19: memref<!tpu.dma_semaphore, #tpu.memory_space<semaphore_mem>>, %arg20: memref<!tpu.dma_semaphore, #tpu.memory_space<semaphore_mem>>, %arg21: memref<!tpu.dma_semaphore, #tpu.memory_space<semaphore_mem>>, %arg22: memref<!tpu.dma_semaphore, #tpu.memory_space<semaphore_mem>>) attributes {dimension_semantics = [#tpu.dimension_semantics<core_parallel>, #tpu.dimension_semantics<subcore_parallel>], iteration_bounds = array<i64: 2, 16>, scalar_prefetch = 0 : i64, scratch_operands = 17 : i64, tpu.core_type = #tpu.core_type<sc_vector_subcore>, window_params = [{transform_indices = #map}, {transform_indices = #map}, {transform_indices = #map}, {transform_indices = #map1}]} {
    %mul3A = arith.constant 16 : i32
    %mul3A_0 = arith.muli %arg0, %mul3A : i32
    %add3A = arith.addi %mul3A_0, %arg1 : i32
    %lt3A = arith.constant 4 : i32
    %lt3A_1 = arith.cmpi slt, %add3A, %lt3A : i32
    %jit3A = arith.constant 79 : i32
    %jit3A_2 = arith.constant 78 : i32
    %select_n3A = arith.select %lt3A_1, %jit3A, %jit3A_2 : i32
    %mul3A_3 = arith.constant 78 : i32
    %mul3A_4 = arith.muli %add3A, %mul3A_3 : i32
    %min3A = arith.constant 4 : i32
    %min3A_5 = arith.minsi %add3A, %min3A : i32
    %add3A_6 = arith.addi %mul3A_4, %min3A_5 : i32
    %lt3A_7 = arith.constant 15 : i32
    %lt3A_8 = arith.cmpi slt, %arg1, %lt3A_7 : i32
    %convert_element_type3A = arith.extui %lt3A_8 : i1 to i32
    %cond3A = arith.constant 0 : i32
    %cond3A_9 = arith.cmpi ne, %convert_element_type3A, %cond3A : i32
    scf.if %cond3A_9 {
      %mul3A_173 = arith.constant 624 : i32
      %mul3A_174 = arith.muli %arg1, %mul3A_173 : i32
      %dma_start3A_175 = arith.constant 0 : i32
      %dma_start3A_176 = tpu.memref_slice %arg9[%mul3A_174, %dma_start3A_175] : memref<10000x128xf32, #tpu.memory_space<vmem_shared>> -> memref<624x128xf32, #tpu.memory_space<vmem_shared>>
      %dma_start3A_177 = arith.constant 0 : i32
      %dma_start3A_178 = arith.constant 0 : i32
      %dma_start3A_179 = tpu.memref_slice %arg4[%dma_start3A_177, %dma_start3A_178] : memref<640x128xf32, #tpu.memory_space<hbm>> -> memref<624x128xf32, #tpu.memory_space<hbm>>
      tpu.enqueue_dma source(%dma_start3A_179 : memref<624x128xf32, #tpu.memory_space<hbm>>) target(%dma_start3A_176 : memref<624x128xf32, #tpu.memory_space<vmem_shared>>) target_semaphore(%arg22 : memref<!tpu.dma_semaphore, #tpu.memory_space<semaphore_mem>>)
    } else {
    }
    %eq3A = arith.constant 15 : i32
    %eq3A_10 = arith.cmpi eq, %arg1, %eq3A : i32
    %convert_element_type3A_11 = arith.extui %eq3A_10 : i1 to i32
    %cond3A_12 = arith.constant 0 : i32
    %cond3A_13 = arith.cmpi ne, %convert_element_type3A_11, %cond3A_12 : i32
    scf.if %cond3A_13 {
      %dma_start3A_173 = arith.constant 9360 : i32
      %dma_start3A_174 = arith.constant 0 : i32
      %dma_start3A_175 = tpu.memref_slice %arg9[%dma_start3A_173, %dma_start3A_174] : memref<10000x128xf32, #tpu.memory_space<vmem_shared>> -> memref<640x128xf32, #tpu.memory_space<vmem_shared>>
      tpu.enqueue_dma source(%arg4 : memref<640x128xf32, #tpu.memory_space<hbm>>) target(%dma_start3A_175 : memref<640x128xf32, #tpu.memory_space<vmem_shared>>) target_semaphore(%arg22 : memref<!tpu.dma_semaphore, #tpu.memory_space<semaphore_mem>>)
    } else {
    }
    %add3A_14 = arith.constant 0 : i32
    %add3A_15 = arith.addi %add3A_6, %add3A_14 : i32
    %mul3A_16 = arith.constant 128 : i32
    %mul3A_17 = arith.muli %add3A_15, %mul3A_16 : i32
    %dma_start3A = arith.constant 0 : i32
    %dma_start3A_18 = arith.constant 0 : i32
    %dma_start3A_19 = arith.constant 0 : i32
    %dma_start3A_20 = tpu.memref_slice %arg6[%dma_start3A, %dma_start3A_18, %dma_start3A_19] : memref<6x1x128xi32, #tpu.memory_space<vmem>> -> memref<1x1x128xi32, #tpu.memory_space<vmem>>
    %dma_start3A_21 = tpu.memref_squeeze %dma_start3A_20 : memref<1x1x128xi32, #tpu.memory_space<vmem>> -> memref<1x128xi32, #tpu.memory_space<vmem>>
    %dma_start3A_22 = arith.constant 0 : i32
    %dma_start3A_23 = tpu.memref_slice %arg3[%dma_start3A_22, %mul3A_17] : memref<2x320000xi32, #tpu.memory_space<hbm>> -> memref<1x128xi32, #tpu.memory_space<hbm>>
    %dma_start3A_24 = arith.constant 0 : i32
    %dma_start3A_25 = arith.constant 0 : i32
    %dma_start3A_26 = tpu.memref_slice %arg6[%dma_start3A, %dma_start3A_24, %dma_start3A_25] : memref<6x1x128xi32, #tpu.memory_space<vmem>> -> memref<1x1x128xi32, #tpu.memory_space<vmem>>
    %dma_start3A_27 = tpu.memref_squeeze %dma_start3A_26 : memref<1x1x128xi32, #tpu.memory_space<vmem>> -> memref<1x128xi32, #tpu.memory_space<vmem>>
    %dma_start3A_28 = arith.constant 0 : i32
    %dma_start3A_29 = tpu.memref_slice %arg3[%dma_start3A_28, %mul3A_17] : memref<2x320000xi32, #tpu.memory_space<hbm>> -> memref<1x128xi32, #tpu.memory_space<hbm>>
    tpu.enqueue_dma source(%dma_start3A_29 : memref<1x128xi32, #tpu.memory_space<hbm>>) target(%dma_start3A_27 : memref<1x128xi32, #tpu.memory_space<vmem>>) target_semaphore(%arg10 : memref<!tpu.dma_semaphore, #tpu.memory_space<semaphore_mem>>)
    %add3A_30 = arith.constant 0 : i32
    %add3A_31 = arith.addi %add3A_6, %add3A_30 : i32
    %mul3A_32 = arith.constant 128 : i32
    %mul3A_33 = arith.muli %add3A_31, %mul3A_32 : i32
    %dma_start3A_34 = arith.constant 0 : i32
    %dma_start3A_35 = arith.constant 0 : i32
    %dma_start3A_36 = arith.constant 0 : i32
    %dma_start3A_37 = tpu.memref_slice %arg7[%dma_start3A_34, %dma_start3A_35, %dma_start3A_36] : memref<6x1x128xi32, #tpu.memory_space<vmem>> -> memref<1x1x128xi32, #tpu.memory_space<vmem>>
    %dma_start3A_38 = tpu.memref_squeeze %dma_start3A_37 : memref<1x1x128xi32, #tpu.memory_space<vmem>> -> memref<1x128xi32, #tpu.memory_space<vmem>>
    %dma_start3A_39 = arith.constant 1 : i32
    %dma_start3A_40 = tpu.memref_slice %arg3[%dma_start3A_39, %mul3A_33] : memref<2x320000xi32, #tpu.memory_space<hbm>> -> memref<1x128xi32, #tpu.memory_space<hbm>>
    %dma_start3A_41 = arith.constant 0 : i32
    %dma_start3A_42 = arith.constant 0 : i32
    %dma_start3A_43 = tpu.memref_slice %arg7[%dma_start3A_34, %dma_start3A_41, %dma_start3A_42] : memref<6x1x128xi32, #tpu.memory_space<vmem>> -> memref<1x1x128xi32, #tpu.memory_space<vmem>>
    %dma_start3A_44 = tpu.memref_squeeze %dma_start3A_43 : memref<1x1x128xi32, #tpu.memory_space<vmem>> -> memref<1x128xi32, #tpu.memory_space<vmem>>
    %dma_start3A_45 = arith.constant 1 : i32
    %dma_start3A_46 = tpu.memref_slice %arg3[%dma_start3A_45, %mul3A_33] : memref<2x320000xi32, #tpu.memory_space<hbm>> -> memref<1x128xi32, #tpu.memory_space<hbm>>
    tpu.enqueue_dma source(%dma_start3A_46 : memref<1x128xi32, #tpu.memory_space<hbm>>) target(%dma_start3A_44 : memref<1x128xi32, #tpu.memory_space<vmem>>) target_semaphore(%arg10 : memref<!tpu.dma_semaphore, #tpu.memory_space<semaphore_mem>>)
    %add3A_47 = arith.constant 1 : i32
    %add3A_48 = arith.addi %add3A_6, %add3A_47 : i32
    %mul3A_49 = arith.constant 128 : i32
    %mul3A_50 = arith.muli %add3A_48, %mul3A_49 : i32
    %dma_start3A_51 = arith.constant 1 : i32
    %dma_start3A_52 = arith.constant 0 : i32
    %dma_start3A_53 = arith.constant 0 : i32
    %dma_start3A_54 = tpu.memref_slice %arg6[%dma_start3A_51, %dma_start3A_52, %dma_start3A_53] : memref<6x1x128xi32, #tpu.memory_space<vmem>> -> memref<1x1x128xi32, #tpu.memory_space<vmem>>
    %dma_start3A_55 = tpu.memref_squeeze %dma_start3A_54 : memref<1x1x128xi32, #tpu.memory_space<vmem>> -> memref<1x128xi32, #tpu.memory_space<vmem>>
    %dma_start3A_56 = arith.constant 0 : i32
    %dma_start3A_57 = tpu.memref_slice %arg3[%dma_start3A_56, %mul3A_50] : memref<2x320000xi32, #tpu.memory_space<hbm>> -> memref<1x128xi32, #tpu.memory_space<hbm>>
    %dma_start3A_58 = arith.constant 0 : i32
    %dma_start3A_59 = arith.constant 0 : i32
    %dma_start3A_60 = tpu.memref_slice %arg6[%dma_start3A_51, %dma_start3A_58, %dma_start3A_59] : memref<6x1x128xi32, #tpu.memory_space<vmem>> -> memref<1x1x128xi32, #tpu.memory_space<vmem>>
    %dma_start3A_61 = tpu.memref_squeeze %dma_start3A_60 : memref<1x1x128xi32, #tpu.memory_space<vmem>> -> memref<1x128xi32, #tpu.memory_space<vmem>>
    %dma_start3A_62 = arith.constant 0 : i32
    %dma_start3A_63 = tpu.memref_slice %arg3[%dma_start3A_62, %mul3A_50] : memref<2x320000xi32, #tpu.memory_space<hbm>> -> memref<1x128xi32, #tpu.memory_space<hbm>>
    tpu.enqueue_dma source(%dma_start3A_63 : memref<1x128xi32, #tpu.memory_space<hbm>>) target(%dma_start3A_61 : memref<1x128xi32, #tpu.memory_space<vmem>>) target_semaphore(%arg11 : memref<!tpu.dma_semaphore, #tpu.memory_space<semaphore_mem>>)
    %add3A_64 = arith.constant 1 : i32
    %add3A_65 = arith.addi %add3A_6, %add3A_64 : i32
    %mul3A_66 = arith.constant 128 : i32
    %mul3A_67 = arith.muli %add3A_65, %mul3A_66 : i32
    %dma_start3A_68 = arith.constant 1 : i32
    %dma_start3A_69 = arith.constant 0 : i32
    %dma_start3A_70 = arith.constant 0 : i32
    %dma_start3A_71 = tpu.memref_slice %arg7[%dma_start3A_68, %dma_start3A_69, %dma_start3A_70] : memref<6x1x128xi32, #tpu.memory_space<vmem>> -> memref<1x1x128xi32, #tpu.memory_space<vmem>>
    %dma_start3A_72 = tpu.memref_squeeze %dma_start3A_71 : memref<1x1x128xi32, #tpu.memory_space<vmem>> -> memref<1x128xi32, #tpu.memory_space<vmem>>
    %dma_start3A_73 = arith.constant 1 : i32
    %dma_start3A_74 = tpu.memref_slice %arg3[%dma_start3A_73, %mul3A_67] : memref<2x320000xi32, #tpu.memory_space<hbm>> -> memref<1x128xi32, #tpu.memory_space<hbm>>
    %dma_start3A_75 = arith.constant 0 : i32
    %dma_start3A_76 = arith.constant 0 : i32
    %dma_start3A_77 = tpu.memref_slice %arg7[%dma_start3A_68, %dma_start3A_75, %dma_start3A_76] : memref<6x1x128xi32, #tpu.memory_space<vmem>> -> memref<1x1x128xi32, #tpu.memory_space<vmem>>
    %dma_start3A_78 = tpu.memref_squeeze %dma_start3A_77 : memref<1x1x128xi32, #tpu.memory_space<vmem>> -> memref<1x128xi32, #tpu.memory_space<vmem>>
    %dma_start3A_79 = arith.constant 1 : i32
    %dma_start3A_80 = tpu.memref_slice %arg3[%dma_start3A_79, %mul3A_67] : memref<2x320000xi32, #tpu.memory_space<hbm>> -> memref<1x128xi32, #tpu.memory_space<hbm>>
    tpu.enqueue_dma source(%dma_start3A_80 : memref<1x128xi32, #tpu.memory_space<hbm>>) target(%dma_start3A_78 : memref<1x128xi32, #tpu.memory_space<vmem>>) target_semaphore(%arg11 : memref<!tpu.dma_semaphore, #tpu.memory_space<semaphore_mem>>)
    %add3A_81 = arith.constant 0 : i32
    %add3A_82 = arith.addi %add3A_6, %add3A_81 : i32
    %mul3A_83 = arith.constant 128 : i32
    %mul3A_84 = arith.muli %add3A_82, %mul3A_83 : i32
    %dma_wait3A = arith.constant 0 : i32
    %dma_wait3A_85 = arith.constant 0 : i32
    %dma_wait3A_86 = arith.constant 0 : i32
    %dma_wait3A_87 = tpu.memref_slice %arg6[%dma_wait3A, %dma_wait3A_85, %dma_wait3A_86] : memref<6x1x128xi32, #tpu.memory_space<vmem>> -> memref<1x1x128xi32, #tpu.memory_space<vmem>>
    %dma_wait3A_88 = tpu.memref_squeeze %dma_wait3A_87 : memref<1x1x128xi32, #tpu.memory_space<vmem>> -> memref<1x128xi32, #tpu.memory_space<vmem>>
    %dma_wait3A_89 = arith.constant 0 : i32
    %dma_wait3A_90 = tpu.memref_slice %arg3[%dma_wait3A_89, %mul3A_84] : memref<2x320000xi32, #tpu.memory_space<hbm>> -> memref<1x128xi32, #tpu.memory_space<hbm>>
    %dma_wait3A_91 = arith.constant 0 : i32
    %dma_wait3A_92 = arith.constant 0 : i32
    %dma_wait3A_93 = tpu.memref_slice %arg6[%dma_wait3A, %dma_wait3A_91, %dma_wait3A_92] : memref<6x1x128xi32, #tpu.memory_space<vmem>> -> memref<1x1x128xi32, #tpu.memory_space<vmem>>
    %dma_wait3A_94 = tpu.memref_squeeze %dma_wait3A_93 : memref<1x1x128xi32, #tpu.memory_space<vmem>> -> memref<1x128xi32, #tpu.memory_space<vmem>>
    %dma_wait3A_95 = arith.constant 0 : i32
    %dma_wait3A_96 = tpu.memref_slice %arg3[%dma_wait3A_95, %mul3A_84] : memref<2x320000xi32, #tpu.memory_space<hbm>> -> memref<1x128xi32, #tpu.memory_space<hbm>>
    tpu.wait_dma2 semaphore(%arg10 : memref<!tpu.dma_semaphore, #tpu.memory_space<semaphore_mem>>) src(%dma_wait3A_96 : memref<1x128xi32, #tpu.memory_space<hbm>>) dst(%dma_wait3A_94 : memref<1x128xi32, #tpu.memory_space<vmem>>)
    %add3A_97 = arith.constant 0 : i32
    %add3A_98 = arith.addi %add3A_6, %add3A_97 : i32
    %mul3A_99 = arith.constant 128 : i32
    %mul3A_100 = arith.muli %add3A_98, %mul3A_99 : i32
    %dma_wait3A_101 = arith.constant 0 : i32
    %dma_wait3A_102 = arith.constant 0 : i32
    %dma_wait3A_103 = arith.constant 0 : i32
    %dma_wait3A_104 = tpu.memref_slice %arg7[%dma_wait3A_101, %dma_wait3A_102, %dma_wait3A_103] : memref<6x1x128xi32, #tpu.memory_space<vmem>> -> memref<1x1x128xi32, #tpu.memory_space<vmem>>
    %dma_wait3A_105 = tpu.memref_squeeze %dma_wait3A_104 : memref<1x1x128xi32, #tpu.memory_space<vmem>> -> memref<1x128xi32, #tpu.memory_space<vmem>>
    %dma_wait3A_106 = arith.constant 1 : i32
    %dma_wait3A_107 = tpu.memref_slice %arg3[%dma_wait3A_106, %mul3A_100] : memref<2x320000xi32, #tpu.memory_space<hbm>> -> memref<1x128xi32, #tpu.memory_space<hbm>>
    %dma_wait3A_108 = arith.constant 0 : i32
    %dma_wait3A_109 = arith.constant 0 : i32
    %dma_wait3A_110 = tpu.memref_slice %arg7[%dma_wait3A_101, %dma_wait3A_108, %dma_wait3A_109] : memref<6x1x128xi32, #tpu.memory_space<vmem>> -> memref<1x1x128xi32, #tpu.memory_space<vmem>>
    %dma_wait3A_111 = tpu.memref_squeeze %dma_wait3A_110 : memref<1x1x128xi32, #tpu.memory_space<vmem>> -> memref<1x128xi32, #tpu.memory_space<vmem>>
    %dma_wait3A_112 = arith.constant 1 : i32
    %dma_wait3A_113 = tpu.memref_slice %arg3[%dma_wait3A_112, %mul3A_100] : memref<2x320000xi32, #tpu.memory_space<hbm>> -> memref<1x128xi32, #tpu.memory_space<hbm>>
    tpu.wait_dma2 semaphore(%arg10 : memref<!tpu.dma_semaphore, #tpu.memory_space<semaphore_mem>>) src(%dma_wait3A_113 : memref<1x128xi32, #tpu.memory_space<hbm>>) dst(%dma_wait3A_111 : memref<1x128xi32, #tpu.memory_space<vmem>>)
    %dma_start3A_114 = arith.constant 0 : i32
    %dma_start3A_115 = arith.constant 0 : i32
    %dma_start3A_116 = arith.constant 0 : i32
    %dma_start3A_117 = arith.constant 0 : i32
    %dma_start3A_118 = arith.constant 0 : i32
    %dma_start3A_119 = tpu.memref_slice %arg8[%dma_start3A_116, %dma_start3A_117, %dma_start3A_118] : memref<3x128x128xf32, #tpu.memory_space<vmem>> -> memref<1x128x128xf32, #tpu.memory_space<vmem>>
    %dma_start3A_120 = tpu.memref_squeeze %dma_start3A_119 : memref<1x128x128xf32, #tpu.memory_space<vmem>> -> memref<128x128xf32, #tpu.memory_space<vmem>>
    %dma_start3A_121 = arith.constant 0 : i32
    %dma_start3A_122 = tpu.memref_slice %arg6[%dma_start3A_114, %dma_start3A_115, %dma_start3A_121] : memref<6x1x128xi32, #tpu.memory_space<vmem>> -> memref<1x1x128xi32, #tpu.memory_space<vmem>>
    %dma_start3A_123 = tpu.memref_squeeze %dma_start3A_122 : memref<1x1x128xi32, #tpu.memory_space<vmem>> -> memref<128xi32, #tpu.memory_space<vmem>>
    %dma_start3A_124 = arith.constant 0 : i32
    %dma_start3A_125 = arith.constant 0 : i32
    %dma_start3A_126 = tpu.memref_slice %arg2[%dma_start3A_124, %dma_start3A_125] : memref<10000x128xf32, #tpu.memory_space<hbm>> -> memref<10000x128xf32, #tpu.memory_space<hbm>>
    tpu.enqueue_indirect_dma source(%dma_start3A_126 : memref<10000x128xf32, #tpu.memory_space<hbm>>) target(%dma_start3A_120 : memref<128x128xf32, #tpu.memory_space<vmem>>) offsets(%dma_start3A_123 : memref<128xi32, #tpu.memory_space<vmem>>) semaphore(%arg16 : memref<!tpu.dma_semaphore, #tpu.memory_space<semaphore_mem>>)
    %lt3A_127 = arith.constant 15 : i32
    %lt3A_128 = arith.cmpi slt, %arg1, %lt3A_127 : i32
    %convert_element_type3A_129 = arith.extui %lt3A_128 : i1 to i32
    %cond3A_130 = arith.constant 0 : i32
    %cond3A_131 = arith.cmpi ne, %convert_element_type3A_129, %cond3A_130 : i32
    scf.if %cond3A_131 {
      %mul3A_173 = arith.constant 624 : i32
      %mul3A_174 = arith.muli %arg1, %mul3A_173 : i32
      %dma_wait3A_175 = arith.constant 0 : i32
      %dma_wait3A_176 = tpu.memref_slice %arg9[%mul3A_174, %dma_wait3A_175] : memref<10000x128xf32, #tpu.memory_space<vmem_shared>> -> memref<624x128xf32, #tpu.memory_space<vmem_shared>>
      %dma_wait3A_177 = arith.constant 0 : i32
      %dma_wait3A_178 = arith.constant 0 : i32
      %dma_wait3A_179 = tpu.memref_slice %arg4[%dma_wait3A_177, %dma_wait3A_178] : memref<640x128xf32, #tpu.memory_space<hbm>> -> memref<624x128xf32, #tpu.memory_space<hbm>>
      tpu.wait_dma2 semaphore(%arg22 : memref<!tpu.dma_semaphore, #tpu.memory_space<semaphore_mem>>) src(%dma_wait3A_179 : memref<624x128xf32, #tpu.memory_space<hbm>>) dst(%dma_wait3A_176 : memref<624x128xf32, #tpu.memory_space<vmem_shared>>)
    } else {
    }
    %eq3A_132 = arith.constant 15 : i32
    %eq3A_133 = arith.cmpi eq, %arg1, %eq3A_132 : i32
    %convert_element_type3A_134 = arith.extui %eq3A_133 : i1 to i32
    %cond3A_135 = arith.constant 0 : i32
    %cond3A_136 = arith.cmpi ne, %convert_element_type3A_134, %cond3A_135 : i32
    scf.if %cond3A_136 {
      %dma_wait3A_173 = arith.constant 9360 : i32
      %dma_wait3A_174 = arith.constant 0 : i32
      %dma_wait3A_175 = tpu.memref_slice %arg9[%dma_wait3A_173, %dma_wait3A_174] : memref<10000x128xf32, #tpu.memory_space<vmem_shared>> -> memref<640x128xf32, #tpu.memory_space<vmem_shared>>
      tpu.wait_dma2 semaphore(%arg22 : memref<!tpu.dma_semaphore, #tpu.memory_space<semaphore_mem>>) src(%arg4 : memref<640x128xf32, #tpu.memory_space<hbm>>) dst(%dma_wait3A_175 : memref<640x128xf32, #tpu.memory_space<vmem_shared>>)
    } else {
    }
    %barrier3A = arith.constant 0 : index
    tpu.barrier barrier_id(%barrier3A)
    %sub3A = arith.constant 0 : i32
    %sub3A_137 = arith.subi %select_n3A, %sub3A : i32
    %sub3A_138 = arith.constant 6 : i32
    %sub3A_139 = arith.constant 1 : i32
    %sub3A_140 = arith.subi %sub3A_138, %sub3A_139 : i32
    %add3A_141 = arith.addi %sub3A_137, %sub3A_140 : i32
    %div3A = arith.constant 6 : i32
    %div3A_142 = arith.divsi %add3A_141, %div3A : i32
    %while3A = arith.constant 6 : i32
    %while3A_143 = arith.constant 0 : i32
    %while3A_144 = arith.constant 0 : i32
    %while3A_145 = arith.subi %div3A_142, %while3A_144 : i32
    %while3A_146 = arith.addi %while3A_144, %while3A_145 : i32
    %while3A_147 = arith.constant 1 : i32
    %while3A_148 = arith.divsi %while3A_145, %while3A_147 : i32
    %while3A_149 = arith.muli %while3A_148, %while3A_147 : i32
    %while3A_150 = arith.addi %while3A_144, %while3A_149 : i32
    %while3A_151 = arith.constant 1 : i32
    scf.for %while3A_173 = %while3A_144 to %while3A_150 step %while3A_151  : i32 {
      %mul3A_174 = arith.muli %while3A_173, %while3A : i32
      %add3A_175 = arith.addi %while3A_143, %mul3A_174 : i32
      %add3A_176 = arith.constant 0 : i32
      %add3A_177 = arith.addi %add3A_175, %add3A_176 : i32
      %lt3A_178 = arith.cmpi slt, %add3A_177, %select_n3A : i32
      %convert_element_type3A_179 = arith.extui %lt3A_178 : i1 to i32
      %cond3A_180 = arith.constant 0 : i32
      %cond3A_181 = arith.cmpi ne, %convert_element_type3A_179, %cond3A_180 : i32
      scf.if %cond3A_181 {
        %ge3A_212 = arith.constant 2 : i32
        %ge3A_213 = arith.cmpi sge, %add3A_177, %ge3A_212 : i32
        %convert_element_type3A_214 = arith.extui %ge3A_213 : i1 to i32
        %cond3A_215 = arith.constant 0 : i32
        %cond3A_216 = arith.cmpi ne, %convert_element_type3A_214, %cond3A_215 : i32
        scf.if %cond3A_216 {
          %dma_wait3A_255 = arith.constant 1 : i32
          %dma_wait3A_256 = arith.constant 4 : i32
          %dma_wait3A_257 = arith.constant 0 : i32
          %dma_wait3A_258 = arith.constant 0 : i32
          %dma_wait3A_259 = arith.constant 0 : i32
          %dma_wait3A_260 = tpu.memref_slice %arg8[%dma_wait3A_255, %dma_wait3A_258, %dma_wait3A_259] : memref<3x128x128xf32, #tpu.memory_space<vmem>> -> memref<1x128x128xf32, #tpu.memory_space<vmem>>
          %dma_wait3A_261 = tpu.memref_squeeze %dma_wait3A_260 : memref<1x128x128xf32, #tpu.memory_space<vmem>> -> memref<128x128xf32, #tpu.memory_space<vmem>>
          %dma_wait3A_262 = arith.constant 0 : i32
          %dma_wait3A_263 = tpu.memref_slice %arg7[%dma_wait3A_256, %dma_wait3A_257, %dma_wait3A_262] : memref<6x1x128xi32, #tpu.memory_space<vmem>> -> memref<1x1x128xi32, #tpu.memory_space<vmem>>
          %dma_wait3A_264 = tpu.memref_squeeze %dma_wait3A_263 : memref<1x1x128xi32, #tpu.memory_space<vmem>> -> memref<128xi32, #tpu.memory_space<vmem>>
          %dma_wait3A_265 = arith.constant 0 : i32
          %dma_wait3A_266 = arith.constant 0 : i32
          %dma_wait3A_267 = tpu.memref_slice %arg9[%dma_wait3A_265, %dma_wait3A_266] : memref<10000x128xf32, #tpu.memory_space<vmem_shared>> -> memref<10000x128xf32, #tpu.memory_space<vmem_shared>>
          tpu.wait_indirect_dma semaphore(%arg20 : memref<!tpu.dma_semaphore, #tpu.memory_space<semaphore_mem>>) src(%dma_wait3A_261 : memref<128x128xf32, #tpu.memory_space<vmem>>) dst(%dma_wait3A_267 : memref<10000x128xf32, #tpu.memory_space<vmem_shared>>)
        } else {
        }
        %add3A_217 = arith.constant 2 : i32
        %add3A_218 = arith.addi %add3A_177, %add3A_217 : i32
        %lt3A_219 = arith.cmpi slt, %add3A_218, %select_n3A : i32
        %convert_element_type3A_220 = arith.extui %lt3A_219 : i1 to i32
        %cond3A_221 = arith.constant 0 : i32
        %cond3A_222 = arith.cmpi ne, %convert_element_type3A_220, %cond3A_221 : i32
        scf.if %cond3A_222 {
          %add3A_255 = arith.constant 2 : i32
          %add3A_256 = arith.addi %add3A_177, %add3A_255 : i32
          %add3A_257 = arith.addi %add3A_6, %add3A_256 : i32
          %mul3A_258 = arith.constant 128 : i32
          %mul3A_259 = arith.muli %add3A_257, %mul3A_258 : i32
          %dma_start3A_260 = arith.constant 2 : i32
          %dma_start3A_261 = arith.constant 0 : i32
          %dma_start3A_262 = arith.constant 0 : i32
          %dma_start3A_263 = tpu.memref_slice %arg6[%dma_start3A_260, %dma_start3A_261, %dma_start3A_262] : memref<6x1x128xi32, #tpu.memory_space<vmem>> -> memref<1x1x128xi32, #tpu.memory_space<vmem>>
          %dma_start3A_264 = tpu.memref_squeeze %dma_start3A_263 : memref<1x1x128xi32, #tpu.memory_space<vmem>> -> memref<1x128xi32, #tpu.memory_space<vmem>>
          %dma_start3A_265 = arith.constant 0 : i32
          %dma_start3A_266 = tpu.memref_slice %arg3[%dma_start3A_265, %mul3A_259] : memref<2x320000xi32, #tpu.memory_space<hbm>> -> memref<1x128xi32, #tpu.memory_space<hbm>>
          %dma_start3A_267 = arith.constant 0 : i32
          %dma_start3A_268 = arith.constant 0 : i32
          %dma_start3A_269 = tpu.memref_slice %arg6[%dma_start3A_260, %dma_start3A_267, %dma_start3A_268] : memref<6x1x128xi32, #tpu.memory_space<vmem>> -> memref<1x1x128xi32, #tpu.memory_space<vmem>>
          %dma_start3A_270 = tpu.memref_squeeze %dma_start3A_269 : memref<1x1x128xi32, #tpu.memory_space<vmem>> -> memref<1x128xi32, #tpu.memory_space<vmem>>
          %dma_start3A_271 = arith.constant 0 : i32
          %dma_start3A_272 = tpu.memref_slice %arg3[%dma_start3A_271, %mul3A_259] : memref<2x320000xi32, #tpu.memory_space<hbm>> -> memref<1x128xi32, #tpu.memory_space<hbm>>
          tpu.enqueue_dma source(%dma_start3A_272 : memref<1x128xi32, #tpu.memory_space<hbm>>) target(%dma_start3A_270 : memref<1x128xi32, #tpu.memory_space<vmem>>) target_semaphore(%arg12 : memref<!tpu.dma_semaphore, #tpu.memory_space<semaphore_mem>>)
          %add3A_273 = arith.addi %add3A_6, %add3A_256 : i32
          %mul3A_274 = arith.constant 128 : i32
          %mul3A_275 = arith.muli %add3A_273, %mul3A_274 : i32
          %dma_start3A_276 = arith.constant 2 : i32
          %dma_start3A_277 = arith.constant 0 : i32
          %dma_start3A_278 = arith.constant 0 : i32
          %dma_start3A_279 = tpu.memref_slice %arg7[%dma_start3A_276, %dma_start3A_277, %dma_start3A_278] : memref<6x1x128xi32, #tpu.memory_space<vmem>> -> memref<1x1x128xi32, #tpu.memory_space<vmem>>
          %dma_start3A_280 = tpu.memref_squeeze %dma_start3A_279 : memref<1x1x128xi32, #tpu.memory_space<vmem>> -> memref<1x128xi32, #tpu.memory_space<vmem>>
          %dma_start3A_281 = arith.constant 1 : i32
          %dma_start3A_282 = tpu.memref_slice %arg3[%dma_start3A_281, %mul3A_275] : memref<2x320000xi32, #tpu.memory_space<hbm>> -> memref<1x128xi32, #tpu.memory_space<hbm>>
          %dma_start3A_283 = arith.constant 0 : i32
          %dma_start3A_284 = arith.constant 0 : i32
          %dma_start3A_285 = tpu.memref_slice %arg7[%dma_start3A_276, %dma_start3A_283, %dma_start3A_284] : memref<6x1x128xi32, #tpu.memory_space<vmem>> -> memref<1x1x128xi32, #tpu.memory_space<vmem>>
          %dma_start3A_286 = tpu.memref_squeeze %dma_start3A_285 : memref<1x1x128xi32, #tpu.memory_space<vmem>> -> memref<1x128xi32, #tpu.memory_space<vmem>>
          %dma_start3A_287 = arith.constant 1 : i32
          %dma_start3A_288 = tpu.memref_slice %arg3[%dma_start3A_287, %mul3A_275] : memref<2x320000xi32, #tpu.memory_space<hbm>> -> memref<1x128xi32, #tpu.memory_space<hbm>>
          tpu.enqueue_dma source(%dma_start3A_288 : memref<1x128xi32, #tpu.memory_space<hbm>>) target(%dma_start3A_286 : memref<1x128xi32, #tpu.memory_space<vmem>>) target_semaphore(%arg12 : memref<!tpu.dma_semaphore, #tpu.memory_space<semaphore_mem>>)
        } else {
        }
        %add3A_223 = arith.constant 1 : i32
        %add3A_224 = arith.addi %add3A_177, %add3A_223 : i32
        %lt3A_225 = arith.cmpi slt, %add3A_224, %select_n3A : i32
        %convert_element_type3A_226 = arith.extui %lt3A_225 : i1 to i32
        %cond3A_227 = arith.constant 0 : i32
        %cond3A_228 = arith.cmpi ne, %convert_element_type3A_226, %cond3A_227 : i32
        scf.if %cond3A_228 {
          %add3A_255 = arith.constant 1 : i32
          %add3A_256 = arith.addi %add3A_177, %add3A_255 : i32
          %add3A_257 = arith.addi %add3A_6, %add3A_256 : i32
          %mul3A_258 = arith.constant 128 : i32
          %mul3A_259 = arith.muli %add3A_257, %mul3A_258 : i32
          %dma_wait3A_260 = arith.constant 1 : i32
          %dma_wait3A_261 = arith.constant 0 : i32
          %dma_wait3A_262 = arith.constant 0 : i32
          %dma_wait3A_263 = tpu.memref_slice %arg6[%dma_wait3A_260, %dma_wait3A_261, %dma_wait3A_262] : memref<6x1x128xi32, #tpu.memory_space<vmem>> -> memref<1x1x128xi32, #tpu.memory_space<vmem>>
          %dma_wait3A_264 = tpu.memref_squeeze %dma_wait3A_263 : memref<1x1x128xi32, #tpu.memory_space<vmem>> -> memref<1x128xi32, #tpu.memory_space<vmem>>
          %dma_wait3A_265 = arith.constant 0 : i32
          %dma_wait3A_266 = tpu.memref_slice %arg3[%dma_wait3A_265, %mul3A_259] : memref<2x320000xi32, #tpu.memory_space<hbm>> -> memref<1x128xi32, #tpu.memory_space<hbm>>
          %dma_wait3A_267 = arith.constant 0 : i32
          %dma_wait3A_268 = arith.constant 0 : i32
          %dma_wait3A_269 = tpu.memref_slice %arg6[%dma_wait3A_260, %dma_wait3A_267, %dma_wait3A_268] : memref<6x1x128xi32, #tpu.memory_space<vmem>> -> memref<1x1x128xi32, #tpu.memory_space<vmem>>
          %dma_wait3A_270 = tpu.memref_squeeze %dma_wait3A_269 : memref<1x1x128xi32, #tpu.memory_space<vmem>> -> memref<1x128xi32, #tpu.memory_space<vmem>>
          %dma_wait3A_271 = arith.constant 0 : i32
          %dma_wait3A_272 = tpu.memref_slice %arg3[%dma_wait3A_271, %mul3A_259] : memref<2x320000xi32, #tpu.memory_space<hbm>> -> memref<1x128xi32, #tpu.memory_space<hbm>>
          tpu.wait_dma2 semaphore(%arg11 : memref<!tpu.dma_semaphore, #tpu.memory_space<semaphore_mem>>) src(%dma_wait3A_272 : memref<1x128xi32, #tpu.memory_space<hbm>>) dst(%dma_wait3A_270 : memref<1x128xi32, #tpu.memory_space<vmem>>)
          %add3A_273 = arith.addi %add3A_6, %add3A_256 : i32
          %mul3A_274 = arith.constant 128 : i32
          %mul3A_275 = arith.muli %add3A_273, %mul3A_274 : i32
          %dma_wait3A_276 = arith.constant 1 : i32
          %dma_wait3A_277 = arith.constant 0 : i32
          %dma_wait3A_278 = arith.constant 0 : i32
          %dma_wait3A_279 = tpu.memref_slice %arg7[%dma_wait3A_276, %dma_wait3A_277, %dma_wait3A_278] : memref<6x1x128xi32, #tpu.memory_space<vmem>> -> memref<1x1x128xi32, #tpu.memory_space<vmem>>
          %dma_wait3A_280 = tpu.memref_squeeze %dma_wait3A_279 : memref<1x1x128xi32, #tpu.memory_space<vmem>> -> memref<1x128xi32, #tpu.memory_space<vmem>>
          %dma_wait3A_281 = arith.constant 1 : i32
          %dma_wait3A_282 = tpu.memref_slice %arg3[%dma_wait3A_281, %mul3A_275] : memref<2x320000xi32, #tpu.memory_space<hbm>> -> memref<1x128xi32, #tpu.memory_space<hbm>>
          %dma_wait3A_283 = arith.constant 0 : i32
          %dma_wait3A_284 = arith.constant 0 : i32
          %dma_wait3A_285 = tpu.memref_slice %arg7[%dma_wait3A_276, %dma_wait3A_283, %dma_wait3A_284] : memref<6x1x128xi32, #tpu.memory_space<vmem>> -> memref<1x1x128xi32, #tpu.memory_space<vmem>>
          %dma_wait3A_286 = tpu.memref_squeeze %dma_wait3A_285 : memref<1x1x128xi32, #tpu.memory_space<vmem>> -> memref<1x128xi32, #tpu.memory_space<vmem>>
          %dma_wait3A_287 = arith.constant 1 : i32
          %dma_wait3A_288 = tpu.memref_slice %arg3[%dma_wait3A_287, %mul3A_275] : memref<2x320000xi32, #tpu.memory_space<hbm>> -> memref<1x128xi32, #tpu.memory_space<hbm>>
          tpu.wait_dma2 semaphore(%arg11 : memref<!tpu.dma_semaphore, #tpu.memory_space<semaphore_mem>>) src(%dma_wait3A_288 : memref<1x128xi32, #tpu.memory_space<hbm>>) dst(%dma_wait3A_286 : memref<1x128xi32, #tpu.memory_space<vmem>>)
          %dma_start3A_289 = arith.constant 1 : i32
          %dma_start3A_290 = arith.constant 0 : i32
          %dma_start3A_291 = arith.constant 1 : i32
          %dma_start3A_292 = arith.constant 0 : i32
          %dma_start3A_293 = arith.constant 0 : i32
          %dma_start3A_294 = tpu.memref_slice %arg8[%dma_start3A_291, %dma_start3A_292, %dma_start3A_293] : memref<3x128x128xf32, #tpu.memory_space<vmem>> -> memref<1x128x128xf32, #tpu.memory_space<vmem>>
          %dma_start3A_295 = tpu.memref_squeeze %dma_start3A_294 : memref<1x128x128xf32, #tpu.memory_space<vmem>> -> memref<128x128xf32, #tpu.memory_space<vmem>>
          %dma_start3A_296 = arith.constant 0 : i32
          %dma_start3A_297 = tpu.memref_slice %arg6[%dma_start3A_289, %dma_start3A_290, %dma_start3A_296] : memref<6x1x128xi32, #tpu.memory_space<vmem>> -> memref<1x1x128xi32, #tpu.memory_space<vmem>>
          %dma_start3A_298 = tpu.memref_squeeze %dma_start3A_297 : memref<1x1x128xi32, #tpu.memory_space<vmem>> -> memref<128xi32, #tpu.memory_space<vmem>>
          %dma_start3A_299 = arith.constant 0 : i32
          %dma_start3A_300 = arith.constant 0 : i32
          %dma_start3A_301 = tpu.memref_slice %arg2[%dma_start3A_299, %dma_start3A_300] : memref<10000x128xf32, #tpu.memory_space<hbm>> -> memref<10000x128xf32, #tpu.memory_space<hbm>>
          tpu.enqueue_indirect_dma source(%dma_start3A_301 : memref<10000x128xf32, #tpu.memory_space<hbm>>) target(%dma_start3A_295 : memref<128x128xf32, #tpu.memory_space<vmem>>) offsets(%dma_start3A_298 : memref<128xi32, #tpu.memory_space<vmem>>) semaphore(%arg17 : memref<!tpu.dma_semaphore, #tpu.memory_space<semaphore_mem>>)
        } else {
        }
        %dma_wait3A_229 = arith.constant 0 : i32
        %dma_wait3A_230 = arith.constant 0 : i32
        %dma_wait3A_231 = arith.constant 0 : i32
        %dma_wait3A_232 = arith.constant 0 : i32
        %dma_wait3A_233 = arith.constant 0 : i32
        %dma_wait3A_234 = tpu.memref_slice %arg8[%dma_wait3A_231, %dma_wait3A_232, %dma_wait3A_233] : memref<3x128x128xf32, #tpu.memory_space<vmem>> -> memref<1x128x128xf32, #tpu.memory_space<vmem>>
        %dma_wait3A_235 = tpu.memref_squeeze %dma_wait3A_234 : memref<1x128x128xf32, #tpu.memory_space<vmem>> -> memref<128x128xf32, #tpu.memory_space<vmem>>
        %dma_wait3A_236 = arith.constant 0 : i32
        %dma_wait3A_237 = tpu.memref_slice %arg6[%dma_wait3A_229, %dma_wait3A_230, %dma_wait3A_236] : memref<6x1x128xi32, #tpu.memory_space<vmem>> -> memref<1x1x128xi32, #tpu.memory_space<vmem>>
        %dma_wait3A_238 = tpu.memref_squeeze %dma_wait3A_237 : memref<1x1x128xi32, #tpu.memory_space<vmem>> -> memref<128xi32, #tpu.memory_space<vmem>>
        %dma_wait3A_239 = arith.constant 0 : i32
        %dma_wait3A_240 = arith.constant 0 : i32
        %dma_wait3A_241 = tpu.memref_slice %arg2[%dma_wait3A_239, %dma_wait3A_240] : memref<10000x128xf32, #tpu.memory_space<hbm>> -> memref<10000x128xf32, #tpu.memory_space<hbm>>
        tpu.wait_indirect_dma semaphore(%arg16 : memref<!tpu.dma_semaphore, #tpu.memory_space<semaphore_mem>>) src(%dma_wait3A_241 : memref<10000x128xf32, #tpu.memory_space<hbm>>) dst(%dma_wait3A_235 : memref<128x128xf32, #tpu.memory_space<vmem>>)
        %dma_start3A_242 = arith.constant 0 : i32
        %dma_start3A_243 = arith.constant 0 : i32
        %dma_start3A_244 = arith.constant 0 : i32
        %dma_start3A_245 = arith.constant 0 : i32
        %dma_start3A_246 = arith.constant 0 : i32
        %dma_start3A_247 = tpu.memref_slice %arg8[%dma_start3A_242, %dma_start3A_245, %dma_start3A_246] : memref<3x128x128xf32, #tpu.memory_space<vmem>> -> memref<1x128x128xf32, #tpu.memory_space<vmem>>
        %dma_start3A_248 = tpu.memref_squeeze %dma_start3A_247 : memref<1x128x128xf32, #tpu.memory_space<vmem>> -> memref<128x128xf32, #tpu.memory_space<vmem>>
        %dma_start3A_249 = arith.constant 0 : i32
        %dma_start3A_250 = tpu.memref_slice %arg7[%dma_start3A_243, %dma_start3A_244, %dma_start3A_249] : memref<6x1x128xi32, #tpu.memory_space<vmem>> -> memref<1x1x128xi32, #tpu.memory_space<vmem>>
        %dma_start3A_251 = tpu.memref_squeeze %dma_start3A_250 : memref<1x1x128xi32, #tpu.memory_space<vmem>> -> memref<128xi32, #tpu.memory_space<vmem>>
        %dma_start3A_252 = arith.constant 0 : i32
        %dma_start3A_253 = arith.constant 0 : i32
        %dma_start3A_254 = tpu.memref_slice %arg9[%dma_start3A_252, %dma_start3A_253] : memref<10000x128xf32, #tpu.memory_space<vmem_shared>> -> memref<10000x128xf32, #tpu.memory_space<vmem_shared>>
        tpu.enqueue_indirect_dma source(%dma_start3A_248 : memref<128x128xf32, #tpu.memory_space<vmem>>) target(%dma_start3A_254 : memref<10000x128xf32, #tpu.memory_space<vmem_shared>>) offsets(%dma_start3A_251 : memref<128xi32, #tpu.memory_space<vmem>>) semaphore(%arg19 : memref<!tpu.dma_semaphore, #tpu.memory_space<semaphore_mem>>) {add = true}
      } else {
      }
      %add3A_182 = arith.constant 1 : i32
      %add3A_183 = arith.addi %add3A_175, %add3A_182 : i32
      %lt3A_184 = arith.cmpi slt, %add3A_183, %select_n3A : i32
      %convert_element_type3A_185 = arith.extui %lt3A_184 : i1 to i32
      %cond3A_186 = arith.constant 0 : i32
      %cond3A_187 = arith.cmpi ne, %convert_element_type3A_185, %cond3A_186 : i32
      scf.if %cond3A_187 {
        %ge3A_212 = arith.constant 2 : i32
        %ge3A_213 = arith.cmpi sge, %add3A_183, %ge3A_212 : i32
        %convert_element_type3A_214 = arith.extui %ge3A_213 : i1 to i32
        %cond3A_215 = arith.constant 0 : i32
        %cond3A_216 = arith.cmpi ne, %convert_element_type3A_214, %cond3A_215 : i32
        scf.if %cond3A_216 {
          %dma_wait3A_255 = arith.constant 2 : i32
          %dma_wait3A_256 = arith.constant 5 : i32
          %dma_wait3A_257 = arith.constant 0 : i32
          %dma_wait3A_258 = arith.constant 0 : i32
          %dma_wait3A_259 = arith.constant 0 : i32
          %dma_wait3A_260 = tpu.memref_slice %arg8[%dma_wait3A_255, %dma_wait3A_258, %dma_wait3A_259] : memref<3x128x128xf32, #tpu.memory_space<vmem>> -> memref<1x128x128xf32, #tpu.memory_space<vmem>>
          %dma_wait3A_261 = tpu.memref_squeeze %dma_wait3A_260 : memref<1x128x128xf32, #tpu.memory_space<vmem>> -> memref<128x128xf32, #tpu.memory_space<vmem>>
          %dma_wait3A_262 = arith.constant 0 : i32
          %dma_wait3A_263 = tpu.memref_slice %arg7[%dma_wait3A_256, %dma_wait3A_257, %dma_wait3A_262] : memref<6x1x128xi32, #tpu.memory_space<vmem>> -> memref<1x1x128xi32, #tpu.memory_space<vmem>>
          %dma_wait3A_264 = tpu.memref_squeeze %dma_wait3A_263 : memref<1x1x128xi32, #tpu.memory_space<vmem>> -> memref<128xi32, #tpu.memory_space<vmem>>
          %dma_wait3A_265 = arith.constant 0 : i32
          %dma_wait3A_266 = arith.constant 0 : i32
          %dma_wait3A_267 = tpu.memref_slice %arg9[%dma_wait3A_265, %dma_wait3A_266] : memref<10000x128xf32, #tpu.memory_space<vmem_shared>> -> memref<10000x128xf32, #tpu.memory_space<vmem_shared>>
          tpu.wait_indirect_dma semaphore(%arg21 : memref<!tpu.dma_semaphore, #tpu.memory_space<semaphore_mem>>) src(%dma_wait3A_261 : memref<128x128xf32, #tpu.memory_space<vmem>>) dst(%dma_wait3A_267 : memref<10000x128xf32, #tpu.memory_space<vmem_shared>>)
        } else {
        }
        %add3A_217 = arith.constant 2 : i32
        %add3A_218 = arith.addi %add3A_183, %add3A_217 : i32
        %lt3A_219 = arith.cmpi slt, %add3A_218, %select_n3A : i32
        %convert_element_type3A_220 = arith.extui %lt3A_219 : i1 to i32
        %cond3A_221 = arith.constant 0 : i32
        %cond3A_222 = arith.cmpi ne, %convert_element_type3A_220, %cond3A_221 : i32
        scf.if %cond3A_222 {
          %add3A_255 = arith.constant 2 : i32
          %add3A_256 = arith.addi %add3A_183, %add3A_255 : i32
          %add3A_257 = arith.addi %add3A_6, %add3A_256 : i32
          %mul3A_258 = arith.constant 128 : i32
          %mul3A_259 = arith.muli %add3A_257, %mul3A_258 : i32
          %dma_start3A_260 = arith.constant 3 : i32
          %dma_start3A_261 = arith.constant 0 : i32
          %dma_start3A_262 = arith.constant 0 : i32
          %dma_start3A_263 = tpu.memref_slice %arg6[%dma_start3A_260, %dma_start3A_261, %dma_start3A_262] : memref<6x1x128xi32, #tpu.memory_space<vmem>> -> memref<1x1x128xi32, #tpu.memory_space<vmem>>
          %dma_start3A_264 = tpu.memref_squeeze %dma_start3A_263 : memref<1x1x128xi32, #tpu.memory_space<vmem>> -> memref<1x128xi32, #tpu.memory_space<vmem>>
          %dma_start3A_265 = arith.constant 0 : i32
          %dma_start3A_266 = tpu.memref_slice %arg3[%dma_start3A_265, %mul3A_259] : memref<2x320000xi32, #tpu.memory_space<hbm>> -> memref<1x128xi32, #tpu.memory_space<hbm>>
          %dma_start3A_267 = arith.constant 0 : i32
          %dma_start3A_268 = arith.constant 0 : i32
          %dma_start3A_269 = tpu.memref_slice %arg6[%dma_start3A_260, %dma_start3A_267, %dma_start3A_268] : memref<6x1x128xi32, #tpu.memory_space<vmem>> -> memref<1x1x128xi32, #tpu.memory_space<vmem>>
          %dma_start3A_270 = tpu.memref_squeeze %dma_start3A_269 : memref<1x1x128xi32, #tpu.memory_space<vmem>> -> memref<1x128xi32, #tpu.memory_space<vmem>>
          %dma_start3A_271 = arith.constant 0 : i32
          %dma_start3A_272 = tpu.memref_slice %arg3[%dma_start3A_271, %mul3A_259] : memref<2x320000xi32, #tpu.memory_space<hbm>> -> memref<1x128xi32, #tpu.memory_space<hbm>>
          tpu.enqueue_dma source(%dma_start3A_272 : memref<1x128xi32, #tpu.memory_space<hbm>>) target(%dma_start3A_270 : memref<1x128xi32, #tpu.memory_space<vmem>>) target_semaphore(%arg13 : memref<!tpu.dma_semaphore, #tpu.memory_space<semaphore_mem>>)
          %add3A_273 = arith.addi %add3A_6, %add3A_256 : i32
          %mul3A_274 = arith.constant 128 : i32
          %mul3A_275 = arith.muli %add3A_273, %mul3A_274 : i32
          %dma_start3A_276 = arith.constant 3 : i32
          %dma_start3A_277 = arith.constant 0 : i32
          %dma_start3A_278 = arith.constant 0 : i32
          %dma_start3A_279 = tpu.memref_slice %arg7[%dma_start3A_276, %dma_start3A_277, %dma_start3A_278] : memref<6x1x128xi32, #tpu.memory_space<vmem>> -> memref<1x1x128xi32, #tpu.memory_space<vmem>>
          %dma_start3A_280 = tpu.memref_squeeze %dma_start3A_279 : memref<1x1x128xi32, #tpu.memory_space<vmem>> -> memref<1x128xi32, #tpu.memory_space<vmem>>
          %dma_start3A_281 = arith.constant 1 : i32
          %dma_start3A_282 = tpu.memref_slice %arg3[%dma_start3A_281, %mul3A_275] : memref<2x320000xi32, #tpu.memory_space<hbm>> -> memref<1x128xi32, #tpu.memory_space<hbm>>
          %dma_start3A_283 = arith.constant 0 : i32
          %dma_start3A_284 = arith.constant 0 : i32
          %dma_start3A_285 = tpu.memref_slice %arg7[%dma_start3A_276, %dma_start3A_283, %dma_start3A_284] : memref<6x1x128xi32, #tpu.memory_space<vmem>> -> memref<1x1x128xi32, #tpu.memory_space<vmem>>
          %dma_start3A_286 = tpu.memref_squeeze %dma_start3A_285 : memref<1x1x128xi32, #tpu.memory_space<vmem>> -> memref<1x128xi32, #tpu.memory_space<vmem>>
          %dma_start3A_287 = arith.constant 1 : i32
          %dma_start3A_288 = tpu.memref_slice %arg3[%dma_start3A_287, %mul3A_275] : memref<2x320000xi32, #tpu.memory_space<hbm>> -> memref<1x128xi32, #tpu.memory_space<hbm>>
          tpu.enqueue_dma source(%dma_start3A_288 : memref<1x128xi32, #tpu.memory_space<hbm>>) target(%dma_start3A_286 : memref<1x128xi32, #tpu.memory_space<vmem>>) target_semaphore(%arg13 : memref<!tpu.dma_semaphore, #tpu.memory_space<semaphore_mem>>)
        } else {
        }
        %add3A_223 = arith.constant 1 : i32
        %add3A_224 = arith.addi %add3A_183, %add3A_223 : i32
        %lt3A_225 = arith.cmpi slt, %add3A_224, %select_n3A : i32
        %convert_element_type3A_226 = arith.extui %lt3A_225 : i1 to i32
        %cond3A_227 = arith.constant 0 : i32
        %cond3A_228 = arith.cmpi ne, %convert_element_type3A_226, %cond3A_227 : i32
        scf.if %cond3A_228 {
          %add3A_255 = arith.constant 1 : i32
          %add3A_256 = arith.addi %add3A_183, %add3A_255 : i32
          %add3A_257 = arith.addi %add3A_6, %add3A_256 : i32
          %mul3A_258 = arith.constant 128 : i32
          %mul3A_259 = arith.muli %add3A_257, %mul3A_258 : i32
          %dma_wait3A_260 = arith.constant 2 : i32
          %dma_wait3A_261 = arith.constant 0 : i32
          %dma_wait3A_262 = arith.constant 0 : i32
          %dma_wait3A_263 = tpu.memref_slice %arg6[%dma_wait3A_260, %dma_wait3A_261, %dma_wait3A_262] : memref<6x1x128xi32, #tpu.memory_space<vmem>> -> memref<1x1x128xi32, #tpu.memory_space<vmem>>
          %dma_wait3A_264 = tpu.memref_squeeze %dma_wait3A_263 : memref<1x1x128xi32, #tpu.memory_space<vmem>> -> memref<1x128xi32, #tpu.memory_space<vmem>>
          %dma_wait3A_265 = arith.constant 0 : i32
          %dma_wait3A_266 = tpu.memref_slice %arg3[%dma_wait3A_265, %mul3A_259] : memref<2x320000xi32, #tpu.memory_space<hbm>> -> memref<1x128xi32, #tpu.memory_space<hbm>>
          %dma_wait3A_267 = arith.constant 0 : i32
          %dma_wait3A_268 = arith.constant 0 : i32
          %dma_wait3A_269 = tpu.memref_slice %arg6[%dma_wait3A_260, %dma_wait3A_267, %dma_wait3A_268] : memref<6x1x128xi32, #tpu.memory_space<vmem>> -> memref<1x1x128xi32, #tpu.memory_space<vmem>>
          %dma_wait3A_270 = tpu.memref_squeeze %dma_wait3A_269 : memref<1x1x128xi32, #tpu.memory_space<vmem>> -> memref<1x128xi32, #tpu.memory_space<vmem>>
          %dma_wait3A_271 = arith.constant 0 : i32
          %dma_wait3A_272 = tpu.memref_slice %arg3[%dma_wait3A_271, %mul3A_259] : memref<2x320000xi32, #tpu.memory_space<hbm>> -> memref<1x128xi32, #tpu.memory_space<hbm>>
          tpu.wait_dma2 semaphore(%arg12 : memref<!tpu.dma_semaphore, #tpu.memory_space<semaphore_mem>>) src(%dma_wait3A_272 : memref<1x128xi32, #tpu.memory_space<hbm>>) dst(%dma_wait3A_270 : memref<1x128xi32, #tpu.memory_space<vmem>>)
          %add3A_273 = arith.addi %add3A_6, %add3A_256 : i32
          %mul3A_274 = arith.constant 128 : i32
          %mul3A_275 = arith.muli %add3A_273, %mul3A_274 : i32
          %dma_wait3A_276 = arith.constant 2 : i32
          %dma_wait3A_277 = arith.constant 0 : i32
          %dma_wait3A_278 = arith.constant 0 : i32
          %dma_wait3A_279 = tpu.memref_slice %arg7[%dma_wait3A_276, %dma_wait3A_277, %dma_wait3A_278] : memref<6x1x128xi32, #tpu.memory_space<vmem>> -> memref<1x1x128xi32, #tpu.memory_space<vmem>>
          %dma_wait3A_280 = tpu.memref_squeeze %dma_wait3A_279 : memref<1x1x128xi32, #tpu.memory_space<vmem>> -> memref<1x128xi32, #tpu.memory_space<vmem>>
          %dma_wait3A_281 = arith.constant 1 : i32
          %dma_wait3A_282 = tpu.memref_slice %arg3[%dma_wait3A_281, %mul3A_275] : memref<2x320000xi32, #tpu.memory_space<hbm>> -> memref<1x128xi32, #tpu.memory_space<hbm>>
          %dma_wait3A_283 = arith.constant 0 : i32
          %dma_wait3A_284 = arith.constant 0 : i32
          %dma_wait3A_285 = tpu.memref_slice %arg7[%dma_wait3A_276, %dma_wait3A_283, %dma_wait3A_284] : memref<6x1x128xi32, #tpu.memory_space<vmem>> -> memref<1x1x128xi32, #tpu.memory_space<vmem>>
          %dma_wait3A_286 = tpu.memref_squeeze %dma_wait3A_285 : memref<1x1x128xi32, #tpu.memory_space<vmem>> -> memref<1x128xi32, #tpu.memory_space<vmem>>
          %dma_wait3A_287 = arith.constant 1 : i32
          %dma_wait3A_288 = tpu.memref_slice %arg3[%dma_wait3A_287, %mul3A_275] : memref<2x320000xi32, #tpu.memory_space<hbm>> -> memref<1x128xi32, #tpu.memory_space<hbm>>
          tpu.wait_dma2 semaphore(%arg12 : memref<!tpu.dma_semaphore, #tpu.memory_space<semaphore_mem>>) src(%dma_wait3A_288 : memref<1x128xi32, #tpu.memory_space<hbm>>) dst(%dma_wait3A_286 : memref<1x128xi32, #tpu.memory_space<vmem>>)
          %dma_start3A_289 = arith.constant 2 : i32
          %dma_start3A_290 = arith.constant 0 : i32
          %dma_start3A_291 = arith.constant 2 : i32
          %dma_start3A_292 = arith.constant 0 : i32
          %dma_start3A_293 = arith.constant 0 : i32
          %dma_start3A_294 = tpu.memref_slice %arg8[%dma_start3A_291, %dma_start3A_292, %dma_start3A_293] : memref<3x128x128xf32, #tpu.memory_space<vmem>> -> memref<1x128x128xf32, #tpu.memory_space<vmem>>
          %dma_start3A_295 = tpu.memref_squeeze %dma_start3A_294 : memref<1x128x128xf32, #tpu.memory_space<vmem>> -> memref<128x128xf32, #tpu.memory_space<vmem>>
          %dma_start3A_296 = arith.constant 0 : i32
          %dma_start3A_297 = tpu.memref_slice %arg6[%dma_start3A_289, %dma_start3A_290, %dma_start3A_296] : memref<6x1x128xi32, #tpu.memory_space<vmem>> -> memref<1x1x128xi32, #tpu.memory_space<vmem>>
          %dma_start3A_298 = tpu.memref_squeeze %dma_start3A_297 : memref<1x1x128xi32, #tpu.memory_space<vmem>> -> memref<128xi32, #tpu.memory_space<vmem>>
          %dma_start3A_299 = arith.constant 0 : i32
          %dma_start3A_300 = arith.constant 0 : i32
          %dma_start3A_301 = tpu.memref_slice %arg2[%dma_start3A_299, %dma_start3A_300] : memref<10000x128xf32, #tpu.memory_space<hbm>> -> memref<10000x128xf32, #tpu.memory_space<hbm>>
          tpu.enqueue_indirect_dma source(%dma_start3A_301 : memref<10000x128xf32, #tpu.memory_space<hbm>>) target(%dma_start3A_295 : memref<128x128xf32, #tpu.memory_space<vmem>>) offsets(%dma_start3A_298 : memref<128xi32, #tpu.memory_space<vmem>>) semaphore(%arg18 : memref<!tpu.dma_semaphore, #tpu.memory_space<semaphore_mem>>)
        } else {
        }
        %dma_wait3A_229 = arith.constant 1 : i32
        %dma_wait3A_230 = arith.constant 0 : i32
        %dma_wait3A_231 = arith.constant 1 : i32
        %dma_wait3A_232 = arith.constant 0 : i32
        %dma_wait3A_233 = arith.constant 0 : i32
        %dma_wait3A_234 = tpu.memref_slice %arg8[%dma_wait3A_231, %dma_wait3A_232, %dma_wait3A_233] : memref<3x128x128xf32, #tpu.memory_space<vmem>> -> memref<1x128x128xf32, #tpu.memory_space<vmem>>
        %dma_wait3A_235 = tpu.memref_squeeze %dma_wait3A_234 : memref<1x128x128xf32, #tpu.memory_space<vmem>> -> memref<128x128xf32, #tpu.memory_space<vmem>>
        %dma_wait3A_236 = arith.constant 0 : i32
        %dma_wait3A_237 = tpu.memref_slice %arg6[%dma_wait3A_229, %dma_wait3A_230, %dma_wait3A_236] : memref<6x1x128xi32, #tpu.memory_space<vmem>> -> memref<1x1x128xi32, #tpu.memory_space<vmem>>
        %dma_wait3A_238 = tpu.memref_squeeze %dma_wait3A_237 : memref<1x1x128xi32, #tpu.memory_space<vmem>> -> memref<128xi32, #tpu.memory_space<vmem>>
        %dma_wait3A_239 = arith.constant 0 : i32
        %dma_wait3A_240 = arith.constant 0 : i32
        %dma_wait3A_241 = tpu.memref_slice %arg2[%dma_wait3A_239, %dma_wait3A_240] : memref<10000x128xf32, #tpu.memory_space<hbm>> -> memref<10000x128xf32, #tpu.memory_space<hbm>>
        tpu.wait_indirect_dma semaphore(%arg17 : memref<!tpu.dma_semaphore, #tpu.memory_space<semaphore_mem>>) src(%dma_wait3A_241 : memref<10000x128xf32, #tpu.memory_space<hbm>>) dst(%dma_wait3A_235 : memref<128x128xf32, #tpu.memory_space<vmem>>)
        %dma_start3A_242 = arith.constant 1 : i32
        %dma_start3A_243 = arith.constant 1 : i32
        %dma_start3A_244 = arith.constant 0 : i32
        %dma_start3A_245 = arith.constant 0 : i32
        %dma_start3A_246 = arith.constant 0 : i32
        %dma_start3A_247 = tpu.memref_slice %arg8[%dma_start3A_242, %dma_start3A_245, %dma_start3A_246] : memref<3x128x128xf32, #tpu.memory_space<vmem>> -> memref<1x128x128xf32, #tpu.memory_space<vmem>>
        %dma_start3A_248 = tpu.memref_squeeze %dma_start3A_247 : memref<1x128x128xf32, #tpu.memory_space<vmem>> -> memref<128x128xf32, #tpu.memory_space<vmem>>
        %dma_start3A_249 = arith.constant 0 : i32
        %dma_start3A_250 = tpu.memref_slice %arg7[%dma_start3A_243, %dma_start3A_244, %dma_start3A_249] : memref<6x1x128xi32, #tpu.memory_space<vmem>> -> memref<1x1x128xi32, #tpu.memory_space<vmem>>
        %dma_start3A_251 = tpu.memref_squeeze %dma_start3A_250 : memref<1x1x128xi32, #tpu.memory_space<vmem>> -> memref<128xi32, #tpu.memory_space<vmem>>
        %dma_start3A_252 = arith.constant 0 : i32
        %dma_start3A_253 = arith.constant 0 : i32
        %dma_start3A_254 = tpu.memref_slice %arg9[%dma_start3A_252, %dma_start3A_253] : memref<10000x128xf32, #tpu.memory_space<vmem_shared>> -> memref<10000x128xf32, #tpu.memory_space<vmem_shared>>
        tpu.enqueue_indirect_dma source(%dma_start3A_248 : memref<128x128xf32, #tpu.memory_space<vmem>>) target(%dma_start3A_254 : memref<10000x128xf32, #tpu.memory_space<vmem_shared>>) offsets(%dma_start3A_251 : memref<128xi32, #tpu.memory_space<vmem>>) semaphore(%arg20 : memref<!tpu.dma_semaphore, #tpu.memory_space<semaphore_mem>>) {add = true}
      } else {
      }
      %add3A_188 = arith.constant 2 : i32
      %add3A_189 = arith.addi %add3A_175, %add3A_188 : i32
      %lt3A_190 = arith.cmpi slt, %add3A_189, %select_n3A : i32
      %convert_element_type3A_191 = arith.extui %lt3A_190 : i1 to i32
      %cond3A_192 = arith.constant 0 : i32
      %cond3A_193 = arith.cmpi ne, %convert_element_type3A_191, %cond3A_192 : i32
      scf.if %cond3A_193 {
        %ge3A_212 = arith.constant 2 : i32
        %ge3A_213 = arith.cmpi sge, %add3A_189, %ge3A_212 : i32
        %convert_element_type3A_214 = arith.extui %ge3A_213 : i1 to i32
        %cond3A_215 = arith.constant 0 : i32
        %cond3A_216 = arith.cmpi ne, %convert_element_type3A_214, %cond3A_215 : i32
        scf.if %cond3A_216 {
          %dma_wait3A_255 = arith.constant 0 : i32
          %dma_wait3A_256 = arith.constant 0 : i32
          %dma_wait3A_257 = arith.constant 0 : i32
          %dma_wait3A_258 = arith.constant 0 : i32
          %dma_wait3A_259 = arith.constant 0 : i32
          %dma_wait3A_260 = tpu.memref_slice %arg8[%dma_wait3A_255, %dma_wait3A_258, %dma_wait3A_259] : memref<3x128x128xf32, #tpu.memory_space<vmem>> -> memref<1x128x128xf32, #tpu.memory_space<vmem>>
          %dma_wait3A_261 = tpu.memref_squeeze %dma_wait3A_260 : memref<1x128x128xf32, #tpu.memory_space<vmem>> -> memref<128x128xf32, #tpu.memory_space<vmem>>
          %dma_wait3A_262 = arith.constant 0 : i32
          %dma_wait3A_263 = tpu.memref_slice %arg7[%dma_wait3A_256, %dma_wait3A_257, %dma_wait3A_262] : memref<6x1x128xi32, #tpu.memory_space<vmem>> -> memref<1x1x128xi32, #tpu.memory_space<vmem>>
          %dma_wait3A_264 = tpu.memref_squeeze %dma_wait3A_263 : memref<1x1x128xi32, #tpu.memory_space<vmem>> -> memref<128xi32, #tpu.memory_space<vmem>>
          %dma_wait3A_265 = arith.constant 0 : i32
          %dma_wait3A_266 = arith.constant 0 : i32
          %dma_wait3A_267 = tpu.memref_slice %arg9[%dma_wait3A_265, %dma_wait3A_266] : memref<10000x128xf32, #tpu.memory_space<vmem_shared>> -> memref<10000x128xf32, #tpu.memory_space<vmem_shared>>
          tpu.wait_indirect_dma semaphore(%arg19 : memref<!tpu.dma_semaphore, #tpu.memory_space<semaphore_mem>>) src(%dma_wait3A_261 : memref<128x128xf32, #tpu.memory_space<vmem>>) dst(%dma_wait3A_267 : memref<10000x128xf32, #tpu.memory_space<vmem_shared>>)
        } else {
        }
        %add3A_217 = arith.constant 2 : i32
        %add3A_218 = arith.addi %add3A_189, %add3A_217 : i32
        %lt3A_219 = arith.cmpi slt, %add3A_218, %select_n3A : i32
        %convert_element_type3A_220 = arith.extui %lt3A_219 : i1 to i32
        %cond3A_221 = arith.constant 0 : i32
        %cond3A_222 = arith.cmpi ne, %convert_element_type3A_220, %cond3A_221 : i32
        scf.if %cond3A_222 {
          %add3A_255 = arith.constant 2 : i32
          %add3A_256 = arith.addi %add3A_189, %add3A_255 : i32
          %add3A_257 = arith.addi %add3A_6, %add3A_256 : i32
          %mul3A_258 = arith.constant 128 : i32
          %mul3A_259 = arith.muli %add3A_257, %mul3A_258 : i32
          %dma_start3A_260 = arith.constant 4 : i32
          %dma_start3A_261 = arith.constant 0 : i32
          %dma_start3A_262 = arith.constant 0 : i32
          %dma_start3A_263 = tpu.memref_slice %arg6[%dma_start3A_260, %dma_start3A_261, %dma_start3A_262] : memref<6x1x128xi32, #tpu.memory_space<vmem>> -> memref<1x1x128xi32, #tpu.memory_space<vmem>>
          %dma_start3A_264 = tpu.memref_squeeze %dma_start3A_263 : memref<1x1x128xi32, #tpu.memory_space<vmem>> -> memref<1x128xi32, #tpu.memory_space<vmem>>
          %dma_start3A_265 = arith.constant 0 : i32
          %dma_start3A_266 = tpu.memref_slice %arg3[%dma_start3A_265, %mul3A_259] : memref<2x320000xi32, #tpu.memory_space<hbm>> -> memref<1x128xi32, #tpu.memory_space<hbm>>
          %dma_start3A_267 = arith.constant 0 : i32
          %dma_start3A_268 = arith.constant 0 : i32
          %dma_start3A_269 = tpu.memref_slice %arg6[%dma_start3A_260, %dma_start3A_267, %dma_start3A_268] : memref<6x1x128xi32, #tpu.memory_space<vmem>> -> memref<1x1x128xi32, #tpu.memory_space<vmem>>
          %dma_start3A_270 = tpu.memref_squeeze %dma_start3A_269 : memref<1x1x128xi32, #tpu.memory_space<vmem>> -> memref<1x128xi32, #tpu.memory_space<vmem>>
          %dma_start3A_271 = arith.constant 0 : i32
          %dma_start3A_272 = tpu.memref_slice %arg3[%dma_start3A_271, %mul3A_259] : memref<2x320000xi32, #tpu.memory_space<hbm>> -> memref<1x128xi32, #tpu.memory_space<hbm>>
          tpu.enqueue_dma source(%dma_start3A_272 : memref<1x128xi32, #tpu.memory_space<hbm>>) target(%dma_start3A_270 : memref<1x128xi32, #tpu.memory_space<vmem>>) target_semaphore(%arg14 : memref<!tpu.dma_semaphore, #tpu.memory_space<semaphore_mem>>)
          %add3A_273 = arith.addi %add3A_6, %add3A_256 : i32
          %mul3A_274 = arith.constant 128 : i32
          %mul3A_275 = arith.muli %add3A_273, %mul3A_274 : i32
          %dma_start3A_276 = arith.constant 4 : i32
          %dma_start3A_277 = arith.constant 0 : i32
          %dma_start3A_278 = arith.constant 0 : i32
          %dma_start3A_279 = tpu.memref_slice %arg7[%dma_start3A_276, %dma_start3A_277, %dma_start3A_278] : memref<6x1x128xi32, #tpu.memory_space<vmem>> -> memref<1x1x128xi32, #tpu.memory_space<vmem>>
          %dma_start3A_280 = tpu.memref_squeeze %dma_start3A_279 : memref<1x1x128xi32, #tpu.memory_space<vmem>> -> memref<1x128xi32, #tpu.memory_space<vmem>>
          %dma_start3A_281 = arith.constant 1 : i32
          %dma_start3A_282 = tpu.memref_slice %arg3[%dma_start3A_281, %mul3A_275] : memref<2x320000xi32, #tpu.memory_space<hbm>> -> memref<1x128xi32, #tpu.memory_space<hbm>>
          %dma_start3A_283 = arith.constant 0 : i32
          %dma_start3A_284 = arith.constant 0 : i32
          %dma_start3A_285 = tpu.memref_slice %arg7[%dma_start3A_276, %dma_start3A_283, %dma_start3A_284] : memref<6x1x128xi32, #tpu.memory_space<vmem>> -> memref<1x1x128xi32, #tpu.memory_space<vmem>>
          %dma_start3A_286 = tpu.memref_squeeze %dma_start3A_285 : memref<1x1x128xi32, #tpu.memory_space<vmem>> -> memref<1x128xi32, #tpu.memory_space<vmem>>
          %dma_start3A_287 = arith.constant 1 : i32
          %dma_start3A_288 = tpu.memref_slice %arg3[%dma_start3A_287, %mul3A_275] : memref<2x320000xi32, #tpu.memory_space<hbm>> -> memref<1x128xi32, #tpu.memory_space<hbm>>
          tpu.enqueue_dma source(%dma_start3A_288 : memref<1x128xi32, #tpu.memory_space<hbm>>) target(%dma_start3A_286 : memref<1x128xi32, #tpu.memory_space<vmem>>) target_semaphore(%arg14 : memref<!tpu.dma_semaphore, #tpu.memory_space<semaphore_mem>>)
        } else {
        }
        %add3A_223 = arith.constant 1 : i32
        %add3A_224 = arith.addi %add3A_189, %add3A_223 : i32
        %lt3A_225 = arith.cmpi slt, %add3A_224, %select_n3A : i32
        %convert_element_type3A_226 = arith.extui %lt3A_225 : i1 to i32
        %cond3A_227 = arith.constant 0 : i32
        %cond3A_228 = arith.cmpi ne, %convert_element_type3A_226, %cond3A_227 : i32
        scf.if %cond3A_228 {
          %add3A_255 = arith.constant 1 : i32
          %add3A_256 = arith.addi %add3A_189, %add3A_255 : i32
          %add3A_257 = arith.addi %add3A_6, %add3A_256 : i32
          %mul3A_258 = arith.constant 128 : i32
          %mul3A_259 = arith.muli %add3A_257, %mul3A_258 : i32
          %dma_wait3A_260 = arith.constant 3 : i32
          %dma_wait3A_261 = arith.constant 0 : i32
          %dma_wait3A_262 = arith.constant 0 : i32
          %dma_wait3A_263 = tpu.memref_slice %arg6[%dma_wait3A_260, %dma_wait3A_261, %dma_wait3A_262] : memref<6x1x128xi32, #tpu.memory_space<vmem>> -> memref<1x1x128xi32, #tpu.memory_space<vmem>>
          %dma_wait3A_264 = tpu.memref_squeeze %dma_wait3A_263 : memref<1x1x128xi32, #tpu.memory_space<vmem>> -> memref<1x128xi32, #tpu.memory_space<vmem>>
          %dma_wait3A_265 = arith.constant 0 : i32
          %dma_wait3A_266 = tpu.memref_slice %arg3[%dma_wait3A_265, %mul3A_259] : memref<2x320000xi32, #tpu.memory_space<hbm>> -> memref<1x128xi32, #tpu.memory_space<hbm>>
          %dma_wait3A_267 = arith.constant 0 : i32
          %dma_wait3A_268 = arith.constant 0 : i32
          %dma_wait3A_269 = tpu.memref_slice %arg6[%dma_wait3A_260, %dma_wait3A_267, %dma_wait3A_268] : memref<6x1x128xi32, #tpu.memory_space<vmem>> -> memref<1x1x128xi32, #tpu.memory_space<vmem>>
          %dma_wait3A_270 = tpu.memref_squeeze %dma_wait3A_269 : memref<1x1x128xi32, #tpu.memory_space<vmem>> -> memref<1x128xi32, #tpu.memory_space<vmem>>
          %dma_wait3A_271 = arith.constant 0 : i32
          %dma_wait3A_272 = tpu.memref_slice %arg3[%dma_wait3A_271, %mul3A_259] : memref<2x320000xi32, #tpu.memory_space<hbm>> -> memref<1x128xi32, #tpu.memory_space<hbm>>
          tpu.wait_dma2 semaphore(%arg13 : memref<!tpu.dma_semaphore, #tpu.memory_space<semaphore_mem>>) src(%dma_wait3A_272 : memref<1x128xi32, #tpu.memory_space<hbm>>) dst(%dma_wait3A_270 : memref<1x128xi32, #tpu.memory_space<vmem>>)
          %add3A_273 = arith.addi %add3A_6, %add3A_256 : i32
          %mul3A_274 = arith.constant 128 : i32
          %mul3A_275 = arith.muli %add3A_273, %mul3A_274 : i32
          %dma_wait3A_276 = arith.constant 3 : i32
          %dma_wait3A_277 = arith.constant 0 : i32
          %dma_wait3A_278 = arith.constant 0 : i32
          %dma_wait3A_279 = tpu.memref_slice %arg7[%dma_wait3A_276, %dma_wait3A_277, %dma_wait3A_278] : memref<6x1x128xi32, #tpu.memory_space<vmem>> -> memref<1x1x128xi32, #tpu.memory_space<vmem>>
          %dma_wait3A_280 = tpu.memref_squeeze %dma_wait3A_279 : memref<1x1x128xi32, #tpu.memory_space<vmem>> -> memref<1x128xi32, #tpu.memory_space<vmem>>
          %dma_wait3A_281 = arith.constant 1 : i32
          %dma_wait3A_282 = tpu.memref_slice %arg3[%dma_wait3A_281, %mul3A_275] : memref<2x320000xi32, #tpu.memory_space<hbm>> -> memref<1x128xi32, #tpu.memory_space<hbm>>
          %dma_wait3A_283 = arith.constant 0 : i32
          %dma_wait3A_284 = arith.constant 0 : i32
          %dma_wait3A_285 = tpu.memref_slice %arg7[%dma_wait3A_276, %dma_wait3A_283, %dma_wait3A_284] : memref<6x1x128xi32, #tpu.memory_space<vmem>> -> memref<1x1x128xi32, #tpu.memory_space<vmem>>
          %dma_wait3A_286 = tpu.memref_squeeze %dma_wait3A_285 : memref<1x1x128xi32, #tpu.memory_space<vmem>> -> memref<1x128xi32, #tpu.memory_space<vmem>>
          %dma_wait3A_287 = arith.constant 1 : i32
          %dma_wait3A_288 = tpu.memref_slice %arg3[%dma_wait3A_287, %mul3A_275] : memref<2x320000xi32, #tpu.memory_space<hbm>> -> memref<1x128xi32, #tpu.memory_space<hbm>>
          tpu.wait_dma2 semaphore(%arg13 : memref<!tpu.dma_semaphore, #tpu.memory_space<semaphore_mem>>) src(%dma_wait3A_288 : memref<1x128xi32, #tpu.memory_space<hbm>>) dst(%dma_wait3A_286 : memref<1x128xi32, #tpu.memory_space<vmem>>)
          %dma_start3A_289 = arith.constant 3 : i32
          %dma_start3A_290 = arith.constant 0 : i32
          %dma_start3A_291 = arith.constant 0 : i32
          %dma_start3A_292 = arith.constant 0 : i32
          %dma_start3A_293 = arith.constant 0 : i32
          %dma_start3A_294 = tpu.memref_slice %arg8[%dma_start3A_291, %dma_start3A_292, %dma_start3A_293] : memref<3x128x128xf32, #tpu.memory_space<vmem>> -> memref<1x128x128xf32, #tpu.memory_space<vmem>>
          %dma_start3A_295 = tpu.memref_squeeze %dma_start3A_294 : memref<1x128x128xf32, #tpu.memory_space<vmem>> -> memref<128x128xf32, #tpu.memory_space<vmem>>
          %dma_start3A_296 = arith.constant 0 : i32
          %dma_start3A_297 = tpu.memref_slice %arg6[%dma_start3A_289, %dma_start3A_290, %dma_start3A_296] : memref<6x1x128xi32, #tpu.memory_space<vmem>> -> memref<1x1x128xi32, #tpu.memory_space<vmem>>
          %dma_start3A_298 = tpu.memref_squeeze %dma_start3A_297 : memref<1x1x128xi32, #tpu.memory_space<vmem>> -> memref<128xi32, #tpu.memory_space<vmem>>
          %dma_start3A_299 = arith.constant 0 : i32
          %dma_start3A_300 = arith.constant 0 : i32
          %dma_start3A_301 = tpu.memref_slice %arg2[%dma_start3A_299, %dma_start3A_300] : memref<10000x128xf32, #tpu.memory_space<hbm>> -> memref<10000x128xf32, #tpu.memory_space<hbm>>
          tpu.enqueue_indirect_dma source(%dma_start3A_301 : memref<10000x128xf32, #tpu.memory_space<hbm>>) target(%dma_start3A_295 : memref<128x128xf32, #tpu.memory_space<vmem>>) offsets(%dma_start3A_298 : memref<128xi32, #tpu.memory_space<vmem>>) semaphore(%arg16 : memref<!tpu.dma_semaphore, #tpu.memory_space<semaphore_mem>>)
        } else {
        }
        %dma_wait3A_229 = arith.constant 2 : i32
        %dma_wait3A_230 = arith.constant 0 : i32
        %dma_wait3A_231 = arith.constant 2 : i32
        %dma_wait3A_232 = arith.constant 0 : i32
        %dma_wait3A_233 = arith.constant 0 : i32
        %dma_wait3A_234 = tpu.memref_slice %arg8[%dma_wait3A_231, %dma_wait3A_232, %dma_wait3A_233] : memref<3x128x128xf32, #tpu.memory_space<vmem>> -> memref<1x128x128xf32, #tpu.memory_space<vmem>>
        %dma_wait3A_235 = tpu.memref_squeeze %dma_wait3A_234 : memref<1x128x128xf32, #tpu.memory_space<vmem>> -> memref<128x128xf32, #tpu.memory_space<vmem>>
        %dma_wait3A_236 = arith.constant 0 : i32
        %dma_wait3A_237 = tpu.memref_slice %arg6[%dma_wait3A_229, %dma_wait3A_230, %dma_wait3A_236] : memref<6x1x128xi32, #tpu.memory_space<vmem>> -> memref<1x1x128xi32, #tpu.memory_space<vmem>>
        %dma_wait3A_238 = tpu.memref_squeeze %dma_wait3A_237 : memref<1x1x128xi32, #tpu.memory_space<vmem>> -> memref<128xi32, #tpu.memory_space<vmem>>
        %dma_wait3A_239 = arith.constant 0 : i32
        %dma_wait3A_240 = arith.constant 0 : i32
        %dma_wait3A_241 = tpu.memref_slice %arg2[%dma_wait3A_239, %dma_wait3A_240] : memref<10000x128xf32, #tpu.memory_space<hbm>> -> memref<10000x128xf32, #tpu.memory_space<hbm>>
        tpu.wait_indirect_dma semaphore(%arg18 : memref<!tpu.dma_semaphore, #tpu.memory_space<semaphore_mem>>) src(%dma_wait3A_241 : memref<10000x128xf32, #tpu.memory_space<hbm>>) dst(%dma_wait3A_235 : memref<128x128xf32, #tpu.memory_space<vmem>>)
        %dma_start3A_242 = arith.constant 2 : i32
        %dma_start3A_243 = arith.constant 2 : i32
        %dma_start3A_244 = arith.constant 0 : i32
        %dma_start3A_245 = arith.constant 0 : i32
        %dma_start3A_246 = arith.constant 0 : i32
        %dma_start3A_247 = tpu.memref_slice %arg8[%dma_start3A_242, %dma_start3A_245, %dma_start3A_246] : memref<3x128x128xf32, #tpu.memory_space<vmem>> -> memref<1x128x128xf32, #tpu.memory_space<vmem>>
        %dma_start3A_248 = tpu.memref_squeeze %dma_start3A_247 : memref<1x128x128xf32, #tpu.memory_space<vmem>> -> memref<128x128xf32, #tpu.memory_space<vmem>>
        %dma_start3A_249 = arith.constant 0 : i32
        %dma_start3A_250 = tpu.memref_slice %arg7[%dma_start3A_243, %dma_start3A_244, %dma_start3A_249] : memref<6x1x128xi32, #tpu.memory_space<vmem>> -> memref<1x1x128xi32, #tpu.memory_space<vmem>>
        %dma_start3A_251 = tpu.memref_squeeze %dma_start3A_250 : memref<1x1x128xi32, #tpu.memory_space<vmem>> -> memref<128xi32, #tpu.memory_space<vmem>>
        %dma_start3A_252 = arith.constant 0 : i32
        %dma_start3A_253 = arith.constant 0 : i32
        %dma_start3A_254 = tpu.memref_slice %arg9[%dma_start3A_252, %dma_start3A_253] : memref<10000x128xf32, #tpu.memory_space<vmem_shared>> -> memref<10000x128xf32, #tpu.memory_space<vmem_shared>>
        tpu.enqueue_indirect_dma source(%dma_start3A_248 : memref<128x128xf32, #tpu.memory_space<vmem>>) target(%dma_start3A_254 : memref<10000x128xf32, #tpu.memory_space<vmem_shared>>) offsets(%dma_start3A_251 : memref<128xi32, #tpu.memory_space<vmem>>) semaphore(%arg21 : memref<!tpu.dma_semaphore, #tpu.memory_space<semaphore_mem>>) {add = true}
      } else {
      }
      %add3A_194 = arith.constant 3 : i32
      %add3A_195 = arith.addi %add3A_175, %add3A_194 : i32
      %lt3A_196 = arith.cmpi slt, %add3A_195, %select_n3A : i32
      %convert_element_type3A_197 = arith.extui %lt3A_196 : i1 to i32
      %cond3A_198 = arith.constant 0 : i32
      %cond3A_199 = arith.cmpi ne, %convert_element_type3A_197, %cond3A_198 : i32
      scf.if %cond3A_199 {
        %ge3A_212 = arith.constant 2 : i32
        %ge3A_213 = arith.cmpi sge, %add3A_195, %ge3A_212 : i32
        %convert_element_type3A_214 = arith.extui %ge3A_213 : i1 to i32
        %cond3A_215 = arith.constant 0 : i32
        %cond3A_216 = arith.cmpi ne, %convert_element_type3A_214, %cond3A_215 : i32
        scf.if %cond3A_216 {
          %dma_wait3A_255 = arith.constant 1 : i32
          %dma_wait3A_256 = arith.constant 1 : i32
          %dma_wait3A_257 = arith.constant 0 : i32
          %dma_wait3A_258 = arith.constant 0 : i32
          %dma_wait3A_259 = arith.constant 0 : i32
          %dma_wait3A_260 = tpu.memref_slice %arg8[%dma_wait3A_255, %dma_wait3A_258, %dma_wait3A_259] : memref<3x128x128xf32, #tpu.memory_space<vmem>> -> memref<1x128x128xf32, #tpu.memory_space<vmem>>
          %dma_wait3A_261 = tpu.memref_squeeze %dma_wait3A_260 : memref<1x128x128xf32, #tpu.memory_space<vmem>> -> memref<128x128xf32, #tpu.memory_space<vmem>>
          %dma_wait3A_262 = arith.constant 0 : i32
          %dma_wait3A_263 = tpu.memref_slice %arg7[%dma_wait3A_256, %dma_wait3A_257, %dma_wait3A_262] : memref<6x1x128xi32, #tpu.memory_space<vmem>> -> memref<1x1x128xi32, #tpu.memory_space<vmem>>
          %dma_wait3A_264 = tpu.memref_squeeze %dma_wait3A_263 : memref<1x1x128xi32, #tpu.memory_space<vmem>> -> memref<128xi32, #tpu.memory_space<vmem>>
          %dma_wait3A_265 = arith.constant 0 : i32
          %dma_wait3A_266 = arith.constant 0 : i32
          %dma_wait3A_267 = tpu.memref_slice %arg9[%dma_wait3A_265, %dma_wait3A_266] : memref<10000x128xf32, #tpu.memory_space<vmem_shared>> -> memref<10000x128xf32, #tpu.memory_space<vmem_shared>>
          tpu.wait_indirect_dma semaphore(%arg20 : memref<!tpu.dma_semaphore, #tpu.memory_space<semaphore_mem>>) src(%dma_wait3A_261 : memref<128x128xf32, #tpu.memory_space<vmem>>) dst(%dma_wait3A_267 : memref<10000x128xf32, #tpu.memory_space<vmem_shared>>)
        } else {
        }
        %add3A_217 = arith.constant 2 : i32
        %add3A_218 = arith.addi %add3A_195, %add3A_217 : i32
        %lt3A_219 = arith.cmpi slt, %add3A_218, %select_n3A : i32
        %convert_element_type3A_220 = arith.extui %lt3A_219 : i1 to i32
        %cond3A_221 = arith.constant 0 : i32
        %cond3A_222 = arith.cmpi ne, %convert_element_type3A_220, %cond3A_221 : i32
        scf.if %cond3A_222 {
          %add3A_255 = arith.constant 2 : i32
          %add3A_256 = arith.addi %add3A_195, %add3A_255 : i32
          %add3A_257 = arith.addi %add3A_6, %add3A_256 : i32
          %mul3A_258 = arith.constant 128 : i32
          %mul3A_259 = arith.muli %add3A_257, %mul3A_258 : i32
          %dma_start3A_260 = arith.constant 5 : i32
          %dma_start3A_261 = arith.constant 0 : i32
          %dma_start3A_262 = arith.constant 0 : i32
          %dma_start3A_263 = tpu.memref_slice %arg6[%dma_start3A_260, %dma_start3A_261, %dma_start3A_262] : memref<6x1x128xi32, #tpu.memory_space<vmem>> -> memref<1x1x128xi32, #tpu.memory_space<vmem>>
          %dma_start3A_264 = tpu.memref_squeeze %dma_start3A_263 : memref<1x1x128xi32, #tpu.memory_space<vmem>> -> memref<1x128xi32, #tpu.memory_space<vmem>>
          %dma_start3A_265 = arith.constant 0 : i32
          %dma_start3A_266 = tpu.memref_slice %arg3[%dma_start3A_265, %mul3A_259] : memref<2x320000xi32, #tpu.memory_space<hbm>> -> memref<1x128xi32, #tpu.memory_space<hbm>>
          %dma_start3A_267 = arith.constant 0 : i32
          %dma_start3A_268 = arith.constant 0 : i32
          %dma_start3A_269 = tpu.memref_slice %arg6[%dma_start3A_260, %dma_start3A_267, %dma_start3A_268] : memref<6x1x128xi32, #tpu.memory_space<vmem>> -> memref<1x1x128xi32, #tpu.memory_space<vmem>>
          %dma_start3A_270 = tpu.memref_squeeze %dma_start3A_269 : memref<1x1x128xi32, #tpu.memory_space<vmem>> -> memref<1x128xi32, #tpu.memory_space<vmem>>
          %dma_start3A_271 = arith.constant 0 : i32
          %dma_start3A_272 = tpu.memref_slice %arg3[%dma_start3A_271, %mul3A_259] : memref<2x320000xi32, #tpu.memory_space<hbm>> -> memref<1x128xi32, #tpu.memory_space<hbm>>
          tpu.enqueue_dma source(%dma_start3A_272 : memref<1x128xi32, #tpu.memory_space<hbm>>) target(%dma_start3A_270 : memref<1x128xi32, #tpu.memory_space<vmem>>) target_semaphore(%arg15 : memref<!tpu.dma_semaphore, #tpu.memory_space<semaphore_mem>>)
          %add3A_273 = arith.addi %add3A_6, %add3A_256 : i32
          %mul3A_274 = arith.constant 128 : i32
          %mul3A_275 = arith.muli %add3A_273, %mul3A_274 : i32
          %dma_start3A_276 = arith.constant 5 : i32
          %dma_start3A_277 = arith.constant 0 : i32
          %dma_start3A_278 = arith.constant 0 : i32
          %dma_start3A_279 = tpu.memref_slice %arg7[%dma_start3A_276, %dma_start3A_277, %dma_start3A_278] : memref<6x1x128xi32, #tpu.memory_space<vmem>> -> memref<1x1x128xi32, #tpu.memory_space<vmem>>
          %dma_start3A_280 = tpu.memref_squeeze %dma_start3A_279 : memref<1x1x128xi32, #tpu.memory_space<vmem>> -> memref<1x128xi32, #tpu.memory_space<vmem>>
          %dma_start3A_281 = arith.constant 1 : i32
          %dma_start3A_282 = tpu.memref_slice %arg3[%dma_start3A_281, %mul3A_275] : memref<2x320000xi32, #tpu.memory_space<hbm>> -> memref<1x128xi32, #tpu.memory_space<hbm>>
          %dma_start3A_283 = arith.constant 0 : i32
          %dma_start3A_284 = arith.constant 0 : i32
          %dma_start3A_285 = tpu.memref_slice %arg7[%dma_start3A_276, %dma_start3A_283, %dma_start3A_284] : memref<6x1x128xi32, #tpu.memory_space<vmem>> -> memref<1x1x128xi32, #tpu.memory_space<vmem>>
          %dma_start3A_286 = tpu.memref_squeeze %dma_start3A_285 : memref<1x1x128xi32, #tpu.memory_space<vmem>> -> memref<1x128xi32, #tpu.memory_space<vmem>>
          %dma_start3A_287 = arith.constant 1 : i32
          %dma_start3A_288 = tpu.memref_slice %arg3[%dma_start3A_287, %mul3A_275] : memref<2x320000xi32, #tpu.memory_space<hbm>> -> memref<1x128xi32, #tpu.memory_space<hbm>>
          tpu.enqueue_dma source(%dma_start3A_288 : memref<1x128xi32, #tpu.memory_space<hbm>>) target(%dma_start3A_286 : memref<1x128xi32, #tpu.memory_space<vmem>>) target_semaphore(%arg15 : memref<!tpu.dma_semaphore, #tpu.memory_space<semaphore_mem>>)
        } else {
        }
        %add3A_223 = arith.constant 1 : i32
        %add3A_224 = arith.addi %add3A_195, %add3A_223 : i32
        %lt3A_225 = arith.cmpi slt, %add3A_224, %select_n3A : i32
        %convert_element_type3A_226 = arith.extui %lt3A_225 : i1 to i32
        %cond3A_227 = arith.constant 0 : i32
        %cond3A_228 = arith.cmpi ne, %convert_element_type3A_226, %cond3A_227 : i32
        scf.if %cond3A_228 {
          %add3A_255 = arith.constant 1 : i32
          %add3A_256 = arith.addi %add3A_195, %add3A_255 : i32
          %add3A_257 = arith.addi %add3A_6, %add3A_256 : i32
          %mul3A_258 = arith.constant 128 : i32
          %mul3A_259 = arith.muli %add3A_257, %mul3A_258 : i32
          %dma_wait3A_260 = arith.constant 4 : i32
          %dma_wait3A_261 = arith.constant 0 : i32
          %dma_wait3A_262 = arith.constant 0 : i32
          %dma_wait3A_263 = tpu.memref_slice %arg6[%dma_wait3A_260, %dma_wait3A_261, %dma_wait3A_262] : memref<6x1x128xi32, #tpu.memory_space<vmem>> -> memref<1x1x128xi32, #tpu.memory_space<vmem>>
          %dma_wait3A_264 = tpu.memref_squeeze %dma_wait3A_263 : memref<1x1x128xi32, #tpu.memory_space<vmem>> -> memref<1x128xi32, #tpu.memory_space<vmem>>
          %dma_wait3A_265 = arith.constant 0 : i32
          %dma_wait3A_266 = tpu.memref_slice %arg3[%dma_wait3A_265, %mul3A_259] : memref<2x320000xi32, #tpu.memory_space<hbm>> -> memref<1x128xi32, #tpu.memory_space<hbm>>
          %dma_wait3A_267 = arith.constant 0 : i32
          %dma_wait3A_268 = arith.constant 0 : i32
          %dma_wait3A_269 = tpu.memref_slice %arg6[%dma_wait3A_260, %dma_wait3A_267, %dma_wait3A_268] : memref<6x1x128xi32, #tpu.memory_space<vmem>> -> memref<1x1x128xi32, #tpu.memory_space<vmem>>
          %dma_wait3A_270 = tpu.memref_squeeze %dma_wait3A_269 : memref<1x1x128xi32, #tpu.memory_space<vmem>> -> memref<1x128xi32, #tpu.memory_space<vmem>>
          %dma_wait3A_271 = arith.constant 0 : i32
          %dma_wait3A_272 = tpu.memref_slice %arg3[%dma_wait3A_271, %mul3A_259] : memref<2x320000xi32, #tpu.memory_space<hbm>> -> memref<1x128xi32, #tpu.memory_space<hbm>>
          tpu.wait_dma2 semaphore(%arg14 : memref<!tpu.dma_semaphore, #tpu.memory_space<semaphore_mem>>) src(%dma_wait3A_272 : memref<1x128xi32, #tpu.memory_space<hbm>>) dst(%dma_wait3A_270 : memref<1x128xi32, #tpu.memory_space<vmem>>)
          %add3A_273 = arith.addi %add3A_6, %add3A_256 : i32
          %mul3A_274 = arith.constant 128 : i32
          %mul3A_275 = arith.muli %add3A_273, %mul3A_274 : i32
          %dma_wait3A_276 = arith.constant 4 : i32
          %dma_wait3A_277 = arith.constant 0 : i32
          %dma_wait3A_278 = arith.constant 0 : i32
          %dma_wait3A_279 = tpu.memref_slice %arg7[%dma_wait3A_276, %dma_wait3A_277, %dma_wait3A_278] : memref<6x1x128xi32, #tpu.memory_space<vmem>> -> memref<1x1x128xi32, #tpu.memory_space<vmem>>
          %dma_wait3A_280 = tpu.memref_squeeze %dma_wait3A_279 : memref<1x1x128xi32, #tpu.memory_space<vmem>> -> memref<1x128xi32, #tpu.memory_space<vmem>>
          %dma_wait3A_281 = arith.constant 1 : i32
          %dma_wait3A_282 = tpu.memref_slice %arg3[%dma_wait3A_281, %mul3A_275] : memref<2x320000xi32, #tpu.memory_space<hbm>> -> memref<1x128xi32, #tpu.memory_space<hbm>>
          %dma_wait3A_283 = arith.constant 0 : i32
          %dma_wait3A_284 = arith.constant 0 : i32
          %dma_wait3A_285 = tpu.memref_slice %arg7[%dma_wait3A_276, %dma_wait3A_283, %dma_wait3A_284] : memref<6x1x128xi32, #tpu.memory_space<vmem>> -> memref<1x1x128xi32, #tpu.memory_space<vmem>>
          %dma_wait3A_286 = tpu.memref_squeeze %dma_wait3A_285 : memref<1x1x128xi32, #tpu.memory_space<vmem>> -> memref<1x128xi32, #tpu.memory_space<vmem>>
          %dma_wait3A_287 = arith.constant 1 : i32
          %dma_wait3A_288 = tpu.memref_slice %arg3[%dma_wait3A_287, %mul3A_275] : memref<2x320000xi32, #tpu.memory_space<hbm>> -> memref<1x128xi32, #tpu.memory_space<hbm>>
          tpu.wait_dma2 semaphore(%arg14 : memref<!tpu.dma_semaphore, #tpu.memory_space<semaphore_mem>>) src(%dma_wait3A_288 : memref<1x128xi32, #tpu.memory_space<hbm>>) dst(%dma_wait3A_286 : memref<1x128xi32, #tpu.memory_space<vmem>>)
          %dma_start3A_289 = arith.constant 4 : i32
          %dma_start3A_290 = arith.constant 0 : i32
          %dma_start3A_291 = arith.constant 1 : i32
          %dma_start3A_292 = arith.constant 0 : i32
          %dma_start3A_293 = arith.constant 0 : i32
          %dma_start3A_294 = tpu.memref_slice %arg8[%dma_start3A_291, %dma_start3A_292, %dma_start3A_293] : memref<3x128x128xf32, #tpu.memory_space<vmem>> -> memref<1x128x128xf32, #tpu.memory_space<vmem>>
          %dma_start3A_295 = tpu.memref_squeeze %dma_start3A_294 : memref<1x128x128xf32, #tpu.memory_space<vmem>> -> memref<128x128xf32, #tpu.memory_space<vmem>>
          %dma_start3A_296 = arith.constant 0 : i32
          %dma_start3A_297 = tpu.memref_slice %arg6[%dma_start3A_289, %dma_start3A_290, %dma_start3A_296] : memref<6x1x128xi32, #tpu.memory_space<vmem>> -> memref<1x1x128xi32, #tpu.memory_space<vmem>>
          %dma_start3A_298 = tpu.memref_squeeze %dma_start3A_297 : memref<1x1x128xi32, #tpu.memory_space<vmem>> -> memref<128xi32, #tpu.memory_space<vmem>>
          %dma_start3A_299 = arith.constant 0 : i32
          %dma_start3A_300 = arith.constant 0 : i32
          %dma_start3A_301 = tpu.memref_slice %arg2[%dma_start3A_299, %dma_start3A_300] : memref<10000x128xf32, #tpu.memory_space<hbm>> -> memref<10000x128xf32, #tpu.memory_space<hbm>>
          tpu.enqueue_indirect_dma source(%dma_start3A_301 : memref<10000x128xf32, #tpu.memory_space<hbm>>) target(%dma_start3A_295 : memref<128x128xf32, #tpu.memory_space<vmem>>) offsets(%dma_start3A_298 : memref<128xi32, #tpu.memory_space<vmem>>) semaphore(%arg17 : memref<!tpu.dma_semaphore, #tpu.memory_space<semaphore_mem>>)
        } else {
        }
        %dma_wait3A_229 = arith.constant 3 : i32
        %dma_wait3A_230 = arith.constant 0 : i32
        %dma_wait3A_231 = arith.constant 0 : i32
        %dma_wait3A_232 = arith.constant 0 : i32
        %dma_wait3A_233 = arith.constant 0 : i32
        %dma_wait3A_234 = tpu.memref_slice %arg8[%dma_wait3A_231, %dma_wait3A_232, %dma_wait3A_233] : memref<3x128x128xf32, #tpu.memory_space<vmem>> -> memref<1x128x128xf32, #tpu.memory_space<vmem>>
        %dma_wait3A_235 = tpu.memref_squeeze %dma_wait3A_234 : memref<1x128x128xf32, #tpu.memory_space<vmem>> -> memref<128x128xf32, #tpu.memory_space<vmem>>
        %dma_wait3A_236 = arith.constant 0 : i32
        %dma_wait3A_237 = tpu.memref_slice %arg6[%dma_wait3A_229, %dma_wait3A_230, %dma_wait3A_236] : memref<6x1x128xi32, #tpu.memory_space<vmem>> -> memref<1x1x128xi32, #tpu.memory_space<vmem>>
        %dma_wait3A_238 = tpu.memref_squeeze %dma_wait3A_237 : memref<1x1x128xi32, #tpu.memory_space<vmem>> -> memref<128xi32, #tpu.memory_space<vmem>>
        %dma_wait3A_239 = arith.constant 0 : i32
        %dma_wait3A_240 = arith.constant 0 : i32
        %dma_wait3A_241 = tpu.memref_slice %arg2[%dma_wait3A_239, %dma_wait3A_240] : memref<10000x128xf32, #tpu.memory_space<hbm>> -> memref<10000x128xf32, #tpu.memory_space<hbm>>
        tpu.wait_indirect_dma semaphore(%arg16 : memref<!tpu.dma_semaphore, #tpu.memory_space<semaphore_mem>>) src(%dma_wait3A_241 : memref<10000x128xf32, #tpu.memory_space<hbm>>) dst(%dma_wait3A_235 : memref<128x128xf32, #tpu.memory_space<vmem>>)
        %dma_start3A_242 = arith.constant 0 : i32
        %dma_start3A_243 = arith.constant 3 : i32
        %dma_start3A_244 = arith.constant 0 : i32
        %dma_start3A_245 = arith.constant 0 : i32
        %dma_start3A_246 = arith.constant 0 : i32
        %dma_start3A_247 = tpu.memref_slice %arg8[%dma_start3A_242, %dma_start3A_245, %dma_start3A_246] : memref<3x128x128xf32, #tpu.memory_space<vmem>> -> memref<1x128x128xf32, #tpu.memory_space<vmem>>
        %dma_start3A_248 = tpu.memref_squeeze %dma_start3A_247 : memref<1x128x128xf32, #tpu.memory_space<vmem>> -> memref<128x128xf32, #tpu.memory_space<vmem>>
        %dma_start3A_249 = arith.constant 0 : i32
        %dma_start3A_250 = tpu.memref_slice %arg7[%dma_start3A_243, %dma_start3A_244, %dma_start3A_249] : memref<6x1x128xi32, #tpu.memory_space<vmem>> -> memref<1x1x128xi32, #tpu.memory_space<vmem>>
        %dma_start3A_251 = tpu.memref_squeeze %dma_start3A_250 : memref<1x1x128xi32, #tpu.memory_space<vmem>> -> memref<128xi32, #tpu.memory_space<vmem>>
        %dma_start3A_252 = arith.constant 0 : i32
        %dma_start3A_253 = arith.constant 0 : i32
        %dma_start3A_254 = tpu.memref_slice %arg9[%dma_start3A_252, %dma_start3A_253] : memref<10000x128xf32, #tpu.memory_space<vmem_shared>> -> memref<10000x128xf32, #tpu.memory_space<vmem_shared>>
        tpu.enqueue_indirect_dma source(%dma_start3A_248 : memref<128x128xf32, #tpu.memory_space<vmem>>) target(%dma_start3A_254 : memref<10000x128xf32, #tpu.memory_space<vmem_shared>>) offsets(%dma_start3A_251 : memref<128xi32, #tpu.memory_space<vmem>>) semaphore(%arg19 : memref<!tpu.dma_semaphore, #tpu.memory_space<semaphore_mem>>) {add = true}
      } else {
      }
      %add3A_200 = arith.constant 4 : i32
      %add3A_201 = arith.addi %add3A_175, %add3A_200 : i32
      %lt3A_202 = arith.cmpi slt, %add3A_201, %select_n3A : i32
      %convert_element_type3A_203 = arith.extui %lt3A_202 : i1 to i32
      %cond3A_204 = arith.constant 0 : i32
      %cond3A_205 = arith.cmpi ne, %convert_element_type3A_203, %cond3A_204 : i32
      scf.if %cond3A_205 {
        %ge3A_212 = arith.constant 2 : i32
        %ge3A_213 = arith.cmpi sge, %add3A_201, %ge3A_212 : i32
        %convert_element_type3A_214 = arith.extui %ge3A_213 : i1 to i32
        %cond3A_215 = arith.constant 0 : i32
        %cond3A_216 = arith.cmpi ne, %convert_element_type3A_214, %cond3A_215 : i32
        scf.if %cond3A_216 {
          %dma_wait3A_255 = arith.constant 2 : i32
          %dma_wait3A_256 = arith.constant 2 : i32
          %dma_wait3A_257 = arith.constant 0 : i32
          %dma_wait3A_258 = arith.constant 0 : i32
          %dma_wait3A_259 = arith.constant 0 : i32
          %dma_wait3A_260 = tpu.memref_slice %arg8[%dma_wait3A_255, %dma_wait3A_258, %dma_wait3A_259] : memref<3x128x128xf32, #tpu.memory_space<vmem>> -> memref<1x128x128xf32, #tpu.memory_space<vmem>>
          %dma_wait3A_261 = tpu.memref_squeeze %dma_wait3A_260 : memref<1x128x128xf32, #tpu.memory_space<vmem>> -> memref<128x128xf32, #tpu.memory_space<vmem>>
          %dma_wait3A_262 = arith.constant 0 : i32
          %dma_wait3A_263 = tpu.memref_slice %arg7[%dma_wait3A_256, %dma_wait3A_257, %dma_wait3A_262] : memref<6x1x128xi32, #tpu.memory_space<vmem>> -> memref<1x1x128xi32, #tpu.memory_space<vmem>>
          %dma_wait3A_264 = tpu.memref_squeeze %dma_wait3A_263 : memref<1x1x128xi32, #tpu.memory_space<vmem>> -> memref<128xi32, #tpu.memory_space<vmem>>
          %dma_wait3A_265 = arith.constant 0 : i32
          %dma_wait3A_266 = arith.constant 0 : i32
          %dma_wait3A_267 = tpu.memref_slice %arg9[%dma_wait3A_265, %dma_wait3A_266] : memref<10000x128xf32, #tpu.memory_space<vmem_shared>> -> memref<10000x128xf32, #tpu.memory_space<vmem_shared>>
          tpu.wait_indirect_dma semaphore(%arg21 : memref<!tpu.dma_semaphore, #tpu.memory_space<semaphore_mem>>) src(%dma_wait3A_261 : memref<128x128xf32, #tpu.memory_space<vmem>>) dst(%dma_wait3A_267 : memref<10000x128xf32, #tpu.memory_space<vmem_shared>>)
        } else {
        }
        %add3A_217 = arith.constant 2 : i32
        %add3A_218 = arith.addi %add3A_201, %add3A_217 : i32
        %lt3A_219 = arith.cmpi slt, %add3A_218, %select_n3A : i32
        %convert_element_type3A_220 = arith.extui %lt3A_219 : i1 to i32
        %cond3A_221 = arith.constant 0 : i32
        %cond3A_222 = arith.cmpi ne, %convert_element_type3A_220, %cond3A_221 : i32
        scf.if %cond3A_222 {
          %add3A_255 = arith.constant 2 : i32
          %add3A_256 = arith.addi %add3A_201, %add3A_255 : i32
          %add3A_257 = arith.addi %add3A_6, %add3A_256 : i32
          %mul3A_258 = arith.constant 128 : i32
          %mul3A_259 = arith.muli %add3A_257, %mul3A_258 : i32
          %dma_start3A_260 = arith.constant 0 : i32
          %dma_start3A_261 = arith.constant 0 : i32
          %dma_start3A_262 = arith.constant 0 : i32
          %dma_start3A_263 = tpu.memref_slice %arg6[%dma_start3A_260, %dma_start3A_261, %dma_start3A_262] : memref<6x1x128xi32, #tpu.memory_space<vmem>> -> memref<1x1x128xi32, #tpu.memory_space<vmem>>
          %dma_start3A_264 = tpu.memref_squeeze %dma_start3A_263 : memref<1x1x128xi32, #tpu.memory_space<vmem>> -> memref<1x128xi32, #tpu.memory_space<vmem>>
          %dma_start3A_265 = arith.constant 0 : i32
          %dma_start3A_266 = tpu.memref_slice %arg3[%dma_start3A_265, %mul3A_259] : memref<2x320000xi32, #tpu.memory_space<hbm>> -> memref<1x128xi32, #tpu.memory_space<hbm>>
          %dma_start3A_267 = arith.constant 0 : i32
          %dma_start3A_268 = arith.constant 0 : i32
          %dma_start3A_269 = tpu.memref_slice %arg6[%dma_start3A_260, %dma_start3A_267, %dma_start3A_268] : memref<6x1x128xi32, #tpu.memory_space<vmem>> -> memref<1x1x128xi32, #tpu.memory_space<vmem>>
          %dma_start3A_270 = tpu.memref_squeeze %dma_start3A_269 : memref<1x1x128xi32, #tpu.memory_space<vmem>> -> memref<1x128xi32, #tpu.memory_space<vmem>>
          %dma_start3A_271 = arith.constant 0 : i32
          %dma_start3A_272 = tpu.memref_slice %arg3[%dma_start3A_271, %mul3A_259] : memref<2x320000xi32, #tpu.memory_space<hbm>> -> memref<1x128xi32, #tpu.memory_space<hbm>>
          tpu.enqueue_dma source(%dma_start3A_272 : memref<1x128xi32, #tpu.memory_space<hbm>>) target(%dma_start3A_270 : memref<1x128xi32, #tpu.memory_space<vmem>>) target_semaphore(%arg10 : memref<!tpu.dma_semaphore, #tpu.memory_space<semaphore_mem>>)
          %add3A_273 = arith.addi %add3A_6, %add3A_256 : i32
          %mul3A_274 = arith.constant 128 : i32
          %mul3A_275 = arith.muli %add3A_273, %mul3A_274 : i32
          %dma_start3A_276 = arith.constant 0 : i32
          %dma_start3A_277 = arith.constant 0 : i32
          %dma_start3A_278 = arith.constant 0 : i32
          %dma_start3A_279 = tpu.memref_slice %arg7[%dma_start3A_276, %dma_start3A_277, %dma_start3A_278] : memref<6x1x128xi32, #tpu.memory_space<vmem>> -> memref<1x1x128xi32, #tpu.memory_space<vmem>>
          %dma_start3A_280 = tpu.memref_squeeze %dma_start3A_279 : memref<1x1x128xi32, #tpu.memory_space<vmem>> -> memref<1x128xi32, #tpu.memory_space<vmem>>
          %dma_start3A_281 = arith.constant 1 : i32
          %dma_start3A_282 = tpu.memref_slice %arg3[%dma_start3A_281, %mul3A_275] : memref<2x320000xi32, #tpu.memory_space<hbm>> -> memref<1x128xi32, #tpu.memory_space<hbm>>
          %dma_start3A_283 = arith.constant 0 : i32
          %dma_start3A_284 = arith.constant 0 : i32
          %dma_start3A_285 = tpu.memref_slice %arg7[%dma_start3A_276, %dma_start3A_283, %dma_start3A_284] : memref<6x1x128xi32, #tpu.memory_space<vmem>> -> memref<1x1x128xi32, #tpu.memory_space<vmem>>
          %dma_start3A_286 = tpu.memref_squeeze %dma_start3A_285 : memref<1x1x128xi32, #tpu.memory_space<vmem>> -> memref<1x128xi32, #tpu.memory_space<vmem>>
          %dma_start3A_287 = arith.constant 1 : i32
          %dma_start3A_288 = tpu.memref_slice %arg3[%dma_start3A_287, %mul3A_275] : memref<2x320000xi32, #tpu.memory_space<hbm>> -> memref<1x128xi32, #tpu.memory_space<hbm>>
          tpu.enqueue_dma source(%dma_start3A_288 : memref<1x128xi32, #tpu.memory_space<hbm>>) target(%dma_start3A_286 : memref<1x128xi32, #tpu.memory_space<vmem>>) target_semaphore(%arg10 : memref<!tpu.dma_semaphore, #tpu.memory_space<semaphore_mem>>)
        } else {
        }
        %add3A_223 = arith.constant 1 : i32
        %add3A_224 = arith.addi %add3A_201, %add3A_223 : i32
        %lt3A_225 = arith.cmpi slt, %add3A_224, %select_n3A : i32
        %convert_element_type3A_226 = arith.extui %lt3A_225 : i1 to i32
        %cond3A_227 = arith.constant 0 : i32
        %cond3A_228 = arith.cmpi ne, %convert_element_type3A_226, %cond3A_227 : i32
        scf.if %cond3A_228 {
          %add3A_255 = arith.constant 1 : i32
          %add3A_256 = arith.addi %add3A_201, %add3A_255 : i32
          %add3A_257 = arith.addi %add3A_6, %add3A_256 : i32
          %mul3A_258 = arith.constant 128 : i32
          %mul3A_259 = arith.muli %add3A_257, %mul3A_258 : i32
          %dma_wait3A_260 = arith.constant 5 : i32
          %dma_wait3A_261 = arith.constant 0 : i32
          %dma_wait3A_262 = arith.constant 0 : i32
          %dma_wait3A_263 = tpu.memref_slice %arg6[%dma_wait3A_260, %dma_wait3A_261, %dma_wait3A_262] : memref<6x1x128xi32, #tpu.memory_space<vmem>> -> memref<1x1x128xi32, #tpu.memory_space<vmem>>
          %dma_wait3A_264 = tpu.memref_squeeze %dma_wait3A_263 : memref<1x1x128xi32, #tpu.memory_space<vmem>> -> memref<1x128xi32, #tpu.memory_space<vmem>>
          %dma_wait3A_265 = arith.constant 0 : i32
          %dma_wait3A_266 = tpu.memref_slice %arg3[%dma_wait3A_265, %mul3A_259] : memref<2x320000xi32, #tpu.memory_space<hbm>> -> memref<1x128xi32, #tpu.memory_space<hbm>>
          %dma_wait3A_267 = arith.constant 0 : i32
          %dma_wait3A_268 = arith.constant 0 : i32
          %dma_wait3A_269 = tpu.memref_slice %arg6[%dma_wait3A_260, %dma_wait3A_267, %dma_wait3A_268] : memref<6x1x128xi32, #tpu.memory_space<vmem>> -> memref<1x1x128xi32, #tpu.memory_space<vmem>>
          %dma_wait3A_270 = tpu.memref_squeeze %dma_wait3A_269 : memref<1x1x128xi32, #tpu.memory_space<vmem>> -> memref<1x128xi32, #tpu.memory_space<vmem>>
          %dma_wait3A_271 = arith.constant 0 : i32
          %dma_wait3A_272 = tpu.memref_slice %arg3[%dma_wait3A_271, %mul3A_259] : memref<2x320000xi32, #tpu.memory_space<hbm>> -> memref<1x128xi32, #tpu.memory_space<hbm>>
          tpu.wait_dma2 semaphore(%arg15 : memref<!tpu.dma_semaphore, #tpu.memory_space<semaphore_mem>>) src(%dma_wait3A_272 : memref<1x128xi32, #tpu.memory_space<hbm>>) dst(%dma_wait3A_270 : memref<1x128xi32, #tpu.memory_space<vmem>>)
          %add3A_273 = arith.addi %add3A_6, %add3A_256 : i32
          %mul3A_274 = arith.constant 128 : i32
          %mul3A_275 = arith.muli %add3A_273, %mul3A_274 : i32
          %dma_wait3A_276 = arith.constant 5 : i32
          %dma_wait3A_277 = arith.constant 0 : i32
          %dma_wait3A_278 = arith.constant 0 : i32
          %dma_wait3A_279 = tpu.memref_slice %arg7[%dma_wait3A_276, %dma_wait3A_277, %dma_wait3A_278] : memref<6x1x128xi32, #tpu.memory_space<vmem>> -> memref<1x1x128xi32, #tpu.memory_space<vmem>>
          %dma_wait3A_280 = tpu.memref_squeeze %dma_wait3A_279 : memref<1x1x128xi32, #tpu.memory_space<vmem>> -> memref<1x128xi32, #tpu.memory_space<vmem>>
          %dma_wait3A_281 = arith.constant 1 : i32
          %dma_wait3A_282 = tpu.memref_slice %arg3[%dma_wait3A_281, %mul3A_275] : memref<2x320000xi32, #tpu.memory_space<hbm>> -> memref<1x128xi32, #tpu.memory_space<hbm>>
          %dma_wait3A_283 = arith.constant 0 : i32
          %dma_wait3A_284 = arith.constant 0 : i32
          %dma_wait3A_285 = tpu.memref_slice %arg7[%dma_wait3A_276, %dma_wait3A_283, %dma_wait3A_284] : memref<6x1x128xi32, #tpu.memory_space<vmem>> -> memref<1x1x128xi32, #tpu.memory_space<vmem>>
          %dma_wait3A_286 = tpu.memref_squeeze %dma_wait3A_285 : memref<1x1x128xi32, #tpu.memory_space<vmem>> -> memref<1x128xi32, #tpu.memory_space<vmem>>
          %dma_wait3A_287 = arith.constant 1 : i32
          %dma_wait3A_288 = tpu.memref_slice %arg3[%dma_wait3A_287, %mul3A_275] : memref<2x320000xi32, #tpu.memory_space<hbm>> -> memref<1x128xi32, #tpu.memory_space<hbm>>
          tpu.wait_dma2 semaphore(%arg15 : memref<!tpu.dma_semaphore, #tpu.memory_space<semaphore_mem>>) src(%dma_wait3A_288 : memref<1x128xi32, #tpu.memory_space<hbm>>) dst(%dma_wait3A_286 : memref<1x128xi32, #tpu.memory_space<vmem>>)
          %dma_start3A_289 = arith.constant 5 : i32
          %dma_start3A_290 = arith.constant 0 : i32
          %dma_start3A_291 = arith.constant 2 : i32
          %dma_start3A_292 = arith.constant 0 : i32
          %dma_start3A_293 = arith.constant 0 : i32
          %dma_start3A_294 = tpu.memref_slice %arg8[%dma_start3A_291, %dma_start3A_292, %dma_start3A_293] : memref<3x128x128xf32, #tpu.memory_space<vmem>> -> memref<1x128x128xf32, #tpu.memory_space<vmem>>
          %dma_start3A_295 = tpu.memref_squeeze %dma_start3A_294 : memref<1x128x128xf32, #tpu.memory_space<vmem>> -> memref<128x128xf32, #tpu.memory_space<vmem>>
          %dma_start3A_296 = arith.constant 0 : i32
          %dma_start3A_297 = tpu.memref_slice %arg6[%dma_start3A_289, %dma_start3A_290, %dma_start3A_296] : memref<6x1x128xi32, #tpu.memory_space<vmem>> -> memref<1x1x128xi32, #tpu.memory_space<vmem>>
          %dma_start3A_298 = tpu.memref_squeeze %dma_start3A_297 : memref<1x1x128xi32, #tpu.memory_space<vmem>> -> memref<128xi32, #tpu.memory_space<vmem>>
          %dma_start3A_299 = arith.constant 0 : i32
          %dma_start3A_300 = arith.constant 0 : i32
          %dma_start3A_301 = tpu.memref_slice %arg2[%dma_start3A_299, %dma_start3A_300] : memref<10000x128xf32, #tpu.memory_space<hbm>> -> memref<10000x128xf32, #tpu.memory_space<hbm>>
          tpu.enqueue_indirect_dma source(%dma_start3A_301 : memref<10000x128xf32, #tpu.memory_space<hbm>>) target(%dma_start3A_295 : memref<128x128xf32, #tpu.memory_space<vmem>>) offsets(%dma_start3A_298 : memref<128xi32, #tpu.memory_space<vmem>>) semaphore(%arg18 : memref<!tpu.dma_semaphore, #tpu.memory_space<semaphore_mem>>)
        } else {
        }
        %dma_wait3A_229 = arith.constant 4 : i32
        %dma_wait3A_230 = arith.constant 0 : i32
        %dma_wait3A_231 = arith.constant 1 : i32
        %dma_wait3A_232 = arith.constant 0 : i32
        %dma_wait3A_233 = arith.constant 0 : i32
        %dma_wait3A_234 = tpu.memref_slice %arg8[%dma_wait3A_231, %dma_wait3A_232, %dma_wait3A_233] : memref<3x128x128xf32, #tpu.memory_space<vmem>> -> memref<1x128x128xf32, #tpu.memory_space<vmem>>
        %dma_wait3A_235 = tpu.memref_squeeze %dma_wait3A_234 : memref<1x128x128xf32, #tpu.memory_space<vmem>> -> memref<128x128xf32, #tpu.memory_space<vmem>>
        %dma_wait3A_236 = arith.constant 0 : i32
        %dma_wait3A_237 = tpu.memref_slice %arg6[%dma_wait3A_229, %dma_wait3A_230, %dma_wait3A_236] : memref<6x1x128xi32, #tpu.memory_space<vmem>> -> memref<1x1x128xi32, #tpu.memory_space<vmem>>
        %dma_wait3A_238 = tpu.memref_squeeze %dma_wait3A_237 : memref<1x1x128xi32, #tpu.memory_space<vmem>> -> memref<128xi32, #tpu.memory_space<vmem>>
        %dma_wait3A_239 = arith.constant 0 : i32
        %dma_wait3A_240 = arith.constant 0 : i32
        %dma_wait3A_241 = tpu.memref_slice %arg2[%dma_wait3A_239, %dma_wait3A_240] : memref<10000x128xf32, #tpu.memory_space<hbm>> -> memref<10000x128xf32, #tpu.memory_space<hbm>>
        tpu.wait_indirect_dma semaphore(%arg17 : memref<!tpu.dma_semaphore, #tpu.memory_space<semaphore_mem>>) src(%dma_wait3A_241 : memref<10000x128xf32, #tpu.memory_space<hbm>>) dst(%dma_wait3A_235 : memref<128x128xf32, #tpu.memory_space<vmem>>)
        %dma_start3A_242 = arith.constant 1 : i32
        %dma_start3A_243 = arith.constant 4 : i32
        %dma_start3A_244 = arith.constant 0 : i32
        %dma_start3A_245 = arith.constant 0 : i32
        %dma_start3A_246 = arith.constant 0 : i32
        %dma_start3A_247 = tpu.memref_slice %arg8[%dma_start3A_242, %dma_start3A_245, %dma_start3A_246] : memref<3x128x128xf32, #tpu.memory_space<vmem>> -> memref<1x128x128xf32, #tpu.memory_space<vmem>>
        %dma_start3A_248 = tpu.memref_squeeze %dma_start3A_247 : memref<1x128x128xf32, #tpu.memory_space<vmem>> -> memref<128x128xf32, #tpu.memory_space<vmem>>
        %dma_start3A_249 = arith.constant 0 : i32
        %dma_start3A_250 = tpu.memref_slice %arg7[%dma_start3A_243, %dma_start3A_244, %dma_start3A_249] : memref<6x1x128xi32, #tpu.memory_space<vmem>> -> memref<1x1x128xi32, #tpu.memory_space<vmem>>
        %dma_start3A_251 = tpu.memref_squeeze %dma_start3A_250 : memref<1x1x128xi32, #tpu.memory_space<vmem>> -> memref<128xi32, #tpu.memory_space<vmem>>
        %dma_start3A_252 = arith.constant 0 : i32
        %dma_start3A_253 = arith.constant 0 : i32
        %dma_start3A_254 = tpu.memref_slice %arg9[%dma_start3A_252, %dma_start3A_253] : memref<10000x128xf32, #tpu.memory_space<vmem_shared>> -> memref<10000x128xf32, #tpu.memory_space<vmem_shared>>
        tpu.enqueue_indirect_dma source(%dma_start3A_248 : memref<128x128xf32, #tpu.memory_space<vmem>>) target(%dma_start3A_254 : memref<10000x128xf32, #tpu.memory_space<vmem_shared>>) offsets(%dma_start3A_251 : memref<128xi32, #tpu.memory_space<vmem>>) semaphore(%arg20 : memref<!tpu.dma_semaphore, #tpu.memory_space<semaphore_mem>>) {add = true}
      } else {
      }
      %add3A_206 = arith.constant 5 : i32
      %add3A_207 = arith.addi %add3A_175, %add3A_206 : i32
      %lt3A_208 = arith.cmpi slt, %add3A_207, %select_n3A : i32
      %convert_element_type3A_209 = arith.extui %lt3A_208 : i1 to i32
      %cond3A_210 = arith.constant 0 : i32
      %cond3A_211 = arith.cmpi ne, %convert_element_type3A_209, %cond3A_210 : i32
      scf.if %cond3A_211 {
        %ge3A_212 = arith.constant 2 : i32
        %ge3A_213 = arith.cmpi sge, %add3A_207, %ge3A_212 : i32
        %convert_element_type3A_214 = arith.extui %ge3A_213 : i1 to i32
        %cond3A_215 = arith.constant 0 : i32
        %cond3A_216 = arith.cmpi ne, %convert_element_type3A_214, %cond3A_215 : i32
        scf.if %cond3A_216 {
          %dma_wait3A_255 = arith.constant 0 : i32
          %dma_wait3A_256 = arith.constant 3 : i32
          %dma_wait3A_257 = arith.constant 0 : i32
          %dma_wait3A_258 = arith.constant 0 : i32
          %dma_wait3A_259 = arith.constant 0 : i32
          %dma_wait3A_260 = tpu.memref_slice %arg8[%dma_wait3A_255, %dma_wait3A_258, %dma_wait3A_259] : memref<3x128x128xf32, #tpu.memory_space<vmem>> -> memref<1x128x128xf32, #tpu.memory_space<vmem>>
          %dma_wait3A_261 = tpu.memref_squeeze %dma_wait3A_260 : memref<1x128x128xf32, #tpu.memory_space<vmem>> -> memref<128x128xf32, #tpu.memory_space<vmem>>
          %dma_wait3A_262 = arith.constant 0 : i32
          %dma_wait3A_263 = tpu.memref_slice %arg7[%dma_wait3A_256, %dma_wait3A_257, %dma_wait3A_262] : memref<6x1x128xi32, #tpu.memory_space<vmem>> -> memref<1x1x128xi32, #tpu.memory_space<vmem>>
          %dma_wait3A_264 = tpu.memref_squeeze %dma_wait3A_263 : memref<1x1x128xi32, #tpu.memory_space<vmem>> -> memref<128xi32, #tpu.memory_space<vmem>>
          %dma_wait3A_265 = arith.constant 0 : i32
          %dma_wait3A_266 = arith.constant 0 : i32
          %dma_wait3A_267 = tpu.memref_slice %arg9[%dma_wait3A_265, %dma_wait3A_266] : memref<10000x128xf32, #tpu.memory_space<vmem_shared>> -> memref<10000x128xf32, #tpu.memory_space<vmem_shared>>
          tpu.wait_indirect_dma semaphore(%arg19 : memref<!tpu.dma_semaphore, #tpu.memory_space<semaphore_mem>>) src(%dma_wait3A_261 : memref<128x128xf32, #tpu.memory_space<vmem>>) dst(%dma_wait3A_267 : memref<10000x128xf32, #tpu.memory_space<vmem_shared>>)
        } else {
        }
        %add3A_217 = arith.constant 2 : i32
        %add3A_218 = arith.addi %add3A_207, %add3A_217 : i32
        %lt3A_219 = arith.cmpi slt, %add3A_218, %select_n3A : i32
        %convert_element_type3A_220 = arith.extui %lt3A_219 : i1 to i32
        %cond3A_221 = arith.constant 0 : i32
        %cond3A_222 = arith.cmpi ne, %convert_element_type3A_220, %cond3A_221 : i32
        scf.if %cond3A_222 {
          %add3A_255 = arith.constant 2 : i32
          %add3A_256 = arith.addi %add3A_207, %add3A_255 : i32
          %add3A_257 = arith.addi %add3A_6, %add3A_256 : i32
          %mul3A_258 = arith.constant 128 : i32
          %mul3A_259 = arith.muli %add3A_257, %mul3A_258 : i32
          %dma_start3A_260 = arith.constant 1 : i32
          %dma_start3A_261 = arith.constant 0 : i32
          %dma_start3A_262 = arith.constant 0 : i32
          %dma_start3A_263 = tpu.memref_slice %arg6[%dma_start3A_260, %dma_start3A_261, %dma_start3A_262] : memref<6x1x128xi32, #tpu.memory_space<vmem>> -> memref<1x1x128xi32, #tpu.memory_space<vmem>>
          %dma_start3A_264 = tpu.memref_squeeze %dma_start3A_263 : memref<1x1x128xi32, #tpu.memory_space<vmem>> -> memref<1x128xi32, #tpu.memory_space<vmem>>
          %dma_start3A_265 = arith.constant 0 : i32
          %dma_start3A_266 = tpu.memref_slice %arg3[%dma_start3A_265, %mul3A_259] : memref<2x320000xi32, #tpu.memory_space<hbm>> -> memref<1x128xi32, #tpu.memory_space<hbm>>
          %dma_start3A_267 = arith.constant 0 : i32
          %dma_start3A_268 = arith.constant 0 : i32
          %dma_start3A_269 = tpu.memref_slice %arg6[%dma_start3A_260, %dma_start3A_267, %dma_start3A_268] : memref<6x1x128xi32, #tpu.memory_space<vmem>> -> memref<1x1x128xi32, #tpu.memory_space<vmem>>
          %dma_start3A_270 = tpu.memref_squeeze %dma_start3A_269 : memref<1x1x128xi32, #tpu.memory_space<vmem>> -> memref<1x128xi32, #tpu.memory_space<vmem>>
          %dma_start3A_271 = arith.constant 0 : i32
          %dma_start3A_272 = tpu.memref_slice %arg3[%dma_start3A_271, %mul3A_259] : memref<2x320000xi32, #tpu.memory_space<hbm>> -> memref<1x128xi32, #tpu.memory_space<hbm>>
          tpu.enqueue_dma source(%dma_start3A_272 : memref<1x128xi32, #tpu.memory_space<hbm>>) target(%dma_start3A_270 : memref<1x128xi32, #tpu.memory_space<vmem>>) target_semaphore(%arg11 : memref<!tpu.dma_semaphore, #tpu.memory_space<semaphore_mem>>)
          %add3A_273 = arith.addi %add3A_6, %add3A_256 : i32
          %mul3A_274 = arith.constant 128 : i32
          %mul3A_275 = arith.muli %add3A_273, %mul3A_274 : i32
          %dma_start3A_276 = arith.constant 1 : i32
          %dma_start3A_277 = arith.constant 0 : i32
          %dma_start3A_278 = arith.constant 0 : i32
          %dma_start3A_279 = tpu.memref_slice %arg7[%dma_start3A_276, %dma_start3A_277, %dma_start3A_278] : memref<6x1x128xi32, #tpu.memory_space<vmem>> -> memref<1x1x128xi32, #tpu.memory_space<vmem>>
          %dma_start3A_280 = tpu.memref_squeeze %dma_start3A_279 : memref<1x1x128xi32, #tpu.memory_space<vmem>> -> memref<1x128xi32, #tpu.memory_space<vmem>>
          %dma_start3A_281 = arith.constant 1 : i32
          %dma_start3A_282 = tpu.memref_slice %arg3[%dma_start3A_281, %mul3A_275] : memref<2x320000xi32, #tpu.memory_space<hbm>> -> memref<1x128xi32, #tpu.memory_space<hbm>>
          %dma_start3A_283 = arith.constant 0 : i32
          %dma_start3A_284 = arith.constant 0 : i32
          %dma_start3A_285 = tpu.memref_slice %arg7[%dma_start3A_276, %dma_start3A_283, %dma_start3A_284] : memref<6x1x128xi32, #tpu.memory_space<vmem>> -> memref<1x1x128xi32, #tpu.memory_space<vmem>>
          %dma_start3A_286 = tpu.memref_squeeze %dma_start3A_285 : memref<1x1x128xi32, #tpu.memory_space<vmem>> -> memref<1x128xi32, #tpu.memory_space<vmem>>
          %dma_start3A_287 = arith.constant 1 : i32
          %dma_start3A_288 = tpu.memref_slice %arg3[%dma_start3A_287, %mul3A_275] : memref<2x320000xi32, #tpu.memory_space<hbm>> -> memref<1x128xi32, #tpu.memory_space<hbm>>
          tpu.enqueue_dma source(%dma_start3A_288 : memref<1x128xi32, #tpu.memory_space<hbm>>) target(%dma_start3A_286 : memref<1x128xi32, #tpu.memory_space<vmem>>) target_semaphore(%arg11 : memref<!tpu.dma_semaphore, #tpu.memory_space<semaphore_mem>>)
        } else {
        }
        %add3A_223 = arith.constant 1 : i32
        %add3A_224 = arith.addi %add3A_207, %add3A_223 : i32
        %lt3A_225 = arith.cmpi slt, %add3A_224, %select_n3A : i32
        %convert_element_type3A_226 = arith.extui %lt3A_225 : i1 to i32
        %cond3A_227 = arith.constant 0 : i32
        %cond3A_228 = arith.cmpi ne, %convert_element_type3A_226, %cond3A_227 : i32
        scf.if %cond3A_228 {
          %add3A_255 = arith.constant 1 : i32
          %add3A_256 = arith.addi %add3A_207, %add3A_255 : i32
          %add3A_257 = arith.addi %add3A_6, %add3A_256 : i32
          %mul3A_258 = arith.constant 128 : i32
          %mul3A_259 = arith.muli %add3A_257, %mul3A_258 : i32
          %dma_wait3A_260 = arith.constant 0 : i32
          %dma_wait3A_261 = arith.constant 0 : i32
          %dma_wait3A_262 = arith.constant 0 : i32
          %dma_wait3A_263 = tpu.memref_slice %arg6[%dma_wait3A_260, %dma_wait3A_261, %dma_wait3A_262] : memref<6x1x128xi32, #tpu.memory_space<vmem>> -> memref<1x1x128xi32, #tpu.memory_space<vmem>>
          %dma_wait3A_264 = tpu.memref_squeeze %dma_wait3A_263 : memref<1x1x128xi32, #tpu.memory_space<vmem>> -> memref<1x128xi32, #tpu.memory_space<vmem>>
          %dma_wait3A_265 = arith.constant 0 : i32
          %dma_wait3A_266 = tpu.memref_slice %arg3[%dma_wait3A_265, %mul3A_259] : memref<2x320000xi32, #tpu.memory_space<hbm>> -> memref<1x128xi32, #tpu.memory_space<hbm>>
          %dma_wait3A_267 = arith.constant 0 : i32
          %dma_wait3A_268 = arith.constant 0 : i32
          %dma_wait3A_269 = tpu.memref_slice %arg6[%dma_wait3A_260, %dma_wait3A_267, %dma_wait3A_268] : memref<6x1x128xi32, #tpu.memory_space<vmem>> -> memref<1x1x128xi32, #tpu.memory_space<vmem>>
          %dma_wait3A_270 = tpu.memref_squeeze %dma_wait3A_269 : memref<1x1x128xi32, #tpu.memory_space<vmem>> -> memref<1x128xi32, #tpu.memory_space<vmem>>
          %dma_wait3A_271 = arith.constant 0 : i32
          %dma_wait3A_272 = tpu.memref_slice %arg3[%dma_wait3A_271, %mul3A_259] : memref<2x320000xi32, #tpu.memory_space<hbm>> -> memref<1x128xi32, #tpu.memory_space<hbm>>
          tpu.wait_dma2 semaphore(%arg10 : memref<!tpu.dma_semaphore, #tpu.memory_space<semaphore_mem>>) src(%dma_wait3A_272 : memref<1x128xi32, #tpu.memory_space<hbm>>) dst(%dma_wait3A_270 : memref<1x128xi32, #tpu.memory_space<vmem>>)
          %add3A_273 = arith.addi %add3A_6, %add3A_256 : i32
          %mul3A_274 = arith.constant 128 : i32
          %mul3A_275 = arith.muli %add3A_273, %mul3A_274 : i32
          %dma_wait3A_276 = arith.constant 0 : i32
          %dma_wait3A_277 = arith.constant 0 : i32
          %dma_wait3A_278 = arith.constant 0 : i32
          %dma_wait3A_279 = tpu.memref_slice %arg7[%dma_wait3A_276, %dma_wait3A_277, %dma_wait3A_278] : memref<6x1x128xi32, #tpu.memory_space<vmem>> -> memref<1x1x128xi32, #tpu.memory_space<vmem>>
          %dma_wait3A_280 = tpu.memref_squeeze %dma_wait3A_279 : memref<1x1x128xi32, #tpu.memory_space<vmem>> -> memref<1x128xi32, #tpu.memory_space<vmem>>
          %dma_wait3A_281 = arith.constant 1 : i32
          %dma_wait3A_282 = tpu.memref_slice %arg3[%dma_wait3A_281, %mul3A_275] : memref<2x320000xi32, #tpu.memory_space<hbm>> -> memref<1x128xi32, #tpu.memory_space<hbm>>
          %dma_wait3A_283 = arith.constant 0 : i32
          %dma_wait3A_284 = arith.constant 0 : i32
          %dma_wait3A_285 = tpu.memref_slice %arg7[%dma_wait3A_276, %dma_wait3A_283, %dma_wait3A_284] : memref<6x1x128xi32, #tpu.memory_space<vmem>> -> memref<1x1x128xi32, #tpu.memory_space<vmem>>
          %dma_wait3A_286 = tpu.memref_squeeze %dma_wait3A_285 : memref<1x1x128xi32, #tpu.memory_space<vmem>> -> memref<1x128xi32, #tpu.memory_space<vmem>>
          %dma_wait3A_287 = arith.constant 1 : i32
          %dma_wait3A_288 = tpu.memref_slice %arg3[%dma_wait3A_287, %mul3A_275] : memref<2x320000xi32, #tpu.memory_space<hbm>> -> memref<1x128xi32, #tpu.memory_space<hbm>>
          tpu.wait_dma2 semaphore(%arg10 : memref<!tpu.dma_semaphore, #tpu.memory_space<semaphore_mem>>) src(%dma_wait3A_288 : memref<1x128xi32, #tpu.memory_space<hbm>>) dst(%dma_wait3A_286 : memref<1x128xi32, #tpu.memory_space<vmem>>)
          %dma_start3A_289 = arith.constant 0 : i32
          %dma_start3A_290 = arith.constant 0 : i32
          %dma_start3A_291 = arith.constant 0 : i32
          %dma_start3A_292 = arith.constant 0 : i32
          %dma_start3A_293 = arith.constant 0 : i32
          %dma_start3A_294 = tpu.memref_slice %arg8[%dma_start3A_291, %dma_start3A_292, %dma_start3A_293] : memref<3x128x128xf32, #tpu.memory_space<vmem>> -> memref<1x128x128xf32, #tpu.memory_space<vmem>>
          %dma_start3A_295 = tpu.memref_squeeze %dma_start3A_294 : memref<1x128x128xf32, #tpu.memory_space<vmem>> -> memref<128x128xf32, #tpu.memory_space<vmem>>
          %dma_start3A_296 = arith.constant 0 : i32
          %dma_start3A_297 = tpu.memref_slice %arg6[%dma_start3A_289, %dma_start3A_290, %dma_start3A_296] : memref<6x1x128xi32, #tpu.memory_space<vmem>> -> memref<1x1x128xi32, #tpu.memory_space<vmem>>
          %dma_start3A_298 = tpu.memref_squeeze %dma_start3A_297 : memref<1x1x128xi32, #tpu.memory_space<vmem>> -> memref<128xi32, #tpu.memory_space<vmem>>
          %dma_start3A_299 = arith.constant 0 : i32
          %dma_start3A_300 = arith.constant 0 : i32
          %dma_start3A_301 = tpu.memref_slice %arg2[%dma_start3A_299, %dma_start3A_300] : memref<10000x128xf32, #tpu.memory_space<hbm>> -> memref<10000x128xf32, #tpu.memory_space<hbm>>
          tpu.enqueue_indirect_dma source(%dma_start3A_301 : memref<10000x128xf32, #tpu.memory_space<hbm>>) target(%dma_start3A_295 : memref<128x128xf32, #tpu.memory_space<vmem>>) offsets(%dma_start3A_298 : memref<128xi32, #tpu.memory_space<vmem>>) semaphore(%arg16 : memref<!tpu.dma_semaphore, #tpu.memory_space<semaphore_mem>>)
        } else {
        }
        %dma_wait3A_229 = arith.constant 5 : i32
        %dma_wait3A_230 = arith.constant 0 : i32
        %dma_wait3A_231 = arith.constant 2 : i32
        %dma_wait3A_232 = arith.constant 0 : i32
        %dma_wait3A_233 = arith.constant 0 : i32
        %dma_wait3A_234 = tpu.memref_slice %arg8[%dma_wait3A_231, %dma_wait3A_232, %dma_wait3A_233] : memref<3x128x128xf32, #tpu.memory_space<vmem>> -> memref<1x128x128xf32, #tpu.memory_space<vmem>>
        %dma_wait3A_235 = tpu.memref_squeeze %dma_wait3A_234 : memref<1x128x128xf32, #tpu.memory_space<vmem>> -> memref<128x128xf32, #tpu.memory_space<vmem>>
        %dma_wait3A_236 = arith.constant 0 : i32
        %dma_wait3A_237 = tpu.memref_slice %arg6[%dma_wait3A_229, %dma_wait3A_230, %dma_wait3A_236] : memref<6x1x128xi32, #tpu.memory_space<vmem>> -> memref<1x1x128xi32, #tpu.memory_space<vmem>>
        %dma_wait3A_238 = tpu.memref_squeeze %dma_wait3A_237 : memref<1x1x128xi32, #tpu.memory_space<vmem>> -> memref<128xi32, #tpu.memory_space<vmem>>
        %dma_wait3A_239 = arith.constant 0 : i32
        %dma_wait3A_240 = arith.constant 0 : i32
        %dma_wait3A_241 = tpu.memref_slice %arg2[%dma_wait3A_239, %dma_wait3A_240] : memref<10000x128xf32, #tpu.memory_space<hbm>> -> memref<10000x128xf32, #tpu.memory_space<hbm>>
        tpu.wait_indirect_dma semaphore(%arg18 : memref<!tpu.dma_semaphore, #tpu.memory_space<semaphore_mem>>) src(%dma_wait3A_241 : memref<10000x128xf32, #tpu.memory_space<hbm>>) dst(%dma_wait3A_235 : memref<128x128xf32, #tpu.memory_space<vmem>>)
        %dma_start3A_242 = arith.constant 2 : i32
        %dma_start3A_243 = arith.constant 5 : i32
        %dma_start3A_244 = arith.constant 0 : i32
        %dma_start3A_245 = arith.constant 0 : i32
        %dma_start3A_246 = arith.constant 0 : i32
        %dma_start3A_247 = tpu.memref_slice %arg8[%dma_start3A_242, %dma_start3A_245, %dma_start3A_246] : memref<3x128x128xf32, #tpu.memory_space<vmem>> -> memref<1x128x128xf32, #tpu.memory_space<vmem>>
        %dma_start3A_248 = tpu.memref_squeeze %dma_start3A_247 : memref<1x128x128xf32, #tpu.memory_space<vmem>> -> memref<128x128xf32, #tpu.memory_space<vmem>>
        %dma_start3A_249 = arith.constant 0 : i32
        %dma_start3A_250 = tpu.memref_slice %arg7[%dma_start3A_243, %dma_start3A_244, %dma_start3A_249] : memref<6x1x128xi32, #tpu.memory_space<vmem>> -> memref<1x1x128xi32, #tpu.memory_space<vmem>>
        %dma_start3A_251 = tpu.memref_squeeze %dma_start3A_250 : memref<1x1x128xi32, #tpu.memory_space<vmem>> -> memref<128xi32, #tpu.memory_space<vmem>>
        %dma_start3A_252 = arith.constant 0 : i32
        %dma_start3A_253 = arith.constant 0 : i32
        %dma_start3A_254 = tpu.memref_slice %arg9[%dma_start3A_252, %dma_start3A_253] : memref<10000x128xf32, #tpu.memory_space<vmem_shared>> -> memref<10000x128xf32, #tpu.memory_space<vmem_shared>>
        tpu.enqueue_indirect_dma source(%dma_start3A_248 : memref<128x128xf32, #tpu.memory_space<vmem>>) target(%dma_start3A_254 : memref<10000x128xf32, #tpu.memory_space<vmem_shared>>) offsets(%dma_start3A_251 : memref<128xi32, #tpu.memory_space<vmem>>) semaphore(%arg21 : memref<!tpu.dma_semaphore, #tpu.memory_space<semaphore_mem>>) {add = true}
      } else {
      }
    }
    %while3A_152 = arith.constant 1 : i32
    scf.for %while3A_173 = %while3A_150 to %while3A_146 step %while3A_152  : i32 {
      %mul3A_174 = arith.muli %while3A_173, %while3A : i32
      %add3A_175 = arith.addi %while3A_143, %mul3A_174 : i32
      %add3A_176 = arith.constant 0 : i32
      %add3A_177 = arith.addi %add3A_175, %add3A_176 : i32
      %lt3A_178 = arith.cmpi slt, %add3A_177, %select_n3A : i32
      %convert_element_type3A_179 = arith.extui %lt3A_178 : i1 to i32
      %cond3A_180 = arith.constant 0 : i32
      %cond3A_181 = arith.cmpi ne, %convert_element_type3A_179, %cond3A_180 : i32
      scf.if %cond3A_181 {
        %ge3A_212 = arith.constant 2 : i32
        %ge3A_213 = arith.cmpi sge, %add3A_177, %ge3A_212 : i32
        %convert_element_type3A_214 = arith.extui %ge3A_213 : i1 to i32
        %cond3A_215 = arith.constant 0 : i32
        %cond3A_216 = arith.cmpi ne, %convert_element_type3A_214, %cond3A_215 : i32
        scf.if %cond3A_216 {
          %dma_wait3A_255 = arith.constant 1 : i32
          %dma_wait3A_256 = arith.constant 4 : i32
          %dma_wait3A_257 = arith.constant 0 : i32
          %dma_wait3A_258 = arith.constant 0 : i32
          %dma_wait3A_259 = arith.constant 0 : i32
          %dma_wait3A_260 = tpu.memref_slice %arg8[%dma_wait3A_255, %dma_wait3A_258, %dma_wait3A_259] : memref<3x128x128xf32, #tpu.memory_space<vmem>> -> memref<1x128x128xf32, #tpu.memory_space<vmem>>
          %dma_wait3A_261 = tpu.memref_squeeze %dma_wait3A_260 : memref<1x128x128xf32, #tpu.memory_space<vmem>> -> memref<128x128xf32, #tpu.memory_space<vmem>>
          %dma_wait3A_262 = arith.constant 0 : i32
          %dma_wait3A_263 = tpu.memref_slice %arg7[%dma_wait3A_256, %dma_wait3A_257, %dma_wait3A_262] : memref<6x1x128xi32, #tpu.memory_space<vmem>> -> memref<1x1x128xi32, #tpu.memory_space<vmem>>
          %dma_wait3A_264 = tpu.memref_squeeze %dma_wait3A_263 : memref<1x1x128xi32, #tpu.memory_space<vmem>> -> memref<128xi32, #tpu.memory_space<vmem>>
          %dma_wait3A_265 = arith.constant 0 : i32
          %dma_wait3A_266 = arith.constant 0 : i32
          %dma_wait3A_267 = tpu.memref_slice %arg9[%dma_wait3A_265, %dma_wait3A_266] : memref<10000x128xf32, #tpu.memory_space<vmem_shared>> -> memref<10000x128xf32, #tpu.memory_space<vmem_shared>>
          tpu.wait_indirect_dma semaphore(%arg20 : memref<!tpu.dma_semaphore, #tpu.memory_space<semaphore_mem>>) src(%dma_wait3A_261 : memref<128x128xf32, #tpu.memory_space<vmem>>) dst(%dma_wait3A_267 : memref<10000x128xf32, #tpu.memory_space<vmem_shared>>)
        } else {
        }
        %add3A_217 = arith.constant 2 : i32
        %add3A_218 = arith.addi %add3A_177, %add3A_217 : i32
        %lt3A_219 = arith.cmpi slt, %add3A_218, %select_n3A : i32
        %convert_element_type3A_220 = arith.extui %lt3A_219 : i1 to i32
        %cond3A_221 = arith.constant 0 : i32
        %cond3A_222 = arith.cmpi ne, %convert_element_type3A_220, %cond3A_221 : i32
        scf.if %cond3A_222 {
          %add3A_255 = arith.constant 2 : i32
          %add3A_256 = arith.addi %add3A_177, %add3A_255 : i32
          %add3A_257 = arith.addi %add3A_6, %add3A_256 : i32
          %mul3A_258 = arith.constant 128 : i32
          %mul3A_259 = arith.muli %add3A_257, %mul3A_258 : i32
          %dma_start3A_260 = arith.constant 2 : i32
          %dma_start3A_261 = arith.constant 0 : i32
          %dma_start3A_262 = arith.constant 0 : i32
          %dma_start3A_263 = tpu.memref_slice %arg6[%dma_start3A_260, %dma_start3A_261, %dma_start3A_262] : memref<6x1x128xi32, #tpu.memory_space<vmem>> -> memref<1x1x128xi32, #tpu.memory_space<vmem>>
          %dma_start3A_264 = tpu.memref_squeeze %dma_start3A_263 : memref<1x1x128xi32, #tpu.memory_space<vmem>> -> memref<1x128xi32, #tpu.memory_space<vmem>>
          %dma_start3A_265 = arith.constant 0 : i32
          %dma_start3A_266 = tpu.memref_slice %arg3[%dma_start3A_265, %mul3A_259] : memref<2x320000xi32, #tpu.memory_space<hbm>> -> memref<1x128xi32, #tpu.memory_space<hbm>>
          %dma_start3A_267 = arith.constant 0 : i32
          %dma_start3A_268 = arith.constant 0 : i32
          %dma_start3A_269 = tpu.memref_slice %arg6[%dma_start3A_260, %dma_start3A_267, %dma_start3A_268] : memref<6x1x128xi32, #tpu.memory_space<vmem>> -> memref<1x1x128xi32, #tpu.memory_space<vmem>>
          %dma_start3A_270 = tpu.memref_squeeze %dma_start3A_269 : memref<1x1x128xi32, #tpu.memory_space<vmem>> -> memref<1x128xi32, #tpu.memory_space<vmem>>
          %dma_start3A_271 = arith.constant 0 : i32
          %dma_start3A_272 = tpu.memref_slice %arg3[%dma_start3A_271, %mul3A_259] : memref<2x320000xi32, #tpu.memory_space<hbm>> -> memref<1x128xi32, #tpu.memory_space<hbm>>
          tpu.enqueue_dma source(%dma_start3A_272 : memref<1x128xi32, #tpu.memory_space<hbm>>) target(%dma_start3A_270 : memref<1x128xi32, #tpu.memory_space<vmem>>) target_semaphore(%arg12 : memref<!tpu.dma_semaphore, #tpu.memory_space<semaphore_mem>>)
          %add3A_273 = arith.addi %add3A_6, %add3A_256 : i32
          %mul3A_274 = arith.constant 128 : i32
          %mul3A_275 = arith.muli %add3A_273, %mul3A_274 : i32
          %dma_start3A_276 = arith.constant 2 : i32
          %dma_start3A_277 = arith.constant 0 : i32
          %dma_start3A_278 = arith.constant 0 : i32
          %dma_start3A_279 = tpu.memref_slice %arg7[%dma_start3A_276, %dma_start3A_277, %dma_start3A_278] : memref<6x1x128xi32, #tpu.memory_space<vmem>> -> memref<1x1x128xi32, #tpu.memory_space<vmem>>
          %dma_start3A_280 = tpu.memref_squeeze %dma_start3A_279 : memref<1x1x128xi32, #tpu.memory_space<vmem>> -> memref<1x128xi32, #tpu.memory_space<vmem>>
          %dma_start3A_281 = arith.constant 1 : i32
          %dma_start3A_282 = tpu.memref_slice %arg3[%dma_start3A_281, %mul3A_275] : memref<2x320000xi32, #tpu.memory_space<hbm>> -> memref<1x128xi32, #tpu.memory_space<hbm>>
          %dma_start3A_283 = arith.constant 0 : i32
          %dma_start3A_284 = arith.constant 0 : i32
          %dma_start3A_285 = tpu.memref_slice %arg7[%dma_start3A_276, %dma_start3A_283, %dma_start3A_284] : memref<6x1x128xi32, #tpu.memory_space<vmem>> -> memref<1x1x128xi32, #tpu.memory_space<vmem>>
          %dma_start3A_286 = tpu.memref_squeeze %dma_start3A_285 : memref<1x1x128xi32, #tpu.memory_space<vmem>> -> memref<1x128xi32, #tpu.memory_space<vmem>>
          %dma_start3A_287 = arith.constant 1 : i32
          %dma_start3A_288 = tpu.memref_slice %arg3[%dma_start3A_287, %mul3A_275] : memref<2x320000xi32, #tpu.memory_space<hbm>> -> memref<1x128xi32, #tpu.memory_space<hbm>>
          tpu.enqueue_dma source(%dma_start3A_288 : memref<1x128xi32, #tpu.memory_space<hbm>>) target(%dma_start3A_286 : memref<1x128xi32, #tpu.memory_space<vmem>>) target_semaphore(%arg12 : memref<!tpu.dma_semaphore, #tpu.memory_space<semaphore_mem>>)
        } else {
        }
        %add3A_223 = arith.constant 1 : i32
        %add3A_224 = arith.addi %add3A_177, %add3A_223 : i32
        %lt3A_225 = arith.cmpi slt, %add3A_224, %select_n3A : i32
        %convert_element_type3A_226 = arith.extui %lt3A_225 : i1 to i32
        %cond3A_227 = arith.constant 0 : i32
        %cond3A_228 = arith.cmpi ne, %convert_element_type3A_226, %cond3A_227 : i32
        scf.if %cond3A_228 {
          %add3A_255 = arith.constant 1 : i32
          %add3A_256 = arith.addi %add3A_177, %add3A_255 : i32
          %add3A_257 = arith.addi %add3A_6, %add3A_256 : i32
          %mul3A_258 = arith.constant 128 : i32
          %mul3A_259 = arith.muli %add3A_257, %mul3A_258 : i32
          %dma_wait3A_260 = arith.constant 1 : i32
          %dma_wait3A_261 = arith.constant 0 : i32
          %dma_wait3A_262 = arith.constant 0 : i32
          %dma_wait3A_263 = tpu.memref_slice %arg6[%dma_wait3A_260, %dma_wait3A_261, %dma_wait3A_262] : memref<6x1x128xi32, #tpu.memory_space<vmem>> -> memref<1x1x128xi32, #tpu.memory_space<vmem>>
          %dma_wait3A_264 = tpu.memref_squeeze %dma_wait3A_263 : memref<1x1x128xi32, #tpu.memory_space<vmem>> -> memref<1x128xi32, #tpu.memory_space<vmem>>
          %dma_wait3A_265 = arith.constant 0 : i32
          %dma_wait3A_266 = tpu.memref_slice %arg3[%dma_wait3A_265, %mul3A_259] : memref<2x320000xi32, #tpu.memory_space<hbm>> -> memref<1x128xi32, #tpu.memory_space<hbm>>
          %dma_wait3A_267 = arith.constant 0 : i32
          %dma_wait3A_268 = arith.constant 0 : i32
          %dma_wait3A_269 = tpu.memref_slice %arg6[%dma_wait3A_260, %dma_wait3A_267, %dma_wait3A_268] : memref<6x1x128xi32, #tpu.memory_space<vmem>> -> memref<1x1x128xi32, #tpu.memory_space<vmem>>
          %dma_wait3A_270 = tpu.memref_squeeze %dma_wait3A_269 : memref<1x1x128xi32, #tpu.memory_space<vmem>> -> memref<1x128xi32, #tpu.memory_space<vmem>>
          %dma_wait3A_271 = arith.constant 0 : i32
          %dma_wait3A_272 = tpu.memref_slice %arg3[%dma_wait3A_271, %mul3A_259] : memref<2x320000xi32, #tpu.memory_space<hbm>> -> memref<1x128xi32, #tpu.memory_space<hbm>>
          tpu.wait_dma2 semaphore(%arg11 : memref<!tpu.dma_semaphore, #tpu.memory_space<semaphore_mem>>) src(%dma_wait3A_272 : memref<1x128xi32, #tpu.memory_space<hbm>>) dst(%dma_wait3A_270 : memref<1x128xi32, #tpu.memory_space<vmem>>)
          %add3A_273 = arith.addi %add3A_6, %add3A_256 : i32
          %mul3A_274 = arith.constant 128 : i32
          %mul3A_275 = arith.muli %add3A_273, %mul3A_274 : i32
          %dma_wait3A_276 = arith.constant 1 : i32
          %dma_wait3A_277 = arith.constant 0 : i32
          %dma_wait3A_278 = arith.constant 0 : i32
          %dma_wait3A_279 = tpu.memref_slice %arg7[%dma_wait3A_276, %dma_wait3A_277, %dma_wait3A_278] : memref<6x1x128xi32, #tpu.memory_space<vmem>> -> memref<1x1x128xi32, #tpu.memory_space<vmem>>
          %dma_wait3A_280 = tpu.memref_squeeze %dma_wait3A_279 : memref<1x1x128xi32, #tpu.memory_space<vmem>> -> memref<1x128xi32, #tpu.memory_space<vmem>>
          %dma_wait3A_281 = arith.constant 1 : i32
          %dma_wait3A_282 = tpu.memref_slice %arg3[%dma_wait3A_281, %mul3A_275] : memref<2x320000xi32, #tpu.memory_space<hbm>> -> memref<1x128xi32, #tpu.memory_space<hbm>>
          %dma_wait3A_283 = arith.constant 0 : i32
          %dma_wait3A_284 = arith.constant 0 : i32
          %dma_wait3A_285 = tpu.memref_slice %arg7[%dma_wait3A_276, %dma_wait3A_283, %dma_wait3A_284] : memref<6x1x128xi32, #tpu.memory_space<vmem>> -> memref<1x1x128xi32, #tpu.memory_space<vmem>>
          %dma_wait3A_286 = tpu.memref_squeeze %dma_wait3A_285 : memref<1x1x128xi32, #tpu.memory_space<vmem>> -> memref<1x128xi32, #tpu.memory_space<vmem>>
          %dma_wait3A_287 = arith.constant 1 : i32
          %dma_wait3A_288 = tpu.memref_slice %arg3[%dma_wait3A_287, %mul3A_275] : memref<2x320000xi32, #tpu.memory_space<hbm>> -> memref<1x128xi32, #tpu.memory_space<hbm>>
          tpu.wait_dma2 semaphore(%arg11 : memref<!tpu.dma_semaphore, #tpu.memory_space<semaphore_mem>>) src(%dma_wait3A_288 : memref<1x128xi32, #tpu.memory_space<hbm>>) dst(%dma_wait3A_286 : memref<1x128xi32, #tpu.memory_space<vmem>>)
          %dma_start3A_289 = arith.constant 1 : i32
          %dma_start3A_290 = arith.constant 0 : i32
          %dma_start3A_291 = arith.constant 1 : i32
          %dma_start3A_292 = arith.constant 0 : i32
          %dma_start3A_293 = arith.constant 0 : i32
          %dma_start3A_294 = tpu.memref_slice %arg8[%dma_start3A_291, %dma_start3A_292, %dma_start3A_293] : memref<3x128x128xf32, #tpu.memory_space<vmem>> -> memref<1x128x128xf32, #tpu.memory_space<vmem>>
          %dma_start3A_295 = tpu.memref_squeeze %dma_start3A_294 : memref<1x128x128xf32, #tpu.memory_space<vmem>> -> memref<128x128xf32, #tpu.memory_space<vmem>>
          %dma_start3A_296 = arith.constant 0 : i32
          %dma_start3A_297 = tpu.memref_slice %arg6[%dma_start3A_289, %dma_start3A_290, %dma_start3A_296] : memref<6x1x128xi32, #tpu.memory_space<vmem>> -> memref<1x1x128xi32, #tpu.memory_space<vmem>>
          %dma_start3A_298 = tpu.memref_squeeze %dma_start3A_297 : memref<1x1x128xi32, #tpu.memory_space<vmem>> -> memref<128xi32, #tpu.memory_space<vmem>>
          %dma_start3A_299 = arith.constant 0 : i32
          %dma_start3A_300 = arith.constant 0 : i32
          %dma_start3A_301 = tpu.memref_slice %arg2[%dma_start3A_299, %dma_start3A_300] : memref<10000x128xf32, #tpu.memory_space<hbm>> -> memref<10000x128xf32, #tpu.memory_space<hbm>>
          tpu.enqueue_indirect_dma source(%dma_start3A_301 : memref<10000x128xf32, #tpu.memory_space<hbm>>) target(%dma_start3A_295 : memref<128x128xf32, #tpu.memory_space<vmem>>) offsets(%dma_start3A_298 : memref<128xi32, #tpu.memory_space<vmem>>) semaphore(%arg17 : memref<!tpu.dma_semaphore, #tpu.memory_space<semaphore_mem>>)
        } else {
        }
        %dma_wait3A_229 = arith.constant 0 : i32
        %dma_wait3A_230 = arith.constant 0 : i32
        %dma_wait3A_231 = arith.constant 0 : i32
        %dma_wait3A_232 = arith.constant 0 : i32
        %dma_wait3A_233 = arith.constant 0 : i32
        %dma_wait3A_234 = tpu.memref_slice %arg8[%dma_wait3A_231, %dma_wait3A_232, %dma_wait3A_233] : memref<3x128x128xf32, #tpu.memory_space<vmem>> -> memref<1x128x128xf32, #tpu.memory_space<vmem>>
        %dma_wait3A_235 = tpu.memref_squeeze %dma_wait3A_234 : memref<1x128x128xf32, #tpu.memory_space<vmem>> -> memref<128x128xf32, #tpu.memory_space<vmem>>
        %dma_wait3A_236 = arith.constant 0 : i32
        %dma_wait3A_237 = tpu.memref_slice %arg6[%dma_wait3A_229, %dma_wait3A_230, %dma_wait3A_236] : memref<6x1x128xi32, #tpu.memory_space<vmem>> -> memref<1x1x128xi32, #tpu.memory_space<vmem>>
        %dma_wait3A_238 = tpu.memref_squeeze %dma_wait3A_237 : memref<1x1x128xi32, #tpu.memory_space<vmem>> -> memref<128xi32, #tpu.memory_space<vmem>>
        %dma_wait3A_239 = arith.constant 0 : i32
        %dma_wait3A_240 = arith.constant 0 : i32
        %dma_wait3A_241 = tpu.memref_slice %arg2[%dma_wait3A_239, %dma_wait3A_240] : memref<10000x128xf32, #tpu.memory_space<hbm>> -> memref<10000x128xf32, #tpu.memory_space<hbm>>
        tpu.wait_indirect_dma semaphore(%arg16 : memref<!tpu.dma_semaphore, #tpu.memory_space<semaphore_mem>>) src(%dma_wait3A_241 : memref<10000x128xf32, #tpu.memory_space<hbm>>) dst(%dma_wait3A_235 : memref<128x128xf32, #tpu.memory_space<vmem>>)
        %dma_start3A_242 = arith.constant 0 : i32
        %dma_start3A_243 = arith.constant 0 : i32
        %dma_start3A_244 = arith.constant 0 : i32
        %dma_start3A_245 = arith.constant 0 : i32
        %dma_start3A_246 = arith.constant 0 : i32
        %dma_start3A_247 = tpu.memref_slice %arg8[%dma_start3A_242, %dma_start3A_245, %dma_start3A_246] : memref<3x128x128xf32, #tpu.memory_space<vmem>> -> memref<1x128x128xf32, #tpu.memory_space<vmem>>
        %dma_start3A_248 = tpu.memref_squeeze %dma_start3A_247 : memref<1x128x128xf32, #tpu.memory_space<vmem>> -> memref<128x128xf32, #tpu.memory_space<vmem>>
        %dma_start3A_249 = arith.constant 0 : i32
        %dma_start3A_250 = tpu.memref_slice %arg7[%dma_start3A_243, %dma_start3A_244, %dma_start3A_249] : memref<6x1x128xi32, #tpu.memory_space<vmem>> -> memref<1x1x128xi32, #tpu.memory_space<vmem>>
        %dma_start3A_251 = tpu.memref_squeeze %dma_start3A_250 : memref<1x1x128xi32, #tpu.memory_space<vmem>> -> memref<128xi32, #tpu.memory_space<vmem>>
        %dma_start3A_252 = arith.constant 0 : i32
        %dma_start3A_253 = arith.constant 0 : i32
        %dma_start3A_254 = tpu.memref_slice %arg9[%dma_start3A_252, %dma_start3A_253] : memref<10000x128xf32, #tpu.memory_space<vmem_shared>> -> memref<10000x128xf32, #tpu.memory_space<vmem_shared>>
        tpu.enqueue_indirect_dma source(%dma_start3A_248 : memref<128x128xf32, #tpu.memory_space<vmem>>) target(%dma_start3A_254 : memref<10000x128xf32, #tpu.memory_space<vmem_shared>>) offsets(%dma_start3A_251 : memref<128xi32, #tpu.memory_space<vmem>>) semaphore(%arg19 : memref<!tpu.dma_semaphore, #tpu.memory_space<semaphore_mem>>) {add = true}
      } else {
      }
      %add3A_182 = arith.constant 1 : i32
      %add3A_183 = arith.addi %add3A_175, %add3A_182 : i32
      %lt3A_184 = arith.cmpi slt, %add3A_183, %select_n3A : i32
      %convert_element_type3A_185 = arith.extui %lt3A_184 : i1 to i32
      %cond3A_186 = arith.constant 0 : i32
      %cond3A_187 = arith.cmpi ne, %convert_element_type3A_185, %cond3A_186 : i32
      scf.if %cond3A_187 {
        %ge3A_212 = arith.constant 2 : i32
        %ge3A_213 = arith.cmpi sge, %add3A_183, %ge3A_212 : i32
        %convert_element_type3A_214 = arith.extui %ge3A_213 : i1 to i32
        %cond3A_215 = arith.constant 0 : i32
        %cond3A_216 = arith.cmpi ne, %convert_element_type3A_214, %cond3A_215 : i32
        scf.if %cond3A_216 {
          %dma_wait3A_255 = arith.constant 2 : i32
          %dma_wait3A_256 = arith.constant 5 : i32
          %dma_wait3A_257 = arith.constant 0 : i32
          %dma_wait3A_258 = arith.constant 0 : i32
          %dma_wait3A_259 = arith.constant 0 : i32
          %dma_wait3A_260 = tpu.memref_slice %arg8[%dma_wait3A_255, %dma_wait3A_258, %dma_wait3A_259] : memref<3x128x128xf32, #tpu.memory_space<vmem>> -> memref<1x128x128xf32, #tpu.memory_space<vmem>>
          %dma_wait3A_261 = tpu.memref_squeeze %dma_wait3A_260 : memref<1x128x128xf32, #tpu.memory_space<vmem>> -> memref<128x128xf32, #tpu.memory_space<vmem>>
          %dma_wait3A_262 = arith.constant 0 : i32
          %dma_wait3A_263 = tpu.memref_slice %arg7[%dma_wait3A_256, %dma_wait3A_257, %dma_wait3A_262] : memref<6x1x128xi32, #tpu.memory_space<vmem>> -> memref<1x1x128xi32, #tpu.memory_space<vmem>>
          %dma_wait3A_264 = tpu.memref_squeeze %dma_wait3A_263 : memref<1x1x128xi32, #tpu.memory_space<vmem>> -> memref<128xi32, #tpu.memory_space<vmem>>
          %dma_wait3A_265 = arith.constant 0 : i32
          %dma_wait3A_266 = arith.constant 0 : i32
          %dma_wait3A_267 = tpu.memref_slice %arg9[%dma_wait3A_265, %dma_wait3A_266] : memref<10000x128xf32, #tpu.memory_space<vmem_shared>> -> memref<10000x128xf32, #tpu.memory_space<vmem_shared>>
          tpu.wait_indirect_dma semaphore(%arg21 : memref<!tpu.dma_semaphore, #tpu.memory_space<semaphore_mem>>) src(%dma_wait3A_261 : memref<128x128xf32, #tpu.memory_space<vmem>>) dst(%dma_wait3A_267 : memref<10000x128xf32, #tpu.memory_space<vmem_shared>>)
        } else {
        }
        %add3A_217 = arith.constant 2 : i32
        %add3A_218 = arith.addi %add3A_183, %add3A_217 : i32
        %lt3A_219 = arith.cmpi slt, %add3A_218, %select_n3A : i32
        %convert_element_type3A_220 = arith.extui %lt3A_219 : i1 to i32
        %cond3A_221 = arith.constant 0 : i32
        %cond3A_222 = arith.cmpi ne, %convert_element_type3A_220, %cond3A_221 : i32
        scf.if %cond3A_222 {
          %add3A_255 = arith.constant 2 : i32
          %add3A_256 = arith.addi %add3A_183, %add3A_255 : i32
          %add3A_257 = arith.addi %add3A_6, %add3A_256 : i32
          %mul3A_258 = arith.constant 128 : i32
          %mul3A_259 = arith.muli %add3A_257, %mul3A_258 : i32
          %dma_start3A_260 = arith.constant 3 : i32
          %dma_start3A_261 = arith.constant 0 : i32
          %dma_start3A_262 = arith.constant 0 : i32
          %dma_start3A_263 = tpu.memref_slice %arg6[%dma_start3A_260, %dma_start3A_261, %dma_start3A_262] : memref<6x1x128xi32, #tpu.memory_space<vmem>> -> memref<1x1x128xi32, #tpu.memory_space<vmem>>
          %dma_start3A_264 = tpu.memref_squeeze %dma_start3A_263 : memref<1x1x128xi32, #tpu.memory_space<vmem>> -> memref<1x128xi32, #tpu.memory_space<vmem>>
          %dma_start3A_265 = arith.constant 0 : i32
          %dma_start3A_266 = tpu.memref_slice %arg3[%dma_start3A_265, %mul3A_259] : memref<2x320000xi32, #tpu.memory_space<hbm>> -> memref<1x128xi32, #tpu.memory_space<hbm>>
          %dma_start3A_267 = arith.constant 0 : i32
          %dma_start3A_268 = arith.constant 0 : i32
          %dma_start3A_269 = tpu.memref_slice %arg6[%dma_start3A_260, %dma_start3A_267, %dma_start3A_268] : memref<6x1x128xi32, #tpu.memory_space<vmem>> -> memref<1x1x128xi32, #tpu.memory_space<vmem>>
          %dma_start3A_270 = tpu.memref_squeeze %dma_start3A_269 : memref<1x1x128xi32, #tpu.memory_space<vmem>> -> memref<1x128xi32, #tpu.memory_space<vmem>>
          %dma_start3A_271 = arith.constant 0 : i32
          %dma_start3A_272 = tpu.memref_slice %arg3[%dma_start3A_271, %mul3A_259] : memref<2x320000xi32, #tpu.memory_space<hbm>> -> memref<1x128xi32, #tpu.memory_space<hbm>>
          tpu.enqueue_dma source(%dma_start3A_272 : memref<1x128xi32, #tpu.memory_space<hbm>>) target(%dma_start3A_270 : memref<1x128xi32, #tpu.memory_space<vmem>>) target_semaphore(%arg13 : memref<!tpu.dma_semaphore, #tpu.memory_space<semaphore_mem>>)
          %add3A_273 = arith.addi %add3A_6, %add3A_256 : i32
          %mul3A_274 = arith.constant 128 : i32
          %mul3A_275 = arith.muli %add3A_273, %mul3A_274 : i32
          %dma_start3A_276 = arith.constant 3 : i32
          %dma_start3A_277 = arith.constant 0 : i32
          %dma_start3A_278 = arith.constant 0 : i32
          %dma_start3A_279 = tpu.memref_slice %arg7[%dma_start3A_276, %dma_start3A_277, %dma_start3A_278] : memref<6x1x128xi32, #tpu.memory_space<vmem>> -> memref<1x1x128xi32, #tpu.memory_space<vmem>>
          %dma_start3A_280 = tpu.memref_squeeze %dma_start3A_279 : memref<1x1x128xi32, #tpu.memory_space<vmem>> -> memref<1x128xi32, #tpu.memory_space<vmem>>
          %dma_start3A_281 = arith.constant 1 : i32
          %dma_start3A_282 = tpu.memref_slice %arg3[%dma_start3A_281, %mul3A_275] : memref<2x320000xi32, #tpu.memory_space<hbm>> -> memref<1x128xi32, #tpu.memory_space<hbm>>
          %dma_start3A_283 = arith.constant 0 : i32
          %dma_start3A_284 = arith.constant 0 : i32
          %dma_start3A_285 = tpu.memref_slice %arg7[%dma_start3A_276, %dma_start3A_283, %dma_start3A_284] : memref<6x1x128xi32, #tpu.memory_space<vmem>> -> memref<1x1x128xi32, #tpu.memory_space<vmem>>
          %dma_start3A_286 = tpu.memref_squeeze %dma_start3A_285 : memref<1x1x128xi32, #tpu.memory_space<vmem>> -> memref<1x128xi32, #tpu.memory_space<vmem>>
          %dma_start3A_287 = arith.constant 1 : i32
          %dma_start3A_288 = tpu.memref_slice %arg3[%dma_start3A_287, %mul3A_275] : memref<2x320000xi32, #tpu.memory_space<hbm>> -> memref<1x128xi32, #tpu.memory_space<hbm>>
          tpu.enqueue_dma source(%dma_start3A_288 : memref<1x128xi32, #tpu.memory_space<hbm>>) target(%dma_start3A_286 : memref<1x128xi32, #tpu.memory_space<vmem>>) target_semaphore(%arg13 : memref<!tpu.dma_semaphore, #tpu.memory_space<semaphore_mem>>)
        } else {
        }
        %add3A_223 = arith.constant 1 : i32
        %add3A_224 = arith.addi %add3A_183, %add3A_223 : i32
        %lt3A_225 = arith.cmpi slt, %add3A_224, %select_n3A : i32
        %convert_element_type3A_226 = arith.extui %lt3A_225 : i1 to i32
        %cond3A_227 = arith.constant 0 : i32
        %cond3A_228 = arith.cmpi ne, %convert_element_type3A_226, %cond3A_227 : i32
        scf.if %cond3A_228 {
          %add3A_255 = arith.constant 1 : i32
          %add3A_256 = arith.addi %add3A_183, %add3A_255 : i32
          %add3A_257 = arith.addi %add3A_6, %add3A_256 : i32
          %mul3A_258 = arith.constant 128 : i32
          %mul3A_259 = arith.muli %add3A_257, %mul3A_258 : i32
          %dma_wait3A_260 = arith.constant 2 : i32
          %dma_wait3A_261 = arith.constant 0 : i32
          %dma_wait3A_262 = arith.constant 0 : i32
          %dma_wait3A_263 = tpu.memref_slice %arg6[%dma_wait3A_260, %dma_wait3A_261, %dma_wait3A_262] : memref<6x1x128xi32, #tpu.memory_space<vmem>> -> memref<1x1x128xi32, #tpu.memory_space<vmem>>
          %dma_wait3A_264 = tpu.memref_squeeze %dma_wait3A_263 : memref<1x1x128xi32, #tpu.memory_space<vmem>> -> memref<1x128xi32, #tpu.memory_space<vmem>>
          %dma_wait3A_265 = arith.constant 0 : i32
          %dma_wait3A_266 = tpu.memref_slice %arg3[%dma_wait3A_265, %mul3A_259] : memref<2x320000xi32, #tpu.memory_space<hbm>> -> memref<1x128xi32, #tpu.memory_space<hbm>>
          %dma_wait3A_267 = arith.constant 0 : i32
          %dma_wait3A_268 = arith.constant 0 : i32
          %dma_wait3A_269 = tpu.memref_slice %arg6[%dma_wait3A_260, %dma_wait3A_267, %dma_wait3A_268] : memref<6x1x128xi32, #tpu.memory_space<vmem>> -> memref<1x1x128xi32, #tpu.memory_space<vmem>>
          %dma_wait3A_270 = tpu.memref_squeeze %dma_wait3A_269 : memref<1x1x128xi32, #tpu.memory_space<vmem>> -> memref<1x128xi32, #tpu.memory_space<vmem>>
          %dma_wait3A_271 = arith.constant 0 : i32
          %dma_wait3A_272 = tpu.memref_slice %arg3[%dma_wait3A_271, %mul3A_259] : memref<2x320000xi32, #tpu.memory_space<hbm>> -> memref<1x128xi32, #tpu.memory_space<hbm>>
          tpu.wait_dma2 semaphore(%arg12 : memref<!tpu.dma_semaphore, #tpu.memory_space<semaphore_mem>>) src(%dma_wait3A_272 : memref<1x128xi32, #tpu.memory_space<hbm>>) dst(%dma_wait3A_270 : memref<1x128xi32, #tpu.memory_space<vmem>>)
          %add3A_273 = arith.addi %add3A_6, %add3A_256 : i32
          %mul3A_274 = arith.constant 128 : i32
          %mul3A_275 = arith.muli %add3A_273, %mul3A_274 : i32
          %dma_wait3A_276 = arith.constant 2 : i32
          %dma_wait3A_277 = arith.constant 0 : i32
          %dma_wait3A_278 = arith.constant 0 : i32
          %dma_wait3A_279 = tpu.memref_slice %arg7[%dma_wait3A_276, %dma_wait3A_277, %dma_wait3A_278] : memref<6x1x128xi32, #tpu.memory_space<vmem>> -> memref<1x1x128xi32, #tpu.memory_space<vmem>>
          %dma_wait3A_280 = tpu.memref_squeeze %dma_wait3A_279 : memref<1x1x128xi32, #tpu.memory_space<vmem>> -> memref<1x128xi32, #tpu.memory_space<vmem>>
          %dma_wait3A_281 = arith.constant 1 : i32
          %dma_wait3A_282 = tpu.memref_slice %arg3[%dma_wait3A_281, %mul3A_275] : memref<2x320000xi32, #tpu.memory_space<hbm>> -> memref<1x128xi32, #tpu.memory_space<hbm>>
          %dma_wait3A_283 = arith.constant 0 : i32
          %dma_wait3A_284 = arith.constant 0 : i32
          %dma_wait3A_285 = tpu.memref_slice %arg7[%dma_wait3A_276, %dma_wait3A_283, %dma_wait3A_284] : memref<6x1x128xi32, #tpu.memory_space<vmem>> -> memref<1x1x128xi32, #tpu.memory_space<vmem>>
          %dma_wait3A_286 = tpu.memref_squeeze %dma_wait3A_285 : memref<1x1x128xi32, #tpu.memory_space<vmem>> -> memref<1x128xi32, #tpu.memory_space<vmem>>
          %dma_wait3A_287 = arith.constant 1 : i32
          %dma_wait3A_288 = tpu.memref_slice %arg3[%dma_wait3A_287, %mul3A_275] : memref<2x320000xi32, #tpu.memory_space<hbm>> -> memref<1x128xi32, #tpu.memory_space<hbm>>
          tpu.wait_dma2 semaphore(%arg12 : memref<!tpu.dma_semaphore, #tpu.memory_space<semaphore_mem>>) src(%dma_wait3A_288 : memref<1x128xi32, #tpu.memory_space<hbm>>) dst(%dma_wait3A_286 : memref<1x128xi32, #tpu.memory_space<vmem>>)
          %dma_start3A_289 = arith.constant 2 : i32
          %dma_start3A_290 = arith.constant 0 : i32
          %dma_start3A_291 = arith.constant 2 : i32
          %dma_start3A_292 = arith.constant 0 : i32
          %dma_start3A_293 = arith.constant 0 : i32
          %dma_start3A_294 = tpu.memref_slice %arg8[%dma_start3A_291, %dma_start3A_292, %dma_start3A_293] : memref<3x128x128xf32, #tpu.memory_space<vmem>> -> memref<1x128x128xf32, #tpu.memory_space<vmem>>
          %dma_start3A_295 = tpu.memref_squeeze %dma_start3A_294 : memref<1x128x128xf32, #tpu.memory_space<vmem>> -> memref<128x128xf32, #tpu.memory_space<vmem>>
          %dma_start3A_296 = arith.constant 0 : i32
          %dma_start3A_297 = tpu.memref_slice %arg6[%dma_start3A_289, %dma_start3A_290, %dma_start3A_296] : memref<6x1x128xi32, #tpu.memory_space<vmem>> -> memref<1x1x128xi32, #tpu.memory_space<vmem>>
          %dma_start3A_298 = tpu.memref_squeeze %dma_start3A_297 : memref<1x1x128xi32, #tpu.memory_space<vmem>> -> memref<128xi32, #tpu.memory_space<vmem>>
          %dma_start3A_299 = arith.constant 0 : i32
          %dma_start3A_300 = arith.constant 0 : i32
          %dma_start3A_301 = tpu.memref_slice %arg2[%dma_start3A_299, %dma_start3A_300] : memref<10000x128xf32, #tpu.memory_space<hbm>> -> memref<10000x128xf32, #tpu.memory_space<hbm>>
          tpu.enqueue_indirect_dma source(%dma_start3A_301 : memref<10000x128xf32, #tpu.memory_space<hbm>>) target(%dma_start3A_295 : memref<128x128xf32, #tpu.memory_space<vmem>>) offsets(%dma_start3A_298 : memref<128xi32, #tpu.memory_space<vmem>>) semaphore(%arg18 : memref<!tpu.dma_semaphore, #tpu.memory_space<semaphore_mem>>)
        } else {
        }
        %dma_wait3A_229 = arith.constant 1 : i32
        %dma_wait3A_230 = arith.constant 0 : i32
        %dma_wait3A_231 = arith.constant 1 : i32
        %dma_wait3A_232 = arith.constant 0 : i32
        %dma_wait3A_233 = arith.constant 0 : i32
        %dma_wait3A_234 = tpu.memref_slice %arg8[%dma_wait3A_231, %dma_wait3A_232, %dma_wait3A_233] : memref<3x128x128xf32, #tpu.memory_space<vmem>> -> memref<1x128x128xf32, #tpu.memory_space<vmem>>
        %dma_wait3A_235 = tpu.memref_squeeze %dma_wait3A_234 : memref<1x128x128xf32, #tpu.memory_space<vmem>> -> memref<128x128xf32, #tpu.memory_space<vmem>>
        %dma_wait3A_236 = arith.constant 0 : i32
        %dma_wait3A_237 = tpu.memref_slice %arg6[%dma_wait3A_229, %dma_wait3A_230, %dma_wait3A_236] : memref<6x1x128xi32, #tpu.memory_space<vmem>> -> memref<1x1x128xi32, #tpu.memory_space<vmem>>
        %dma_wait3A_238 = tpu.memref_squeeze %dma_wait3A_237 : memref<1x1x128xi32, #tpu.memory_space<vmem>> -> memref<128xi32, #tpu.memory_space<vmem>>
        %dma_wait3A_239 = arith.constant 0 : i32
        %dma_wait3A_240 = arith.constant 0 : i32
        %dma_wait3A_241 = tpu.memref_slice %arg2[%dma_wait3A_239, %dma_wait3A_240] : memref<10000x128xf32, #tpu.memory_space<hbm>> -> memref<10000x128xf32, #tpu.memory_space<hbm>>
        tpu.wait_indirect_dma semaphore(%arg17 : memref<!tpu.dma_semaphore, #tpu.memory_space<semaphore_mem>>) src(%dma_wait3A_241 : memref<10000x128xf32, #tpu.memory_space<hbm>>) dst(%dma_wait3A_235 : memref<128x128xf32, #tpu.memory_space<vmem>>)
        %dma_start3A_242 = arith.constant 1 : i32
        %dma_start3A_243 = arith.constant 1 : i32
        %dma_start3A_244 = arith.constant 0 : i32
        %dma_start3A_245 = arith.constant 0 : i32
        %dma_start3A_246 = arith.constant 0 : i32
        %dma_start3A_247 = tpu.memref_slice %arg8[%dma_start3A_242, %dma_start3A_245, %dma_start3A_246] : memref<3x128x128xf32, #tpu.memory_space<vmem>> -> memref<1x128x128xf32, #tpu.memory_space<vmem>>
        %dma_start3A_248 = tpu.memref_squeeze %dma_start3A_247 : memref<1x128x128xf32, #tpu.memory_space<vmem>> -> memref<128x128xf32, #tpu.memory_space<vmem>>
        %dma_start3A_249 = arith.constant 0 : i32
        %dma_start3A_250 = tpu.memref_slice %arg7[%dma_start3A_243, %dma_start3A_244, %dma_start3A_249] : memref<6x1x128xi32, #tpu.memory_space<vmem>> -> memref<1x1x128xi32, #tpu.memory_space<vmem>>
        %dma_start3A_251 = tpu.memref_squeeze %dma_start3A_250 : memref<1x1x128xi32, #tpu.memory_space<vmem>> -> memref<128xi32, #tpu.memory_space<vmem>>
        %dma_start3A_252 = arith.constant 0 : i32
        %dma_start3A_253 = arith.constant 0 : i32
        %dma_start3A_254 = tpu.memref_slice %arg9[%dma_start3A_252, %dma_start3A_253] : memref<10000x128xf32, #tpu.memory_space<vmem_shared>> -> memref<10000x128xf32, #tpu.memory_space<vmem_shared>>
        tpu.enqueue_indirect_dma source(%dma_start3A_248 : memref<128x128xf32, #tpu.memory_space<vmem>>) target(%dma_start3A_254 : memref<10000x128xf32, #tpu.memory_space<vmem_shared>>) offsets(%dma_start3A_251 : memref<128xi32, #tpu.memory_space<vmem>>) semaphore(%arg20 : memref<!tpu.dma_semaphore, #tpu.memory_space<semaphore_mem>>) {add = true}
      } else {
      }
      %add3A_188 = arith.constant 2 : i32
      %add3A_189 = arith.addi %add3A_175, %add3A_188 : i32
      %lt3A_190 = arith.cmpi slt, %add3A_189, %select_n3A : i32
      %convert_element_type3A_191 = arith.extui %lt3A_190 : i1 to i32
      %cond3A_192 = arith.constant 0 : i32
      %cond3A_193 = arith.cmpi ne, %convert_element_type3A_191, %cond3A_192 : i32
      scf.if %cond3A_193 {
        %ge3A_212 = arith.constant 2 : i32
        %ge3A_213 = arith.cmpi sge, %add3A_189, %ge3A_212 : i32
        %convert_element_type3A_214 = arith.extui %ge3A_213 : i1 to i32
        %cond3A_215 = arith.constant 0 : i32
        %cond3A_216 = arith.cmpi ne, %convert_element_type3A_214, %cond3A_215 : i32
        scf.if %cond3A_216 {
          %dma_wait3A_255 = arith.constant 0 : i32
          %dma_wait3A_256 = arith.constant 0 : i32
          %dma_wait3A_257 = arith.constant 0 : i32
          %dma_wait3A_258 = arith.constant 0 : i32
          %dma_wait3A_259 = arith.constant 0 : i32
          %dma_wait3A_260 = tpu.memref_slice %arg8[%dma_wait3A_255, %dma_wait3A_258, %dma_wait3A_259] : memref<3x128x128xf32, #tpu.memory_space<vmem>> -> memref<1x128x128xf32, #tpu.memory_space<vmem>>
          %dma_wait3A_261 = tpu.memref_squeeze %dma_wait3A_260 : memref<1x128x128xf32, #tpu.memory_space<vmem>> -> memref<128x128xf32, #tpu.memory_space<vmem>>
          %dma_wait3A_262 = arith.constant 0 : i32
          %dma_wait3A_263 = tpu.memref_slice %arg7[%dma_wait3A_256, %dma_wait3A_257, %dma_wait3A_262] : memref<6x1x128xi32, #tpu.memory_space<vmem>> -> memref<1x1x128xi32, #tpu.memory_space<vmem>>
          %dma_wait3A_264 = tpu.memref_squeeze %dma_wait3A_263 : memref<1x1x128xi32, #tpu.memory_space<vmem>> -> memref<128xi32, #tpu.memory_space<vmem>>
          %dma_wait3A_265 = arith.constant 0 : i32
          %dma_wait3A_266 = arith.constant 0 : i32
          %dma_wait3A_267 = tpu.memref_slice %arg9[%dma_wait3A_265, %dma_wait3A_266] : memref<10000x128xf32, #tpu.memory_space<vmem_shared>> -> memref<10000x128xf32, #tpu.memory_space<vmem_shared>>
          tpu.wait_indirect_dma semaphore(%arg19 : memref<!tpu.dma_semaphore, #tpu.memory_space<semaphore_mem>>) src(%dma_wait3A_261 : memref<128x128xf32, #tpu.memory_space<vmem>>) dst(%dma_wait3A_267 : memref<10000x128xf32, #tpu.memory_space<vmem_shared>>)
        } else {
        }
        %add3A_217 = arith.constant 2 : i32
        %add3A_218 = arith.addi %add3A_189, %add3A_217 : i32
        %lt3A_219 = arith.cmpi slt, %add3A_218, %select_n3A : i32
        %convert_element_type3A_220 = arith.extui %lt3A_219 : i1 to i32
        %cond3A_221 = arith.constant 0 : i32
        %cond3A_222 = arith.cmpi ne, %convert_element_type3A_220, %cond3A_221 : i32
        scf.if %cond3A_222 {
          %add3A_255 = arith.constant 2 : i32
          %add3A_256 = arith.addi %add3A_189, %add3A_255 : i32
          %add3A_257 = arith.addi %add3A_6, %add3A_256 : i32
          %mul3A_258 = arith.constant 128 : i32
          %mul3A_259 = arith.muli %add3A_257, %mul3A_258 : i32
          %dma_start3A_260 = arith.constant 4 : i32
          %dma_start3A_261 = arith.constant 0 : i32
          %dma_start3A_262 = arith.constant 0 : i32
          %dma_start3A_263 = tpu.memref_slice %arg6[%dma_start3A_260, %dma_start3A_261, %dma_start3A_262] : memref<6x1x128xi32, #tpu.memory_space<vmem>> -> memref<1x1x128xi32, #tpu.memory_space<vmem>>
          %dma_start3A_264 = tpu.memref_squeeze %dma_start3A_263 : memref<1x1x128xi32, #tpu.memory_space<vmem>> -> memref<1x128xi32, #tpu.memory_space<vmem>>
          %dma_start3A_265 = arith.constant 0 : i32
          %dma_start3A_266 = tpu.memref_slice %arg3[%dma_start3A_265, %mul3A_259] : memref<2x320000xi32, #tpu.memory_space<hbm>> -> memref<1x128xi32, #tpu.memory_space<hbm>>
          %dma_start3A_267 = arith.constant 0 : i32
          %dma_start3A_268 = arith.constant 0 : i32
          %dma_start3A_269 = tpu.memref_slice %arg6[%dma_start3A_260, %dma_start3A_267, %dma_start3A_268] : memref<6x1x128xi32, #tpu.memory_space<vmem>> -> memref<1x1x128xi32, #tpu.memory_space<vmem>>
          %dma_start3A_270 = tpu.memref_squeeze %dma_start3A_269 : memref<1x1x128xi32, #tpu.memory_space<vmem>> -> memref<1x128xi32, #tpu.memory_space<vmem>>
          %dma_start3A_271 = arith.constant 0 : i32
          %dma_start3A_272 = tpu.memref_slice %arg3[%dma_start3A_271, %mul3A_259] : memref<2x320000xi32, #tpu.memory_space<hbm>> -> memref<1x128xi32, #tpu.memory_space<hbm>>
          tpu.enqueue_dma source(%dma_start3A_272 : memref<1x128xi32, #tpu.memory_space<hbm>>) target(%dma_start3A_270 : memref<1x128xi32, #tpu.memory_space<vmem>>) target_semaphore(%arg14 : memref<!tpu.dma_semaphore, #tpu.memory_space<semaphore_mem>>)
          %add3A_273 = arith.addi %add3A_6, %add3A_256 : i32
          %mul3A_274 = arith.constant 128 : i32
          %mul3A_275 = arith.muli %add3A_273, %mul3A_274 : i32
          %dma_start3A_276 = arith.constant 4 : i32
          %dma_start3A_277 = arith.constant 0 : i32
          %dma_start3A_278 = arith.constant 0 : i32
          %dma_start3A_279 = tpu.memref_slice %arg7[%dma_start3A_276, %dma_start3A_277, %dma_start3A_278] : memref<6x1x128xi32, #tpu.memory_space<vmem>> -> memref<1x1x128xi32, #tpu.memory_space<vmem>>
          %dma_start3A_280 = tpu.memref_squeeze %dma_start3A_279 : memref<1x1x128xi32, #tpu.memory_space<vmem>> -> memref<1x128xi32, #tpu.memory_space<vmem>>
          %dma_start3A_281 = arith.constant 1 : i32
          %dma_start3A_282 = tpu.memref_slice %arg3[%dma_start3A_281, %mul3A_275] : memref<2x320000xi32, #tpu.memory_space<hbm>> -> memref<1x128xi32, #tpu.memory_space<hbm>>
          %dma_start3A_283 = arith.constant 0 : i32
          %dma_start3A_284 = arith.constant 0 : i32
          %dma_start3A_285 = tpu.memref_slice %arg7[%dma_start3A_276, %dma_start3A_283, %dma_start3A_284] : memref<6x1x128xi32, #tpu.memory_space<vmem>> -> memref<1x1x128xi32, #tpu.memory_space<vmem>>
          %dma_start3A_286 = tpu.memref_squeeze %dma_start3A_285 : memref<1x1x128xi32, #tpu.memory_space<vmem>> -> memref<1x128xi32, #tpu.memory_space<vmem>>
          %dma_start3A_287 = arith.constant 1 : i32
          %dma_start3A_288 = tpu.memref_slice %arg3[%dma_start3A_287, %mul3A_275] : memref<2x320000xi32, #tpu.memory_space<hbm>> -> memref<1x128xi32, #tpu.memory_space<hbm>>
          tpu.enqueue_dma source(%dma_start3A_288 : memref<1x128xi32, #tpu.memory_space<hbm>>) target(%dma_start3A_286 : memref<1x128xi32, #tpu.memory_space<vmem>>) target_semaphore(%arg14 : memref<!tpu.dma_semaphore, #tpu.memory_space<semaphore_mem>>)
        } else {
        }
        %add3A_223 = arith.constant 1 : i32
        %add3A_224 = arith.addi %add3A_189, %add3A_223 : i32
        %lt3A_225 = arith.cmpi slt, %add3A_224, %select_n3A : i32
        %convert_element_type3A_226 = arith.extui %lt3A_225 : i1 to i32
        %cond3A_227 = arith.constant 0 : i32
        %cond3A_228 = arith.cmpi ne, %convert_element_type3A_226, %cond3A_227 : i32
        scf.if %cond3A_228 {
          %add3A_255 = arith.constant 1 : i32
          %add3A_256 = arith.addi %add3A_189, %add3A_255 : i32
          %add3A_257 = arith.addi %add3A_6, %add3A_256 : i32
          %mul3A_258 = arith.constant 128 : i32
          %mul3A_259 = arith.muli %add3A_257, %mul3A_258 : i32
          %dma_wait3A_260 = arith.constant 3 : i32
          %dma_wait3A_261 = arith.constant 0 : i32
          %dma_wait3A_262 = arith.constant 0 : i32
          %dma_wait3A_263 = tpu.memref_slice %arg6[%dma_wait3A_260, %dma_wait3A_261, %dma_wait3A_262] : memref<6x1x128xi32, #tpu.memory_space<vmem>> -> memref<1x1x128xi32, #tpu.memory_space<vmem>>
          %dma_wait3A_264 = tpu.memref_squeeze %dma_wait3A_263 : memref<1x1x128xi32, #tpu.memory_space<vmem>> -> memref<1x128xi32, #tpu.memory_space<vmem>>
          %dma_wait3A_265 = arith.constant 0 : i32
          %dma_wait3A_266 = tpu.memref_slice %arg3[%dma_wait3A_265, %mul3A_259] : memref<2x320000xi32, #tpu.memory_space<hbm>> -> memref<1x128xi32, #tpu.memory_space<hbm>>
          %dma_wait3A_267 = arith.constant 0 : i32
          %dma_wait3A_268 = arith.constant 0 : i32
          %dma_wait3A_269 = tpu.memref_slice %arg6[%dma_wait3A_260, %dma_wait3A_267, %dma_wait3A_268] : memref<6x1x128xi32, #tpu.memory_space<vmem>> -> memref<1x1x128xi32, #tpu.memory_space<vmem>>
          %dma_wait3A_270 = tpu.memref_squeeze %dma_wait3A_269 : memref<1x1x128xi32, #tpu.memory_space<vmem>> -> memref<1x128xi32, #tpu.memory_space<vmem>>
          %dma_wait3A_271 = arith.constant 0 : i32
          %dma_wait3A_272 = tpu.memref_slice %arg3[%dma_wait3A_271, %mul3A_259] : memref<2x320000xi32, #tpu.memory_space<hbm>> -> memref<1x128xi32, #tpu.memory_space<hbm>>
          tpu.wait_dma2 semaphore(%arg13 : memref<!tpu.dma_semaphore, #tpu.memory_space<semaphore_mem>>) src(%dma_wait3A_272 : memref<1x128xi32, #tpu.memory_space<hbm>>) dst(%dma_wait3A_270 : memref<1x128xi32, #tpu.memory_space<vmem>>)
          %add3A_273 = arith.addi %add3A_6, %add3A_256 : i32
          %mul3A_274 = arith.constant 128 : i32
          %mul3A_275 = arith.muli %add3A_273, %mul3A_274 : i32
          %dma_wait3A_276 = arith.constant 3 : i32
          %dma_wait3A_277 = arith.constant 0 : i32
          %dma_wait3A_278 = arith.constant 0 : i32
          %dma_wait3A_279 = tpu.memref_slice %arg7[%dma_wait3A_276, %dma_wait3A_277, %dma_wait3A_278] : memref<6x1x128xi32, #tpu.memory_space<vmem>> -> memref<1x1x128xi32, #tpu.memory_space<vmem>>
          %dma_wait3A_280 = tpu.memref_squeeze %dma_wait3A_279 : memref<1x1x128xi32, #tpu.memory_space<vmem>> -> memref<1x128xi32, #tpu.memory_space<vmem>>
          %dma_wait3A_281 = arith.constant 1 : i32
          %dma_wait3A_282 = tpu.memref_slice %arg3[%dma_wait3A_281, %mul3A_275] : memref<2x320000xi32, #tpu.memory_space<hbm>> -> memref<1x128xi32, #tpu.memory_space<hbm>>
          %dma_wait3A_283 = arith.constant 0 : i32
          %dma_wait3A_284 = arith.constant 0 : i32
          %dma_wait3A_285 = tpu.memref_slice %arg7[%dma_wait3A_276, %dma_wait3A_283, %dma_wait3A_284] : memref<6x1x128xi32, #tpu.memory_space<vmem>> -> memref<1x1x128xi32, #tpu.memory_space<vmem>>
          %dma_wait3A_286 = tpu.memref_squeeze %dma_wait3A_285 : memref<1x1x128xi32, #tpu.memory_space<vmem>> -> memref<1x128xi32, #tpu.memory_space<vmem>>
          %dma_wait3A_287 = arith.constant 1 : i32
          %dma_wait3A_288 = tpu.memref_slice %arg3[%dma_wait3A_287, %mul3A_275] : memref<2x320000xi32, #tpu.memory_space<hbm>> -> memref<1x128xi32, #tpu.memory_space<hbm>>
          tpu.wait_dma2 semaphore(%arg13 : memref<!tpu.dma_semaphore, #tpu.memory_space<semaphore_mem>>) src(%dma_wait3A_288 : memref<1x128xi32, #tpu.memory_space<hbm>>) dst(%dma_wait3A_286 : memref<1x128xi32, #tpu.memory_space<vmem>>)
          %dma_start3A_289 = arith.constant 3 : i32
          %dma_start3A_290 = arith.constant 0 : i32
          %dma_start3A_291 = arith.constant 0 : i32
          %dma_start3A_292 = arith.constant 0 : i32
          %dma_start3A_293 = arith.constant 0 : i32
          %dma_start3A_294 = tpu.memref_slice %arg8[%dma_start3A_291, %dma_start3A_292, %dma_start3A_293] : memref<3x128x128xf32, #tpu.memory_space<vmem>> -> memref<1x128x128xf32, #tpu.memory_space<vmem>>
          %dma_start3A_295 = tpu.memref_squeeze %dma_start3A_294 : memref<1x128x128xf32, #tpu.memory_space<vmem>> -> memref<128x128xf32, #tpu.memory_space<vmem>>
          %dma_start3A_296 = arith.constant 0 : i32
          %dma_start3A_297 = tpu.memref_slice %arg6[%dma_start3A_289, %dma_start3A_290, %dma_start3A_296] : memref<6x1x128xi32, #tpu.memory_space<vmem>> -> memref<1x1x128xi32, #tpu.memory_space<vmem>>
          %dma_start3A_298 = tpu.memref_squeeze %dma_start3A_297 : memref<1x1x128xi32, #tpu.memory_space<vmem>> -> memref<128xi32, #tpu.memory_space<vmem>>
          %dma_start3A_299 = arith.constant 0 : i32
          %dma_start3A_300 = arith.constant 0 : i32
          %dma_start3A_301 = tpu.memref_slice %arg2[%dma_start3A_299, %dma_start3A_300] : memref<10000x128xf32, #tpu.memory_space<hbm>> -> memref<10000x128xf32, #tpu.memory_space<hbm>>
          tpu.enqueue_indirect_dma source(%dma_start3A_301 : memref<10000x128xf32, #tpu.memory_space<hbm>>) target(%dma_start3A_295 : memref<128x128xf32, #tpu.memory_space<vmem>>) offsets(%dma_start3A_298 : memref<128xi32, #tpu.memory_space<vmem>>) semaphore(%arg16 : memref<!tpu.dma_semaphore, #tpu.memory_space<semaphore_mem>>)
        } else {
        }
        %dma_wait3A_229 = arith.constant 2 : i32
        %dma_wait3A_230 = arith.constant 0 : i32
        %dma_wait3A_231 = arith.constant 2 : i32
        %dma_wait3A_232 = arith.constant 0 : i32
        %dma_wait3A_233 = arith.constant 0 : i32
        %dma_wait3A_234 = tpu.memref_slice %arg8[%dma_wait3A_231, %dma_wait3A_232, %dma_wait3A_233] : memref<3x128x128xf32, #tpu.memory_space<vmem>> -> memref<1x128x128xf32, #tpu.memory_space<vmem>>
        %dma_wait3A_235 = tpu.memref_squeeze %dma_wait3A_234 : memref<1x128x128xf32, #tpu.memory_space<vmem>> -> memref<128x128xf32, #tpu.memory_space<vmem>>
        %dma_wait3A_236 = arith.constant 0 : i32
        %dma_wait3A_237 = tpu.memref_slice %arg6[%dma_wait3A_229, %dma_wait3A_230, %dma_wait3A_236] : memref<6x1x128xi32, #tpu.memory_space<vmem>> -> memref<1x1x128xi32, #tpu.memory_space<vmem>>
        %dma_wait3A_238 = tpu.memref_squeeze %dma_wait3A_237 : memref<1x1x128xi32, #tpu.memory_space<vmem>> -> memref<128xi32, #tpu.memory_space<vmem>>
        %dma_wait3A_239 = arith.constant 0 : i32
        %dma_wait3A_240 = arith.constant 0 : i32
        %dma_wait3A_241 = tpu.memref_slice %arg2[%dma_wait3A_239, %dma_wait3A_240] : memref<10000x128xf32, #tpu.memory_space<hbm>> -> memref<10000x128xf32, #tpu.memory_space<hbm>>
        tpu.wait_indirect_dma semaphore(%arg18 : memref<!tpu.dma_semaphore, #tpu.memory_space<semaphore_mem>>) src(%dma_wait3A_241 : memref<10000x128xf32, #tpu.memory_space<hbm>>) dst(%dma_wait3A_235 : memref<128x128xf32, #tpu.memory_space<vmem>>)
        %dma_start3A_242 = arith.constant 2 : i32
        %dma_start3A_243 = arith.constant 2 : i32
        %dma_start3A_244 = arith.constant 0 : i32
        %dma_start3A_245 = arith.constant 0 : i32
        %dma_start3A_246 = arith.constant 0 : i32
        %dma_start3A_247 = tpu.memref_slice %arg8[%dma_start3A_242, %dma_start3A_245, %dma_start3A_246] : memref<3x128x128xf32, #tpu.memory_space<vmem>> -> memref<1x128x128xf32, #tpu.memory_space<vmem>>
        %dma_start3A_248 = tpu.memref_squeeze %dma_start3A_247 : memref<1x128x128xf32, #tpu.memory_space<vmem>> -> memref<128x128xf32, #tpu.memory_space<vmem>>
        %dma_start3A_249 = arith.constant 0 : i32
        %dma_start3A_250 = tpu.memref_slice %arg7[%dma_start3A_243, %dma_start3A_244, %dma_start3A_249] : memref<6x1x128xi32, #tpu.memory_space<vmem>> -> memref<1x1x128xi32, #tpu.memory_space<vmem>>
        %dma_start3A_251 = tpu.memref_squeeze %dma_start3A_250 : memref<1x1x128xi32, #tpu.memory_space<vmem>> -> memref<128xi32, #tpu.memory_space<vmem>>
        %dma_start3A_252 = arith.constant 0 : i32
        %dma_start3A_253 = arith.constant 0 : i32
        %dma_start3A_254 = tpu.memref_slice %arg9[%dma_start3A_252, %dma_start3A_253] : memref<10000x128xf32, #tpu.memory_space<vmem_shared>> -> memref<10000x128xf32, #tpu.memory_space<vmem_shared>>
        tpu.enqueue_indirect_dma source(%dma_start3A_248 : memref<128x128xf32, #tpu.memory_space<vmem>>) target(%dma_start3A_254 : memref<10000x128xf32, #tpu.memory_space<vmem_shared>>) offsets(%dma_start3A_251 : memref<128xi32, #tpu.memory_space<vmem>>) semaphore(%arg21 : memref<!tpu.dma_semaphore, #tpu.memory_space<semaphore_mem>>) {add = true}
      } else {
      }
      %add3A_194 = arith.constant 3 : i32
      %add3A_195 = arith.addi %add3A_175, %add3A_194 : i32
      %lt3A_196 = arith.cmpi slt, %add3A_195, %select_n3A : i32
      %convert_element_type3A_197 = arith.extui %lt3A_196 : i1 to i32
      %cond3A_198 = arith.constant 0 : i32
      %cond3A_199 = arith.cmpi ne, %convert_element_type3A_197, %cond3A_198 : i32
      scf.if %cond3A_199 {
        %ge3A_212 = arith.constant 2 : i32
        %ge3A_213 = arith.cmpi sge, %add3A_195, %ge3A_212 : i32
        %convert_element_type3A_214 = arith.extui %ge3A_213 : i1 to i32
        %cond3A_215 = arith.constant 0 : i32
        %cond3A_216 = arith.cmpi ne, %convert_element_type3A_214, %cond3A_215 : i32
        scf.if %cond3A_216 {
          %dma_wait3A_255 = arith.constant 1 : i32
          %dma_wait3A_256 = arith.constant 1 : i32
          %dma_wait3A_257 = arith.constant 0 : i32
          %dma_wait3A_258 = arith.constant 0 : i32
          %dma_wait3A_259 = arith.constant 0 : i32
          %dma_wait3A_260 = tpu.memref_slice %arg8[%dma_wait3A_255, %dma_wait3A_258, %dma_wait3A_259] : memref<3x128x128xf32, #tpu.memory_space<vmem>> -> memref<1x128x128xf32, #tpu.memory_space<vmem>>
          %dma_wait3A_261 = tpu.memref_squeeze %dma_wait3A_260 : memref<1x128x128xf32, #tpu.memory_space<vmem>> -> memref<128x128xf32, #tpu.memory_space<vmem>>
          %dma_wait3A_262 = arith.constant 0 : i32
          %dma_wait3A_263 = tpu.memref_slice %arg7[%dma_wait3A_256, %dma_wait3A_257, %dma_wait3A_262] : memref<6x1x128xi32, #tpu.memory_space<vmem>> -> memref<1x1x128xi32, #tpu.memory_space<vmem>>
          %dma_wait3A_264 = tpu.memref_squeeze %dma_wait3A_263 : memref<1x1x128xi32, #tpu.memory_space<vmem>> -> memref<128xi32, #tpu.memory_space<vmem>>
          %dma_wait3A_265 = arith.constant 0 : i32
          %dma_wait3A_266 = arith.constant 0 : i32
          %dma_wait3A_267 = tpu.memref_slice %arg9[%dma_wait3A_265, %dma_wait3A_266] : memref<10000x128xf32, #tpu.memory_space<vmem_shared>> -> memref<10000x128xf32, #tpu.memory_space<vmem_shared>>
          tpu.wait_indirect_dma semaphore(%arg20 : memref<!tpu.dma_semaphore, #tpu.memory_space<semaphore_mem>>) src(%dma_wait3A_261 : memref<128x128xf32, #tpu.memory_space<vmem>>) dst(%dma_wait3A_267 : memref<10000x128xf32, #tpu.memory_space<vmem_shared>>)
        } else {
        }
        %add3A_217 = arith.constant 2 : i32
        %add3A_218 = arith.addi %add3A_195, %add3A_217 : i32
        %lt3A_219 = arith.cmpi slt, %add3A_218, %select_n3A : i32
        %convert_element_type3A_220 = arith.extui %lt3A_219 : i1 to i32
        %cond3A_221 = arith.constant 0 : i32
        %cond3A_222 = arith.cmpi ne, %convert_element_type3A_220, %cond3A_221 : i32
        scf.if %cond3A_222 {
          %add3A_255 = arith.constant 2 : i32
          %add3A_256 = arith.addi %add3A_195, %add3A_255 : i32
          %add3A_257 = arith.addi %add3A_6, %add3A_256 : i32
          %mul3A_258 = arith.constant 128 : i32
          %mul3A_259 = arith.muli %add3A_257, %mul3A_258 : i32
          %dma_start3A_260 = arith.constant 5 : i32
          %dma_start3A_261 = arith.constant 0 : i32
          %dma_start3A_262 = arith.constant 0 : i32
          %dma_start3A_263 = tpu.memref_slice %arg6[%dma_start3A_260, %dma_start3A_261, %dma_start3A_262] : memref<6x1x128xi32, #tpu.memory_space<vmem>> -> memref<1x1x128xi32, #tpu.memory_space<vmem>>
          %dma_start3A_264 = tpu.memref_squeeze %dma_start3A_263 : memref<1x1x128xi32, #tpu.memory_space<vmem>> -> memref<1x128xi32, #tpu.memory_space<vmem>>
          %dma_start3A_265 = arith.constant 0 : i32
          %dma_start3A_266 = tpu.memref_slice %arg3[%dma_start3A_265, %mul3A_259] : memref<2x320000xi32, #tpu.memory_space<hbm>> -> memref<1x128xi32, #tpu.memory_space<hbm>>
          %dma_start3A_267 = arith.constant 0 : i32
          %dma_start3A_268 = arith.constant 0 : i32
          %dma_start3A_269 = tpu.memref_slice %arg6[%dma_start3A_260, %dma_start3A_267, %dma_start3A_268] : memref<6x1x128xi32, #tpu.memory_space<vmem>> -> memref<1x1x128xi32, #tpu.memory_space<vmem>>
          %dma_start3A_270 = tpu.memref_squeeze %dma_start3A_269 : memref<1x1x128xi32, #tpu.memory_space<vmem>> -> memref<1x128xi32, #tpu.memory_space<vmem>>
          %dma_start3A_271 = arith.constant 0 : i32
          %dma_start3A_272 = tpu.memref_slice %arg3[%dma_start3A_271, %mul3A_259] : memref<2x320000xi32, #tpu.memory_space<hbm>> -> memref<1x128xi32, #tpu.memory_space<hbm>>
          tpu.enqueue_dma source(%dma_start3A_272 : memref<1x128xi32, #tpu.memory_space<hbm>>) target(%dma_start3A_270 : memref<1x128xi32, #tpu.memory_space<vmem>>) target_semaphore(%arg15 : memref<!tpu.dma_semaphore, #tpu.memory_space<semaphore_mem>>)
          %add3A_273 = arith.addi %add3A_6, %add3A_256 : i32
          %mul3A_274 = arith.constant 128 : i32
          %mul3A_275 = arith.muli %add3A_273, %mul3A_274 : i32
          %dma_start3A_276 = arith.constant 5 : i32
          %dma_start3A_277 = arith.constant 0 : i32
          %dma_start3A_278 = arith.constant 0 : i32
          %dma_start3A_279 = tpu.memref_slice %arg7[%dma_start3A_276, %dma_start3A_277, %dma_start3A_278] : memref<6x1x128xi32, #tpu.memory_space<vmem>> -> memref<1x1x128xi32, #tpu.memory_space<vmem>>
          %dma_start3A_280 = tpu.memref_squeeze %dma_start3A_279 : memref<1x1x128xi32, #tpu.memory_space<vmem>> -> memref<1x128xi32, #tpu.memory_space<vmem>>
          %dma_start3A_281 = arith.constant 1 : i32
          %dma_start3A_282 = tpu.memref_slice %arg3[%dma_start3A_281, %mul3A_275] : memref<2x320000xi32, #tpu.memory_space<hbm>> -> memref<1x128xi32, #tpu.memory_space<hbm>>
          %dma_start3A_283 = arith.constant 0 : i32
          %dma_start3A_284 = arith.constant 0 : i32
          %dma_start3A_285 = tpu.memref_slice %arg7[%dma_start3A_276, %dma_start3A_283, %dma_start3A_284] : memref<6x1x128xi32, #tpu.memory_space<vmem>> -> memref<1x1x128xi32, #tpu.memory_space<vmem>>
          %dma_start3A_286 = tpu.memref_squeeze %dma_start3A_285 : memref<1x1x128xi32, #tpu.memory_space<vmem>> -> memref<1x128xi32, #tpu.memory_space<vmem>>
          %dma_start3A_287 = arith.constant 1 : i32
          %dma_start3A_288 = tpu.memref_slice %arg3[%dma_start3A_287, %mul3A_275] : memref<2x320000xi32, #tpu.memory_space<hbm>> -> memref<1x128xi32, #tpu.memory_space<hbm>>
          tpu.enqueue_dma source(%dma_start3A_288 : memref<1x128xi32, #tpu.memory_space<hbm>>) target(%dma_start3A_286 : memref<1x128xi32, #tpu.memory_space<vmem>>) target_semaphore(%arg15 : memref<!tpu.dma_semaphore, #tpu.memory_space<semaphore_mem>>)
        } else {
        }
        %add3A_223 = arith.constant 1 : i32
        %add3A_224 = arith.addi %add3A_195, %add3A_223 : i32
        %lt3A_225 = arith.cmpi slt, %add3A_224, %select_n3A : i32
        %convert_element_type3A_226 = arith.extui %lt3A_225 : i1 to i32
        %cond3A_227 = arith.constant 0 : i32
        %cond3A_228 = arith.cmpi ne, %convert_element_type3A_226, %cond3A_227 : i32
        scf.if %cond3A_228 {
          %add3A_255 = arith.constant 1 : i32
          %add3A_256 = arith.addi %add3A_195, %add3A_255 : i32
          %add3A_257 = arith.addi %add3A_6, %add3A_256 : i32
          %mul3A_258 = arith.constant 128 : i32
          %mul3A_259 = arith.muli %add3A_257, %mul3A_258 : i32
          %dma_wait3A_260 = arith.constant 4 : i32
          %dma_wait3A_261 = arith.constant 0 : i32
          %dma_wait3A_262 = arith.constant 0 : i32
          %dma_wait3A_263 = tpu.memref_slice %arg6[%dma_wait3A_260, %dma_wait3A_261, %dma_wait3A_262] : memref<6x1x128xi32, #tpu.memory_space<vmem>> -> memref<1x1x128xi32, #tpu.memory_space<vmem>>
          %dma_wait3A_264 = tpu.memref_squeeze %dma_wait3A_263 : memref<1x1x128xi32, #tpu.memory_space<vmem>> -> memref<1x128xi32, #tpu.memory_space<vmem>>
          %dma_wait3A_265 = arith.constant 0 : i32
          %dma_wait3A_266 = tpu.memref_slice %arg3[%dma_wait3A_265, %mul3A_259] : memref<2x320000xi32, #tpu.memory_space<hbm>> -> memref<1x128xi32, #tpu.memory_space<hbm>>
          %dma_wait3A_267 = arith.constant 0 : i32
          %dma_wait3A_268 = arith.constant 0 : i32
          %dma_wait3A_269 = tpu.memref_slice %arg6[%dma_wait3A_260, %dma_wait3A_267, %dma_wait3A_268] : memref<6x1x128xi32, #tpu.memory_space<vmem>> -> memref<1x1x128xi32, #tpu.memory_space<vmem>>
          %dma_wait3A_270 = tpu.memref_squeeze %dma_wait3A_269 : memref<1x1x128xi32, #tpu.memory_space<vmem>> -> memref<1x128xi32, #tpu.memory_space<vmem>>
          %dma_wait3A_271 = arith.constant 0 : i32
          %dma_wait3A_272 = tpu.memref_slice %arg3[%dma_wait3A_271, %mul3A_259] : memref<2x320000xi32, #tpu.memory_space<hbm>> -> memref<1x128xi32, #tpu.memory_space<hbm>>
          tpu.wait_dma2 semaphore(%arg14 : memref<!tpu.dma_semaphore, #tpu.memory_space<semaphore_mem>>) src(%dma_wait3A_272 : memref<1x128xi32, #tpu.memory_space<hbm>>) dst(%dma_wait3A_270 : memref<1x128xi32, #tpu.memory_space<vmem>>)
          %add3A_273 = arith.addi %add3A_6, %add3A_256 : i32
          %mul3A_274 = arith.constant 128 : i32
          %mul3A_275 = arith.muli %add3A_273, %mul3A_274 : i32
          %dma_wait3A_276 = arith.constant 4 : i32
          %dma_wait3A_277 = arith.constant 0 : i32
          %dma_wait3A_278 = arith.constant 0 : i32
          %dma_wait3A_279 = tpu.memref_slice %arg7[%dma_wait3A_276, %dma_wait3A_277, %dma_wait3A_278] : memref<6x1x128xi32, #tpu.memory_space<vmem>> -> memref<1x1x128xi32, #tpu.memory_space<vmem>>
          %dma_wait3A_280 = tpu.memref_squeeze %dma_wait3A_279 : memref<1x1x128xi32, #tpu.memory_space<vmem>> -> memref<1x128xi32, #tpu.memory_space<vmem>>
          %dma_wait3A_281 = arith.constant 1 : i32
          %dma_wait3A_282 = tpu.memref_slice %arg3[%dma_wait3A_281, %mul3A_275] : memref<2x320000xi32, #tpu.memory_space<hbm>> -> memref<1x128xi32, #tpu.memory_space<hbm>>
          %dma_wait3A_283 = arith.constant 0 : i32
          %dma_wait3A_284 = arith.constant 0 : i32
          %dma_wait3A_285 = tpu.memref_slice %arg7[%dma_wait3A_276, %dma_wait3A_283, %dma_wait3A_284] : memref<6x1x128xi32, #tpu.memory_space<vmem>> -> memref<1x1x128xi32, #tpu.memory_space<vmem>>
          %dma_wait3A_286 = tpu.memref_squeeze %dma_wait3A_285 : memref<1x1x128xi32, #tpu.memory_space<vmem>> -> memref<1x128xi32, #tpu.memory_space<vmem>>
          %dma_wait3A_287 = arith.constant 1 : i32
          %dma_wait3A_288 = tpu.memref_slice %arg3[%dma_wait3A_287, %mul3A_275] : memref<2x320000xi32, #tpu.memory_space<hbm>> -> memref<1x128xi32, #tpu.memory_space<hbm>>
          tpu.wait_dma2 semaphore(%arg14 : memref<!tpu.dma_semaphore, #tpu.memory_space<semaphore_mem>>) src(%dma_wait3A_288 : memref<1x128xi32, #tpu.memory_space<hbm>>) dst(%dma_wait3A_286 : memref<1x128xi32, #tpu.memory_space<vmem>>)
          %dma_start3A_289 = arith.constant 4 : i32
          %dma_start3A_290 = arith.constant 0 : i32
          %dma_start3A_291 = arith.constant 1 : i32
          %dma_start3A_292 = arith.constant 0 : i32
          %dma_start3A_293 = arith.constant 0 : i32
          %dma_start3A_294 = tpu.memref_slice %arg8[%dma_start3A_291, %dma_start3A_292, %dma_start3A_293] : memref<3x128x128xf32, #tpu.memory_space<vmem>> -> memref<1x128x128xf32, #tpu.memory_space<vmem>>
          %dma_start3A_295 = tpu.memref_squeeze %dma_start3A_294 : memref<1x128x128xf32, #tpu.memory_space<vmem>> -> memref<128x128xf32, #tpu.memory_space<vmem>>
          %dma_start3A_296 = arith.constant 0 : i32
          %dma_start3A_297 = tpu.memref_slice %arg6[%dma_start3A_289, %dma_start3A_290, %dma_start3A_296] : memref<6x1x128xi32, #tpu.memory_space<vmem>> -> memref<1x1x128xi32, #tpu.memory_space<vmem>>
          %dma_start3A_298 = tpu.memref_squeeze %dma_start3A_297 : memref<1x1x128xi32, #tpu.memory_space<vmem>> -> memref<128xi32, #tpu.memory_space<vmem>>
          %dma_start3A_299 = arith.constant 0 : i32
          %dma_start3A_300 = arith.constant 0 : i32
          %dma_start3A_301 = tpu.memref_slice %arg2[%dma_start3A_299, %dma_start3A_300] : memref<10000x128xf32, #tpu.memory_space<hbm>> -> memref<10000x128xf32, #tpu.memory_space<hbm>>
          tpu.enqueue_indirect_dma source(%dma_start3A_301 : memref<10000x128xf32, #tpu.memory_space<hbm>>) target(%dma_start3A_295 : memref<128x128xf32, #tpu.memory_space<vmem>>) offsets(%dma_start3A_298 : memref<128xi32, #tpu.memory_space<vmem>>) semaphore(%arg17 : memref<!tpu.dma_semaphore, #tpu.memory_space<semaphore_mem>>)
        } else {
        }
        %dma_wait3A_229 = arith.constant 3 : i32
        %dma_wait3A_230 = arith.constant 0 : i32
        %dma_wait3A_231 = arith.constant 0 : i32
        %dma_wait3A_232 = arith.constant 0 : i32
        %dma_wait3A_233 = arith.constant 0 : i32
        %dma_wait3A_234 = tpu.memref_slice %arg8[%dma_wait3A_231, %dma_wait3A_232, %dma_wait3A_233] : memref<3x128x128xf32, #tpu.memory_space<vmem>> -> memref<1x128x128xf32, #tpu.memory_space<vmem>>
        %dma_wait3A_235 = tpu.memref_squeeze %dma_wait3A_234 : memref<1x128x128xf32, #tpu.memory_space<vmem>> -> memref<128x128xf32, #tpu.memory_space<vmem>>
        %dma_wait3A_236 = arith.constant 0 : i32
        %dma_wait3A_237 = tpu.memref_slice %arg6[%dma_wait3A_229, %dma_wait3A_230, %dma_wait3A_236] : memref<6x1x128xi32, #tpu.memory_space<vmem>> -> memref<1x1x128xi32, #tpu.memory_space<vmem>>
        %dma_wait3A_238 = tpu.memref_squeeze %dma_wait3A_237 : memref<1x1x128xi32, #tpu.memory_space<vmem>> -> memref<128xi32, #tpu.memory_space<vmem>>
        %dma_wait3A_239 = arith.constant 0 : i32
        %dma_wait3A_240 = arith.constant 0 : i32
        %dma_wait3A_241 = tpu.memref_slice %arg2[%dma_wait3A_239, %dma_wait3A_240] : memref<10000x128xf32, #tpu.memory_space<hbm>> -> memref<10000x128xf32, #tpu.memory_space<hbm>>
        tpu.wait_indirect_dma semaphore(%arg16 : memref<!tpu.dma_semaphore, #tpu.memory_space<semaphore_mem>>) src(%dma_wait3A_241 : memref<10000x128xf32, #tpu.memory_space<hbm>>) dst(%dma_wait3A_235 : memref<128x128xf32, #tpu.memory_space<vmem>>)
        %dma_start3A_242 = arith.constant 0 : i32
        %dma_start3A_243 = arith.constant 3 : i32
        %dma_start3A_244 = arith.constant 0 : i32
        %dma_start3A_245 = arith.constant 0 : i32
        %dma_start3A_246 = arith.constant 0 : i32
        %dma_start3A_247 = tpu.memref_slice %arg8[%dma_start3A_242, %dma_start3A_245, %dma_start3A_246] : memref<3x128x128xf32, #tpu.memory_space<vmem>> -> memref<1x128x128xf32, #tpu.memory_space<vmem>>
        %dma_start3A_248 = tpu.memref_squeeze %dma_start3A_247 : memref<1x128x128xf32, #tpu.memory_space<vmem>> -> memref<128x128xf32, #tpu.memory_space<vmem>>
        %dma_start3A_249 = arith.constant 0 : i32
        %dma_start3A_250 = tpu.memref_slice %arg7[%dma_start3A_243, %dma_start3A_244, %dma_start3A_249] : memref<6x1x128xi32, #tpu.memory_space<vmem>> -> memref<1x1x128xi32, #tpu.memory_space<vmem>>
        %dma_start3A_251 = tpu.memref_squeeze %dma_start3A_250 : memref<1x1x128xi32, #tpu.memory_space<vmem>> -> memref<128xi32, #tpu.memory_space<vmem>>
        %dma_start3A_252 = arith.constant 0 : i32
        %dma_start3A_253 = arith.constant 0 : i32
        %dma_start3A_254 = tpu.memref_slice %arg9[%dma_start3A_252, %dma_start3A_253] : memref<10000x128xf32, #tpu.memory_space<vmem_shared>> -> memref<10000x128xf32, #tpu.memory_space<vmem_shared>>
        tpu.enqueue_indirect_dma source(%dma_start3A_248 : memref<128x128xf32, #tpu.memory_space<vmem>>) target(%dma_start3A_254 : memref<10000x128xf32, #tpu.memory_space<vmem_shared>>) offsets(%dma_start3A_251 : memref<128xi32, #tpu.memory_space<vmem>>) semaphore(%arg19 : memref<!tpu.dma_semaphore, #tpu.memory_space<semaphore_mem>>) {add = true}
      } else {
      }
      %add3A_200 = arith.constant 4 : i32
      %add3A_201 = arith.addi %add3A_175, %add3A_200 : i32
      %lt3A_202 = arith.cmpi slt, %add3A_201, %select_n3A : i32
      %convert_element_type3A_203 = arith.extui %lt3A_202 : i1 to i32
      %cond3A_204 = arith.constant 0 : i32
      %cond3A_205 = arith.cmpi ne, %convert_element_type3A_203, %cond3A_204 : i32
      scf.if %cond3A_205 {
        %ge3A_212 = arith.constant 2 : i32
        %ge3A_213 = arith.cmpi sge, %add3A_201, %ge3A_212 : i32
        %convert_element_type3A_214 = arith.extui %ge3A_213 : i1 to i32
        %cond3A_215 = arith.constant 0 : i32
        %cond3A_216 = arith.cmpi ne, %convert_element_type3A_214, %cond3A_215 : i32
        scf.if %cond3A_216 {
          %dma_wait3A_255 = arith.constant 2 : i32
          %dma_wait3A_256 = arith.constant 2 : i32
          %dma_wait3A_257 = arith.constant 0 : i32
          %dma_wait3A_258 = arith.constant 0 : i32
          %dma_wait3A_259 = arith.constant 0 : i32
          %dma_wait3A_260 = tpu.memref_slice %arg8[%dma_wait3A_255, %dma_wait3A_258, %dma_wait3A_259] : memref<3x128x128xf32, #tpu.memory_space<vmem>> -> memref<1x128x128xf32, #tpu.memory_space<vmem>>
          %dma_wait3A_261 = tpu.memref_squeeze %dma_wait3A_260 : memref<1x128x128xf32, #tpu.memory_space<vmem>> -> memref<128x128xf32, #tpu.memory_space<vmem>>
          %dma_wait3A_262 = arith.constant 0 : i32
          %dma_wait3A_263 = tpu.memref_slice %arg7[%dma_wait3A_256, %dma_wait3A_257, %dma_wait3A_262] : memref<6x1x128xi32, #tpu.memory_space<vmem>> -> memref<1x1x128xi32, #tpu.memory_space<vmem>>
          %dma_wait3A_264 = tpu.memref_squeeze %dma_wait3A_263 : memref<1x1x128xi32, #tpu.memory_space<vmem>> -> memref<128xi32, #tpu.memory_space<vmem>>
          %dma_wait3A_265 = arith.constant 0 : i32
          %dma_wait3A_266 = arith.constant 0 : i32
          %dma_wait3A_267 = tpu.memref_slice %arg9[%dma_wait3A_265, %dma_wait3A_266] : memref<10000x128xf32, #tpu.memory_space<vmem_shared>> -> memref<10000x128xf32, #tpu.memory_space<vmem_shared>>
          tpu.wait_indirect_dma semaphore(%arg21 : memref<!tpu.dma_semaphore, #tpu.memory_space<semaphore_mem>>) src(%dma_wait3A_261 : memref<128x128xf32, #tpu.memory_space<vmem>>) dst(%dma_wait3A_267 : memref<10000x128xf32, #tpu.memory_space<vmem_shared>>)
        } else {
        }
        %add3A_217 = arith.constant 2 : i32
        %add3A_218 = arith.addi %add3A_201, %add3A_217 : i32
        %lt3A_219 = arith.cmpi slt, %add3A_218, %select_n3A : i32
        %convert_element_type3A_220 = arith.extui %lt3A_219 : i1 to i32
        %cond3A_221 = arith.constant 0 : i32
        %cond3A_222 = arith.cmpi ne, %convert_element_type3A_220, %cond3A_221 : i32
        scf.if %cond3A_222 {
          %add3A_255 = arith.constant 2 : i32
          %add3A_256 = arith.addi %add3A_201, %add3A_255 : i32
          %add3A_257 = arith.addi %add3A_6, %add3A_256 : i32
          %mul3A_258 = arith.constant 128 : i32
          %mul3A_259 = arith.muli %add3A_257, %mul3A_258 : i32
          %dma_start3A_260 = arith.constant 0 : i32
          %dma_start3A_261 = arith.constant 0 : i32
          %dma_start3A_262 = arith.constant 0 : i32
          %dma_start3A_263 = tpu.memref_slice %arg6[%dma_start3A_260, %dma_start3A_261, %dma_start3A_262] : memref<6x1x128xi32, #tpu.memory_space<vmem>> -> memref<1x1x128xi32, #tpu.memory_space<vmem>>
          %dma_start3A_264 = tpu.memref_squeeze %dma_start3A_263 : memref<1x1x128xi32, #tpu.memory_space<vmem>> -> memref<1x128xi32, #tpu.memory_space<vmem>>
          %dma_start3A_265 = arith.constant 0 : i32
          %dma_start3A_266 = tpu.memref_slice %arg3[%dma_start3A_265, %mul3A_259] : memref<2x320000xi32, #tpu.memory_space<hbm>> -> memref<1x128xi32, #tpu.memory_space<hbm>>
          %dma_start3A_267 = arith.constant 0 : i32
          %dma_start3A_268 = arith.constant 0 : i32
          %dma_start3A_269 = tpu.memref_slice %arg6[%dma_start3A_260, %dma_start3A_267, %dma_start3A_268] : memref<6x1x128xi32, #tpu.memory_space<vmem>> -> memref<1x1x128xi32, #tpu.memory_space<vmem>>
          %dma_start3A_270 = tpu.memref_squeeze %dma_start3A_269 : memref<1x1x128xi32, #tpu.memory_space<vmem>> -> memref<1x128xi32, #tpu.memory_space<vmem>>
          %dma_start3A_271 = arith.constant 0 : i32
          %dma_start3A_272 = tpu.memref_slice %arg3[%dma_start3A_271, %mul3A_259] : memref<2x320000xi32, #tpu.memory_space<hbm>> -> memref<1x128xi32, #tpu.memory_space<hbm>>
          tpu.enqueue_dma source(%dma_start3A_272 : memref<1x128xi32, #tpu.memory_space<hbm>>) target(%dma_start3A_270 : memref<1x128xi32, #tpu.memory_space<vmem>>) target_semaphore(%arg10 : memref<!tpu.dma_semaphore, #tpu.memory_space<semaphore_mem>>)
          %add3A_273 = arith.addi %add3A_6, %add3A_256 : i32
          %mul3A_274 = arith.constant 128 : i32
          %mul3A_275 = arith.muli %add3A_273, %mul3A_274 : i32
          %dma_start3A_276 = arith.constant 0 : i32
          %dma_start3A_277 = arith.constant 0 : i32
          %dma_start3A_278 = arith.constant 0 : i32
          %dma_start3A_279 = tpu.memref_slice %arg7[%dma_start3A_276, %dma_start3A_277, %dma_start3A_278] : memref<6x1x128xi32, #tpu.memory_space<vmem>> -> memref<1x1x128xi32, #tpu.memory_space<vmem>>
          %dma_start3A_280 = tpu.memref_squeeze %dma_start3A_279 : memref<1x1x128xi32, #tpu.memory_space<vmem>> -> memref<1x128xi32, #tpu.memory_space<vmem>>
          %dma_start3A_281 = arith.constant 1 : i32
          %dma_start3A_282 = tpu.memref_slice %arg3[%dma_start3A_281, %mul3A_275] : memref<2x320000xi32, #tpu.memory_space<hbm>> -> memref<1x128xi32, #tpu.memory_space<hbm>>
          %dma_start3A_283 = arith.constant 0 : i32
          %dma_start3A_284 = arith.constant 0 : i32
          %dma_start3A_285 = tpu.memref_slice %arg7[%dma_start3A_276, %dma_start3A_283, %dma_start3A_284] : memref<6x1x128xi32, #tpu.memory_space<vmem>> -> memref<1x1x128xi32, #tpu.memory_space<vmem>>
          %dma_start3A_286 = tpu.memref_squeeze %dma_start3A_285 : memref<1x1x128xi32, #tpu.memory_space<vmem>> -> memref<1x128xi32, #tpu.memory_space<vmem>>
          %dma_start3A_287 = arith.constant 1 : i32
          %dma_start3A_288 = tpu.memref_slice %arg3[%dma_start3A_287, %mul3A_275] : memref<2x320000xi32, #tpu.memory_space<hbm>> -> memref<1x128xi32, #tpu.memory_space<hbm>>
          tpu.enqueue_dma source(%dma_start3A_288 : memref<1x128xi32, #tpu.memory_space<hbm>>) target(%dma_start3A_286 : memref<1x128xi32, #tpu.memory_space<vmem>>) target_semaphore(%arg10 : memref<!tpu.dma_semaphore, #tpu.memory_space<semaphore_mem>>)
        } else {
        }
        %add3A_223 = arith.constant 1 : i32
        %add3A_224 = arith.addi %add3A_201, %add3A_223 : i32
        %lt3A_225 = arith.cmpi slt, %add3A_224, %select_n3A : i32
        %convert_element_type3A_226 = arith.extui %lt3A_225 : i1 to i32
        %cond3A_227 = arith.constant 0 : i32
        %cond3A_228 = arith.cmpi ne, %convert_element_type3A_226, %cond3A_227 : i32
        scf.if %cond3A_228 {
          %add3A_255 = arith.constant 1 : i32
          %add3A_256 = arith.addi %add3A_201, %add3A_255 : i32
          %add3A_257 = arith.addi %add3A_6, %add3A_256 : i32
          %mul3A_258 = arith.constant 128 : i32
          %mul3A_259 = arith.muli %add3A_257, %mul3A_258 : i32
          %dma_wait3A_260 = arith.constant 5 : i32
          %dma_wait3A_261 = arith.constant 0 : i32
          %dma_wait3A_262 = arith.constant 0 : i32
          %dma_wait3A_263 = tpu.memref_slice %arg6[%dma_wait3A_260, %dma_wait3A_261, %dma_wait3A_262] : memref<6x1x128xi32, #tpu.memory_space<vmem>> -> memref<1x1x128xi32, #tpu.memory_space<vmem>>
          %dma_wait3A_264 = tpu.memref_squeeze %dma_wait3A_263 : memref<1x1x128xi32, #tpu.memory_space<vmem>> -> memref<1x128xi32, #tpu.memory_space<vmem>>
          %dma_wait3A_265 = arith.constant 0 : i32
          %dma_wait3A_266 = tpu.memref_slice %arg3[%dma_wait3A_265, %mul3A_259] : memref<2x320000xi32, #tpu.memory_space<hbm>> -> memref<1x128xi32, #tpu.memory_space<hbm>>
          %dma_wait3A_267 = arith.constant 0 : i32
          %dma_wait3A_268 = arith.constant 0 : i32
          %dma_wait3A_269 = tpu.memref_slice %arg6[%dma_wait3A_260, %dma_wait3A_267, %dma_wait3A_268] : memref<6x1x128xi32, #tpu.memory_space<vmem>> -> memref<1x1x128xi32, #tpu.memory_space<vmem>>
          %dma_wait3A_270 = tpu.memref_squeeze %dma_wait3A_269 : memref<1x1x128xi32, #tpu.memory_space<vmem>> -> memref<1x128xi32, #tpu.memory_space<vmem>>
          %dma_wait3A_271 = arith.constant 0 : i32
          %dma_wait3A_272 = tpu.memref_slice %arg3[%dma_wait3A_271, %mul3A_259] : memref<2x320000xi32, #tpu.memory_space<hbm>> -> memref<1x128xi32, #tpu.memory_space<hbm>>
          tpu.wait_dma2 semaphore(%arg15 : memref<!tpu.dma_semaphore, #tpu.memory_space<semaphore_mem>>) src(%dma_wait3A_272 : memref<1x128xi32, #tpu.memory_space<hbm>>) dst(%dma_wait3A_270 : memref<1x128xi32, #tpu.memory_space<vmem>>)
          %add3A_273 = arith.addi %add3A_6, %add3A_256 : i32
          %mul3A_274 = arith.constant 128 : i32
          %mul3A_275 = arith.muli %add3A_273, %mul3A_274 : i32
          %dma_wait3A_276 = arith.constant 5 : i32
          %dma_wait3A_277 = arith.constant 0 : i32
          %dma_wait3A_278 = arith.constant 0 : i32
          %dma_wait3A_279 = tpu.memref_slice %arg7[%dma_wait3A_276, %dma_wait3A_277, %dma_wait3A_278] : memref<6x1x128xi32, #tpu.memory_space<vmem>> -> memref<1x1x128xi32, #tpu.memory_space<vmem>>
          %dma_wait3A_280 = tpu.memref_squeeze %dma_wait3A_279 : memref<1x1x128xi32, #tpu.memory_space<vmem>> -> memref<1x128xi32, #tpu.memory_space<vmem>>
          %dma_wait3A_281 = arith.constant 1 : i32
          %dma_wait3A_282 = tpu.memref_slice %arg3[%dma_wait3A_281, %mul3A_275] : memref<2x320000xi32, #tpu.memory_space<hbm>> -> memref<1x128xi32, #tpu.memory_space<hbm>>
          %dma_wait3A_283 = arith.constant 0 : i32
          %dma_wait3A_284 = arith.constant 0 : i32
          %dma_wait3A_285 = tpu.memref_slice %arg7[%dma_wait3A_276, %dma_wait3A_283, %dma_wait3A_284] : memref<6x1x128xi32, #tpu.memory_space<vmem>> -> memref<1x1x128xi32, #tpu.memory_space<vmem>>
          %dma_wait3A_286 = tpu.memref_squeeze %dma_wait3A_285 : memref<1x1x128xi32, #tpu.memory_space<vmem>> -> memref<1x128xi32, #tpu.memory_space<vmem>>
          %dma_wait3A_287 = arith.constant 1 : i32
          %dma_wait3A_288 = tpu.memref_slice %arg3[%dma_wait3A_287, %mul3A_275] : memref<2x320000xi32, #tpu.memory_space<hbm>> -> memref<1x128xi32, #tpu.memory_space<hbm>>
          tpu.wait_dma2 semaphore(%arg15 : memref<!tpu.dma_semaphore, #tpu.memory_space<semaphore_mem>>) src(%dma_wait3A_288 : memref<1x128xi32, #tpu.memory_space<hbm>>) dst(%dma_wait3A_286 : memref<1x128xi32, #tpu.memory_space<vmem>>)
          %dma_start3A_289 = arith.constant 5 : i32
          %dma_start3A_290 = arith.constant 0 : i32
          %dma_start3A_291 = arith.constant 2 : i32
          %dma_start3A_292 = arith.constant 0 : i32
          %dma_start3A_293 = arith.constant 0 : i32
          %dma_start3A_294 = tpu.memref_slice %arg8[%dma_start3A_291, %dma_start3A_292, %dma_start3A_293] : memref<3x128x128xf32, #tpu.memory_space<vmem>> -> memref<1x128x128xf32, #tpu.memory_space<vmem>>
          %dma_start3A_295 = tpu.memref_squeeze %dma_start3A_294 : memref<1x128x128xf32, #tpu.memory_space<vmem>> -> memref<128x128xf32, #tpu.memory_space<vmem>>
          %dma_start3A_296 = arith.constant 0 : i32
          %dma_start3A_297 = tpu.memref_slice %arg6[%dma_start3A_289, %dma_start3A_290, %dma_start3A_296] : memref<6x1x128xi32, #tpu.memory_space<vmem>> -> memref<1x1x128xi32, #tpu.memory_space<vmem>>
          %dma_start3A_298 = tpu.memref_squeeze %dma_start3A_297 : memref<1x1x128xi32, #tpu.memory_space<vmem>> -> memref<128xi32, #tpu.memory_space<vmem>>
          %dma_start3A_299 = arith.constant 0 : i32
          %dma_start3A_300 = arith.constant 0 : i32
          %dma_start3A_301 = tpu.memref_slice %arg2[%dma_start3A_299, %dma_start3A_300] : memref<10000x128xf32, #tpu.memory_space<hbm>> -> memref<10000x128xf32, #tpu.memory_space<hbm>>
          tpu.enqueue_indirect_dma source(%dma_start3A_301 : memref<10000x128xf32, #tpu.memory_space<hbm>>) target(%dma_start3A_295 : memref<128x128xf32, #tpu.memory_space<vmem>>) offsets(%dma_start3A_298 : memref<128xi32, #tpu.memory_space<vmem>>) semaphore(%arg18 : memref<!tpu.dma_semaphore, #tpu.memory_space<semaphore_mem>>)
        } else {
        }
        %dma_wait3A_229 = arith.constant 4 : i32
        %dma_wait3A_230 = arith.constant 0 : i32
        %dma_wait3A_231 = arith.constant 1 : i32
        %dma_wait3A_232 = arith.constant 0 : i32
        %dma_wait3A_233 = arith.constant 0 : i32
        %dma_wait3A_234 = tpu.memref_slice %arg8[%dma_wait3A_231, %dma_wait3A_232, %dma_wait3A_233] : memref<3x128x128xf32, #tpu.memory_space<vmem>> -> memref<1x128x128xf32, #tpu.memory_space<vmem>>
        %dma_wait3A_235 = tpu.memref_squeeze %dma_wait3A_234 : memref<1x128x128xf32, #tpu.memory_space<vmem>> -> memref<128x128xf32, #tpu.memory_space<vmem>>
        %dma_wait3A_236 = arith.constant 0 : i32
        %dma_wait3A_237 = tpu.memref_slice %arg6[%dma_wait3A_229, %dma_wait3A_230, %dma_wait3A_236] : memref<6x1x128xi32, #tpu.memory_space<vmem>> -> memref<1x1x128xi32, #tpu.memory_space<vmem>>
        %dma_wait3A_238 = tpu.memref_squeeze %dma_wait3A_237 : memref<1x1x128xi32, #tpu.memory_space<vmem>> -> memref<128xi32, #tpu.memory_space<vmem>>
        %dma_wait3A_239 = arith.constant 0 : i32
        %dma_wait3A_240 = arith.constant 0 : i32
        %dma_wait3A_241 = tpu.memref_slice %arg2[%dma_wait3A_239, %dma_wait3A_240] : memref<10000x128xf32, #tpu.memory_space<hbm>> -> memref<10000x128xf32, #tpu.memory_space<hbm>>
        tpu.wait_indirect_dma semaphore(%arg17 : memref<!tpu.dma_semaphore, #tpu.memory_space<semaphore_mem>>) src(%dma_wait3A_241 : memref<10000x128xf32, #tpu.memory_space<hbm>>) dst(%dma_wait3A_235 : memref<128x128xf32, #tpu.memory_space<vmem>>)
        %dma_start3A_242 = arith.constant 1 : i32
        %dma_start3A_243 = arith.constant 4 : i32
        %dma_start3A_244 = arith.constant 0 : i32
        %dma_start3A_245 = arith.constant 0 : i32
        %dma_start3A_246 = arith.constant 0 : i32
        %dma_start3A_247 = tpu.memref_slice %arg8[%dma_start3A_242, %dma_start3A_245, %dma_start3A_246] : memref<3x128x128xf32, #tpu.memory_space<vmem>> -> memref<1x128x128xf32, #tpu.memory_space<vmem>>
        %dma_start3A_248 = tpu.memref_squeeze %dma_start3A_247 : memref<1x128x128xf32, #tpu.memory_space<vmem>> -> memref<128x128xf32, #tpu.memory_space<vmem>>
        %dma_start3A_249 = arith.constant 0 : i32
        %dma_start3A_250 = tpu.memref_slice %arg7[%dma_start3A_243, %dma_start3A_244, %dma_start3A_249] : memref<6x1x128xi32, #tpu.memory_space<vmem>> -> memref<1x1x128xi32, #tpu.memory_space<vmem>>
        %dma_start3A_251 = tpu.memref_squeeze %dma_start3A_250 : memref<1x1x128xi32, #tpu.memory_space<vmem>> -> memref<128xi32, #tpu.memory_space<vmem>>
        %dma_start3A_252 = arith.constant 0 : i32
        %dma_start3A_253 = arith.constant 0 : i32
        %dma_start3A_254 = tpu.memref_slice %arg9[%dma_start3A_252, %dma_start3A_253] : memref<10000x128xf32, #tpu.memory_space<vmem_shared>> -> memref<10000x128xf32, #tpu.memory_space<vmem_shared>>
        tpu.enqueue_indirect_dma source(%dma_start3A_248 : memref<128x128xf32, #tpu.memory_space<vmem>>) target(%dma_start3A_254 : memref<10000x128xf32, #tpu.memory_space<vmem_shared>>) offsets(%dma_start3A_251 : memref<128xi32, #tpu.memory_space<vmem>>) semaphore(%arg20 : memref<!tpu.dma_semaphore, #tpu.memory_space<semaphore_mem>>) {add = true}
      } else {
      }
      %add3A_206 = arith.constant 5 : i32
      %add3A_207 = arith.addi %add3A_175, %add3A_206 : i32
      %lt3A_208 = arith.cmpi slt, %add3A_207, %select_n3A : i32
      %convert_element_type3A_209 = arith.extui %lt3A_208 : i1 to i32
      %cond3A_210 = arith.constant 0 : i32
      %cond3A_211 = arith.cmpi ne, %convert_element_type3A_209, %cond3A_210 : i32
      scf.if %cond3A_211 {
        %ge3A_212 = arith.constant 2 : i32
        %ge3A_213 = arith.cmpi sge, %add3A_207, %ge3A_212 : i32
        %convert_element_type3A_214 = arith.extui %ge3A_213 : i1 to i32
        %cond3A_215 = arith.constant 0 : i32
        %cond3A_216 = arith.cmpi ne, %convert_element_type3A_214, %cond3A_215 : i32
        scf.if %cond3A_216 {
          %dma_wait3A_255 = arith.constant 0 : i32
          %dma_wait3A_256 = arith.constant 3 : i32
          %dma_wait3A_257 = arith.constant 0 : i32
          %dma_wait3A_258 = arith.constant 0 : i32
          %dma_wait3A_259 = arith.constant 0 : i32
          %dma_wait3A_260 = tpu.memref_slice %arg8[%dma_wait3A_255, %dma_wait3A_258, %dma_wait3A_259] : memref<3x128x128xf32, #tpu.memory_space<vmem>> -> memref<1x128x128xf32, #tpu.memory_space<vmem>>
          %dma_wait3A_261 = tpu.memref_squeeze %dma_wait3A_260 : memref<1x128x128xf32, #tpu.memory_space<vmem>> -> memref<128x128xf32, #tpu.memory_space<vmem>>
          %dma_wait3A_262 = arith.constant 0 : i32
          %dma_wait3A_263 = tpu.memref_slice %arg7[%dma_wait3A_256, %dma_wait3A_257, %dma_wait3A_262] : memref<6x1x128xi32, #tpu.memory_space<vmem>> -> memref<1x1x128xi32, #tpu.memory_space<vmem>>
          %dma_wait3A_264 = tpu.memref_squeeze %dma_wait3A_263 : memref<1x1x128xi32, #tpu.memory_space<vmem>> -> memref<128xi32, #tpu.memory_space<vmem>>
          %dma_wait3A_265 = arith.constant 0 : i32
          %dma_wait3A_266 = arith.constant 0 : i32
          %dma_wait3A_267 = tpu.memref_slice %arg9[%dma_wait3A_265, %dma_wait3A_266] : memref<10000x128xf32, #tpu.memory_space<vmem_shared>> -> memref<10000x128xf32, #tpu.memory_space<vmem_shared>>
          tpu.wait_indirect_dma semaphore(%arg19 : memref<!tpu.dma_semaphore, #tpu.memory_space<semaphore_mem>>) src(%dma_wait3A_261 : memref<128x128xf32, #tpu.memory_space<vmem>>) dst(%dma_wait3A_267 : memref<10000x128xf32, #tpu.memory_space<vmem_shared>>)
        } else {
        }
        %add3A_217 = arith.constant 2 : i32
        %add3A_218 = arith.addi %add3A_207, %add3A_217 : i32
        %lt3A_219 = arith.cmpi slt, %add3A_218, %select_n3A : i32
        %convert_element_type3A_220 = arith.extui %lt3A_219 : i1 to i32
        %cond3A_221 = arith.constant 0 : i32
        %cond3A_222 = arith.cmpi ne, %convert_element_type3A_220, %cond3A_221 : i32
        scf.if %cond3A_222 {
          %add3A_255 = arith.constant 2 : i32
          %add3A_256 = arith.addi %add3A_207, %add3A_255 : i32
          %add3A_257 = arith.addi %add3A_6, %add3A_256 : i32
          %mul3A_258 = arith.constant 128 : i32
          %mul3A_259 = arith.muli %add3A_257, %mul3A_258 : i32
          %dma_start3A_260 = arith.constant 1 : i32
          %dma_start3A_261 = arith.constant 0 : i32
          %dma_start3A_262 = arith.constant 0 : i32
          %dma_start3A_263 = tpu.memref_slice %arg6[%dma_start3A_260, %dma_start3A_261, %dma_start3A_262] : memref<6x1x128xi32, #tpu.memory_space<vmem>> -> memref<1x1x128xi32, #tpu.memory_space<vmem>>
          %dma_start3A_264 = tpu.memref_squeeze %dma_start3A_263 : memref<1x1x128xi32, #tpu.memory_space<vmem>> -> memref<1x128xi32, #tpu.memory_space<vmem>>
          %dma_start3A_265 = arith.constant 0 : i32
          %dma_start3A_266 = tpu.memref_slice %arg3[%dma_start3A_265, %mul3A_259] : memref<2x320000xi32, #tpu.memory_space<hbm>> -> memref<1x128xi32, #tpu.memory_space<hbm>>
          %dma_start3A_267 = arith.constant 0 : i32
          %dma_start3A_268 = arith.constant 0 : i32
          %dma_start3A_269 = tpu.memref_slice %arg6[%dma_start3A_260, %dma_start3A_267, %dma_start3A_268] : memref<6x1x128xi32, #tpu.memory_space<vmem>> -> memref<1x1x128xi32, #tpu.memory_space<vmem>>
          %dma_start3A_270 = tpu.memref_squeeze %dma_start3A_269 : memref<1x1x128xi32, #tpu.memory_space<vmem>> -> memref<1x128xi32, #tpu.memory_space<vmem>>
          %dma_start3A_271 = arith.constant 0 : i32
          %dma_start3A_272 = tpu.memref_slice %arg3[%dma_start3A_271, %mul3A_259] : memref<2x320000xi32, #tpu.memory_space<hbm>> -> memref<1x128xi32, #tpu.memory_space<hbm>>
          tpu.enqueue_dma source(%dma_start3A_272 : memref<1x128xi32, #tpu.memory_space<hbm>>) target(%dma_start3A_270 : memref<1x128xi32, #tpu.memory_space<vmem>>) target_semaphore(%arg11 : memref<!tpu.dma_semaphore, #tpu.memory_space<semaphore_mem>>)
          %add3A_273 = arith.addi %add3A_6, %add3A_256 : i32
          %mul3A_274 = arith.constant 128 : i32
          %mul3A_275 = arith.muli %add3A_273, %mul3A_274 : i32
          %dma_start3A_276 = arith.constant 1 : i32
          %dma_start3A_277 = arith.constant 0 : i32
          %dma_start3A_278 = arith.constant 0 : i32
          %dma_start3A_279 = tpu.memref_slice %arg7[%dma_start3A_276, %dma_start3A_277, %dma_start3A_278] : memref<6x1x128xi32, #tpu.memory_space<vmem>> -> memref<1x1x128xi32, #tpu.memory_space<vmem>>
          %dma_start3A_280 = tpu.memref_squeeze %dma_start3A_279 : memref<1x1x128xi32, #tpu.memory_space<vmem>> -> memref<1x128xi32, #tpu.memory_space<vmem>>
          %dma_start3A_281 = arith.constant 1 : i32
          %dma_start3A_282 = tpu.memref_slice %arg3[%dma_start3A_281, %mul3A_275] : memref<2x320000xi32, #tpu.memory_space<hbm>> -> memref<1x128xi32, #tpu.memory_space<hbm>>
          %dma_start3A_283 = arith.constant 0 : i32
          %dma_start3A_284 = arith.constant 0 : i32
          %dma_start3A_285 = tpu.memref_slice %arg7[%dma_start3A_276, %dma_start3A_283, %dma_start3A_284] : memref<6x1x128xi32, #tpu.memory_space<vmem>> -> memref<1x1x128xi32, #tpu.memory_space<vmem>>
          %dma_start3A_286 = tpu.memref_squeeze %dma_start3A_285 : memref<1x1x128xi32, #tpu.memory_space<vmem>> -> memref<1x128xi32, #tpu.memory_space<vmem>>
          %dma_start3A_287 = arith.constant 1 : i32
          %dma_start3A_288 = tpu.memref_slice %arg3[%dma_start3A_287, %mul3A_275] : memref<2x320000xi32, #tpu.memory_space<hbm>> -> memref<1x128xi32, #tpu.memory_space<hbm>>
          tpu.enqueue_dma source(%dma_start3A_288 : memref<1x128xi32, #tpu.memory_space<hbm>>) target(%dma_start3A_286 : memref<1x128xi32, #tpu.memory_space<vmem>>) target_semaphore(%arg11 : memref<!tpu.dma_semaphore, #tpu.memory_space<semaphore_mem>>)
        } else {
        }
        %add3A_223 = arith.constant 1 : i32
        %add3A_224 = arith.addi %add3A_207, %add3A_223 : i32
        %lt3A_225 = arith.cmpi slt, %add3A_224, %select_n3A : i32
        %convert_element_type3A_226 = arith.extui %lt3A_225 : i1 to i32
        %cond3A_227 = arith.constant 0 : i32
        %cond3A_228 = arith.cmpi ne, %convert_element_type3A_226, %cond3A_227 : i32
        scf.if %cond3A_228 {
          %add3A_255 = arith.constant 1 : i32
          %add3A_256 = arith.addi %add3A_207, %add3A_255 : i32
          %add3A_257 = arith.addi %add3A_6, %add3A_256 : i32
          %mul3A_258 = arith.constant 128 : i32
          %mul3A_259 = arith.muli %add3A_257, %mul3A_258 : i32
          %dma_wait3A_260 = arith.constant 0 : i32
          %dma_wait3A_261 = arith.constant 0 : i32
          %dma_wait3A_262 = arith.constant 0 : i32
          %dma_wait3A_263 = tpu.memref_slice %arg6[%dma_wait3A_260, %dma_wait3A_261, %dma_wait3A_262] : memref<6x1x128xi32, #tpu.memory_space<vmem>> -> memref<1x1x128xi32, #tpu.memory_space<vmem>>
          %dma_wait3A_264 = tpu.memref_squeeze %dma_wait3A_263 : memref<1x1x128xi32, #tpu.memory_space<vmem>> -> memref<1x128xi32, #tpu.memory_space<vmem>>
          %dma_wait3A_265 = arith.constant 0 : i32
          %dma_wait3A_266 = tpu.memref_slice %arg3[%dma_wait3A_265, %mul3A_259] : memref<2x320000xi32, #tpu.memory_space<hbm>> -> memref<1x128xi32, #tpu.memory_space<hbm>>
          %dma_wait3A_267 = arith.constant 0 : i32
          %dma_wait3A_268 = arith.constant 0 : i32
          %dma_wait3A_269 = tpu.memref_slice %arg6[%dma_wait3A_260, %dma_wait3A_267, %dma_wait3A_268] : memref<6x1x128xi32, #tpu.memory_space<vmem>> -> memref<1x1x128xi32, #tpu.memory_space<vmem>>
          %dma_wait3A_270 = tpu.memref_squeeze %dma_wait3A_269 : memref<1x1x128xi32, #tpu.memory_space<vmem>> -> memref<1x128xi32, #tpu.memory_space<vmem>>
          %dma_wait3A_271 = arith.constant 0 : i32
          %dma_wait3A_272 = tpu.memref_slice %arg3[%dma_wait3A_271, %mul3A_259] : memref<2x320000xi32, #tpu.memory_space<hbm>> -> memref<1x128xi32, #tpu.memory_space<hbm>>
          tpu.wait_dma2 semaphore(%arg10 : memref<!tpu.dma_semaphore, #tpu.memory_space<semaphore_mem>>) src(%dma_wait3A_272 : memref<1x128xi32, #tpu.memory_space<hbm>>) dst(%dma_wait3A_270 : memref<1x128xi32, #tpu.memory_space<vmem>>)
          %add3A_273 = arith.addi %add3A_6, %add3A_256 : i32
          %mul3A_274 = arith.constant 128 : i32
          %mul3A_275 = arith.muli %add3A_273, %mul3A_274 : i32
          %dma_wait3A_276 = arith.constant 0 : i32
          %dma_wait3A_277 = arith.constant 0 : i32
          %dma_wait3A_278 = arith.constant 0 : i32
          %dma_wait3A_279 = tpu.memref_slice %arg7[%dma_wait3A_276, %dma_wait3A_277, %dma_wait3A_278] : memref<6x1x128xi32, #tpu.memory_space<vmem>> -> memref<1x1x128xi32, #tpu.memory_space<vmem>>
          %dma_wait3A_280 = tpu.memref_squeeze %dma_wait3A_279 : memref<1x1x128xi32, #tpu.memory_space<vmem>> -> memref<1x128xi32, #tpu.memory_space<vmem>>
          %dma_wait3A_281 = arith.constant 1 : i32
          %dma_wait3A_282 = tpu.memref_slice %arg3[%dma_wait3A_281, %mul3A_275] : memref<2x320000xi32, #tpu.memory_space<hbm>> -> memref<1x128xi32, #tpu.memory_space<hbm>>
          %dma_wait3A_283 = arith.constant 0 : i32
          %dma_wait3A_284 = arith.constant 0 : i32
          %dma_wait3A_285 = tpu.memref_slice %arg7[%dma_wait3A_276, %dma_wait3A_283, %dma_wait3A_284] : memref<6x1x128xi32, #tpu.memory_space<vmem>> -> memref<1x1x128xi32, #tpu.memory_space<vmem>>
          %dma_wait3A_286 = tpu.memref_squeeze %dma_wait3A_285 : memref<1x1x128xi32, #tpu.memory_space<vmem>> -> memref<1x128xi32, #tpu.memory_space<vmem>>
          %dma_wait3A_287 = arith.constant 1 : i32
          %dma_wait3A_288 = tpu.memref_slice %arg3[%dma_wait3A_287, %mul3A_275] : memref<2x320000xi32, #tpu.memory_space<hbm>> -> memref<1x128xi32, #tpu.memory_space<hbm>>
          tpu.wait_dma2 semaphore(%arg10 : memref<!tpu.dma_semaphore, #tpu.memory_space<semaphore_mem>>) src(%dma_wait3A_288 : memref<1x128xi32, #tpu.memory_space<hbm>>) dst(%dma_wait3A_286 : memref<1x128xi32, #tpu.memory_space<vmem>>)
          %dma_start3A_289 = arith.constant 0 : i32
          %dma_start3A_290 = arith.constant 0 : i32
          %dma_start3A_291 = arith.constant 0 : i32
          %dma_start3A_292 = arith.constant 0 : i32
          %dma_start3A_293 = arith.constant 0 : i32
          %dma_start3A_294 = tpu.memref_slice %arg8[%dma_start3A_291, %dma_start3A_292, %dma_start3A_293] : memref<3x128x128xf32, #tpu.memory_space<vmem>> -> memref<1x128x128xf32, #tpu.memory_space<vmem>>
          %dma_start3A_295 = tpu.memref_squeeze %dma_start3A_294 : memref<1x128x128xf32, #tpu.memory_space<vmem>> -> memref<128x128xf32, #tpu.memory_space<vmem>>
          %dma_start3A_296 = arith.constant 0 : i32
          %dma_start3A_297 = tpu.memref_slice %arg6[%dma_start3A_289, %dma_start3A_290, %dma_start3A_296] : memref<6x1x128xi32, #tpu.memory_space<vmem>> -> memref<1x1x128xi32, #tpu.memory_space<vmem>>
          %dma_start3A_298 = tpu.memref_squeeze %dma_start3A_297 : memref<1x1x128xi32, #tpu.memory_space<vmem>> -> memref<128xi32, #tpu.memory_space<vmem>>
          %dma_start3A_299 = arith.constant 0 : i32
          %dma_start3A_300 = arith.constant 0 : i32
          %dma_start3A_301 = tpu.memref_slice %arg2[%dma_start3A_299, %dma_start3A_300] : memref<10000x128xf32, #tpu.memory_space<hbm>> -> memref<10000x128xf32, #tpu.memory_space<hbm>>
          tpu.enqueue_indirect_dma source(%dma_start3A_301 : memref<10000x128xf32, #tpu.memory_space<hbm>>) target(%dma_start3A_295 : memref<128x128xf32, #tpu.memory_space<vmem>>) offsets(%dma_start3A_298 : memref<128xi32, #tpu.memory_space<vmem>>) semaphore(%arg16 : memref<!tpu.dma_semaphore, #tpu.memory_space<semaphore_mem>>)
        } else {
        }
        %dma_wait3A_229 = arith.constant 5 : i32
        %dma_wait3A_230 = arith.constant 0 : i32
        %dma_wait3A_231 = arith.constant 2 : i32
        %dma_wait3A_232 = arith.constant 0 : i32
        %dma_wait3A_233 = arith.constant 0 : i32
        %dma_wait3A_234 = tpu.memref_slice %arg8[%dma_wait3A_231, %dma_wait3A_232, %dma_wait3A_233] : memref<3x128x128xf32, #tpu.memory_space<vmem>> -> memref<1x128x128xf32, #tpu.memory_space<vmem>>
        %dma_wait3A_235 = tpu.memref_squeeze %dma_wait3A_234 : memref<1x128x128xf32, #tpu.memory_space<vmem>> -> memref<128x128xf32, #tpu.memory_space<vmem>>
        %dma_wait3A_236 = arith.constant 0 : i32
        %dma_wait3A_237 = tpu.memref_slice %arg6[%dma_wait3A_229, %dma_wait3A_230, %dma_wait3A_236] : memref<6x1x128xi32, #tpu.memory_space<vmem>> -> memref<1x1x128xi32, #tpu.memory_space<vmem>>
        %dma_wait3A_238 = tpu.memref_squeeze %dma_wait3A_237 : memref<1x1x128xi32, #tpu.memory_space<vmem>> -> memref<128xi32, #tpu.memory_space<vmem>>
        %dma_wait3A_239 = arith.constant 0 : i32
        %dma_wait3A_240 = arith.constant 0 : i32
        %dma_wait3A_241 = tpu.memref_slice %arg2[%dma_wait3A_239, %dma_wait3A_240] : memref<10000x128xf32, #tpu.memory_space<hbm>> -> memref<10000x128xf32, #tpu.memory_space<hbm>>
        tpu.wait_indirect_dma semaphore(%arg18 : memref<!tpu.dma_semaphore, #tpu.memory_space<semaphore_mem>>) src(%dma_wait3A_241 : memref<10000x128xf32, #tpu.memory_space<hbm>>) dst(%dma_wait3A_235 : memref<128x128xf32, #tpu.memory_space<vmem>>)
        %dma_start3A_242 = arith.constant 2 : i32
        %dma_start3A_243 = arith.constant 5 : i32
        %dma_start3A_244 = arith.constant 0 : i32
        %dma_start3A_245 = arith.constant 0 : i32
        %dma_start3A_246 = arith.constant 0 : i32
        %dma_start3A_247 = tpu.memref_slice %arg8[%dma_start3A_242, %dma_start3A_245, %dma_start3A_246] : memref<3x128x128xf32, #tpu.memory_space<vmem>> -> memref<1x128x128xf32, #tpu.memory_space<vmem>>
        %dma_start3A_248 = tpu.memref_squeeze %dma_start3A_247 : memref<1x128x128xf32, #tpu.memory_space<vmem>> -> memref<128x128xf32, #tpu.memory_space<vmem>>
        %dma_start3A_249 = arith.constant 0 : i32
        %dma_start3A_250 = tpu.memref_slice %arg7[%dma_start3A_243, %dma_start3A_244, %dma_start3A_249] : memref<6x1x128xi32, #tpu.memory_space<vmem>> -> memref<1x1x128xi32, #tpu.memory_space<vmem>>
        %dma_start3A_251 = tpu.memref_squeeze %dma_start3A_250 : memref<1x1x128xi32, #tpu.memory_space<vmem>> -> memref<128xi32, #tpu.memory_space<vmem>>
        %dma_start3A_252 = arith.constant 0 : i32
        %dma_start3A_253 = arith.constant 0 : i32
        %dma_start3A_254 = tpu.memref_slice %arg9[%dma_start3A_252, %dma_start3A_253] : memref<10000x128xf32, #tpu.memory_space<vmem_shared>> -> memref<10000x128xf32, #tpu.memory_space<vmem_shared>>
        tpu.enqueue_indirect_dma source(%dma_start3A_248 : memref<128x128xf32, #tpu.memory_space<vmem>>) target(%dma_start3A_254 : memref<10000x128xf32, #tpu.memory_space<vmem_shared>>) offsets(%dma_start3A_251 : memref<128xi32, #tpu.memory_space<vmem>>) semaphore(%arg21 : memref<!tpu.dma_semaphore, #tpu.memory_space<semaphore_mem>>) {add = true}
      } else {
      }
    }
    %lt3A_153 = arith.constant 4 : i32
    %lt3A_154 = arith.cmpi slt, %add3A, %lt3A_153 : i32
    %convert_element_type3A_155 = arith.extui %lt3A_154 : i1 to i32
    %cond3A_156 = arith.constant 0 : i32
    %cond3A_157 = arith.cmpi ne, %convert_element_type3A_155, %cond3A_156 : i32
    scf.if %cond3A_157 {
      %dma_wait3A_173 = arith.constant 2 : i32
      %dma_wait3A_174 = arith.constant 5 : i32
      %dma_wait3A_175 = arith.constant 0 : i32
      %dma_wait3A_176 = arith.constant 0 : i32
      %dma_wait3A_177 = arith.constant 0 : i32
      %dma_wait3A_178 = tpu.memref_slice %arg8[%dma_wait3A_173, %dma_wait3A_176, %dma_wait3A_177] : memref<3x128x128xf32, #tpu.memory_space<vmem>> -> memref<1x128x128xf32, #tpu.memory_space<vmem>>
      %dma_wait3A_179 = tpu.memref_squeeze %dma_wait3A_178 : memref<1x128x128xf32, #tpu.memory_space<vmem>> -> memref<128x128xf32, #tpu.memory_space<vmem>>
      %dma_wait3A_180 = arith.constant 0 : i32
      %dma_wait3A_181 = tpu.memref_slice %arg7[%dma_wait3A_174, %dma_wait3A_175, %dma_wait3A_180] : memref<6x1x128xi32, #tpu.memory_space<vmem>> -> memref<1x1x128xi32, #tpu.memory_space<vmem>>
      %dma_wait3A_182 = tpu.memref_squeeze %dma_wait3A_181 : memref<1x1x128xi32, #tpu.memory_space<vmem>> -> memref<128xi32, #tpu.memory_space<vmem>>
      %dma_wait3A_183 = arith.constant 0 : i32
      %dma_wait3A_184 = arith.constant 0 : i32
      %dma_wait3A_185 = tpu.memref_slice %arg9[%dma_wait3A_183, %dma_wait3A_184] : memref<10000x128xf32, #tpu.memory_space<vmem_shared>> -> memref<10000x128xf32, #tpu.memory_space<vmem_shared>>
      tpu.wait_indirect_dma semaphore(%arg21 : memref<!tpu.dma_semaphore, #tpu.memory_space<semaphore_mem>>) src(%dma_wait3A_179 : memref<128x128xf32, #tpu.memory_space<vmem>>) dst(%dma_wait3A_185 : memref<10000x128xf32, #tpu.memory_space<vmem_shared>>)
      %dma_wait3A_186 = arith.constant 0 : i32
      %dma_wait3A_187 = arith.constant 0 : i32
      %dma_wait3A_188 = arith.constant 0 : i32
      %dma_wait3A_189 = arith.constant 0 : i32
      %dma_wait3A_190 = arith.constant 0 : i32
      %dma_wait3A_191 = tpu.memref_slice %arg8[%dma_wait3A_186, %dma_wait3A_189, %dma_wait3A_190] : memref<3x128x128xf32, #tpu.memory_space<vmem>> -> memref<1x128x128xf32, #tpu.memory_space<vmem>>
      %dma_wait3A_192 = tpu.memref_squeeze %dma_wait3A_191 : memref<1x128x128xf32, #tpu.memory_space<vmem>> -> memref<128x128xf32, #tpu.memory_space<vmem>>
      %dma_wait3A_193 = arith.constant 0 : i32
      %dma_wait3A_194 = tpu.memref_slice %arg7[%dma_wait3A_187, %dma_wait3A_188, %dma_wait3A_193] : memref<6x1x128xi32, #tpu.memory_space<vmem>> -> memref<1x1x128xi32, #tpu.memory_space<vmem>>
      %dma_wait3A_195 = tpu.memref_squeeze %dma_wait3A_194 : memref<1x1x128xi32, #tpu.memory_space<vmem>> -> memref<128xi32, #tpu.memory_space<vmem>>
      %dma_wait3A_196 = arith.constant 0 : i32
      %dma_wait3A_197 = arith.constant 0 : i32
      %dma_wait3A_198 = tpu.memref_slice %arg9[%dma_wait3A_196, %dma_wait3A_197] : memref<10000x128xf32, #tpu.memory_space<vmem_shared>> -> memref<10000x128xf32, #tpu.memory_space<vmem_shared>>
      tpu.wait_indirect_dma semaphore(%arg19 : memref<!tpu.dma_semaphore, #tpu.memory_space<semaphore_mem>>) src(%dma_wait3A_192 : memref<128x128xf32, #tpu.memory_space<vmem>>) dst(%dma_wait3A_198 : memref<10000x128xf32, #tpu.memory_space<vmem_shared>>)
    } else {
    }
    %ge3A = arith.constant 4 : i32
    %ge3A_158 = arith.cmpi sge, %add3A, %ge3A : i32
    %convert_element_type3A_159 = arith.extui %ge3A_158 : i1 to i32
    %cond3A_160 = arith.constant 0 : i32
    %cond3A_161 = arith.cmpi ne, %convert_element_type3A_159, %cond3A_160 : i32
    scf.if %cond3A_161 {
      %dma_wait3A_173 = arith.constant 1 : i32
      %dma_wait3A_174 = arith.constant 4 : i32
      %dma_wait3A_175 = arith.constant 0 : i32
      %dma_wait3A_176 = arith.constant 0 : i32
      %dma_wait3A_177 = arith.constant 0 : i32
      %dma_wait3A_178 = tpu.memref_slice %arg8[%dma_wait3A_173, %dma_wait3A_176, %dma_wait3A_177] : memref<3x128x128xf32, #tpu.memory_space<vmem>> -> memref<1x128x128xf32, #tpu.memory_space<vmem>>
      %dma_wait3A_179 = tpu.memref_squeeze %dma_wait3A_178 : memref<1x128x128xf32, #tpu.memory_space<vmem>> -> memref<128x128xf32, #tpu.memory_space<vmem>>
      %dma_wait3A_180 = arith.constant 0 : i32
      %dma_wait3A_181 = tpu.memref_slice %arg7[%dma_wait3A_174, %dma_wait3A_175, %dma_wait3A_180] : memref<6x1x128xi32, #tpu.memory_space<vmem>> -> memref<1x1x128xi32, #tpu.memory_space<vmem>>
      %dma_wait3A_182 = tpu.memref_squeeze %dma_wait3A_181 : memref<1x1x128xi32, #tpu.memory_space<vmem>> -> memref<128xi32, #tpu.memory_space<vmem>>
      %dma_wait3A_183 = arith.constant 0 : i32
      %dma_wait3A_184 = arith.constant 0 : i32
      %dma_wait3A_185 = tpu.memref_slice %arg9[%dma_wait3A_183, %dma_wait3A_184] : memref<10000x128xf32, #tpu.memory_space<vmem_shared>> -> memref<10000x128xf32, #tpu.memory_space<vmem_shared>>
      tpu.wait_indirect_dma semaphore(%arg20 : memref<!tpu.dma_semaphore, #tpu.memory_space<semaphore_mem>>) src(%dma_wait3A_179 : memref<128x128xf32, #tpu.memory_space<vmem>>) dst(%dma_wait3A_185 : memref<10000x128xf32, #tpu.memory_space<vmem_shared>>)
      %dma_wait3A_186 = arith.constant 2 : i32
      %dma_wait3A_187 = arith.constant 5 : i32
      %dma_wait3A_188 = arith.constant 0 : i32
      %dma_wait3A_189 = arith.constant 0 : i32
      %dma_wait3A_190 = arith.constant 0 : i32
      %dma_wait3A_191 = tpu.memref_slice %arg8[%dma_wait3A_186, %dma_wait3A_189, %dma_wait3A_190] : memref<3x128x128xf32, #tpu.memory_space<vmem>> -> memref<1x128x128xf32, #tpu.memory_space<vmem>>
      %dma_wait3A_192 = tpu.memref_squeeze %dma_wait3A_191 : memref<1x128x128xf32, #tpu.memory_space<vmem>> -> memref<128x128xf32, #tpu.memory_space<vmem>>
      %dma_wait3A_193 = arith.constant 0 : i32
      %dma_wait3A_194 = tpu.memref_slice %arg7[%dma_wait3A_187, %dma_wait3A_188, %dma_wait3A_193] : memref<6x1x128xi32, #tpu.memory_space<vmem>> -> memref<1x1x128xi32, #tpu.memory_space<vmem>>
      %dma_wait3A_195 = tpu.memref_squeeze %dma_wait3A_194 : memref<1x1x128xi32, #tpu.memory_space<vmem>> -> memref<128xi32, #tpu.memory_space<vmem>>
      %dma_wait3A_196 = arith.constant 0 : i32
      %dma_wait3A_197 = arith.constant 0 : i32
      %dma_wait3A_198 = tpu.memref_slice %arg9[%dma_wait3A_196, %dma_wait3A_197] : memref<10000x128xf32, #tpu.memory_space<vmem_shared>> -> memref<10000x128xf32, #tpu.memory_space<vmem_shared>>
      tpu.wait_indirect_dma semaphore(%arg21 : memref<!tpu.dma_semaphore, #tpu.memory_space<semaphore_mem>>) src(%dma_wait3A_192 : memref<128x128xf32, #tpu.memory_space<vmem>>) dst(%dma_wait3A_198 : memref<10000x128xf32, #tpu.memory_space<vmem_shared>>)
    } else {
    }
    %barrier3A_162 = arith.constant 0 : index
    tpu.barrier barrier_id(%barrier3A_162)
    %lt3A_163 = arith.constant 15 : i32
    %lt3A_164 = arith.cmpi slt, %arg1, %lt3A_163 : i32
    %convert_element_type3A_165 = arith.extui %lt3A_164 : i1 to i32
    %cond3A_166 = arith.constant 0 : i32
    %cond3A_167 = arith.cmpi ne, %convert_element_type3A_165, %cond3A_166 : i32
    scf.if %cond3A_167 {
      %mul3A_173 = arith.constant 624 : i32
      %mul3A_174 = arith.muli %arg1, %mul3A_173 : i32
      %mul3A_175 = arith.constant 624 : i32
      %mul3A_176 = arith.muli %arg1, %mul3A_175 : i32
      "tpu.region"() ({
        %run_scoped3A = tpu.sem_alloc : memref<!tpu.dma_semaphore, #tpu.memory_space<semaphore_mem>>
        %dma_start3A_177 = arith.constant 0 : i32
        %dma_start3A_178 = tpu.memref_slice %arg5[%arg0, %mul3A_176, %dma_start3A_177] : memref<2x10000x128xf32, #tpu.memory_space<hbm>> -> memref<1x624x128xf32, #tpu.memory_space<hbm>>
        %dma_start3A_179 = tpu.memref_squeeze %dma_start3A_178 : memref<1x624x128xf32, #tpu.memory_space<hbm>> -> memref<624x128xf32, #tpu.memory_space<hbm>>
        %dma_start3A_180 = arith.constant 0 : i32
        %dma_start3A_181 = tpu.memref_slice %arg9[%mul3A_174, %dma_start3A_180] : memref<10000x128xf32, #tpu.memory_space<vmem_shared>> -> memref<624x128xf32, #tpu.memory_space<vmem_shared>>
        tpu.enqueue_dma source(%dma_start3A_181 : memref<624x128xf32, #tpu.memory_space<vmem_shared>>) target(%dma_start3A_179 : memref<624x128xf32, #tpu.memory_space<hbm>>) target_semaphore(%run_scoped3A : memref<!tpu.dma_semaphore, #tpu.memory_space<semaphore_mem>>)
        %dma_wait3A_182 = arith.constant 0 : i32
        %dma_wait3A_183 = tpu.memref_slice %arg5[%arg0, %mul3A_176, %dma_wait3A_182] : memref<2x10000x128xf32, #tpu.memory_space<hbm>> -> memref<1x624x128xf32, #tpu.memory_space<hbm>>
        %dma_wait3A_184 = tpu.memref_squeeze %dma_wait3A_183 : memref<1x624x128xf32, #tpu.memory_space<hbm>> -> memref<624x128xf32, #tpu.memory_space<hbm>>
        %dma_wait3A_185 = arith.constant 0 : i32
        %dma_wait3A_186 = tpu.memref_slice %arg9[%mul3A_174, %dma_wait3A_185] : memref<10000x128xf32, #tpu.memory_space<vmem_shared>> -> memref<624x128xf32, #tpu.memory_space<vmem_shared>>
        tpu.wait_dma2 semaphore(%run_scoped3A : memref<!tpu.dma_semaphore, #tpu.memory_space<semaphore_mem>>) src(%dma_wait3A_186 : memref<624x128xf32, #tpu.memory_space<vmem_shared>>) dst(%dma_wait3A_184 : memref<624x128xf32, #tpu.memory_space<hbm>>)
        tpu.yield
      }) : () -> ()
    } else {
    }
    %eq3A_168 = arith.constant 15 : i32
    %eq3A_169 = arith.cmpi eq, %arg1, %eq3A_168 : i32
    %convert_element_type3A_170 = arith.extui %eq3A_169 : i1 to i32
    %cond3A_171 = arith.constant 0 : i32
    %cond3A_172 = arith.cmpi ne, %convert_element_type3A_170, %cond3A_171 : i32
    scf.if %cond3A_172 {
      "tpu.region"() ({
        %run_scoped3A = tpu.sem_alloc : memref<!tpu.dma_semaphore, #tpu.memory_space<semaphore_mem>>
        %dma_start3A_173 = arith.constant 9360 : i32
        %dma_start3A_174 = arith.constant 0 : i32
        %dma_start3A_175 = tpu.memref_slice %arg5[%arg0, %dma_start3A_173, %dma_start3A_174] : memref<2x10000x128xf32, #tpu.memory_space<hbm>> -> memref<1x640x128xf32, #tpu.memory_space<hbm>>
        %dma_start3A_176 = tpu.memref_squeeze %dma_start3A_175 : memref<1x640x128xf32, #tpu.memory_space<hbm>> -> memref<640x128xf32, #tpu.memory_space<hbm>>
        %dma_start3A_177 = arith.constant 9360 : i32
        %dma_start3A_178 = arith.constant 0 : i32
        %dma_start3A_179 = tpu.memref_slice %arg9[%dma_start3A_177, %dma_start3A_178] : memref<10000x128xf32, #tpu.memory_space<vmem_shared>> -> memref<640x128xf32, #tpu.memory_space<vmem_shared>>
        tpu.enqueue_dma source(%dma_start3A_179 : memref<640x128xf32, #tpu.memory_space<vmem_shared>>) target(%dma_start3A_176 : memref<640x128xf32, #tpu.memory_space<hbm>>) target_semaphore(%run_scoped3A : memref<!tpu.dma_semaphore, #tpu.memory_space<semaphore_mem>>)
        %dma_wait3A_180 = arith.constant 9360 : i32
        %dma_wait3A_181 = arith.constant 0 : i32
        %dma_wait3A_182 = tpu.memref_slice %arg5[%arg0, %dma_wait3A_180, %dma_wait3A_181] : memref<2x10000x128xf32, #tpu.memory_space<hbm>> -> memref<1x640x128xf32, #tpu.memory_space<hbm>>
        %dma_wait3A_183 = tpu.memref_squeeze %dma_wait3A_182 : memref<1x640x128xf32, #tpu.memory_space<hbm>> -> memref<640x128xf32, #tpu.memory_space<hbm>>
        %dma_wait3A_184 = arith.constant 9360 : i32
        %dma_wait3A_185 = arith.constant 0 : i32
        %dma_wait3A_186 = tpu.memref_slice %arg9[%dma_wait3A_184, %dma_wait3A_185] : memref<10000x128xf32, #tpu.memory_space<vmem_shared>> -> memref<640x128xf32, #tpu.memory_space<vmem_shared>>
        tpu.wait_dma2 semaphore(%run_scoped3A : memref<!tpu.dma_semaphore, #tpu.memory_space<semaphore_mem>>) src(%dma_wait3A_186 : memref<640x128xf32, #tpu.memory_space<vmem_shared>>) dst(%dma_wait3A_183 : memref<640x128xf32, #tpu.memory_space<hbm>>)
        tpu.yield
      }) : () -> ()
    } else {
    }
    return
  }
}

#map = affine_map<(d0, d1) -> (0, 0)>
#map1 = affine_map<(d0, d1) -> (0, 0, 0)>
module attributes {stable_mosaic.version = 14 : i64} {
  func.func @k(%arg0: i32, %arg1: i32, %arg2: memref<10000x128xf32, #tpu.memory_space<hbm>>, %arg3: memref<2x320000xi32, #tpu.memory_space<hbm>>, %arg4: memref<640x128xf32, #tpu.memory_space<hbm>>, %arg5: memref<2x10000x128xf32, #tpu.memory_space<hbm>>, %arg6: memref<6x1x128xi32, #tpu.memory_space<vmem>>, %arg7: memref<6x1x128xi32, #tpu.memory_space<vmem>>, %arg8: memref<3x128x128xf32, #tpu.memory_space<vmem>>, %arg9: memref<10000x128xf32, #tpu.memory_space<vmem_shared>>, %arg10: memref<!tpu.dma_semaphore, #tpu.memory_space<semaphore_mem>>, %arg11: memref<!tpu.dma_semaphore, #tpu.memory_space<semaphore_mem>>, %arg12: memref<!tpu.dma_semaphore, #tpu.memory_space<semaphore_mem>>, %arg13: memref<!tpu.dma_semaphore, #tpu.memory_space<semaphore_mem>>, %arg14: memref<!tpu.dma_semaphore, #tpu.memory_space<semaphore_mem>>, %arg15: memref<!tpu.dma_semaphore, #tpu.memory_space<semaphore_mem>>, %arg16: memref<!tpu.dma_semaphore, #tpu.memory_space<semaphore_mem>>, %arg17: memref<!tpu.dma_semaphore, #tpu.memory_space<semaphore_mem>>, %arg18: memref<!tpu.dma_semaphore, #tpu.memory_space<semaphore_mem>>, %arg19: memref<!tpu.dma_semaphore, #tpu.memory_space<semaphore_mem>>, %arg20: memref<!tpu.dma_semaphore, #tpu.memory_space<semaphore_mem>>, %arg21: memref<!tpu.dma_semaphore, #tpu.memory_space<semaphore_mem>>, %arg22: memref<!tpu.dma_semaphore, #tpu.memory_space<semaphore_mem>>) attributes {dimension_semantics = [#tpu.dimension_semantics<core_parallel>, #tpu.dimension_semantics<subcore_parallel>], iteration_bounds = array<i64: 2, 16>, scalar_prefetch = 0 : i64, scratch_operands = 17 : i64, tpu.core_type = #tpu.core_type<sc_vector_subcore>, window_params = [{transform_indices = #map}, {transform_indices = #map}, {transform_indices = #map}, {transform_indices = #map1}]} {
    %mul3A = arith.constant 16 : i32
    %mul3A_0 = arith.muli %arg0, %mul3A : i32
    %add3A = arith.addi %mul3A_0, %arg1 : i32
    %lt3A = arith.constant 4 : i32
    %lt3A_1 = arith.cmpi slt, %add3A, %lt3A : i32
    %jit3A = arith.constant 79 : i32
    %jit3A_2 = arith.constant 78 : i32
    %select_n3A = arith.select %lt3A_1, %jit3A, %jit3A_2 : i32
    %mul3A_3 = arith.constant 78 : i32
    %mul3A_4 = arith.muli %add3A, %mul3A_3 : i32
    %min3A = arith.constant 4 : i32
    %min3A_5 = arith.minsi %add3A, %min3A : i32
    %add3A_6 = arith.addi %mul3A_4, %min3A_5 : i32
    %lt3A_7 = arith.constant 15 : i32
    %lt3A_8 = arith.cmpi slt, %arg1, %lt3A_7 : i32
    %convert_element_type3A = arith.extui %lt3A_8 : i1 to i32
    %cond3A = arith.constant 0 : i32
    %cond3A_9 = arith.cmpi ne, %convert_element_type3A, %cond3A : i32
    scf.if %cond3A_9 {
      %mul3A_173 = arith.constant 624 : i32
      %mul3A_174 = arith.muli %arg1, %mul3A_173 : i32
      %dma_start3A_175 = arith.constant 0 : i32
      %dma_start3A_176 = tpu.memref_slice %arg9[%mul3A_174, %dma_start3A_175] : memref<10000x128xf32, #tpu.memory_space<vmem_shared>> -> memref<624x128xf32, #tpu.memory_space<vmem_shared>>
      %dma_start3A_177 = arith.constant 0 : i32
      %dma_start3A_178 = arith.constant 0 : i32
      %dma_start3A_179 = tpu.memref_slice %arg4[%dma_start3A_177, %dma_start3A_178] : memref<640x128xf32, #tpu.memory_space<hbm>> -> memref<624x128xf32, #tpu.memory_space<hbm>>
      tpu.enqueue_dma source(%dma_start3A_179 : memref<624x128xf32, #tpu.memory_space<hbm>>) target(%dma_start3A_176 : memref<624x128xf32, #tpu.memory_space<vmem_shared>>) target_semaphore(%arg22 : memref<!tpu.dma_semaphore, #tpu.memory_space<semaphore_mem>>)
    } else {
    }
    %eq3A = arith.constant 15 : i32
    %eq3A_10 = arith.cmpi eq, %arg1, %eq3A : i32
    %convert_element_type3A_11 = arith.extui %eq3A_10 : i1 to i32
    %cond3A_12 = arith.constant 0 : i32
    %cond3A_13 = arith.cmpi ne, %convert_element_type3A_11, %cond3A_12 : i32
    scf.if %cond3A_13 {
      %dma_start3A_173 = arith.constant 9360 : i32
      %dma_start3A_174 = arith.constant 0 : i32
      %dma_start3A_175 = tpu.memref_slice %arg9[%dma_start3A_173, %dma_start3A_174] : memref<10000x128xf32, #tpu.memory_space<vmem_shared>> -> memref<640x128xf32, #tpu.memory_space<vmem_shared>>
      tpu.enqueue_dma source(%arg4 : memref<640x128xf32, #tpu.memory_space<hbm>>) target(%dma_start3A_175 : memref<640x128xf32, #tpu.memory_space<vmem_shared>>) target_semaphore(%arg22 : memref<!tpu.dma_semaphore, #tpu.memory_space<semaphore_mem>>)
    } else {
    }
    %add3A_14 = arith.constant 0 : i32
    %add3A_15 = arith.addi %add3A_6, %add3A_14 : i32
    %mul3A_16 = arith.constant 128 : i32
    %mul3A_17 = arith.muli %add3A_15, %mul3A_16 : i32
    %dma_start3A = arith.constant 0 : i32
    %dma_start3A_18 = arith.constant 0 : i32
    %dma_start3A_19 = arith.constant 0 : i32
    %dma_start3A_20 = tpu.memref_slice %arg6[%dma_start3A, %dma_start3A_18, %dma_start3A_19] : memref<6x1x128xi32, #tpu.memory_space<vmem>> -> memref<1x1x128xi32, #tpu.memory_space<vmem>>
    %dma_start3A_21 = tpu.memref_squeeze %dma_start3A_20 : memref<1x1x128xi32, #tpu.memory_space<vmem>> -> memref<1x128xi32, #tpu.memory_space<vmem>>
    %dma_start3A_22 = arith.constant 0 : i32
    %dma_start3A_23 = tpu.memref_slice %arg3[%dma_start3A_22, %mul3A_17] : memref<2x320000xi32, #tpu.memory_space<hbm>> -> memref<1x128xi32, #tpu.memory_space<hbm>>
    %dma_start3A_24 = arith.constant 0 : i32
    %dma_start3A_25 = arith.constant 0 : i32
    %dma_start3A_26 = tpu.memref_slice %arg6[%dma_start3A, %dma_start3A_24, %dma_start3A_25] : memref<6x1x128xi32, #tpu.memory_space<vmem>> -> memref<1x1x128xi32, #tpu.memory_space<vmem>>
    %dma_start3A_27 = tpu.memref_squeeze %dma_start3A_26 : memref<1x1x128xi32, #tpu.memory_space<vmem>> -> memref<1x128xi32, #tpu.memory_space<vmem>>
    %dma_start3A_28 = arith.constant 0 : i32
    %dma_start3A_29 = tpu.memref_slice %arg3[%dma_start3A_28, %mul3A_17] : memref<2x320000xi32, #tpu.memory_space<hbm>> -> memref<1x128xi32, #tpu.memory_space<hbm>>
    tpu.enqueue_dma source(%dma_start3A_29 : memref<1x128xi32, #tpu.memory_space<hbm>>) target(%dma_start3A_27 : memref<1x128xi32, #tpu.memory_space<vmem>>) target_semaphore(%arg10 : memref<!tpu.dma_semaphore, #tpu.memory_space<semaphore_mem>>)
    %add3A_30 = arith.constant 0 : i32
    %add3A_31 = arith.addi %add3A_6, %add3A_30 : i32
    %mul3A_32 = arith.constant 128 : i32
    %mul3A_33 = arith.muli %add3A_31, %mul3A_32 : i32
    %dma_start3A_34 = arith.constant 0 : i32
    %dma_start3A_35 = arith.constant 0 : i32
    %dma_start3A_36 = arith.constant 0 : i32
    %dma_start3A_37 = tpu.memref_slice %arg7[%dma_start3A_34, %dma_start3A_35, %dma_start3A_36] : memref<6x1x128xi32, #tpu.memory_space<vmem>> -> memref<1x1x128xi32, #tpu.memory_space<vmem>>
    %dma_start3A_38 = tpu.memref_squeeze %dma_start3A_37 : memref<1x1x128xi32, #tpu.memory_space<vmem>> -> memref<1x128xi32, #tpu.memory_space<vmem>>
    %dma_start3A_39 = arith.constant 1 : i32
    %dma_start3A_40 = tpu.memref_slice %arg3[%dma_start3A_39, %mul3A_33] : memref<2x320000xi32, #tpu.memory_space<hbm>> -> memref<1x128xi32, #tpu.memory_space<hbm>>
    %dma_start3A_41 = arith.constant 0 : i32
    %dma_start3A_42 = arith.constant 0 : i32
    %dma_start3A_43 = tpu.memref_slice %arg7[%dma_start3A_34, %dma_start3A_41, %dma_start3A_42] : memref<6x1x128xi32, #tpu.memory_space<vmem>> -> memref<1x1x128xi32, #tpu.memory_space<vmem>>
    %dma_start3A_44 = tpu.memref_squeeze %dma_start3A_43 : memref<1x1x128xi32, #tpu.memory_space<vmem>> -> memref<1x128xi32, #tpu.memory_space<vmem>>
    %dma_start3A_45 = arith.constant 1 : i32
    %dma_start3A_46 = tpu.memref_slice %arg3[%dma_start3A_45, %mul3A_33] : memref<2x320000xi32, #tpu.memory_space<hbm>> -> memref<1x128xi32, #tpu.memory_space<hbm>>
    tpu.enqueue_dma source(%dma_start3A_46 : memref<1x128xi32, #tpu.memory_space<hbm>>) target(%dma_start3A_44 : memref<1x128xi32, #tpu.memory_space<vmem>>) target_semaphore(%arg10 : memref<!tpu.dma_semaphore, #tpu.memory_space<semaphore_mem>>)
    %add3A_47 = arith.constant 1 : i32
    %add3A_48 = arith.addi %add3A_6, %add3A_47 : i32
    %mul3A_49 = arith.constant 128 : i32
    %mul3A_50 = arith.muli %add3A_48, %mul3A_49 : i32
    %dma_start3A_51 = arith.constant 1 : i32
    %dma_start3A_52 = arith.constant 0 : i32
    %dma_start3A_53 = arith.constant 0 : i32
    %dma_start3A_54 = tpu.memref_slice %arg6[%dma_start3A_51, %dma_start3A_52, %dma_start3A_53] : memref<6x1x128xi32, #tpu.memory_space<vmem>> -> memref<1x1x128xi32, #tpu.memory_space<vmem>>
    %dma_start3A_55 = tpu.memref_squeeze %dma_start3A_54 : memref<1x1x128xi32, #tpu.memory_space<vmem>> -> memref<1x128xi32, #tpu.memory_space<vmem>>
    %dma_start3A_56 = arith.constant 0 : i32
    %dma_start3A_57 = tpu.memref_slice %arg3[%dma_start3A_56, %mul3A_50] : memref<2x320000xi32, #tpu.memory_space<hbm>> -> memref<1x128xi32, #tpu.memory_space<hbm>>
    %dma_start3A_58 = arith.constant 0 : i32
    %dma_start3A_59 = arith.constant 0 : i32
    %dma_start3A_60 = tpu.memref_slice %arg6[%dma_start3A_51, %dma_start3A_58, %dma_start3A_59] : memref<6x1x128xi32, #tpu.memory_space<vmem>> -> memref<1x1x128xi32, #tpu.memory_space<vmem>>
    %dma_start3A_61 = tpu.memref_squeeze %dma_start3A_60 : memref<1x1x128xi32, #tpu.memory_space<vmem>> -> memref<1x128xi32, #tpu.memory_space<vmem>>
    %dma_start3A_62 = arith.constant 0 : i32
    %dma_start3A_63 = tpu.memref_slice %arg3[%dma_start3A_62, %mul3A_50] : memref<2x320000xi32, #tpu.memory_space<hbm>> -> memref<1x128xi32, #tpu.memory_space<hbm>>
    tpu.enqueue_dma source(%dma_start3A_63 : memref<1x128xi32, #tpu.memory_space<hbm>>) target(%dma_start3A_61 : memref<1x128xi32, #tpu.memory_space<vmem>>) target_semaphore(%arg11 : memref<!tpu.dma_semaphore, #tpu.memory_space<semaphore_mem>>)
    %add3A_64 = arith.constant 1 : i32
    %add3A_65 = arith.addi %add3A_6, %add3A_64 : i32
    %mul3A_66 = arith.constant 128 : i32
    %mul3A_67 = arith.muli %add3A_65, %mul3A_66 : i32
    %dma_start3A_68 = arith.constant 1 : i32
    %dma_start3A_69 = arith.constant 0 : i32
    %dma_start3A_70 = arith.constant 0 : i32
    %dma_start3A_71 = tpu.memref_slice %arg7[%dma_start3A_68, %dma_start3A_69, %dma_start3A_70] : memref<6x1x128xi32, #tpu.memory_space<vmem>> -> memref<1x1x128xi32, #tpu.memory_space<vmem>>
    %dma_start3A_72 = tpu.memref_squeeze %dma_start3A_71 : memref<1x1x128xi32, #tpu.memory_space<vmem>> -> memref<1x128xi32, #tpu.memory_space<vmem>>
    %dma_start3A_73 = arith.constant 1 : i32
    %dma_start3A_74 = tpu.memref_slice %arg3[%dma_start3A_73, %mul3A_67] : memref<2x320000xi32, #tpu.memory_space<hbm>> -> memref<1x128xi32, #tpu.memory_space<hbm>>
    %dma_start3A_75 = arith.constant 0 : i32
    %dma_start3A_76 = arith.constant 0 : i32
    %dma_start3A_77 = tpu.memref_slice %arg7[%dma_start3A_68, %dma_start3A_75, %dma_start3A_76] : memref<6x1x128xi32, #tpu.memory_space<vmem>> -> memref<1x1x128xi32, #tpu.memory_space<vmem>>
    %dma_start3A_78 = tpu.memref_squeeze %dma_start3A_77 : memref<1x1x128xi32, #tpu.memory_space<vmem>> -> memref<1x128xi32, #tpu.memory_space<vmem>>
    %dma_start3A_79 = arith.constant 1 : i32
    %dma_start3A_80 = tpu.memref_slice %arg3[%dma_start3A_79, %mul3A_67] : memref<2x320000xi32, #tpu.memory_space<hbm>> -> memref<1x128xi32, #tpu.memory_space<hbm>>
    tpu.enqueue_dma source(%dma_start3A_80 : memref<1x128xi32, #tpu.memory_space<hbm>>) target(%dma_start3A_78 : memref<1x128xi32, #tpu.memory_space<vmem>>) target_semaphore(%arg11 : memref<!tpu.dma_semaphore, #tpu.memory_space<semaphore_mem>>)
    %add3A_81 = arith.constant 0 : i32
    %add3A_82 = arith.addi %add3A_6, %add3A_81 : i32
    %mul3A_83 = arith.constant 128 : i32
    %mul3A_84 = arith.muli %add3A_82, %mul3A_83 : i32
    %dma_wait3A = arith.constant 0 : i32
    %dma_wait3A_85 = arith.constant 0 : i32
    %dma_wait3A_86 = arith.constant 0 : i32
    %dma_wait3A_87 = tpu.memref_slice %arg6[%dma_wait3A, %dma_wait3A_85, %dma_wait3A_86] : memref<6x1x128xi32, #tpu.memory_space<vmem>> -> memref<1x1x128xi32, #tpu.memory_space<vmem>>
    %dma_wait3A_88 = tpu.memref_squeeze %dma_wait3A_87 : memref<1x1x128xi32, #tpu.memory_space<vmem>> -> memref<1x128xi32, #tpu.memory_space<vmem>>
    %dma_wait3A_89 = arith.constant 0 : i32
    %dma_wait3A_90 = tpu.memref_slice %arg3[%dma_wait3A_89, %mul3A_84] : memref<2x320000xi32, #tpu.memory_space<hbm>> -> memref<1x128xi32, #tpu.memory_space<hbm>>
    %dma_wait3A_91 = arith.constant 0 : i32
    %dma_wait3A_92 = arith.constant 0 : i32
    %dma_wait3A_93 = tpu.memref_slice %arg6[%dma_wait3A, %dma_wait3A_91, %dma_wait3A_92] : memref<6x1x128xi32, #tpu.memory_space<vmem>> -> memref<1x1x128xi32, #tpu.memory_space<vmem>>
    %dma_wait3A_94 = tpu.memref_squeeze %dma_wait3A_93 : memref<1x1x128xi32, #tpu.memory_space<vmem>> -> memref<1x128xi32, #tpu.memory_space<vmem>>
    %dma_wait3A_95 = arith.constant 0 : i32
    %dma_wait3A_96 = tpu.memref_slice %arg3[%dma_wait3A_95, %mul3A_84] : memref<2x320000xi32, #tpu.memory_space<hbm>> -> memref<1x128xi32, #tpu.memory_space<hbm>>
    tpu.wait_dma2 semaphore(%arg10 : memref<!tpu.dma_semaphore, #tpu.memory_space<semaphore_mem>>) src(%dma_wait3A_96 : memref<1x128xi32, #tpu.memory_space<hbm>>) dst(%dma_wait3A_94 : memref<1x128xi32, #tpu.memory_space<vmem>>)
    %add3A_97 = arith.constant 0 : i32
    %add3A_98 = arith.addi %add3A_6, %add3A_97 : i32
    %mul3A_99 = arith.constant 128 : i32
    %mul3A_100 = arith.muli %add3A_98, %mul3A_99 : i32
    %dma_wait3A_101 = arith.constant 0 : i32
    %dma_wait3A_102 = arith.constant 0 : i32
    %dma_wait3A_103 = arith.constant 0 : i32
    %dma_wait3A_104 = tpu.memref_slice %arg7[%dma_wait3A_101, %dma_wait3A_102, %dma_wait3A_103] : memref<6x1x128xi32, #tpu.memory_space<vmem>> -> memref<1x1x128xi32, #tpu.memory_space<vmem>>
    %dma_wait3A_105 = tpu.memref_squeeze %dma_wait3A_104 : memref<1x1x128xi32, #tpu.memory_space<vmem>> -> memref<1x128xi32, #tpu.memory_space<vmem>>
    %dma_wait3A_106 = arith.constant 1 : i32
    %dma_wait3A_107 = tpu.memref_slice %arg3[%dma_wait3A_106, %mul3A_100] : memref<2x320000xi32, #tpu.memory_space<hbm>> -> memref<1x128xi32, #tpu.memory_space<hbm>>
    %dma_wait3A_108 = arith.constant 0 : i32
    %dma_wait3A_109 = arith.constant 0 : i32
    %dma_wait3A_110 = tpu.memref_slice %arg7[%dma_wait3A_101, %dma_wait3A_108, %dma_wait3A_109] : memref<6x1x128xi32, #tpu.memory_space<vmem>> -> memref<1x1x128xi32, #tpu.memory_space<vmem>>
    %dma_wait3A_111 = tpu.memref_squeeze %dma_wait3A_110 : memref<1x1x128xi32, #tpu.memory_space<vmem>> -> memref<1x128xi32, #tpu.memory_space<vmem>>
    %dma_wait3A_112 = arith.constant 1 : i32
    %dma_wait3A_113 = tpu.memref_slice %arg3[%dma_wait3A_112, %mul3A_100] : memref<2x320000xi32, #tpu.memory_space<hbm>> -> memref<1x128xi32, #tpu.memory_space<hbm>>
    tpu.wait_dma2 semaphore(%arg10 : memref<!tpu.dma_semaphore, #tpu.memory_space<semaphore_mem>>) src(%dma_wait3A_113 : memref<1x128xi32, #tpu.memory_space<hbm>>) dst(%dma_wait3A_111 : memref<1x128xi32, #tpu.memory_space<vmem>>)
    %dma_start3A_114 = arith.constant 0 : i32
    %dma_start3A_115 = arith.constant 0 : i32
    %dma_start3A_116 = arith.constant 0 : i32
    %dma_start3A_117 = arith.constant 0 : i32
    %dma_start3A_118 = arith.constant 0 : i32
    %dma_start3A_119 = tpu.memref_slice %arg8[%dma_start3A_116, %dma_start3A_117, %dma_start3A_118] : memref<3x128x128xf32, #tpu.memory_space<vmem>> -> memref<1x128x128xf32, #tpu.memory_space<vmem>>
    %dma_start3A_120 = tpu.memref_squeeze %dma_start3A_119 : memref<1x128x128xf32, #tpu.memory_space<vmem>> -> memref<128x128xf32, #tpu.memory_space<vmem>>
    %dma_start3A_121 = arith.constant 0 : i32
    %dma_start3A_122 = tpu.memref_slice %arg6[%dma_start3A_114, %dma_start3A_115, %dma_start3A_121] : memref<6x1x128xi32, #tpu.memory_space<vmem>> -> memref<1x1x128xi32, #tpu.memory_space<vmem>>
    %dma_start3A_123 = tpu.memref_squeeze %dma_start3A_122 : memref<1x1x128xi32, #tpu.memory_space<vmem>> -> memref<128xi32, #tpu.memory_space<vmem>>
    %dma_start3A_124 = arith.constant 0 : i32
    %dma_start3A_125 = arith.constant 0 : i32
    %dma_start3A_126 = tpu.memref_slice %arg2[%dma_start3A_124, %dma_start3A_125] : memref<10000x128xf32, #tpu.memory_space<hbm>> -> memref<10000x128xf32, #tpu.memory_space<hbm>>
    tpu.enqueue_indirect_dma source(%dma_start3A_126 : memref<10000x128xf32, #tpu.memory_space<hbm>>) target(%dma_start3A_120 : memref<128x128xf32, #tpu.memory_space<vmem>>) offsets(%dma_start3A_123 : memref<128xi32, #tpu.memory_space<vmem>>) semaphore(%arg16 : memref<!tpu.dma_semaphore, #tpu.memory_space<semaphore_mem>>)
    %lt3A_127 = arith.constant 15 : i32
    %lt3A_128 = arith.cmpi slt, %arg1, %lt3A_127 : i32
    %convert_element_type3A_129 = arith.extui %lt3A_128 : i1 to i32
    %cond3A_130 = arith.constant 0 : i32
    %cond3A_131 = arith.cmpi ne, %convert_element_type3A_129, %cond3A_130 : i32
    scf.if %cond3A_131 {
      %mul3A_173 = arith.constant 624 : i32
      %mul3A_174 = arith.muli %arg1, %mul3A_173 : i32
      %dma_wait3A_175 = arith.constant 0 : i32
      %dma_wait3A_176 = tpu.memref_slice %arg9[%mul3A_174, %dma_wait3A_175] : memref<10000x128xf32, #tpu.memory_space<vmem_shared>> -> memref<624x128xf32, #tpu.memory_space<vmem_shared>>
      %dma_wait3A_177 = arith.constant 0 : i32
      %dma_wait3A_178 = arith.constant 0 : i32
      %dma_wait3A_179 = tpu.memref_slice %arg4[%dma_wait3A_177, %dma_wait3A_178] : memref<640x128xf32, #tpu.memory_space<hbm>> -> memref<624x128xf32, #tpu.memory_space<hbm>>
      tpu.wait_dma2 semaphore(%arg22 : memref<!tpu.dma_semaphore, #tpu.memory_space<semaphore_mem>>) src(%dma_wait3A_179 : memref<624x128xf32, #tpu.memory_space<hbm>>) dst(%dma_wait3A_176 : memref<624x128xf32, #tpu.memory_space<vmem_shared>>)
    } else {
    }
    %eq3A_132 = arith.constant 15 : i32
    %eq3A_133 = arith.cmpi eq, %arg1, %eq3A_132 : i32
    %convert_element_type3A_134 = arith.extui %eq3A_133 : i1 to i32
    %cond3A_135 = arith.constant 0 : i32
    %cond3A_136 = arith.cmpi ne, %convert_element_type3A_134, %cond3A_135 : i32
    scf.if %cond3A_136 {
      %dma_wait3A_173 = arith.constant 9360 : i32
      %dma_wait3A_174 = arith.constant 0 : i32
      %dma_wait3A_175 = tpu.memref_slice %arg9[%dma_wait3A_173, %dma_wait3A_174] : memref<10000x128xf32, #tpu.memory_space<vmem_shared>> -> memref<640x128xf32, #tpu.memory_space<vmem_shared>>
      tpu.wait_dma2 semaphore(%arg22 : memref<!tpu.dma_semaphore, #tpu.memory_space<semaphore_mem>>) src(%arg4 : memref<640x128xf32, #tpu.memory_space<hbm>>) dst(%dma_wait3A_175 : memref<640x128xf32, #tpu.memory_space<vmem_shared>>)
    } else {
    }
    %barrier3A = arith.constant 0 : index
    tpu.barrier barrier_id(%barrier3A)
    %sub3A = arith.constant 0 : i32
    %sub3A_137 = arith.subi %select_n3A, %sub3A : i32
    %sub3A_138 = arith.constant 6 : i32
    %sub3A_139 = arith.constant 1 : i32
    %sub3A_140 = arith.subi %sub3A_138, %sub3A_139 : i32
    %add3A_141 = arith.addi %sub3A_137, %sub3A_140 : i32
    %div3A = arith.constant 6 : i32
    %div3A_142 = arith.divsi %add3A_141, %div3A : i32
    %while3A = arith.constant 6 : i32
    %while3A_143 = arith.constant 0 : i32
    %while3A_144 = arith.constant 0 : i32
    %while3A_145 = arith.subi %div3A_142, %while3A_144 : i32
    %while3A_146 = arith.addi %while3A_144, %while3A_145 : i32
    %while3A_147 = arith.constant 1 : i32
    %while3A_148 = arith.divsi %while3A_145, %while3A_147 : i32
    %while3A_149 = arith.muli %while3A_148, %while3A_147 : i32
    %while3A_150 = arith.addi %while3A_144, %while3A_149 : i32
    %while3A_151 = arith.constant 1 : i32
    scf.for %while3A_173 = %while3A_144 to %while3A_150 step %while3A_151  : i32 {
      %mul3A_174 = arith.muli %while3A_173, %while3A : i32
      %add3A_175 = arith.addi %while3A_143, %mul3A_174 : i32
      %add3A_176 = arith.constant 0 : i32
      %add3A_177 = arith.addi %add3A_175, %add3A_176 : i32
      %lt3A_178 = arith.cmpi slt, %add3A_177, %select_n3A : i32
      %convert_element_type3A_179 = arith.extui %lt3A_178 : i1 to i32
      %cond3A_180 = arith.constant 0 : i32
      %cond3A_181 = arith.cmpi ne, %convert_element_type3A_179, %cond3A_180 : i32
      scf.if %cond3A_181 {
        %ge3A_212 = arith.constant 2 : i32
        %ge3A_213 = arith.cmpi sge, %add3A_177, %ge3A_212 : i32
        %convert_element_type3A_214 = arith.extui %ge3A_213 : i1 to i32
        %cond3A_215 = arith.constant 0 : i32
        %cond3A_216 = arith.cmpi ne, %convert_element_type3A_214, %cond3A_215 : i32
        scf.if %cond3A_216 {
          %dma_wait3A_255 = arith.constant 1 : i32
          %dma_wait3A_256 = arith.constant 4 : i32
          %dma_wait3A_257 = arith.constant 0 : i32
          %dma_wait3A_258 = arith.constant 0 : i32
          %dma_wait3A_259 = arith.constant 0 : i32
          %dma_wait3A_260 = tpu.memref_slice %arg8[%dma_wait3A_255, %dma_wait3A_258, %dma_wait3A_259] : memref<3x128x128xf32, #tpu.memory_space<vmem>> -> memref<1x128x128xf32, #tpu.memory_space<vmem>>
          %dma_wait3A_261 = tpu.memref_squeeze %dma_wait3A_260 : memref<1x128x128xf32, #tpu.memory_space<vmem>> -> memref<128x128xf32, #tpu.memory_space<vmem>>
          %dma_wait3A_262 = arith.constant 0 : i32
          %dma_wait3A_263 = tpu.memref_slice %arg7[%dma_wait3A_256, %dma_wait3A_257, %dma_wait3A_262] : memref<6x1x128xi32, #tpu.memory_space<vmem>> -> memref<1x1x128xi32, #tpu.memory_space<vmem>>
          %dma_wait3A_264 = tpu.memref_squeeze %dma_wait3A_263 : memref<1x1x128xi32, #tpu.memory_space<vmem>> -> memref<128xi32, #tpu.memory_space<vmem>>
          %dma_wait3A_265 = arith.constant 0 : i32
          %dma_wait3A_266 = arith.constant 0 : i32
          %dma_wait3A_267 = tpu.memref_slice %arg9[%dma_wait3A_265, %dma_wait3A_266] : memref<10000x128xf32, #tpu.memory_space<vmem_shared>> -> memref<10000x128xf32, #tpu.memory_space<vmem_shared>>
          tpu.wait_indirect_dma semaphore(%arg20 : memref<!tpu.dma_semaphore, #tpu.memory_space<semaphore_mem>>) src(%dma_wait3A_261 : memref<128x128xf32, #tpu.memory_space<vmem>>) dst(%dma_wait3A_267 : memref<10000x128xf32, #tpu.memory_space<vmem_shared>>)
        } else {
        }
        %add3A_217 = arith.constant 2 : i32
        %add3A_218 = arith.addi %add3A_177, %add3A_217 : i32
        %lt3A_219 = arith.cmpi slt, %add3A_218, %select_n3A : i32
        %convert_element_type3A_220 = arith.extui %lt3A_219 : i1 to i32
        %cond3A_221 = arith.constant 0 : i32
        %cond3A_222 = arith.cmpi ne, %convert_element_type3A_220, %cond3A_221 : i32
        scf.if %cond3A_222 {
          %add3A_255 = arith.constant 2 : i32
          %add3A_256 = arith.addi %add3A_177, %add3A_255 : i32
          %add3A_257 = arith.addi %add3A_6, %add3A_256 : i32
          %mul3A_258 = arith.constant 128 : i32
          %mul3A_259 = arith.muli %add3A_257, %mul3A_258 : i32
          %dma_start3A_260 = arith.constant 2 : i32
          %dma_start3A_261 = arith.constant 0 : i32
          %dma_start3A_262 = arith.constant 0 : i32
          %dma_start3A_263 = tpu.memref_slice %arg6[%dma_start3A_260, %dma_start3A_261, %dma_start3A_262] : memref<6x1x128xi32, #tpu.memory_space<vmem>> -> memref<1x1x128xi32, #tpu.memory_space<vmem>>
          %dma_start3A_264 = tpu.memref_squeeze %dma_start3A_263 : memref<1x1x128xi32, #tpu.memory_space<vmem>> -> memref<1x128xi32, #tpu.memory_space<vmem>>
          %dma_start3A_265 = arith.constant 0 : i32
          %dma_start3A_266 = tpu.memref_slice %arg3[%dma_start3A_265, %mul3A_259] : memref<2x320000xi32, #tpu.memory_space<hbm>> -> memref<1x128xi32, #tpu.memory_space<hbm>>
          %dma_start3A_267 = arith.constant 0 : i32
          %dma_start3A_268 = arith.constant 0 : i32
          %dma_start3A_269 = tpu.memref_slice %arg6[%dma_start3A_260, %dma_start3A_267, %dma_start3A_268] : memref<6x1x128xi32, #tpu.memory_space<vmem>> -> memref<1x1x128xi32, #tpu.memory_space<vmem>>
          %dma_start3A_270 = tpu.memref_squeeze %dma_start3A_269 : memref<1x1x128xi32, #tpu.memory_space<vmem>> -> memref<1x128xi32, #tpu.memory_space<vmem>>
          %dma_start3A_271 = arith.constant 0 : i32
          %dma_start3A_272 = tpu.memref_slice %arg3[%dma_start3A_271, %mul3A_259] : memref<2x320000xi32, #tpu.memory_space<hbm>> -> memref<1x128xi32, #tpu.memory_space<hbm>>
          tpu.enqueue_dma source(%dma_start3A_272 : memref<1x128xi32, #tpu.memory_space<hbm>>) target(%dma_start3A_270 : memref<1x128xi32, #tpu.memory_space<vmem>>) target_semaphore(%arg12 : memref<!tpu.dma_semaphore, #tpu.memory_space<semaphore_mem>>)
          %add3A_273 = arith.addi %add3A_6, %add3A_256 : i32
          %mul3A_274 = arith.constant 128 : i32
          %mul3A_275 = arith.muli %add3A_273, %mul3A_274 : i32
          %dma_start3A_276 = arith.constant 2 : i32
          %dma_start3A_277 = arith.constant 0 : i32
          %dma_start3A_278 = arith.constant 0 : i32
          %dma_start3A_279 = tpu.memref_slice %arg7[%dma_start3A_276, %dma_start3A_277, %dma_start3A_278] : memref<6x1x128xi32, #tpu.memory_space<vmem>> -> memref<1x1x128xi32, #tpu.memory_space<vmem>>
          %dma_start3A_280 = tpu.memref_squeeze %dma_start3A_279 : memref<1x1x128xi32, #tpu.memory_space<vmem>> -> memref<1x128xi32, #tpu.memory_space<vmem>>
          %dma_start3A_281 = arith.constant 1 : i32
          %dma_start3A_282 = tpu.memref_slice %arg3[%dma_start3A_281, %mul3A_275] : memref<2x320000xi32, #tpu.memory_space<hbm>> -> memref<1x128xi32, #tpu.memory_space<hbm>>
          %dma_start3A_283 = arith.constant 0 : i32
          %dma_start3A_284 = arith.constant 0 : i32
          %dma_start3A_285 = tpu.memref_slice %arg7[%dma_start3A_276, %dma_start3A_283, %dma_start3A_284] : memref<6x1x128xi32, #tpu.memory_space<vmem>> -> memref<1x1x128xi32, #tpu.memory_space<vmem>>
          %dma_start3A_286 = tpu.memref_squeeze %dma_start3A_285 : memref<1x1x128xi32, #tpu.memory_space<vmem>> -> memref<1x128xi32, #tpu.memory_space<vmem>>
          %dma_start3A_287 = arith.constant 1 : i32
          %dma_start3A_288 = tpu.memref_slice %arg3[%dma_start3A_287, %mul3A_275] : memref<2x320000xi32, #tpu.memory_space<hbm>> -> memref<1x128xi32, #tpu.memory_space<hbm>>
          tpu.enqueue_dma source(%dma_start3A_288 : memref<1x128xi32, #tpu.memory_space<hbm>>) target(%dma_start3A_286 : memref<1x128xi32, #tpu.memory_space<vmem>>) target_semaphore(%arg12 : memref<!tpu.dma_semaphore, #tpu.memory_space<semaphore_mem>>)
        } else {
        }
        %add3A_223 = arith.constant 1 : i32
        %add3A_224 = arith.addi %add3A_177, %add3A_223 : i32
        %lt3A_225 = arith.cmpi slt, %add3A_224, %select_n3A : i32
        %convert_element_type3A_226 = arith.extui %lt3A_225 : i1 to i32
        %cond3A_227 = arith.constant 0 : i32
        %cond3A_228 = arith.cmpi ne, %convert_element_type3A_226, %cond3A_227 : i32
        scf.if %cond3A_228 {
          %add3A_255 = arith.constant 1 : i32
          %add3A_256 = arith.addi %add3A_177, %add3A_255 : i32
          %add3A_257 = arith.addi %add3A_6, %add3A_256 : i32
          %mul3A_258 = arith.constant 128 : i32
          %mul3A_259 = arith.muli %add3A_257, %mul3A_258 : i32
          %dma_wait3A_260 = arith.constant 1 : i32
          %dma_wait3A_261 = arith.constant 0 : i32
          %dma_wait3A_262 = arith.constant 0 : i32
          %dma_wait3A_263 = tpu.memref_slice %arg6[%dma_wait3A_260, %dma_wait3A_261, %dma_wait3A_262] : memref<6x1x128xi32, #tpu.memory_space<vmem>> -> memref<1x1x128xi32, #tpu.memory_space<vmem>>
          %dma_wait3A_264 = tpu.memref_squeeze %dma_wait3A_263 : memref<1x1x128xi32, #tpu.memory_space<vmem>> -> memref<1x128xi32, #tpu.memory_space<vmem>>
          %dma_wait3A_265 = arith.constant 0 : i32
          %dma_wait3A_266 = tpu.memref_slice %arg3[%dma_wait3A_265, %mul3A_259] : memref<2x320000xi32, #tpu.memory_space<hbm>> -> memref<1x128xi32, #tpu.memory_space<hbm>>
          %dma_wait3A_267 = arith.constant 0 : i32
          %dma_wait3A_268 = arith.constant 0 : i32
          %dma_wait3A_269 = tpu.memref_slice %arg6[%dma_wait3A_260, %dma_wait3A_267, %dma_wait3A_268] : memref<6x1x128xi32, #tpu.memory_space<vmem>> -> memref<1x1x128xi32, #tpu.memory_space<vmem>>
          %dma_wait3A_270 = tpu.memref_squeeze %dma_wait3A_269 : memref<1x1x128xi32, #tpu.memory_space<vmem>> -> memref<1x128xi32, #tpu.memory_space<vmem>>
          %dma_wait3A_271 = arith.constant 0 : i32
          %dma_wait3A_272 = tpu.memref_slice %arg3[%dma_wait3A_271, %mul3A_259] : memref<2x320000xi32, #tpu.memory_space<hbm>> -> memref<1x128xi32, #tpu.memory_space<hbm>>
          tpu.wait_dma2 semaphore(%arg11 : memref<!tpu.dma_semaphore, #tpu.memory_space<semaphore_mem>>) src(%dma_wait3A_272 : memref<1x128xi32, #tpu.memory_space<hbm>>) dst(%dma_wait3A_270 : memref<1x128xi32, #tpu.memory_space<vmem>>)
          %add3A_273 = arith.addi %add3A_6, %add3A_256 : i32
          %mul3A_274 = arith.constant 128 : i32
          %mul3A_275 = arith.muli %add3A_273, %mul3A_274 : i32
          %dma_wait3A_276 = arith.constant 1 : i32
          %dma_wait3A_277 = arith.constant 0 : i32
          %dma_wait3A_278 = arith.constant 0 : i32
          %dma_wait3A_279 = tpu.memref_slice %arg7[%dma_wait3A_276, %dma_wait3A_277, %dma_wait3A_278] : memref<6x1x128xi32, #tpu.memory_space<vmem>> -> memref<1x1x128xi32, #tpu.memory_space<vmem>>
          %dma_wait3A_280 = tpu.memref_squeeze %dma_wait3A_279 : memref<1x1x128xi32, #tpu.memory_space<vmem>> -> memref<1x128xi32, #tpu.memory_space<vmem>>
          %dma_wait3A_281 = arith.constant 1 : i32
          %dma_wait3A_282 = tpu.memref_slice %arg3[%dma_wait3A_281, %mul3A_275] : memref<2x320000xi32, #tpu.memory_space<hbm>> -> memref<1x128xi32, #tpu.memory_space<hbm>>
          %dma_wait3A_283 = arith.constant 0 : i32
          %dma_wait3A_284 = arith.constant 0 : i32
          %dma_wait3A_285 = tpu.memref_slice %arg7[%dma_wait3A_276, %dma_wait3A_283, %dma_wait3A_284] : memref<6x1x128xi32, #tpu.memory_space<vmem>> -> memref<1x1x128xi32, #tpu.memory_space<vmem>>
          %dma_wait3A_286 = tpu.memref_squeeze %dma_wait3A_285 : memref<1x1x128xi32, #tpu.memory_space<vmem>> -> memref<1x128xi32, #tpu.memory_space<vmem>>
          %dma_wait3A_287 = arith.constant 1 : i32
          %dma_wait3A_288 = tpu.memref_slice %arg3[%dma_wait3A_287, %mul3A_275] : memref<2x320000xi32, #tpu.memory_space<hbm>> -> memref<1x128xi32, #tpu.memory_space<hbm>>
          tpu.wait_dma2 semaphore(%arg11 : memref<!tpu.dma_semaphore, #tpu.memory_space<semaphore_mem>>) src(%dma_wait3A_288 : memref<1x128xi32, #tpu.memory_space<hbm>>) dst(%dma_wait3A_286 : memref<1x128xi32, #tpu.memory_space<vmem>>)
          %dma_start3A_289 = arith.constant 1 : i32
          %dma_start3A_290 = arith.constant 0 : i32
          %dma_start3A_291 = arith.constant 1 : i32
          %dma_start3A_292 = arith.constant 0 : i32
          %dma_start3A_293 = arith.constant 0 : i32
          %dma_start3A_294 = tpu.memref_slice %arg8[%dma_start3A_291, %dma_start3A_292, %dma_start3A_293] : memref<3x128x128xf32, #tpu.memory_space<vmem>> -> memref<1x128x128xf32, #tpu.memory_space<vmem>>
          %dma_start3A_295 = tpu.memref_squeeze %dma_start3A_294 : memref<1x128x128xf32, #tpu.memory_space<vmem>> -> memref<128x128xf32, #tpu.memory_space<vmem>>
          %dma_start3A_296 = arith.constant 0 : i32
          %dma_start3A_297 = tpu.memref_slice %arg6[%dma_start3A_289, %dma_start3A_290, %dma_start3A_296] : memref<6x1x128xi32, #tpu.memory_space<vmem>> -> memref<1x1x128xi32, #tpu.memory_space<vmem>>
          %dma_start3A_298 = tpu.memref_squeeze %dma_start3A_297 : memref<1x1x128xi32, #tpu.memory_space<vmem>> -> memref<128xi32, #tpu.memory_space<vmem>>
          %dma_start3A_299 = arith.constant 0 : i32
          %dma_start3A_300 = arith.constant 0 : i32
          %dma_start3A_301 = tpu.memref_slice %arg2[%dma_start3A_299, %dma_start3A_300] : memref<10000x128xf32, #tpu.memory_space<hbm>> -> memref<10000x128xf32, #tpu.memory_space<hbm>>
          tpu.enqueue_indirect_dma source(%dma_start3A_301 : memref<10000x128xf32, #tpu.memory_space<hbm>>) target(%dma_start3A_295 : memref<128x128xf32, #tpu.memory_space<vmem>>) offsets(%dma_start3A_298 : memref<128xi32, #tpu.memory_space<vmem>>) semaphore(%arg17 : memref<!tpu.dma_semaphore, #tpu.memory_space<semaphore_mem>>)
        } else {
        }
        %dma_wait3A_229 = arith.constant 0 : i32
        %dma_wait3A_230 = arith.constant 0 : i32
        %dma_wait3A_231 = arith.constant 0 : i32
        %dma_wait3A_232 = arith.constant 0 : i32
        %dma_wait3A_233 = arith.constant 0 : i32
        %dma_wait3A_234 = tpu.memref_slice %arg8[%dma_wait3A_231, %dma_wait3A_232, %dma_wait3A_233] : memref<3x128x128xf32, #tpu.memory_space<vmem>> -> memref<1x128x128xf32, #tpu.memory_space<vmem>>
        %dma_wait3A_235 = tpu.memref_squeeze %dma_wait3A_234 : memref<1x128x128xf32, #tpu.memory_space<vmem>> -> memref<128x128xf32, #tpu.memory_space<vmem>>
        %dma_wait3A_236 = arith.constant 0 : i32
        %dma_wait3A_237 = tpu.memref_slice %arg6[%dma_wait3A_229, %dma_wait3A_230, %dma_wait3A_236] : memref<6x1x128xi32, #tpu.memory_space<vmem>> -> memref<1x1x128xi32, #tpu.memory_space<vmem>>
        %dma_wait3A_238 = tpu.memref_squeeze %dma_wait3A_237 : memref<1x1x128xi32, #tpu.memory_space<vmem>> -> memref<128xi32, #tpu.memory_space<vmem>>
        %dma_wait3A_239 = arith.constant 0 : i32
        %dma_wait3A_240 = arith.constant 0 : i32
        %dma_wait3A_241 = tpu.memref_slice %arg2[%dma_wait3A_239, %dma_wait3A_240] : memref<10000x128xf32, #tpu.memory_space<hbm>> -> memref<10000x128xf32, #tpu.memory_space<hbm>>
        tpu.wait_indirect_dma semaphore(%arg16 : memref<!tpu.dma_semaphore, #tpu.memory_space<semaphore_mem>>) src(%dma_wait3A_241 : memref<10000x128xf32, #tpu.memory_space<hbm>>) dst(%dma_wait3A_235 : memref<128x128xf32, #tpu.memory_space<vmem>>)
        %dma_start3A_242 = arith.constant 0 : i32
        %dma_start3A_243 = arith.constant 0 : i32
        %dma_start3A_244 = arith.constant 0 : i32
        %dma_start3A_245 = arith.constant 0 : i32
        %dma_start3A_246 = arith.constant 0 : i32
        %dma_start3A_247 = tpu.memref_slice %arg8[%dma_start3A_242, %dma_start3A_245, %dma_start3A_246] : memref<3x128x128xf32, #tpu.memory_space<vmem>> -> memref<1x128x128xf32, #tpu.memory_space<vmem>>
        %dma_start3A_248 = tpu.memref_squeeze %dma_start3A_247 : memref<1x128x128xf32, #tpu.memory_space<vmem>> -> memref<128x128xf32, #tpu.memory_space<vmem>>
        %dma_start3A_249 = arith.constant 0 : i32
        %dma_start3A_250 = tpu.memref_slice %arg7[%dma_start3A_243, %dma_start3A_244, %dma_start3A_249] : memref<6x1x128xi32, #tpu.memory_space<vmem>> -> memref<1x1x128xi32, #tpu.memory_space<vmem>>
        %dma_start3A_251 = tpu.memref_squeeze %dma_start3A_250 : memref<1x1x128xi32, #tpu.memory_space<vmem>> -> memref<128xi32, #tpu.memory_space<vmem>>
        %dma_start3A_252 = arith.constant 0 : i32
        %dma_start3A_253 = arith.constant 0 : i32
        %dma_start3A_254 = tpu.memref_slice %arg9[%dma_start3A_252, %dma_start3A_253] : memref<10000x128xf32, #tpu.memory_space<vmem_shared>> -> memref<10000x128xf32, #tpu.memory_space<vmem_shared>>
        tpu.enqueue_indirect_dma source(%dma_start3A_248 : memref<128x128xf32, #tpu.memory_space<vmem>>) target(%dma_start3A_254 : memref<10000x128xf32, #tpu.memory_space<vmem_shared>>) offsets(%dma_start3A_251 : memref<128xi32, #tpu.memory_space<vmem>>) semaphore(%arg19 : memref<!tpu.dma_semaphore, #tpu.memory_space<semaphore_mem>>) {add = true}
      } else {
      }
      %add3A_182 = arith.constant 1 : i32
      %add3A_183 = arith.addi %add3A_175, %add3A_182 : i32
      %lt3A_184 = arith.cmpi slt, %add3A_183, %select_n3A : i32
      %convert_element_type3A_185 = arith.extui %lt3A_184 : i1 to i32
      %cond3A_186 = arith.constant 0 : i32
      %cond3A_187 = arith.cmpi ne, %convert_element_type3A_185, %cond3A_186 : i32
      scf.if %cond3A_187 {
        %ge3A_212 = arith.constant 2 : i32
        %ge3A_213 = arith.cmpi sge, %add3A_183, %ge3A_212 : i32
        %convert_element_type3A_214 = arith.extui %ge3A_213 : i1 to i32
        %cond3A_215 = arith.constant 0 : i32
        %cond3A_216 = arith.cmpi ne, %convert_element_type3A_214, %cond3A_215 : i32
        scf.if %cond3A_216 {
          %dma_wait3A_255 = arith.constant 2 : i32
          %dma_wait3A_256 = arith.constant 5 : i32
          %dma_wait3A_257 = arith.constant 0 : i32
          %dma_wait3A_258 = arith.constant 0 : i32
          %dma_wait3A_259 = arith.constant 0 : i32
          %dma_wait3A_260 = tpu.memref_slice %arg8[%dma_wait3A_255, %dma_wait3A_258, %dma_wait3A_259] : memref<3x128x128xf32, #tpu.memory_space<vmem>> -> memref<1x128x128xf32, #tpu.memory_space<vmem>>
          %dma_wait3A_261 = tpu.memref_squeeze %dma_wait3A_260 : memref<1x128x128xf32, #tpu.memory_space<vmem>> -> memref<128x128xf32, #tpu.memory_space<vmem>>
          %dma_wait3A_262 = arith.constant 0 : i32
          %dma_wait3A_263 = tpu.memref_slice %arg7[%dma_wait3A_256, %dma_wait3A_257, %dma_wait3A_262] : memref<6x1x128xi32, #tpu.memory_space<vmem>> -> memref<1x1x128xi32, #tpu.memory_space<vmem>>
          %dma_wait3A_264 = tpu.memref_squeeze %dma_wait3A_263 : memref<1x1x128xi32, #tpu.memory_space<vmem>> -> memref<128xi32, #tpu.memory_space<vmem>>
          %dma_wait3A_265 = arith.constant 0 : i32
          %dma_wait3A_266 = arith.constant 0 : i32
          %dma_wait3A_267 = tpu.memref_slice %arg9[%dma_wait3A_265, %dma_wait3A_266] : memref<10000x128xf32, #tpu.memory_space<vmem_shared>> -> memref<10000x128xf32, #tpu.memory_space<vmem_shared>>
          tpu.wait_indirect_dma semaphore(%arg21 : memref<!tpu.dma_semaphore, #tpu.memory_space<semaphore_mem>>) src(%dma_wait3A_261 : memref<128x128xf32, #tpu.memory_space<vmem>>) dst(%dma_wait3A_267 : memref<10000x128xf32, #tpu.memory_space<vmem_shared>>)
        } else {
        }
        %add3A_217 = arith.constant 2 : i32
        %add3A_218 = arith.addi %add3A_183, %add3A_217 : i32
        %lt3A_219 = arith.cmpi slt, %add3A_218, %select_n3A : i32
        %convert_element_type3A_220 = arith.extui %lt3A_219 : i1 to i32
        %cond3A_221 = arith.constant 0 : i32
        %cond3A_222 = arith.cmpi ne, %convert_element_type3A_220, %cond3A_221 : i32
        scf.if %cond3A_222 {
          %add3A_255 = arith.constant 2 : i32
          %add3A_256 = arith.addi %add3A_183, %add3A_255 : i32
          %add3A_257 = arith.addi %add3A_6, %add3A_256 : i32
          %mul3A_258 = arith.constant 128 : i32
          %mul3A_259 = arith.muli %add3A_257, %mul3A_258 : i32
          %dma_start3A_260 = arith.constant 3 : i32
          %dma_start3A_261 = arith.constant 0 : i32
          %dma_start3A_262 = arith.constant 0 : i32
          %dma_start3A_263 = tpu.memref_slice %arg6[%dma_start3A_260, %dma_start3A_261, %dma_start3A_262] : memref<6x1x128xi32, #tpu.memory_space<vmem>> -> memref<1x1x128xi32, #tpu.memory_space<vmem>>
          %dma_start3A_264 = tpu.memref_squeeze %dma_start3A_263 : memref<1x1x128xi32, #tpu.memory_space<vmem>> -> memref<1x128xi32, #tpu.memory_space<vmem>>
          %dma_start3A_265 = arith.constant 0 : i32
          %dma_start3A_266 = tpu.memref_slice %arg3[%dma_start3A_265, %mul3A_259] : memref<2x320000xi32, #tpu.memory_space<hbm>> -> memref<1x128xi32, #tpu.memory_space<hbm>>
          %dma_start3A_267 = arith.constant 0 : i32
          %dma_start3A_268 = arith.constant 0 : i32
          %dma_start3A_269 = tpu.memref_slice %arg6[%dma_start3A_260, %dma_start3A_267, %dma_start3A_268] : memref<6x1x128xi32, #tpu.memory_space<vmem>> -> memref<1x1x128xi32, #tpu.memory_space<vmem>>
          %dma_start3A_270 = tpu.memref_squeeze %dma_start3A_269 : memref<1x1x128xi32, #tpu.memory_space<vmem>> -> memref<1x128xi32, #tpu.memory_space<vmem>>
          %dma_start3A_271 = arith.constant 0 : i32
          %dma_start3A_272 = tpu.memref_slice %arg3[%dma_start3A_271, %mul3A_259] : memref<2x320000xi32, #tpu.memory_space<hbm>> -> memref<1x128xi32, #tpu.memory_space<hbm>>
          tpu.enqueue_dma source(%dma_start3A_272 : memref<1x128xi32, #tpu.memory_space<hbm>>) target(%dma_start3A_270 : memref<1x128xi32, #tpu.memory_space<vmem>>) target_semaphore(%arg13 : memref<!tpu.dma_semaphore, #tpu.memory_space<semaphore_mem>>)
          %add3A_273 = arith.addi %add3A_6, %add3A_256 : i32
          %mul3A_274 = arith.constant 128 : i32
          %mul3A_275 = arith.muli %add3A_273, %mul3A_274 : i32
          %dma_start3A_276 = arith.constant 3 : i32
          %dma_start3A_277 = arith.constant 0 : i32
          %dma_start3A_278 = arith.constant 0 : i32
          %dma_start3A_279 = tpu.memref_slice %arg7[%dma_start3A_276, %dma_start3A_277, %dma_start3A_278] : memref<6x1x128xi32, #tpu.memory_space<vmem>> -> memref<1x1x128xi32, #tpu.memory_space<vmem>>
          %dma_start3A_280 = tpu.memref_squeeze %dma_start3A_279 : memref<1x1x128xi32, #tpu.memory_space<vmem>> -> memref<1x128xi32, #tpu.memory_space<vmem>>
          %dma_start3A_281 = arith.constant 1 : i32
          %dma_start3A_282 = tpu.memref_slice %arg3[%dma_start3A_281, %mul3A_275] : memref<2x320000xi32, #tpu.memory_space<hbm>> -> memref<1x128xi32, #tpu.memory_space<hbm>>
          %dma_start3A_283 = arith.constant 0 : i32
          %dma_start3A_284 = arith.constant 0 : i32
          %dma_start3A_285 = tpu.memref_slice %arg7[%dma_start3A_276, %dma_start3A_283, %dma_start3A_284] : memref<6x1x128xi32, #tpu.memory_space<vmem>> -> memref<1x1x128xi32, #tpu.memory_space<vmem>>
          %dma_start3A_286 = tpu.memref_squeeze %dma_start3A_285 : memref<1x1x128xi32, #tpu.memory_space<vmem>> -> memref<1x128xi32, #tpu.memory_space<vmem>>
          %dma_start3A_287 = arith.constant 1 : i32
          %dma_start3A_288 = tpu.memref_slice %arg3[%dma_start3A_287, %mul3A_275] : memref<2x320000xi32, #tpu.memory_space<hbm>> -> memref<1x128xi32, #tpu.memory_space<hbm>>
          tpu.enqueue_dma source(%dma_start3A_288 : memref<1x128xi32, #tpu.memory_space<hbm>>) target(%dma_start3A_286 : memref<1x128xi32, #tpu.memory_space<vmem>>) target_semaphore(%arg13 : memref<!tpu.dma_semaphore, #tpu.memory_space<semaphore_mem>>)
        } else {
        }
        %add3A_223 = arith.constant 1 : i32
        %add3A_224 = arith.addi %add3A_183, %add3A_223 : i32
        %lt3A_225 = arith.cmpi slt, %add3A_224, %select_n3A : i32
        %convert_element_type3A_226 = arith.extui %lt3A_225 : i1 to i32
        %cond3A_227 = arith.constant 0 : i32
        %cond3A_228 = arith.cmpi ne, %convert_element_type3A_226, %cond3A_227 : i32
        scf.if %cond3A_228 {
          %add3A_255 = arith.constant 1 : i32
          %add3A_256 = arith.addi %add3A_183, %add3A_255 : i32
          %add3A_257 = arith.addi %add3A_6, %add3A_256 : i32
          %mul3A_258 = arith.constant 128 : i32
          %mul3A_259 = arith.muli %add3A_257, %mul3A_258 : i32
          %dma_wait3A_260 = arith.constant 2 : i32
          %dma_wait3A_261 = arith.constant 0 : i32
          %dma_wait3A_262 = arith.constant 0 : i32
          %dma_wait3A_263 = tpu.memref_slice %arg6[%dma_wait3A_260, %dma_wait3A_261, %dma_wait3A_262] : memref<6x1x128xi32, #tpu.memory_space<vmem>> -> memref<1x1x128xi32, #tpu.memory_space<vmem>>
          %dma_wait3A_264 = tpu.memref_squeeze %dma_wait3A_263 : memref<1x1x128xi32, #tpu.memory_space<vmem>> -> memref<1x128xi32, #tpu.memory_space<vmem>>
          %dma_wait3A_265 = arith.constant 0 : i32
          %dma_wait3A_266 = tpu.memref_slice %arg3[%dma_wait3A_265, %mul3A_259] : memref<2x320000xi32, #tpu.memory_space<hbm>> -> memref<1x128xi32, #tpu.memory_space<hbm>>
          %dma_wait3A_267 = arith.constant 0 : i32
          %dma_wait3A_268 = arith.constant 0 : i32
          %dma_wait3A_269 = tpu.memref_slice %arg6[%dma_wait3A_260, %dma_wait3A_267, %dma_wait3A_268] : memref<6x1x128xi32, #tpu.memory_space<vmem>> -> memref<1x1x128xi32, #tpu.memory_space<vmem>>
          %dma_wait3A_270 = tpu.memref_squeeze %dma_wait3A_269 : memref<1x1x128xi32, #tpu.memory_space<vmem>> -> memref<1x128xi32, #tpu.memory_space<vmem>>
          %dma_wait3A_271 = arith.constant 0 : i32
          %dma_wait3A_272 = tpu.memref_slice %arg3[%dma_wait3A_271, %mul3A_259] : memref<2x320000xi32, #tpu.memory_space<hbm>> -> memref<1x128xi32, #tpu.memory_space<hbm>>
          tpu.wait_dma2 semaphore(%arg12 : memref<!tpu.dma_semaphore, #tpu.memory_space<semaphore_mem>>) src(%dma_wait3A_272 : memref<1x128xi32, #tpu.memory_space<hbm>>) dst(%dma_wait3A_270 : memref<1x128xi32, #tpu.memory_space<vmem>>)
          %add3A_273 = arith.addi %add3A_6, %add3A_256 : i32
          %mul3A_274 = arith.constant 128 : i32
          %mul3A_275 = arith.muli %add3A_273, %mul3A_274 : i32
          %dma_wait3A_276 = arith.constant 2 : i32
          %dma_wait3A_277 = arith.constant 0 : i32
          %dma_wait3A_278 = arith.constant 0 : i32
          %dma_wait3A_279 = tpu.memref_slice %arg7[%dma_wait3A_276, %dma_wait3A_277, %dma_wait3A_278] : memref<6x1x128xi32, #tpu.memory_space<vmem>> -> memref<1x1x128xi32, #tpu.memory_space<vmem>>
          %dma_wait3A_280 = tpu.memref_squeeze %dma_wait3A_279 : memref<1x1x128xi32, #tpu.memory_space<vmem>> -> memref<1x128xi32, #tpu.memory_space<vmem>>
          %dma_wait3A_281 = arith.constant 1 : i32
          %dma_wait3A_282 = tpu.memref_slice %arg3[%dma_wait3A_281, %mul3A_275] : memref<2x320000xi32, #tpu.memory_space<hbm>> -> memref<1x128xi32, #tpu.memory_space<hbm>>
          %dma_wait3A_283 = arith.constant 0 : i32
          %dma_wait3A_284 = arith.constant 0 : i32
          %dma_wait3A_285 = tpu.memref_slice %arg7[%dma_wait3A_276, %dma_wait3A_283, %dma_wait3A_284] : memref<6x1x128xi32, #tpu.memory_space<vmem>> -> memref<1x1x128xi32, #tpu.memory_space<vmem>>
          %dma_wait3A_286 = tpu.memref_squeeze %dma_wait3A_285 : memref<1x1x128xi32, #tpu.memory_space<vmem>> -> memref<1x128xi32, #tpu.memory_space<vmem>>
          %dma_wait3A_287 = arith.constant 1 : i32
          %dma_wait3A_288 = tpu.memref_slice %arg3[%dma_wait3A_287, %mul3A_275] : memref<2x320000xi32, #tpu.memory_space<hbm>> -> memref<1x128xi32, #tpu.memory_space<hbm>>
          tpu.wait_dma2 semaphore(%arg12 : memref<!tpu.dma_semaphore, #tpu.memory_space<semaphore_mem>>) src(%dma_wait3A_288 : memref<1x128xi32, #tpu.memory_space<hbm>>) dst(%dma_wait3A_286 : memref<1x128xi32, #tpu.memory_space<vmem>>)
          %dma_start3A_289 = arith.constant 2 : i32
          %dma_start3A_290 = arith.constant 0 : i32
          %dma_start3A_291 = arith.constant 2 : i32
          %dma_start3A_292 = arith.constant 0 : i32
          %dma_start3A_293 = arith.constant 0 : i32
          %dma_start3A_294 = tpu.memref_slice %arg8[%dma_start3A_291, %dma_start3A_292, %dma_start3A_293] : memref<3x128x128xf32, #tpu.memory_space<vmem>> -> memref<1x128x128xf32, #tpu.memory_space<vmem>>
          %dma_start3A_295 = tpu.memref_squeeze %dma_start3A_294 : memref<1x128x128xf32, #tpu.memory_space<vmem>> -> memref<128x128xf32, #tpu.memory_space<vmem>>
          %dma_start3A_296 = arith.constant 0 : i32
          %dma_start3A_297 = tpu.memref_slice %arg6[%dma_start3A_289, %dma_start3A_290, %dma_start3A_296] : memref<6x1x128xi32, #tpu.memory_space<vmem>> -> memref<1x1x128xi32, #tpu.memory_space<vmem>>
          %dma_start3A_298 = tpu.memref_squeeze %dma_start3A_297 : memref<1x1x128xi32, #tpu.memory_space<vmem>> -> memref<128xi32, #tpu.memory_space<vmem>>
          %dma_start3A_299 = arith.constant 0 : i32
          %dma_start3A_300 = arith.constant 0 : i32
          %dma_start3A_301 = tpu.memref_slice %arg2[%dma_start3A_299, %dma_start3A_300] : memref<10000x128xf32, #tpu.memory_space<hbm>> -> memref<10000x128xf32, #tpu.memory_space<hbm>>
          tpu.enqueue_indirect_dma source(%dma_start3A_301 : memref<10000x128xf32, #tpu.memory_space<hbm>>) target(%dma_start3A_295 : memref<128x128xf32, #tpu.memory_space<vmem>>) offsets(%dma_start3A_298 : memref<128xi32, #tpu.memory_space<vmem>>) semaphore(%arg18 : memref<!tpu.dma_semaphore, #tpu.memory_space<semaphore_mem>>)
        } else {
        }
        %dma_wait3A_229 = arith.constant 1 : i32
        %dma_wait3A_230 = arith.constant 0 : i32
        %dma_wait3A_231 = arith.constant 1 : i32
        %dma_wait3A_232 = arith.constant 0 : i32
        %dma_wait3A_233 = arith.constant 0 : i32
        %dma_wait3A_234 = tpu.memref_slice %arg8[%dma_wait3A_231, %dma_wait3A_232, %dma_wait3A_233] : memref<3x128x128xf32, #tpu.memory_space<vmem>> -> memref<1x128x128xf32, #tpu.memory_space<vmem>>
        %dma_wait3A_235 = tpu.memref_squeeze %dma_wait3A_234 : memref<1x128x128xf32, #tpu.memory_space<vmem>> -> memref<128x128xf32, #tpu.memory_space<vmem>>
        %dma_wait3A_236 = arith.constant 0 : i32
        %dma_wait3A_237 = tpu.memref_slice %arg6[%dma_wait3A_229, %dma_wait3A_230, %dma_wait3A_236] : memref<6x1x128xi32, #tpu.memory_space<vmem>> -> memref<1x1x128xi32, #tpu.memory_space<vmem>>
        %dma_wait3A_238 = tpu.memref_squeeze %dma_wait3A_237 : memref<1x1x128xi32, #tpu.memory_space<vmem>> -> memref<128xi32, #tpu.memory_space<vmem>>
        %dma_wait3A_239 = arith.constant 0 : i32
        %dma_wait3A_240 = arith.constant 0 : i32
        %dma_wait3A_241 = tpu.memref_slice %arg2[%dma_wait3A_239, %dma_wait3A_240] : memref<10000x128xf32, #tpu.memory_space<hbm>> -> memref<10000x128xf32, #tpu.memory_space<hbm>>
        tpu.wait_indirect_dma semaphore(%arg17 : memref<!tpu.dma_semaphore, #tpu.memory_space<semaphore_mem>>) src(%dma_wait3A_241 : memref<10000x128xf32, #tpu.memory_space<hbm>>) dst(%dma_wait3A_235 : memref<128x128xf32, #tpu.memory_space<vmem>>)
        %dma_start3A_242 = arith.constant 1 : i32
        %dma_start3A_243 = arith.constant 1 : i32
        %dma_start3A_244 = arith.constant 0 : i32
        %dma_start3A_245 = arith.constant 0 : i32
        %dma_start3A_246 = arith.constant 0 : i32
        %dma_start3A_247 = tpu.memref_slice %arg8[%dma_start3A_242, %dma_start3A_245, %dma_start3A_246] : memref<3x128x128xf32, #tpu.memory_space<vmem>> -> memref<1x128x128xf32, #tpu.memory_space<vmem>>
        %dma_start3A_248 = tpu.memref_squeeze %dma_start3A_247 : memref<1x128x128xf32, #tpu.memory_space<vmem>> -> memref<128x128xf32, #tpu.memory_space<vmem>>
        %dma_start3A_249 = arith.constant 0 : i32
        %dma_start3A_250 = tpu.memref_slice %arg7[%dma_start3A_243, %dma_start3A_244, %dma_start3A_249] : memref<6x1x128xi32, #tpu.memory_space<vmem>> -> memref<1x1x128xi32, #tpu.memory_space<vmem>>
        %dma_start3A_251 = tpu.memref_squeeze %dma_start3A_250 : memref<1x1x128xi32, #tpu.memory_space<vmem>> -> memref<128xi32, #tpu.memory_space<vmem>>
        %dma_start3A_252 = arith.constant 0 : i32
        %dma_start3A_253 = arith.constant 0 : i32
        %dma_start3A_254 = tpu.memref_slice %arg9[%dma_start3A_252, %dma_start3A_253] : memref<10000x128xf32, #tpu.memory_space<vmem_shared>> -> memref<10000x128xf32, #tpu.memory_space<vmem_shared>>
        tpu.enqueue_indirect_dma source(%dma_start3A_248 : memref<128x128xf32, #tpu.memory_space<vmem>>) target(%dma_start3A_254 : memref<10000x128xf32, #tpu.memory_space<vmem_shared>>) offsets(%dma_start3A_251 : memref<128xi32, #tpu.memory_space<vmem>>) semaphore(%arg20 : memref<!tpu.dma_semaphore, #tpu.memory_space<semaphore_mem>>) {add = true}
      } else {
      }
      %add3A_188 = arith.constant 2 : i32
      %add3A_189 = arith.addi %add3A_175, %add3A_188 : i32
      %lt3A_190 = arith.cmpi slt, %add3A_189, %select_n3A : i32
      %convert_element_type3A_191 = arith.extui %lt3A_190 : i1 to i32
      %cond3A_192 = arith.constant 0 : i32
      %cond3A_193 = arith.cmpi ne, %convert_element_type3A_191, %cond3A_192 : i32
      scf.if %cond3A_193 {
        %ge3A_212 = arith.constant 2 : i32
        %ge3A_213 = arith.cmpi sge, %add3A_189, %ge3A_212 : i32
        %convert_element_type3A_214 = arith.extui %ge3A_213 : i1 to i32
        %cond3A_215 = arith.constant 0 : i32
        %cond3A_216 = arith.cmpi ne, %convert_element_type3A_214, %cond3A_215 : i32
        scf.if %cond3A_216 {
          %dma_wait3A_255 = arith.constant 0 : i32
          %dma_wait3A_256 = arith.constant 0 : i32
          %dma_wait3A_257 = arith.constant 0 : i32
          %dma_wait3A_258 = arith.constant 0 : i32
          %dma_wait3A_259 = arith.constant 0 : i32
          %dma_wait3A_260 = tpu.memref_slice %arg8[%dma_wait3A_255, %dma_wait3A_258, %dma_wait3A_259] : memref<3x128x128xf32, #tpu.memory_space<vmem>> -> memref<1x128x128xf32, #tpu.memory_space<vmem>>
          %dma_wait3A_261 = tpu.memref_squeeze %dma_wait3A_260 : memref<1x128x128xf32, #tpu.memory_space<vmem>> -> memref<128x128xf32, #tpu.memory_space<vmem>>
          %dma_wait3A_262 = arith.constant 0 : i32
          %dma_wait3A_263 = tpu.memref_slice %arg7[%dma_wait3A_256, %dma_wait3A_257, %dma_wait3A_262] : memref<6x1x128xi32, #tpu.memory_space<vmem>> -> memref<1x1x128xi32, #tpu.memory_space<vmem>>
          %dma_wait3A_264 = tpu.memref_squeeze %dma_wait3A_263 : memref<1x1x128xi32, #tpu.memory_space<vmem>> -> memref<128xi32, #tpu.memory_space<vmem>>
          %dma_wait3A_265 = arith.constant 0 : i32
          %dma_wait3A_266 = arith.constant 0 : i32
          %dma_wait3A_267 = tpu.memref_slice %arg9[%dma_wait3A_265, %dma_wait3A_266] : memref<10000x128xf32, #tpu.memory_space<vmem_shared>> -> memref<10000x128xf32, #tpu.memory_space<vmem_shared>>
          tpu.wait_indirect_dma semaphore(%arg19 : memref<!tpu.dma_semaphore, #tpu.memory_space<semaphore_mem>>) src(%dma_wait3A_261 : memref<128x128xf32, #tpu.memory_space<vmem>>) dst(%dma_wait3A_267 : memref<10000x128xf32, #tpu.memory_space<vmem_shared>>)
        } else {
        }
        %add3A_217 = arith.constant 2 : i32
        %add3A_218 = arith.addi %add3A_189, %add3A_217 : i32
        %lt3A_219 = arith.cmpi slt, %add3A_218, %select_n3A : i32
        %convert_element_type3A_220 = arith.extui %lt3A_219 : i1 to i32
        %cond3A_221 = arith.constant 0 : i32
        %cond3A_222 = arith.cmpi ne, %convert_element_type3A_220, %cond3A_221 : i32
        scf.if %cond3A_222 {
          %add3A_255 = arith.constant 2 : i32
          %add3A_256 = arith.addi %add3A_189, %add3A_255 : i32
          %add3A_257 = arith.addi %add3A_6, %add3A_256 : i32
          %mul3A_258 = arith.constant 128 : i32
          %mul3A_259 = arith.muli %add3A_257, %mul3A_258 : i32
          %dma_start3A_260 = arith.constant 4 : i32
          %dma_start3A_261 = arith.constant 0 : i32
          %dma_start3A_262 = arith.constant 0 : i32
          %dma_start3A_263 = tpu.memref_slice %arg6[%dma_start3A_260, %dma_start3A_261, %dma_start3A_262] : memref<6x1x128xi32, #tpu.memory_space<vmem>> -> memref<1x1x128xi32, #tpu.memory_space<vmem>>
          %dma_start3A_264 = tpu.memref_squeeze %dma_start3A_263 : memref<1x1x128xi32, #tpu.memory_space<vmem>> -> memref<1x128xi32, #tpu.memory_space<vmem>>
          %dma_start3A_265 = arith.constant 0 : i32
          %dma_start3A_266 = tpu.memref_slice %arg3[%dma_start3A_265, %mul3A_259] : memref<2x320000xi32, #tpu.memory_space<hbm>> -> memref<1x128xi32, #tpu.memory_space<hbm>>
          %dma_start3A_267 = arith.constant 0 : i32
          %dma_start3A_268 = arith.constant 0 : i32
          %dma_start3A_269 = tpu.memref_slice %arg6[%dma_start3A_260, %dma_start3A_267, %dma_start3A_268] : memref<6x1x128xi32, #tpu.memory_space<vmem>> -> memref<1x1x128xi32, #tpu.memory_space<vmem>>
          %dma_start3A_270 = tpu.memref_squeeze %dma_start3A_269 : memref<1x1x128xi32, #tpu.memory_space<vmem>> -> memref<1x128xi32, #tpu.memory_space<vmem>>
          %dma_start3A_271 = arith.constant 0 : i32
          %dma_start3A_272 = tpu.memref_slice %arg3[%dma_start3A_271, %mul3A_259] : memref<2x320000xi32, #tpu.memory_space<hbm>> -> memref<1x128xi32, #tpu.memory_space<hbm>>
          tpu.enqueue_dma source(%dma_start3A_272 : memref<1x128xi32, #tpu.memory_space<hbm>>) target(%dma_start3A_270 : memref<1x128xi32, #tpu.memory_space<vmem>>) target_semaphore(%arg14 : memref<!tpu.dma_semaphore, #tpu.memory_space<semaphore_mem>>)
          %add3A_273 = arith.addi %add3A_6, %add3A_256 : i32
          %mul3A_274 = arith.constant 128 : i32
          %mul3A_275 = arith.muli %add3A_273, %mul3A_274 : i32
          %dma_start3A_276 = arith.constant 4 : i32
          %dma_start3A_277 = arith.constant 0 : i32
          %dma_start3A_278 = arith.constant 0 : i32
          %dma_start3A_279 = tpu.memref_slice %arg7[%dma_start3A_276, %dma_start3A_277, %dma_start3A_278] : memref<6x1x128xi32, #tpu.memory_space<vmem>> -> memref<1x1x128xi32, #tpu.memory_space<vmem>>
          %dma_start3A_280 = tpu.memref_squeeze %dma_start3A_279 : memref<1x1x128xi32, #tpu.memory_space<vmem>> -> memref<1x128xi32, #tpu.memory_space<vmem>>
          %dma_start3A_281 = arith.constant 1 : i32
          %dma_start3A_282 = tpu.memref_slice %arg3[%dma_start3A_281, %mul3A_275] : memref<2x320000xi32, #tpu.memory_space<hbm>> -> memref<1x128xi32, #tpu.memory_space<hbm>>
          %dma_start3A_283 = arith.constant 0 : i32
          %dma_start3A_284 = arith.constant 0 : i32
          %dma_start3A_285 = tpu.memref_slice %arg7[%dma_start3A_276, %dma_start3A_283, %dma_start3A_284] : memref<6x1x128xi32, #tpu.memory_space<vmem>> -> memref<1x1x128xi32, #tpu.memory_space<vmem>>
          %dma_start3A_286 = tpu.memref_squeeze %dma_start3A_285 : memref<1x1x128xi32, #tpu.memory_space<vmem>> -> memref<1x128xi32, #tpu.memory_space<vmem>>
          %dma_start3A_287 = arith.constant 1 : i32
          %dma_start3A_288 = tpu.memref_slice %arg3[%dma_start3A_287, %mul3A_275] : memref<2x320000xi32, #tpu.memory_space<hbm>> -> memref<1x128xi32, #tpu.memory_space<hbm>>
          tpu.enqueue_dma source(%dma_start3A_288 : memref<1x128xi32, #tpu.memory_space<hbm>>) target(%dma_start3A_286 : memref<1x128xi32, #tpu.memory_space<vmem>>) target_semaphore(%arg14 : memref<!tpu.dma_semaphore, #tpu.memory_space<semaphore_mem>>)
        } else {
        }
        %add3A_223 = arith.constant 1 : i32
        %add3A_224 = arith.addi %add3A_189, %add3A_223 : i32
        %lt3A_225 = arith.cmpi slt, %add3A_224, %select_n3A : i32
        %convert_element_type3A_226 = arith.extui %lt3A_225 : i1 to i32
        %cond3A_227 = arith.constant 0 : i32
        %cond3A_228 = arith.cmpi ne, %convert_element_type3A_226, %cond3A_227 : i32
        scf.if %cond3A_228 {
          %add3A_255 = arith.constant 1 : i32
          %add3A_256 = arith.addi %add3A_189, %add3A_255 : i32
          %add3A_257 = arith.addi %add3A_6, %add3A_256 : i32
          %mul3A_258 = arith.constant 128 : i32
          %mul3A_259 = arith.muli %add3A_257, %mul3A_258 : i32
          %dma_wait3A_260 = arith.constant 3 : i32
          %dma_wait3A_261 = arith.constant 0 : i32
          %dma_wait3A_262 = arith.constant 0 : i32
          %dma_wait3A_263 = tpu.memref_slice %arg6[%dma_wait3A_260, %dma_wait3A_261, %dma_wait3A_262] : memref<6x1x128xi32, #tpu.memory_space<vmem>> -> memref<1x1x128xi32, #tpu.memory_space<vmem>>
          %dma_wait3A_264 = tpu.memref_squeeze %dma_wait3A_263 : memref<1x1x128xi32, #tpu.memory_space<vmem>> -> memref<1x128xi32, #tpu.memory_space<vmem>>
          %dma_wait3A_265 = arith.constant 0 : i32
          %dma_wait3A_266 = tpu.memref_slice %arg3[%dma_wait3A_265, %mul3A_259] : memref<2x320000xi32, #tpu.memory_space<hbm>> -> memref<1x128xi32, #tpu.memory_space<hbm>>
          %dma_wait3A_267 = arith.constant 0 : i32
          %dma_wait3A_268 = arith.constant 0 : i32
          %dma_wait3A_269 = tpu.memref_slice %arg6[%dma_wait3A_260, %dma_wait3A_267, %dma_wait3A_268] : memref<6x1x128xi32, #tpu.memory_space<vmem>> -> memref<1x1x128xi32, #tpu.memory_space<vmem>>
          %dma_wait3A_270 = tpu.memref_squeeze %dma_wait3A_269 : memref<1x1x128xi32, #tpu.memory_space<vmem>> -> memref<1x128xi32, #tpu.memory_space<vmem>>
          %dma_wait3A_271 = arith.constant 0 : i32
          %dma_wait3A_272 = tpu.memref_slice %arg3[%dma_wait3A_271, %mul3A_259] : memref<2x320000xi32, #tpu.memory_space<hbm>> -> memref<1x128xi32, #tpu.memory_space<hbm>>
          tpu.wait_dma2 semaphore(%arg13 : memref<!tpu.dma_semaphore, #tpu.memory_space<semaphore_mem>>) src(%dma_wait3A_272 : memref<1x128xi32, #tpu.memory_space<hbm>>) dst(%dma_wait3A_270 : memref<1x128xi32, #tpu.memory_space<vmem>>)
          %add3A_273 = arith.addi %add3A_6, %add3A_256 : i32
          %mul3A_274 = arith.constant 128 : i32
          %mul3A_275 = arith.muli %add3A_273, %mul3A_274 : i32
          %dma_wait3A_276 = arith.constant 3 : i32
          %dma_wait3A_277 = arith.constant 0 : i32
          %dma_wait3A_278 = arith.constant 0 : i32
          %dma_wait3A_279 = tpu.memref_slice %arg7[%dma_wait3A_276, %dma_wait3A_277, %dma_wait3A_278] : memref<6x1x128xi32, #tpu.memory_space<vmem>> -> memref<1x1x128xi32, #tpu.memory_space<vmem>>
          %dma_wait3A_280 = tpu.memref_squeeze %dma_wait3A_279 : memref<1x1x128xi32, #tpu.memory_space<vmem>> -> memref<1x128xi32, #tpu.memory_space<vmem>>
          %dma_wait3A_281 = arith.constant 1 : i32
          %dma_wait3A_282 = tpu.memref_slice %arg3[%dma_wait3A_281, %mul3A_275] : memref<2x320000xi32, #tpu.memory_space<hbm>> -> memref<1x128xi32, #tpu.memory_space<hbm>>
          %dma_wait3A_283 = arith.constant 0 : i32
          %dma_wait3A_284 = arith.constant 0 : i32
          %dma_wait3A_285 = tpu.memref_slice %arg7[%dma_wait3A_276, %dma_wait3A_283, %dma_wait3A_284] : memref<6x1x128xi32, #tpu.memory_space<vmem>> -> memref<1x1x128xi32, #tpu.memory_space<vmem>>
          %dma_wait3A_286 = tpu.memref_squeeze %dma_wait3A_285 : memref<1x1x128xi32, #tpu.memory_space<vmem>> -> memref<1x128xi32, #tpu.memory_space<vmem>>
          %dma_wait3A_287 = arith.constant 1 : i32
          %dma_wait3A_288 = tpu.memref_slice %arg3[%dma_wait3A_287, %mul3A_275] : memref<2x320000xi32, #tpu.memory_space<hbm>> -> memref<1x128xi32, #tpu.memory_space<hbm>>
          tpu.wait_dma2 semaphore(%arg13 : memref<!tpu.dma_semaphore, #tpu.memory_space<semaphore_mem>>) src(%dma_wait3A_288 : memref<1x128xi32, #tpu.memory_space<hbm>>) dst(%dma_wait3A_286 : memref<1x128xi32, #tpu.memory_space<vmem>>)
          %dma_start3A_289 = arith.constant 3 : i32
          %dma_start3A_290 = arith.constant 0 : i32
          %dma_start3A_291 = arith.constant 0 : i32
          %dma_start3A_292 = arith.constant 0 : i32
          %dma_start3A_293 = arith.constant 0 : i32
          %dma_start3A_294 = tpu.memref_slice %arg8[%dma_start3A_291, %dma_start3A_292, %dma_start3A_293] : memref<3x128x128xf32, #tpu.memory_space<vmem>> -> memref<1x128x128xf32, #tpu.memory_space<vmem>>
          %dma_start3A_295 = tpu.memref_squeeze %dma_start3A_294 : memref<1x128x128xf32, #tpu.memory_space<vmem>> -> memref<128x128xf32, #tpu.memory_space<vmem>>
          %dma_start3A_296 = arith.constant 0 : i32
          %dma_start3A_297 = tpu.memref_slice %arg6[%dma_start3A_289, %dma_start3A_290, %dma_start3A_296] : memref<6x1x128xi32, #tpu.memory_space<vmem>> -> memref<1x1x128xi32, #tpu.memory_space<vmem>>
          %dma_start3A_298 = tpu.memref_squeeze %dma_start3A_297 : memref<1x1x128xi32, #tpu.memory_space<vmem>> -> memref<128xi32, #tpu.memory_space<vmem>>
          %dma_start3A_299 = arith.constant 0 : i32
          %dma_start3A_300 = arith.constant 0 : i32
          %dma_start3A_301 = tpu.memref_slice %arg2[%dma_start3A_299, %dma_start3A_300] : memref<10000x128xf32, #tpu.memory_space<hbm>> -> memref<10000x128xf32, #tpu.memory_space<hbm>>
          tpu.enqueue_indirect_dma source(%dma_start3A_301 : memref<10000x128xf32, #tpu.memory_space<hbm>>) target(%dma_start3A_295 : memref<128x128xf32, #tpu.memory_space<vmem>>) offsets(%dma_start3A_298 : memref<128xi32, #tpu.memory_space<vmem>>) semaphore(%arg16 : memref<!tpu.dma_semaphore, #tpu.memory_space<semaphore_mem>>)
        } else {
        }
        %dma_wait3A_229 = arith.constant 2 : i32
        %dma_wait3A_230 = arith.constant 0 : i32
        %dma_wait3A_231 = arith.constant 2 : i32
        %dma_wait3A_232 = arith.constant 0 : i32
        %dma_wait3A_233 = arith.constant 0 : i32
        %dma_wait3A_234 = tpu.memref_slice %arg8[%dma_wait3A_231, %dma_wait3A_232, %dma_wait3A_233] : memref<3x128x128xf32, #tpu.memory_space<vmem>> -> memref<1x128x128xf32, #tpu.memory_space<vmem>>
        %dma_wait3A_235 = tpu.memref_squeeze %dma_wait3A_234 : memref<1x128x128xf32, #tpu.memory_space<vmem>> -> memref<128x128xf32, #tpu.memory_space<vmem>>
        %dma_wait3A_236 = arith.constant 0 : i32
        %dma_wait3A_237 = tpu.memref_slice %arg6[%dma_wait3A_229, %dma_wait3A_230, %dma_wait3A_236] : memref<6x1x128xi32, #tpu.memory_space<vmem>> -> memref<1x1x128xi32, #tpu.memory_space<vmem>>
        %dma_wait3A_238 = tpu.memref_squeeze %dma_wait3A_237 : memref<1x1x128xi32, #tpu.memory_space<vmem>> -> memref<128xi32, #tpu.memory_space<vmem>>
        %dma_wait3A_239 = arith.constant 0 : i32
        %dma_wait3A_240 = arith.constant 0 : i32
        %dma_wait3A_241 = tpu.memref_slice %arg2[%dma_wait3A_239, %dma_wait3A_240] : memref<10000x128xf32, #tpu.memory_space<hbm>> -> memref<10000x128xf32, #tpu.memory_space<hbm>>
        tpu.wait_indirect_dma semaphore(%arg18 : memref<!tpu.dma_semaphore, #tpu.memory_space<semaphore_mem>>) src(%dma_wait3A_241 : memref<10000x128xf32, #tpu.memory_space<hbm>>) dst(%dma_wait3A_235 : memref<128x128xf32, #tpu.memory_space<vmem>>)
        %dma_start3A_242 = arith.constant 2 : i32
        %dma_start3A_243 = arith.constant 2 : i32
        %dma_start3A_244 = arith.constant 0 : i32
        %dma_start3A_245 = arith.constant 0 : i32
        %dma_start3A_246 = arith.constant 0 : i32
        %dma_start3A_247 = tpu.memref_slice %arg8[%dma_start3A_242, %dma_start3A_245, %dma_start3A_246] : memref<3x128x128xf32, #tpu.memory_space<vmem>> -> memref<1x128x128xf32, #tpu.memory_space<vmem>>
        %dma_start3A_248 = tpu.memref_squeeze %dma_start3A_247 : memref<1x128x128xf32, #tpu.memory_space<vmem>> -> memref<128x128xf32, #tpu.memory_space<vmem>>
        %dma_start3A_249 = arith.constant 0 : i32
        %dma_start3A_250 = tpu.memref_slice %arg7[%dma_start3A_243, %dma_start3A_244, %dma_start3A_249] : memref<6x1x128xi32, #tpu.memory_space<vmem>> -> memref<1x1x128xi32, #tpu.memory_space<vmem>>
        %dma_start3A_251 = tpu.memref_squeeze %dma_start3A_250 : memref<1x1x128xi32, #tpu.memory_space<vmem>> -> memref<128xi32, #tpu.memory_space<vmem>>
        %dma_start3A_252 = arith.constant 0 : i32
        %dma_start3A_253 = arith.constant 0 : i32
        %dma_start3A_254 = tpu.memref_slice %arg9[%dma_start3A_252, %dma_start3A_253] : memref<10000x128xf32, #tpu.memory_space<vmem_shared>> -> memref<10000x128xf32, #tpu.memory_space<vmem_shared>>
        tpu.enqueue_indirect_dma source(%dma_start3A_248 : memref<128x128xf32, #tpu.memory_space<vmem>>) target(%dma_start3A_254 : memref<10000x128xf32, #tpu.memory_space<vmem_shared>>) offsets(%dma_start3A_251 : memref<128xi32, #tpu.memory_space<vmem>>) semaphore(%arg21 : memref<!tpu.dma_semaphore, #tpu.memory_space<semaphore_mem>>) {add = true}
      } else {
      }
      %add3A_194 = arith.constant 3 : i32
      %add3A_195 = arith.addi %add3A_175, %add3A_194 : i32
      %lt3A_196 = arith.cmpi slt, %add3A_195, %select_n3A : i32
      %convert_element_type3A_197 = arith.extui %lt3A_196 : i1 to i32
      %cond3A_198 = arith.constant 0 : i32
      %cond3A_199 = arith.cmpi ne, %convert_element_type3A_197, %cond3A_198 : i32
      scf.if %cond3A_199 {
        %ge3A_212 = arith.constant 2 : i32
        %ge3A_213 = arith.cmpi sge, %add3A_195, %ge3A_212 : i32
        %convert_element_type3A_214 = arith.extui %ge3A_213 : i1 to i32
        %cond3A_215 = arith.constant 0 : i32
        %cond3A_216 = arith.cmpi ne, %convert_element_type3A_214, %cond3A_215 : i32
        scf.if %cond3A_216 {
          %dma_wait3A_255 = arith.constant 1 : i32
          %dma_wait3A_256 = arith.constant 1 : i32
          %dma_wait3A_257 = arith.constant 0 : i32
          %dma_wait3A_258 = arith.constant 0 : i32
          %dma_wait3A_259 = arith.constant 0 : i32
          %dma_wait3A_260 = tpu.memref_slice %arg8[%dma_wait3A_255, %dma_wait3A_258, %dma_wait3A_259] : memref<3x128x128xf32, #tpu.memory_space<vmem>> -> memref<1x128x128xf32, #tpu.memory_space<vmem>>
          %dma_wait3A_261 = tpu.memref_squeeze %dma_wait3A_260 : memref<1x128x128xf32, #tpu.memory_space<vmem>> -> memref<128x128xf32, #tpu.memory_space<vmem>>
          %dma_wait3A_262 = arith.constant 0 : i32
          %dma_wait3A_263 = tpu.memref_slice %arg7[%dma_wait3A_256, %dma_wait3A_257, %dma_wait3A_262] : memref<6x1x128xi32, #tpu.memory_space<vmem>> -> memref<1x1x128xi32, #tpu.memory_space<vmem>>
          %dma_wait3A_264 = tpu.memref_squeeze %dma_wait3A_263 : memref<1x1x128xi32, #tpu.memory_space<vmem>> -> memref<128xi32, #tpu.memory_space<vmem>>
          %dma_wait3A_265 = arith.constant 0 : i32
          %dma_wait3A_266 = arith.constant 0 : i32
          %dma_wait3A_267 = tpu.memref_slice %arg9[%dma_wait3A_265, %dma_wait3A_266] : memref<10000x128xf32, #tpu.memory_space<vmem_shared>> -> memref<10000x128xf32, #tpu.memory_space<vmem_shared>>
          tpu.wait_indirect_dma semaphore(%arg20 : memref<!tpu.dma_semaphore, #tpu.memory_space<semaphore_mem>>) src(%dma_wait3A_261 : memref<128x128xf32, #tpu.memory_space<vmem>>) dst(%dma_wait3A_267 : memref<10000x128xf32, #tpu.memory_space<vmem_shared>>)
        } else {
        }
        %add3A_217 = arith.constant 2 : i32
        %add3A_218 = arith.addi %add3A_195, %add3A_217 : i32
        %lt3A_219 = arith.cmpi slt, %add3A_218, %select_n3A : i32
        %convert_element_type3A_220 = arith.extui %lt3A_219 : i1 to i32
        %cond3A_221 = arith.constant 0 : i32
        %cond3A_222 = arith.cmpi ne, %convert_element_type3A_220, %cond3A_221 : i32
        scf.if %cond3A_222 {
          %add3A_255 = arith.constant 2 : i32
          %add3A_256 = arith.addi %add3A_195, %add3A_255 : i32
          %add3A_257 = arith.addi %add3A_6, %add3A_256 : i32
          %mul3A_258 = arith.constant 128 : i32
          %mul3A_259 = arith.muli %add3A_257, %mul3A_258 : i32
          %dma_start3A_260 = arith.constant 5 : i32
          %dma_start3A_261 = arith.constant 0 : i32
          %dma_start3A_262 = arith.constant 0 : i32
          %dma_start3A_263 = tpu.memref_slice %arg6[%dma_start3A_260, %dma_start3A_261, %dma_start3A_262] : memref<6x1x128xi32, #tpu.memory_space<vmem>> -> memref<1x1x128xi32, #tpu.memory_space<vmem>>
          %dma_start3A_264 = tpu.memref_squeeze %dma_start3A_263 : memref<1x1x128xi32, #tpu.memory_space<vmem>> -> memref<1x128xi32, #tpu.memory_space<vmem>>
          %dma_start3A_265 = arith.constant 0 : i32
          %dma_start3A_266 = tpu.memref_slice %arg3[%dma_start3A_265, %mul3A_259] : memref<2x320000xi32, #tpu.memory_space<hbm>> -> memref<1x128xi32, #tpu.memory_space<hbm>>
          %dma_start3A_267 = arith.constant 0 : i32
          %dma_start3A_268 = arith.constant 0 : i32
          %dma_start3A_269 = tpu.memref_slice %arg6[%dma_start3A_260, %dma_start3A_267, %dma_start3A_268] : memref<6x1x128xi32, #tpu.memory_space<vmem>> -> memref<1x1x128xi32, #tpu.memory_space<vmem>>
          %dma_start3A_270 = tpu.memref_squeeze %dma_start3A_269 : memref<1x1x128xi32, #tpu.memory_space<vmem>> -> memref<1x128xi32, #tpu.memory_space<vmem>>
          %dma_start3A_271 = arith.constant 0 : i32
          %dma_start3A_272 = tpu.memref_slice %arg3[%dma_start3A_271, %mul3A_259] : memref<2x320000xi32, #tpu.memory_space<hbm>> -> memref<1x128xi32, #tpu.memory_space<hbm>>
          tpu.enqueue_dma source(%dma_start3A_272 : memref<1x128xi32, #tpu.memory_space<hbm>>) target(%dma_start3A_270 : memref<1x128xi32, #tpu.memory_space<vmem>>) target_semaphore(%arg15 : memref<!tpu.dma_semaphore, #tpu.memory_space<semaphore_mem>>)
          %add3A_273 = arith.addi %add3A_6, %add3A_256 : i32
          %mul3A_274 = arith.constant 128 : i32
          %mul3A_275 = arith.muli %add3A_273, %mul3A_274 : i32
          %dma_start3A_276 = arith.constant 5 : i32
          %dma_start3A_277 = arith.constant 0 : i32
          %dma_start3A_278 = arith.constant 0 : i32
          %dma_start3A_279 = tpu.memref_slice %arg7[%dma_start3A_276, %dma_start3A_277, %dma_start3A_278] : memref<6x1x128xi32, #tpu.memory_space<vmem>> -> memref<1x1x128xi32, #tpu.memory_space<vmem>>
          %dma_start3A_280 = tpu.memref_squeeze %dma_start3A_279 : memref<1x1x128xi32, #tpu.memory_space<vmem>> -> memref<1x128xi32, #tpu.memory_space<vmem>>
          %dma_start3A_281 = arith.constant 1 : i32
          %dma_start3A_282 = tpu.memref_slice %arg3[%dma_start3A_281, %mul3A_275] : memref<2x320000xi32, #tpu.memory_space<hbm>> -> memref<1x128xi32, #tpu.memory_space<hbm>>
          %dma_start3A_283 = arith.constant 0 : i32
          %dma_start3A_284 = arith.constant 0 : i32
          %dma_start3A_285 = tpu.memref_slice %arg7[%dma_start3A_276, %dma_start3A_283, %dma_start3A_284] : memref<6x1x128xi32, #tpu.memory_space<vmem>> -> memref<1x1x128xi32, #tpu.memory_space<vmem>>
          %dma_start3A_286 = tpu.memref_squeeze %dma_start3A_285 : memref<1x1x128xi32, #tpu.memory_space<vmem>> -> memref<1x128xi32, #tpu.memory_space<vmem>>
          %dma_start3A_287 = arith.constant 1 : i32
          %dma_start3A_288 = tpu.memref_slice %arg3[%dma_start3A_287, %mul3A_275] : memref<2x320000xi32, #tpu.memory_space<hbm>> -> memref<1x128xi32, #tpu.memory_space<hbm>>
          tpu.enqueue_dma source(%dma_start3A_288 : memref<1x128xi32, #tpu.memory_space<hbm>>) target(%dma_start3A_286 : memref<1x128xi32, #tpu.memory_space<vmem>>) target_semaphore(%arg15 : memref<!tpu.dma_semaphore, #tpu.memory_space<semaphore_mem>>)
        } else {
        }
        %add3A_223 = arith.constant 1 : i32
        %add3A_224 = arith.addi %add3A_195, %add3A_223 : i32
        %lt3A_225 = arith.cmpi slt, %add3A_224, %select_n3A : i32
        %convert_element_type3A_226 = arith.extui %lt3A_225 : i1 to i32
        %cond3A_227 = arith.constant 0 : i32
        %cond3A_228 = arith.cmpi ne, %convert_element_type3A_226, %cond3A_227 : i32
        scf.if %cond3A_228 {
          %add3A_255 = arith.constant 1 : i32
          %add3A_256 = arith.addi %add3A_195, %add3A_255 : i32
          %add3A_257 = arith.addi %add3A_6, %add3A_256 : i32
          %mul3A_258 = arith.constant 128 : i32
          %mul3A_259 = arith.muli %add3A_257, %mul3A_258 : i32
          %dma_wait3A_260 = arith.constant 4 : i32
          %dma_wait3A_261 = arith.constant 0 : i32
          %dma_wait3A_262 = arith.constant 0 : i32
          %dma_wait3A_263 = tpu.memref_slice %arg6[%dma_wait3A_260, %dma_wait3A_261, %dma_wait3A_262] : memref<6x1x128xi32, #tpu.memory_space<vmem>> -> memref<1x1x128xi32, #tpu.memory_space<vmem>>
          %dma_wait3A_264 = tpu.memref_squeeze %dma_wait3A_263 : memref<1x1x128xi32, #tpu.memory_space<vmem>> -> memref<1x128xi32, #tpu.memory_space<vmem>>
          %dma_wait3A_265 = arith.constant 0 : i32
          %dma_wait3A_266 = tpu.memref_slice %arg3[%dma_wait3A_265, %mul3A_259] : memref<2x320000xi32, #tpu.memory_space<hbm>> -> memref<1x128xi32, #tpu.memory_space<hbm>>
          %dma_wait3A_267 = arith.constant 0 : i32
          %dma_wait3A_268 = arith.constant 0 : i32
          %dma_wait3A_269 = tpu.memref_slice %arg6[%dma_wait3A_260, %dma_wait3A_267, %dma_wait3A_268] : memref<6x1x128xi32, #tpu.memory_space<vmem>> -> memref<1x1x128xi32, #tpu.memory_space<vmem>>
          %dma_wait3A_270 = tpu.memref_squeeze %dma_wait3A_269 : memref<1x1x128xi32, #tpu.memory_space<vmem>> -> memref<1x128xi32, #tpu.memory_space<vmem>>
          %dma_wait3A_271 = arith.constant 0 : i32
          %dma_wait3A_272 = tpu.memref_slice %arg3[%dma_wait3A_271, %mul3A_259] : memref<2x320000xi32, #tpu.memory_space<hbm>> -> memref<1x128xi32, #tpu.memory_space<hbm>>
          tpu.wait_dma2 semaphore(%arg14 : memref<!tpu.dma_semaphore, #tpu.memory_space<semaphore_mem>>) src(%dma_wait3A_272 : memref<1x128xi32, #tpu.memory_space<hbm>>) dst(%dma_wait3A_270 : memref<1x128xi32, #tpu.memory_space<vmem>>)
          %add3A_273 = arith.addi %add3A_6, %add3A_256 : i32
          %mul3A_274 = arith.constant 128 : i32
          %mul3A_275 = arith.muli %add3A_273, %mul3A_274 : i32
          %dma_wait3A_276 = arith.constant 4 : i32
          %dma_wait3A_277 = arith.constant 0 : i32
          %dma_wait3A_278 = arith.constant 0 : i32
          %dma_wait3A_279 = tpu.memref_slice %arg7[%dma_wait3A_276, %dma_wait3A_277, %dma_wait3A_278] : memref<6x1x128xi32, #tpu.memory_space<vmem>> -> memref<1x1x128xi32, #tpu.memory_space<vmem>>
          %dma_wait3A_280 = tpu.memref_squeeze %dma_wait3A_279 : memref<1x1x128xi32, #tpu.memory_space<vmem>> -> memref<1x128xi32, #tpu.memory_space<vmem>>
          %dma_wait3A_281 = arith.constant 1 : i32
          %dma_wait3A_282 = tpu.memref_slice %arg3[%dma_wait3A_281, %mul3A_275] : memref<2x320000xi32, #tpu.memory_space<hbm>> -> memref<1x128xi32, #tpu.memory_space<hbm>>
          %dma_wait3A_283 = arith.constant 0 : i32
          %dma_wait3A_284 = arith.constant 0 : i32
          %dma_wait3A_285 = tpu.memref_slice %arg7[%dma_wait3A_276, %dma_wait3A_283, %dma_wait3A_284] : memref<6x1x128xi32, #tpu.memory_space<vmem>> -> memref<1x1x128xi32, #tpu.memory_space<vmem>>
          %dma_wait3A_286 = tpu.memref_squeeze %dma_wait3A_285 : memref<1x1x128xi32, #tpu.memory_space<vmem>> -> memref<1x128xi32, #tpu.memory_space<vmem>>
          %dma_wait3A_287 = arith.constant 1 : i32
          %dma_wait3A_288 = tpu.memref_slice %arg3[%dma_wait3A_287, %mul3A_275] : memref<2x320000xi32, #tpu.memory_space<hbm>> -> memref<1x128xi32, #tpu.memory_space<hbm>>
          tpu.wait_dma2 semaphore(%arg14 : memref<!tpu.dma_semaphore, #tpu.memory_space<semaphore_mem>>) src(%dma_wait3A_288 : memref<1x128xi32, #tpu.memory_space<hbm>>) dst(%dma_wait3A_286 : memref<1x128xi32, #tpu.memory_space<vmem>>)
          %dma_start3A_289 = arith.constant 4 : i32
          %dma_start3A_290 = arith.constant 0 : i32
          %dma_start3A_291 = arith.constant 1 : i32
          %dma_start3A_292 = arith.constant 0 : i32
          %dma_start3A_293 = arith.constant 0 : i32
          %dma_start3A_294 = tpu.memref_slice %arg8[%dma_start3A_291, %dma_start3A_292, %dma_start3A_293] : memref<3x128x128xf32, #tpu.memory_space<vmem>> -> memref<1x128x128xf32, #tpu.memory_space<vmem>>
          %dma_start3A_295 = tpu.memref_squeeze %dma_start3A_294 : memref<1x128x128xf32, #tpu.memory_space<vmem>> -> memref<128x128xf32, #tpu.memory_space<vmem>>
          %dma_start3A_296 = arith.constant 0 : i32
          %dma_start3A_297 = tpu.memref_slice %arg6[%dma_start3A_289, %dma_start3A_290, %dma_start3A_296] : memref<6x1x128xi32, #tpu.memory_space<vmem>> -> memref<1x1x128xi32, #tpu.memory_space<vmem>>
          %dma_start3A_298 = tpu.memref_squeeze %dma_start3A_297 : memref<1x1x128xi32, #tpu.memory_space<vmem>> -> memref<128xi32, #tpu.memory_space<vmem>>
          %dma_start3A_299 = arith.constant 0 : i32
          %dma_start3A_300 = arith.constant 0 : i32
          %dma_start3A_301 = tpu.memref_slice %arg2[%dma_start3A_299, %dma_start3A_300] : memref<10000x128xf32, #tpu.memory_space<hbm>> -> memref<10000x128xf32, #tpu.memory_space<hbm>>
          tpu.enqueue_indirect_dma source(%dma_start3A_301 : memref<10000x128xf32, #tpu.memory_space<hbm>>) target(%dma_start3A_295 : memref<128x128xf32, #tpu.memory_space<vmem>>) offsets(%dma_start3A_298 : memref<128xi32, #tpu.memory_space<vmem>>) semaphore(%arg17 : memref<!tpu.dma_semaphore, #tpu.memory_space<semaphore_mem>>)
        } else {
        }
        %dma_wait3A_229 = arith.constant 3 : i32
        %dma_wait3A_230 = arith.constant 0 : i32
        %dma_wait3A_231 = arith.constant 0 : i32
        %dma_wait3A_232 = arith.constant 0 : i32
        %dma_wait3A_233 = arith.constant 0 : i32
        %dma_wait3A_234 = tpu.memref_slice %arg8[%dma_wait3A_231, %dma_wait3A_232, %dma_wait3A_233] : memref<3x128x128xf32, #tpu.memory_space<vmem>> -> memref<1x128x128xf32, #tpu.memory_space<vmem>>
        %dma_wait3A_235 = tpu.memref_squeeze %dma_wait3A_234 : memref<1x128x128xf32, #tpu.memory_space<vmem>> -> memref<128x128xf32, #tpu.memory_space<vmem>>
        %dma_wait3A_236 = arith.constant 0 : i32
        %dma_wait3A_237 = tpu.memref_slice %arg6[%dma_wait3A_229, %dma_wait3A_230, %dma_wait3A_236] : memref<6x1x128xi32, #tpu.memory_space<vmem>> -> memref<1x1x128xi32, #tpu.memory_space<vmem>>
        %dma_wait3A_238 = tpu.memref_squeeze %dma_wait3A_237 : memref<1x1x128xi32, #tpu.memory_space<vmem>> -> memref<128xi32, #tpu.memory_space<vmem>>
        %dma_wait3A_239 = arith.constant 0 : i32
        %dma_wait3A_240 = arith.constant 0 : i32
        %dma_wait3A_241 = tpu.memref_slice %arg2[%dma_wait3A_239, %dma_wait3A_240] : memref<10000x128xf32, #tpu.memory_space<hbm>> -> memref<10000x128xf32, #tpu.memory_space<hbm>>
        tpu.wait_indirect_dma semaphore(%arg16 : memref<!tpu.dma_semaphore, #tpu.memory_space<semaphore_mem>>) src(%dma_wait3A_241 : memref<10000x128xf32, #tpu.memory_space<hbm>>) dst(%dma_wait3A_235 : memref<128x128xf32, #tpu.memory_space<vmem>>)
        %dma_start3A_242 = arith.constant 0 : i32
        %dma_start3A_243 = arith.constant 3 : i32
        %dma_start3A_244 = arith.constant 0 : i32
        %dma_start3A_245 = arith.constant 0 : i32
        %dma_start3A_246 = arith.constant 0 : i32
        %dma_start3A_247 = tpu.memref_slice %arg8[%dma_start3A_242, %dma_start3A_245, %dma_start3A_246] : memref<3x128x128xf32, #tpu.memory_space<vmem>> -> memref<1x128x128xf32, #tpu.memory_space<vmem>>
        %dma_start3A_248 = tpu.memref_squeeze %dma_start3A_247 : memref<1x128x128xf32, #tpu.memory_space<vmem>> -> memref<128x128xf32, #tpu.memory_space<vmem>>
        %dma_start3A_249 = arith.constant 0 : i32
        %dma_start3A_250 = tpu.memref_slice %arg7[%dma_start3A_243, %dma_start3A_244, %dma_start3A_249] : memref<6x1x128xi32, #tpu.memory_space<vmem>> -> memref<1x1x128xi32, #tpu.memory_space<vmem>>
        %dma_start3A_251 = tpu.memref_squeeze %dma_start3A_250 : memref<1x1x128xi32, #tpu.memory_space<vmem>> -> memref<128xi32, #tpu.memory_space<vmem>>
        %dma_start3A_252 = arith.constant 0 : i32
        %dma_start3A_253 = arith.constant 0 : i32
        %dma_start3A_254 = tpu.memref_slice %arg9[%dma_start3A_252, %dma_start3A_253] : memref<10000x128xf32, #tpu.memory_space<vmem_shared>> -> memref<10000x128xf32, #tpu.memory_space<vmem_shared>>
        tpu.enqueue_indirect_dma source(%dma_start3A_248 : memref<128x128xf32, #tpu.memory_space<vmem>>) target(%dma_start3A_254 : memref<10000x128xf32, #tpu.memory_space<vmem_shared>>) offsets(%dma_start3A_251 : memref<128xi32, #tpu.memory_space<vmem>>) semaphore(%arg19 : memref<!tpu.dma_semaphore, #tpu.memory_space<semaphore_mem>>) {add = true}
      } else {
      }
      %add3A_200 = arith.constant 4 : i32
      %add3A_201 = arith.addi %add3A_175, %add3A_200 : i32
      %lt3A_202 = arith.cmpi slt, %add3A_201, %select_n3A : i32
      %convert_element_type3A_203 = arith.extui %lt3A_202 : i1 to i32
      %cond3A_204 = arith.constant 0 : i32
      %cond3A_205 = arith.cmpi ne, %convert_element_type3A_203, %cond3A_204 : i32
      scf.if %cond3A_205 {
        %ge3A_212 = arith.constant 2 : i32
        %ge3A_213 = arith.cmpi sge, %add3A_201, %ge3A_212 : i32
        %convert_element_type3A_214 = arith.extui %ge3A_213 : i1 to i32
        %cond3A_215 = arith.constant 0 : i32
        %cond3A_216 = arith.cmpi ne, %convert_element_type3A_214, %cond3A_215 : i32
        scf.if %cond3A_216 {
          %dma_wait3A_255 = arith.constant 2 : i32
          %dma_wait3A_256 = arith.constant 2 : i32
          %dma_wait3A_257 = arith.constant 0 : i32
          %dma_wait3A_258 = arith.constant 0 : i32
          %dma_wait3A_259 = arith.constant 0 : i32
          %dma_wait3A_260 = tpu.memref_slice %arg8[%dma_wait3A_255, %dma_wait3A_258, %dma_wait3A_259] : memref<3x128x128xf32, #tpu.memory_space<vmem>> -> memref<1x128x128xf32, #tpu.memory_space<vmem>>
          %dma_wait3A_261 = tpu.memref_squeeze %dma_wait3A_260 : memref<1x128x128xf32, #tpu.memory_space<vmem>> -> memref<128x128xf32, #tpu.memory_space<vmem>>
          %dma_wait3A_262 = arith.constant 0 : i32
          %dma_wait3A_263 = tpu.memref_slice %arg7[%dma_wait3A_256, %dma_wait3A_257, %dma_wait3A_262] : memref<6x1x128xi32, #tpu.memory_space<vmem>> -> memref<1x1x128xi32, #tpu.memory_space<vmem>>
          %dma_wait3A_264 = tpu.memref_squeeze %dma_wait3A_263 : memref<1x1x128xi32, #tpu.memory_space<vmem>> -> memref<128xi32, #tpu.memory_space<vmem>>
          %dma_wait3A_265 = arith.constant 0 : i32
          %dma_wait3A_266 = arith.constant 0 : i32
          %dma_wait3A_267 = tpu.memref_slice %arg9[%dma_wait3A_265, %dma_wait3A_266] : memref<10000x128xf32, #tpu.memory_space<vmem_shared>> -> memref<10000x128xf32, #tpu.memory_space<vmem_shared>>
          tpu.wait_indirect_dma semaphore(%arg21 : memref<!tpu.dma_semaphore, #tpu.memory_space<semaphore_mem>>) src(%dma_wait3A_261 : memref<128x128xf32, #tpu.memory_space<vmem>>) dst(%dma_wait3A_267 : memref<10000x128xf32, #tpu.memory_space<vmem_shared>>)
        } else {
        }
        %add3A_217 = arith.constant 2 : i32
        %add3A_218 = arith.addi %add3A_201, %add3A_217 : i32
        %lt3A_219 = arith.cmpi slt, %add3A_218, %select_n3A : i32
        %convert_element_type3A_220 = arith.extui %lt3A_219 : i1 to i32
        %cond3A_221 = arith.constant 0 : i32
        %cond3A_222 = arith.cmpi ne, %convert_element_type3A_220, %cond3A_221 : i32
        scf.if %cond3A_222 {
          %add3A_255 = arith.constant 2 : i32
          %add3A_256 = arith.addi %add3A_201, %add3A_255 : i32
          %add3A_257 = arith.addi %add3A_6, %add3A_256 : i32
          %mul3A_258 = arith.constant 128 : i32
          %mul3A_259 = arith.muli %add3A_257, %mul3A_258 : i32
          %dma_start3A_260 = arith.constant 0 : i32
          %dma_start3A_261 = arith.constant 0 : i32
          %dma_start3A_262 = arith.constant 0 : i32
          %dma_start3A_263 = tpu.memref_slice %arg6[%dma_start3A_260, %dma_start3A_261, %dma_start3A_262] : memref<6x1x128xi32, #tpu.memory_space<vmem>> -> memref<1x1x128xi32, #tpu.memory_space<vmem>>
          %dma_start3A_264 = tpu.memref_squeeze %dma_start3A_263 : memref<1x1x128xi32, #tpu.memory_space<vmem>> -> memref<1x128xi32, #tpu.memory_space<vmem>>
          %dma_start3A_265 = arith.constant 0 : i32
          %dma_start3A_266 = tpu.memref_slice %arg3[%dma_start3A_265, %mul3A_259] : memref<2x320000xi32, #tpu.memory_space<hbm>> -> memref<1x128xi32, #tpu.memory_space<hbm>>
          %dma_start3A_267 = arith.constant 0 : i32
          %dma_start3A_268 = arith.constant 0 : i32
          %dma_start3A_269 = tpu.memref_slice %arg6[%dma_start3A_260, %dma_start3A_267, %dma_start3A_268] : memref<6x1x128xi32, #tpu.memory_space<vmem>> -> memref<1x1x128xi32, #tpu.memory_space<vmem>>
          %dma_start3A_270 = tpu.memref_squeeze %dma_start3A_269 : memref<1x1x128xi32, #tpu.memory_space<vmem>> -> memref<1x128xi32, #tpu.memory_space<vmem>>
          %dma_start3A_271 = arith.constant 0 : i32
          %dma_start3A_272 = tpu.memref_slice %arg3[%dma_start3A_271, %mul3A_259] : memref<2x320000xi32, #tpu.memory_space<hbm>> -> memref<1x128xi32, #tpu.memory_space<hbm>>
          tpu.enqueue_dma source(%dma_start3A_272 : memref<1x128xi32, #tpu.memory_space<hbm>>) target(%dma_start3A_270 : memref<1x128xi32, #tpu.memory_space<vmem>>) target_semaphore(%arg10 : memref<!tpu.dma_semaphore, #tpu.memory_space<semaphore_mem>>)
          %add3A_273 = arith.addi %add3A_6, %add3A_256 : i32
          %mul3A_274 = arith.constant 128 : i32
          %mul3A_275 = arith.muli %add3A_273, %mul3A_274 : i32
          %dma_start3A_276 = arith.constant 0 : i32
          %dma_start3A_277 = arith.constant 0 : i32
          %dma_start3A_278 = arith.constant 0 : i32
          %dma_start3A_279 = tpu.memref_slice %arg7[%dma_start3A_276, %dma_start3A_277, %dma_start3A_278] : memref<6x1x128xi32, #tpu.memory_space<vmem>> -> memref<1x1x128xi32, #tpu.memory_space<vmem>>
          %dma_start3A_280 = tpu.memref_squeeze %dma_start3A_279 : memref<1x1x128xi32, #tpu.memory_space<vmem>> -> memref<1x128xi32, #tpu.memory_space<vmem>>
          %dma_start3A_281 = arith.constant 1 : i32
          %dma_start3A_282 = tpu.memref_slice %arg3[%dma_start3A_281, %mul3A_275] : memref<2x320000xi32, #tpu.memory_space<hbm>> -> memref<1x128xi32, #tpu.memory_space<hbm>>
          %dma_start3A_283 = arith.constant 0 : i32
          %dma_start3A_284 = arith.constant 0 : i32
          %dma_start3A_285 = tpu.memref_slice %arg7[%dma_start3A_276, %dma_start3A_283, %dma_start3A_284] : memref<6x1x128xi32, #tpu.memory_space<vmem>> -> memref<1x1x128xi32, #tpu.memory_space<vmem>>
          %dma_start3A_286 = tpu.memref_squeeze %dma_start3A_285 : memref<1x1x128xi32, #tpu.memory_space<vmem>> -> memref<1x128xi32, #tpu.memory_space<vmem>>
          %dma_start3A_287 = arith.constant 1 : i32
          %dma_start3A_288 = tpu.memref_slice %arg3[%dma_start3A_287, %mul3A_275] : memref<2x320000xi32, #tpu.memory_space<hbm>> -> memref<1x128xi32, #tpu.memory_space<hbm>>
          tpu.enqueue_dma source(%dma_start3A_288 : memref<1x128xi32, #tpu.memory_space<hbm>>) target(%dma_start3A_286 : memref<1x128xi32, #tpu.memory_space<vmem>>) target_semaphore(%arg10 : memref<!tpu.dma_semaphore, #tpu.memory_space<semaphore_mem>>)
        } else {
        }
        %add3A_223 = arith.constant 1 : i32
        %add3A_224 = arith.addi %add3A_201, %add3A_223 : i32
        %lt3A_225 = arith.cmpi slt, %add3A_224, %select_n3A : i32
        %convert_element_type3A_226 = arith.extui %lt3A_225 : i1 to i32
        %cond3A_227 = arith.constant 0 : i32
        %cond3A_228 = arith.cmpi ne, %convert_element_type3A_226, %cond3A_227 : i32
        scf.if %cond3A_228 {
          %add3A_255 = arith.constant 1 : i32
          %add3A_256 = arith.addi %add3A_201, %add3A_255 : i32
          %add3A_257 = arith.addi %add3A_6, %add3A_256 : i32
          %mul3A_258 = arith.constant 128 : i32
          %mul3A_259 = arith.muli %add3A_257, %mul3A_258 : i32
          %dma_wait3A_260 = arith.constant 5 : i32
          %dma_wait3A_261 = arith.constant 0 : i32
          %dma_wait3A_262 = arith.constant 0 : i32
          %dma_wait3A_263 = tpu.memref_slice %arg6[%dma_wait3A_260, %dma_wait3A_261, %dma_wait3A_262] : memref<6x1x128xi32, #tpu.memory_space<vmem>> -> memref<1x1x128xi32, #tpu.memory_space<vmem>>
          %dma_wait3A_264 = tpu.memref_squeeze %dma_wait3A_263 : memref<1x1x128xi32, #tpu.memory_space<vmem>> -> memref<1x128xi32, #tpu.memory_space<vmem>>
          %dma_wait3A_265 = arith.constant 0 : i32
          %dma_wait3A_266 = tpu.memref_slice %arg3[%dma_wait3A_265, %mul3A_259] : memref<2x320000xi32, #tpu.memory_space<hbm>> -> memref<1x128xi32, #tpu.memory_space<hbm>>
          %dma_wait3A_267 = arith.constant 0 : i32
          %dma_wait3A_268 = arith.constant 0 : i32
          %dma_wait3A_269 = tpu.memref_slice %arg6[%dma_wait3A_260, %dma_wait3A_267, %dma_wait3A_268] : memref<6x1x128xi32, #tpu.memory_space<vmem>> -> memref<1x1x128xi32, #tpu.memory_space<vmem>>
          %dma_wait3A_270 = tpu.memref_squeeze %dma_wait3A_269 : memref<1x1x128xi32, #tpu.memory_space<vmem>> -> memref<1x128xi32, #tpu.memory_space<vmem>>
          %dma_wait3A_271 = arith.constant 0 : i32
          %dma_wait3A_272 = tpu.memref_slice %arg3[%dma_wait3A_271, %mul3A_259] : memref<2x320000xi32, #tpu.memory_space<hbm>> -> memref<1x128xi32, #tpu.memory_space<hbm>>
          tpu.wait_dma2 semaphore(%arg15 : memref<!tpu.dma_semaphore, #tpu.memory_space<semaphore_mem>>) src(%dma_wait3A_272 : memref<1x128xi32, #tpu.memory_space<hbm>>) dst(%dma_wait3A_270 : memref<1x128xi32, #tpu.memory_space<vmem>>)
          %add3A_273 = arith.addi %add3A_6, %add3A_256 : i32
          %mul3A_274 = arith.constant 128 : i32
          %mul3A_275 = arith.muli %add3A_273, %mul3A_274 : i32
          %dma_wait3A_276 = arith.constant 5 : i32
          %dma_wait3A_277 = arith.constant 0 : i32
          %dma_wait3A_278 = arith.constant 0 : i32
          %dma_wait3A_279 = tpu.memref_slice %arg7[%dma_wait3A_276, %dma_wait3A_277, %dma_wait3A_278] : memref<6x1x128xi32, #tpu.memory_space<vmem>> -> memref<1x1x128xi32, #tpu.memory_space<vmem>>
          %dma_wait3A_280 = tpu.memref_squeeze %dma_wait3A_279 : memref<1x1x128xi32, #tpu.memory_space<vmem>> -> memref<1x128xi32, #tpu.memory_space<vmem>>
          %dma_wait3A_281 = arith.constant 1 : i32
          %dma_wait3A_282 = tpu.memref_slice %arg3[%dma_wait3A_281, %mul3A_275] : memref<2x320000xi32, #tpu.memory_space<hbm>> -> memref<1x128xi32, #tpu.memory_space<hbm>>
          %dma_wait3A_283 = arith.constant 0 : i32
          %dma_wait3A_284 = arith.constant 0 : i32
          %dma_wait3A_285 = tpu.memref_slice %arg7[%dma_wait3A_276, %dma_wait3A_283, %dma_wait3A_284] : memref<6x1x128xi32, #tpu.memory_space<vmem>> -> memref<1x1x128xi32, #tpu.memory_space<vmem>>
          %dma_wait3A_286 = tpu.memref_squeeze %dma_wait3A_285 : memref<1x1x128xi32, #tpu.memory_space<vmem>> -> memref<1x128xi32, #tpu.memory_space<vmem>>
          %dma_wait3A_287 = arith.constant 1 : i32
          %dma_wait3A_288 = tpu.memref_slice %arg3[%dma_wait3A_287, %mul3A_275] : memref<2x320000xi32, #tpu.memory_space<hbm>> -> memref<1x128xi32, #tpu.memory_space<hbm>>
          tpu.wait_dma2 semaphore(%arg15 : memref<!tpu.dma_semaphore, #tpu.memory_space<semaphore_mem>>) src(%dma_wait3A_288 : memref<1x128xi32, #tpu.memory_space<hbm>>) dst(%dma_wait3A_286 : memref<1x128xi32, #tpu.memory_space<vmem>>)
          %dma_start3A_289 = arith.constant 5 : i32
          %dma_start3A_290 = arith.constant 0 : i32
          %dma_start3A_291 = arith.constant 2 : i32
          %dma_start3A_292 = arith.constant 0 : i32
          %dma_start3A_293 = arith.constant 0 : i32
          %dma_start3A_294 = tpu.memref_slice %arg8[%dma_start3A_291, %dma_start3A_292, %dma_start3A_293] : memref<3x128x128xf32, #tpu.memory_space<vmem>> -> memref<1x128x128xf32, #tpu.memory_space<vmem>>
          %dma_start3A_295 = tpu.memref_squeeze %dma_start3A_294 : memref<1x128x128xf32, #tpu.memory_space<vmem>> -> memref<128x128xf32, #tpu.memory_space<vmem>>
          %dma_start3A_296 = arith.constant 0 : i32
          %dma_start3A_297 = tpu.memref_slice %arg6[%dma_start3A_289, %dma_start3A_290, %dma_start3A_296] : memref<6x1x128xi32, #tpu.memory_space<vmem>> -> memref<1x1x128xi32, #tpu.memory_space<vmem>>
          %dma_start3A_298 = tpu.memref_squeeze %dma_start3A_297 : memref<1x1x128xi32, #tpu.memory_space<vmem>> -> memref<128xi32, #tpu.memory_space<vmem>>
          %dma_start3A_299 = arith.constant 0 : i32
          %dma_start3A_300 = arith.constant 0 : i32
          %dma_start3A_301 = tpu.memref_slice %arg2[%dma_start3A_299, %dma_start3A_300] : memref<10000x128xf32, #tpu.memory_space<hbm>> -> memref<10000x128xf32, #tpu.memory_space<hbm>>
          tpu.enqueue_indirect_dma source(%dma_start3A_301 : memref<10000x128xf32, #tpu.memory_space<hbm>>) target(%dma_start3A_295 : memref<128x128xf32, #tpu.memory_space<vmem>>) offsets(%dma_start3A_298 : memref<128xi32, #tpu.memory_space<vmem>>) semaphore(%arg18 : memref<!tpu.dma_semaphore, #tpu.memory_space<semaphore_mem>>)
        } else {
        }
        %dma_wait3A_229 = arith.constant 4 : i32
        %dma_wait3A_230 = arith.constant 0 : i32
        %dma_wait3A_231 = arith.constant 1 : i32
        %dma_wait3A_232 = arith.constant 0 : i32
        %dma_wait3A_233 = arith.constant 0 : i32
        %dma_wait3A_234 = tpu.memref_slice %arg8[%dma_wait3A_231, %dma_wait3A_232, %dma_wait3A_233] : memref<3x128x128xf32, #tpu.memory_space<vmem>> -> memref<1x128x128xf32, #tpu.memory_space<vmem>>
        %dma_wait3A_235 = tpu.memref_squeeze %dma_wait3A_234 : memref<1x128x128xf32, #tpu.memory_space<vmem>> -> memref<128x128xf32, #tpu.memory_space<vmem>>
        %dma_wait3A_236 = arith.constant 0 : i32
        %dma_wait3A_237 = tpu.memref_slice %arg6[%dma_wait3A_229, %dma_wait3A_230, %dma_wait3A_236] : memref<6x1x128xi32, #tpu.memory_space<vmem>> -> memref<1x1x128xi32, #tpu.memory_space<vmem>>
        %dma_wait3A_238 = tpu.memref_squeeze %dma_wait3A_237 : memref<1x1x128xi32, #tpu.memory_space<vmem>> -> memref<128xi32, #tpu.memory_space<vmem>>
        %dma_wait3A_239 = arith.constant 0 : i32
        %dma_wait3A_240 = arith.constant 0 : i32
        %dma_wait3A_241 = tpu.memref_slice %arg2[%dma_wait3A_239, %dma_wait3A_240] : memref<10000x128xf32, #tpu.memory_space<hbm>> -> memref<10000x128xf32, #tpu.memory_space<hbm>>
        tpu.wait_indirect_dma semaphore(%arg17 : memref<!tpu.dma_semaphore, #tpu.memory_space<semaphore_mem>>) src(%dma_wait3A_241 : memref<10000x128xf32, #tpu.memory_space<hbm>>) dst(%dma_wait3A_235 : memref<128x128xf32, #tpu.memory_space<vmem>>)
        %dma_start3A_242 = arith.constant 1 : i32
        %dma_start3A_243 = arith.constant 4 : i32
        %dma_start3A_244 = arith.constant 0 : i32
        %dma_start3A_245 = arith.constant 0 : i32
        %dma_start3A_246 = arith.constant 0 : i32
        %dma_start3A_247 = tpu.memref_slice %arg8[%dma_start3A_242, %dma_start3A_245, %dma_start3A_246] : memref<3x128x128xf32, #tpu.memory_space<vmem>> -> memref<1x128x128xf32, #tpu.memory_space<vmem>>
        %dma_start3A_248 = tpu.memref_squeeze %dma_start3A_247 : memref<1x128x128xf32, #tpu.memory_space<vmem>> -> memref<128x128xf32, #tpu.memory_space<vmem>>
        %dma_start3A_249 = arith.constant 0 : i32
        %dma_start3A_250 = tpu.memref_slice %arg7[%dma_start3A_243, %dma_start3A_244, %dma_start3A_249] : memref<6x1x128xi32, #tpu.memory_space<vmem>> -> memref<1x1x128xi32, #tpu.memory_space<vmem>>
        %dma_start3A_251 = tpu.memref_squeeze %dma_start3A_250 : memref<1x1x128xi32, #tpu.memory_space<vmem>> -> memref<128xi32, #tpu.memory_space<vmem>>
        %dma_start3A_252 = arith.constant 0 : i32
        %dma_start3A_253 = arith.constant 0 : i32
        %dma_start3A_254 = tpu.memref_slice %arg9[%dma_start3A_252, %dma_start3A_253] : memref<10000x128xf32, #tpu.memory_space<vmem_shared>> -> memref<10000x128xf32, #tpu.memory_space<vmem_shared>>
        tpu.enqueue_indirect_dma source(%dma_start3A_248 : memref<128x128xf32, #tpu.memory_space<vmem>>) target(%dma_start3A_254 : memref<10000x128xf32, #tpu.memory_space<vmem_shared>>) offsets(%dma_start3A_251 : memref<128xi32, #tpu.memory_space<vmem>>) semaphore(%arg20 : memref<!tpu.dma_semaphore, #tpu.memory_space<semaphore_mem>>) {add = true}
      } else {
      }
      %add3A_206 = arith.constant 5 : i32
      %add3A_207 = arith.addi %add3A_175, %add3A_206 : i32
      %lt3A_208 = arith.cmpi slt, %add3A_207, %select_n3A : i32
      %convert_element_type3A_209 = arith.extui %lt3A_208 : i1 to i32
      %cond3A_210 = arith.constant 0 : i32
      %cond3A_211 = arith.cmpi ne, %convert_element_type3A_209, %cond3A_210 : i32
      scf.if %cond3A_211 {
        %ge3A_212 = arith.constant 2 : i32
        %ge3A_213 = arith.cmpi sge, %add3A_207, %ge3A_212 : i32
        %convert_element_type3A_214 = arith.extui %ge3A_213 : i1 to i32
        %cond3A_215 = arith.constant 0 : i32
        %cond3A_216 = arith.cmpi ne, %convert_element_type3A_214, %cond3A_215 : i32
        scf.if %cond3A_216 {
          %dma_wait3A_255 = arith.constant 0 : i32
          %dma_wait3A_256 = arith.constant 3 : i32
          %dma_wait3A_257 = arith.constant 0 : i32
          %dma_wait3A_258 = arith.constant 0 : i32
          %dma_wait3A_259 = arith.constant 0 : i32
          %dma_wait3A_260 = tpu.memref_slice %arg8[%dma_wait3A_255, %dma_wait3A_258, %dma_wait3A_259] : memref<3x128x128xf32, #tpu.memory_space<vmem>> -> memref<1x128x128xf32, #tpu.memory_space<vmem>>
          %dma_wait3A_261 = tpu.memref_squeeze %dma_wait3A_260 : memref<1x128x128xf32, #tpu.memory_space<vmem>> -> memref<128x128xf32, #tpu.memory_space<vmem>>
          %dma_wait3A_262 = arith.constant 0 : i32
          %dma_wait3A_263 = tpu.memref_slice %arg7[%dma_wait3A_256, %dma_wait3A_257, %dma_wait3A_262] : memref<6x1x128xi32, #tpu.memory_space<vmem>> -> memref<1x1x128xi32, #tpu.memory_space<vmem>>
          %dma_wait3A_264 = tpu.memref_squeeze %dma_wait3A_263 : memref<1x1x128xi32, #tpu.memory_space<vmem>> -> memref<128xi32, #tpu.memory_space<vmem>>
          %dma_wait3A_265 = arith.constant 0 : i32
          %dma_wait3A_266 = arith.constant 0 : i32
          %dma_wait3A_267 = tpu.memref_slice %arg9[%dma_wait3A_265, %dma_wait3A_266] : memref<10000x128xf32, #tpu.memory_space<vmem_shared>> -> memref<10000x128xf32, #tpu.memory_space<vmem_shared>>
          tpu.wait_indirect_dma semaphore(%arg19 : memref<!tpu.dma_semaphore, #tpu.memory_space<semaphore_mem>>) src(%dma_wait3A_261 : memref<128x128xf32, #tpu.memory_space<vmem>>) dst(%dma_wait3A_267 : memref<10000x128xf32, #tpu.memory_space<vmem_shared>>)
        } else {
        }
        %add3A_217 = arith.constant 2 : i32
        %add3A_218 = arith.addi %add3A_207, %add3A_217 : i32
        %lt3A_219 = arith.cmpi slt, %add3A_218, %select_n3A : i32
        %convert_element_type3A_220 = arith.extui %lt3A_219 : i1 to i32
        %cond3A_221 = arith.constant 0 : i32
        %cond3A_222 = arith.cmpi ne, %convert_element_type3A_220, %cond3A_221 : i32
        scf.if %cond3A_222 {
          %add3A_255 = arith.constant 2 : i32
          %add3A_256 = arith.addi %add3A_207, %add3A_255 : i32
          %add3A_257 = arith.addi %add3A_6, %add3A_256 : i32
          %mul3A_258 = arith.constant 128 : i32
          %mul3A_259 = arith.muli %add3A_257, %mul3A_258 : i32
          %dma_start3A_260 = arith.constant 1 : i32
          %dma_start3A_261 = arith.constant 0 : i32
          %dma_start3A_262 = arith.constant 0 : i32
          %dma_start3A_263 = tpu.memref_slice %arg6[%dma_start3A_260, %dma_start3A_261, %dma_start3A_262] : memref<6x1x128xi32, #tpu.memory_space<vmem>> -> memref<1x1x128xi32, #tpu.memory_space<vmem>>
          %dma_start3A_264 = tpu.memref_squeeze %dma_start3A_263 : memref<1x1x128xi32, #tpu.memory_space<vmem>> -> memref<1x128xi32, #tpu.memory_space<vmem>>
          %dma_start3A_265 = arith.constant 0 : i32
          %dma_start3A_266 = tpu.memref_slice %arg3[%dma_start3A_265, %mul3A_259] : memref<2x320000xi32, #tpu.memory_space<hbm>> -> memref<1x128xi32, #tpu.memory_space<hbm>>
          %dma_start3A_267 = arith.constant 0 : i32
          %dma_start3A_268 = arith.constant 0 : i32
          %dma_start3A_269 = tpu.memref_slice %arg6[%dma_start3A_260, %dma_start3A_267, %dma_start3A_268] : memref<6x1x128xi32, #tpu.memory_space<vmem>> -> memref<1x1x128xi32, #tpu.memory_space<vmem>>
          %dma_start3A_270 = tpu.memref_squeeze %dma_start3A_269 : memref<1x1x128xi32, #tpu.memory_space<vmem>> -> memref<1x128xi32, #tpu.memory_space<vmem>>
          %dma_start3A_271 = arith.constant 0 : i32
          %dma_start3A_272 = tpu.memref_slice %arg3[%dma_start3A_271, %mul3A_259] : memref<2x320000xi32, #tpu.memory_space<hbm>> -> memref<1x128xi32, #tpu.memory_space<hbm>>
          tpu.enqueue_dma source(%dma_start3A_272 : memref<1x128xi32, #tpu.memory_space<hbm>>) target(%dma_start3A_270 : memref<1x128xi32, #tpu.memory_space<vmem>>) target_semaphore(%arg11 : memref<!tpu.dma_semaphore, #tpu.memory_space<semaphore_mem>>)
          %add3A_273 = arith.addi %add3A_6, %add3A_256 : i32
          %mul3A_274 = arith.constant 128 : i32
          %mul3A_275 = arith.muli %add3A_273, %mul3A_274 : i32
          %dma_start3A_276 = arith.constant 1 : i32
          %dma_start3A_277 = arith.constant 0 : i32
          %dma_start3A_278 = arith.constant 0 : i32
          %dma_start3A_279 = tpu.memref_slice %arg7[%dma_start3A_276, %dma_start3A_277, %dma_start3A_278] : memref<6x1x128xi32, #tpu.memory_space<vmem>> -> memref<1x1x128xi32, #tpu.memory_space<vmem>>
          %dma_start3A_280 = tpu.memref_squeeze %dma_start3A_279 : memref<1x1x128xi32, #tpu.memory_space<vmem>> -> memref<1x128xi32, #tpu.memory_space<vmem>>
          %dma_start3A_281 = arith.constant 1 : i32
          %dma_start3A_282 = tpu.memref_slice %arg3[%dma_start3A_281, %mul3A_275] : memref<2x320000xi32, #tpu.memory_space<hbm>> -> memref<1x128xi32, #tpu.memory_space<hbm>>
          %dma_start3A_283 = arith.constant 0 : i32
          %dma_start3A_284 = arith.constant 0 : i32
          %dma_start3A_285 = tpu.memref_slice %arg7[%dma_start3A_276, %dma_start3A_283, %dma_start3A_284] : memref<6x1x128xi32, #tpu.memory_space<vmem>> -> memref<1x1x128xi32, #tpu.memory_space<vmem>>
          %dma_start3A_286 = tpu.memref_squeeze %dma_start3A_285 : memref<1x1x128xi32, #tpu.memory_space<vmem>> -> memref<1x128xi32, #tpu.memory_space<vmem>>
          %dma_start3A_287 = arith.constant 1 : i32
          %dma_start3A_288 = tpu.memref_slice %arg3[%dma_start3A_287, %mul3A_275] : memref<2x320000xi32, #tpu.memory_space<hbm>> -> memref<1x128xi32, #tpu.memory_space<hbm>>
          tpu.enqueue_dma source(%dma_start3A_288 : memref<1x128xi32, #tpu.memory_space<hbm>>) target(%dma_start3A_286 : memref<1x128xi32, #tpu.memory_space<vmem>>) target_semaphore(%arg11 : memref<!tpu.dma_semaphore, #tpu.memory_space<semaphore_mem>>)
        } else {
        }
        %add3A_223 = arith.constant 1 : i32
        %add3A_224 = arith.addi %add3A_207, %add3A_223 : i32
        %lt3A_225 = arith.cmpi slt, %add3A_224, %select_n3A : i32
        %convert_element_type3A_226 = arith.extui %lt3A_225 : i1 to i32
        %cond3A_227 = arith.constant 0 : i32
        %cond3A_228 = arith.cmpi ne, %convert_element_type3A_226, %cond3A_227 : i32
        scf.if %cond3A_228 {
          %add3A_255 = arith.constant 1 : i32
          %add3A_256 = arith.addi %add3A_207, %add3A_255 : i32
          %add3A_257 = arith.addi %add3A_6, %add3A_256 : i32
          %mul3A_258 = arith.constant 128 : i32
          %mul3A_259 = arith.muli %add3A_257, %mul3A_258 : i32
          %dma_wait3A_260 = arith.constant 0 : i32
          %dma_wait3A_261 = arith.constant 0 : i32
          %dma_wait3A_262 = arith.constant 0 : i32
          %dma_wait3A_263 = tpu.memref_slice %arg6[%dma_wait3A_260, %dma_wait3A_261, %dma_wait3A_262] : memref<6x1x128xi32, #tpu.memory_space<vmem>> -> memref<1x1x128xi32, #tpu.memory_space<vmem>>
          %dma_wait3A_264 = tpu.memref_squeeze %dma_wait3A_263 : memref<1x1x128xi32, #tpu.memory_space<vmem>> -> memref<1x128xi32, #tpu.memory_space<vmem>>
          %dma_wait3A_265 = arith.constant 0 : i32
          %dma_wait3A_266 = tpu.memref_slice %arg3[%dma_wait3A_265, %mul3A_259] : memref<2x320000xi32, #tpu.memory_space<hbm>> -> memref<1x128xi32, #tpu.memory_space<hbm>>
          %dma_wait3A_267 = arith.constant 0 : i32
          %dma_wait3A_268 = arith.constant 0 : i32
          %dma_wait3A_269 = tpu.memref_slice %arg6[%dma_wait3A_260, %dma_wait3A_267, %dma_wait3A_268] : memref<6x1x128xi32, #tpu.memory_space<vmem>> -> memref<1x1x128xi32, #tpu.memory_space<vmem>>
          %dma_wait3A_270 = tpu.memref_squeeze %dma_wait3A_269 : memref<1x1x128xi32, #tpu.memory_space<vmem>> -> memref<1x128xi32, #tpu.memory_space<vmem>>
          %dma_wait3A_271 = arith.constant 0 : i32
          %dma_wait3A_272 = tpu.memref_slice %arg3[%dma_wait3A_271, %mul3A_259] : memref<2x320000xi32, #tpu.memory_space<hbm>> -> memref<1x128xi32, #tpu.memory_space<hbm>>
          tpu.wait_dma2 semaphore(%arg10 : memref<!tpu.dma_semaphore, #tpu.memory_space<semaphore_mem>>) src(%dma_wait3A_272 : memref<1x128xi32, #tpu.memory_space<hbm>>) dst(%dma_wait3A_270 : memref<1x128xi32, #tpu.memory_space<vmem>>)
          %add3A_273 = arith.addi %add3A_6, %add3A_256 : i32
          %mul3A_274 = arith.constant 128 : i32
          %mul3A_275 = arith.muli %add3A_273, %mul3A_274 : i32
          %dma_wait3A_276 = arith.constant 0 : i32
          %dma_wait3A_277 = arith.constant 0 : i32
          %dma_wait3A_278 = arith.constant 0 : i32
          %dma_wait3A_279 = tpu.memref_slice %arg7[%dma_wait3A_276, %dma_wait3A_277, %dma_wait3A_278] : memref<6x1x128xi32, #tpu.memory_space<vmem>> -> memref<1x1x128xi32, #tpu.memory_space<vmem>>
          %dma_wait3A_280 = tpu.memref_squeeze %dma_wait3A_279 : memref<1x1x128xi32, #tpu.memory_space<vmem>> -> memref<1x128xi32, #tpu.memory_space<vmem>>
          %dma_wait3A_281 = arith.constant 1 : i32
          %dma_wait3A_282 = tpu.memref_slice %arg3[%dma_wait3A_281, %mul3A_275] : memref<2x320000xi32, #tpu.memory_space<hbm>> -> memref<1x128xi32, #tpu.memory_space<hbm>>
          %dma_wait3A_283 = arith.constant 0 : i32
          %dma_wait3A_284 = arith.constant 0 : i32
          %dma_wait3A_285 = tpu.memref_slice %arg7[%dma_wait3A_276, %dma_wait3A_283, %dma_wait3A_284] : memref<6x1x128xi32, #tpu.memory_space<vmem>> -> memref<1x1x128xi32, #tpu.memory_space<vmem>>
          %dma_wait3A_286 = tpu.memref_squeeze %dma_wait3A_285 : memref<1x1x128xi32, #tpu.memory_space<vmem>> -> memref<1x128xi32, #tpu.memory_space<vmem>>
          %dma_wait3A_287 = arith.constant 1 : i32
          %dma_wait3A_288 = tpu.memref_slice %arg3[%dma_wait3A_287, %mul3A_275] : memref<2x320000xi32, #tpu.memory_space<hbm>> -> memref<1x128xi32, #tpu.memory_space<hbm>>
          tpu.wait_dma2 semaphore(%arg10 : memref<!tpu.dma_semaphore, #tpu.memory_space<semaphore_mem>>) src(%dma_wait3A_288 : memref<1x128xi32, #tpu.memory_space<hbm>>) dst(%dma_wait3A_286 : memref<1x128xi32, #tpu.memory_space<vmem>>)
          %dma_start3A_289 = arith.constant 0 : i32
          %dma_start3A_290 = arith.constant 0 : i32
          %dma_start3A_291 = arith.constant 0 : i32
          %dma_start3A_292 = arith.constant 0 : i32
          %dma_start3A_293 = arith.constant 0 : i32
          %dma_start3A_294 = tpu.memref_slice %arg8[%dma_start3A_291, %dma_start3A_292, %dma_start3A_293] : memref<3x128x128xf32, #tpu.memory_space<vmem>> -> memref<1x128x128xf32, #tpu.memory_space<vmem>>
          %dma_start3A_295 = tpu.memref_squeeze %dma_start3A_294 : memref<1x128x128xf32, #tpu.memory_space<vmem>> -> memref<128x128xf32, #tpu.memory_space<vmem>>
          %dma_start3A_296 = arith.constant 0 : i32
          %dma_start3A_297 = tpu.memref_slice %arg6[%dma_start3A_289, %dma_start3A_290, %dma_start3A_296] : memref<6x1x128xi32, #tpu.memory_space<vmem>> -> memref<1x1x128xi32, #tpu.memory_space<vmem>>
          %dma_start3A_298 = tpu.memref_squeeze %dma_start3A_297 : memref<1x1x128xi32, #tpu.memory_space<vmem>> -> memref<128xi32, #tpu.memory_space<vmem>>
          %dma_start3A_299 = arith.constant 0 : i32
          %dma_start3A_300 = arith.constant 0 : i32
          %dma_start3A_301 = tpu.memref_slice %arg2[%dma_start3A_299, %dma_start3A_300] : memref<10000x128xf32, #tpu.memory_space<hbm>> -> memref<10000x128xf32, #tpu.memory_space<hbm>>
          tpu.enqueue_indirect_dma source(%dma_start3A_301 : memref<10000x128xf32, #tpu.memory_space<hbm>>) target(%dma_start3A_295 : memref<128x128xf32, #tpu.memory_space<vmem>>) offsets(%dma_start3A_298 : memref<128xi32, #tpu.memory_space<vmem>>) semaphore(%arg16 : memref<!tpu.dma_semaphore, #tpu.memory_space<semaphore_mem>>)
        } else {
        }
        %dma_wait3A_229 = arith.constant 5 : i32
        %dma_wait3A_230 = arith.constant 0 : i32
        %dma_wait3A_231 = arith.constant 2 : i32
        %dma_wait3A_232 = arith.constant 0 : i32
        %dma_wait3A_233 = arith.constant 0 : i32
        %dma_wait3A_234 = tpu.memref_slice %arg8[%dma_wait3A_231, %dma_wait3A_232, %dma_wait3A_233] : memref<3x128x128xf32, #tpu.memory_space<vmem>> -> memref<1x128x128xf32, #tpu.memory_space<vmem>>
        %dma_wait3A_235 = tpu.memref_squeeze %dma_wait3A_234 : memref<1x128x128xf32, #tpu.memory_space<vmem>> -> memref<128x128xf32, #tpu.memory_space<vmem>>
        %dma_wait3A_236 = arith.constant 0 : i32
        %dma_wait3A_237 = tpu.memref_slice %arg6[%dma_wait3A_229, %dma_wait3A_230, %dma_wait3A_236] : memref<6x1x128xi32, #tpu.memory_space<vmem>> -> memref<1x1x128xi32, #tpu.memory_space<vmem>>
        %dma_wait3A_238 = tpu.memref_squeeze %dma_wait3A_237 : memref<1x1x128xi32, #tpu.memory_space<vmem>> -> memref<128xi32, #tpu.memory_space<vmem>>
        %dma_wait3A_239 = arith.constant 0 : i32
        %dma_wait3A_240 = arith.constant 0 : i32
        %dma_wait3A_241 = tpu.memref_slice %arg2[%dma_wait3A_239, %dma_wait3A_240] : memref<10000x128xf32, #tpu.memory_space<hbm>> -> memref<10000x128xf32, #tpu.memory_space<hbm>>
        tpu.wait_indirect_dma semaphore(%arg18 : memref<!tpu.dma_semaphore, #tpu.memory_space<semaphore_mem>>) src(%dma_wait3A_241 : memref<10000x128xf32, #tpu.memory_space<hbm>>) dst(%dma_wait3A_235 : memref<128x128xf32, #tpu.memory_space<vmem>>)
        %dma_start3A_242 = arith.constant 2 : i32
        %dma_start3A_243 = arith.constant 5 : i32
        %dma_start3A_244 = arith.constant 0 : i32
        %dma_start3A_245 = arith.constant 0 : i32
        %dma_start3A_246 = arith.constant 0 : i32
        %dma_start3A_247 = tpu.memref_slice %arg8[%dma_start3A_242, %dma_start3A_245, %dma_start3A_246] : memref<3x128x128xf32, #tpu.memory_space<vmem>> -> memref<1x128x128xf32, #tpu.memory_space<vmem>>
        %dma_start3A_248 = tpu.memref_squeeze %dma_start3A_247 : memref<1x128x128xf32, #tpu.memory_space<vmem>> -> memref<128x128xf32, #tpu.memory_space<vmem>>
        %dma_start3A_249 = arith.constant 0 : i32
        %dma_start3A_250 = tpu.memref_slice %arg7[%dma_start3A_243, %dma_start3A_244, %dma_start3A_249] : memref<6x1x128xi32, #tpu.memory_space<vmem>> -> memref<1x1x128xi32, #tpu.memory_space<vmem>>
        %dma_start3A_251 = tpu.memref_squeeze %dma_start3A_250 : memref<1x1x128xi32, #tpu.memory_space<vmem>> -> memref<128xi32, #tpu.memory_space<vmem>>
        %dma_start3A_252 = arith.constant 0 : i32
        %dma_start3A_253 = arith.constant 0 : i32
        %dma_start3A_254 = tpu.memref_slice %arg9[%dma_start3A_252, %dma_start3A_253] : memref<10000x128xf32, #tpu.memory_space<vmem_shared>> -> memref<10000x128xf32, #tpu.memory_space<vmem_shared>>
        tpu.enqueue_indirect_dma source(%dma_start3A_248 : memref<128x128xf32, #tpu.memory_space<vmem>>) target(%dma_start3A_254 : memref<10000x128xf32, #tpu.memory_space<vmem_shared>>) offsets(%dma_start3A_251 : memref<128xi32, #tpu.memory_space<vmem>>) semaphore(%arg21 : memref<!tpu.dma_semaphore, #tpu.memory_space<semaphore_mem>>) {add = true}
      } else {
      }
    }
    %while3A_152 = arith.constant 1 : i32
    scf.for %while3A_173 = %while3A_150 to %while3A_146 step %while3A_152  : i32 {
      %mul3A_174 = arith.muli %while3A_173, %while3A : i32
      %add3A_175 = arith.addi %while3A_143, %mul3A_174 : i32
      %add3A_176 = arith.constant 0 : i32
      %add3A_177 = arith.addi %add3A_175, %add3A_176 : i32
      %lt3A_178 = arith.cmpi slt, %add3A_177, %select_n3A : i32
      %convert_element_type3A_179 = arith.extui %lt3A_178 : i1 to i32
      %cond3A_180 = arith.constant 0 : i32
      %cond3A_181 = arith.cmpi ne, %convert_element_type3A_179, %cond3A_180 : i32
      scf.if %cond3A_181 {
        %ge3A_212 = arith.constant 2 : i32
        %ge3A_213 = arith.cmpi sge, %add3A_177, %ge3A_212 : i32
        %convert_element_type3A_214 = arith.extui %ge3A_213 : i1 to i32
        %cond3A_215 = arith.constant 0 : i32
        %cond3A_216 = arith.cmpi ne, %convert_element_type3A_214, %cond3A_215 : i32
        scf.if %cond3A_216 {
          %dma_wait3A_255 = arith.constant 1 : i32
          %dma_wait3A_256 = arith.constant 4 : i32
          %dma_wait3A_257 = arith.constant 0 : i32
          %dma_wait3A_258 = arith.constant 0 : i32
          %dma_wait3A_259 = arith.constant 0 : i32
          %dma_wait3A_260 = tpu.memref_slice %arg8[%dma_wait3A_255, %dma_wait3A_258, %dma_wait3A_259] : memref<3x128x128xf32, #tpu.memory_space<vmem>> -> memref<1x128x128xf32, #tpu.memory_space<vmem>>
          %dma_wait3A_261 = tpu.memref_squeeze %dma_wait3A_260 : memref<1x128x128xf32, #tpu.memory_space<vmem>> -> memref<128x128xf32, #tpu.memory_space<vmem>>
          %dma_wait3A_262 = arith.constant 0 : i32
          %dma_wait3A_263 = tpu.memref_slice %arg7[%dma_wait3A_256, %dma_wait3A_257, %dma_wait3A_262] : memref<6x1x128xi32, #tpu.memory_space<vmem>> -> memref<1x1x128xi32, #tpu.memory_space<vmem>>
          %dma_wait3A_264 = tpu.memref_squeeze %dma_wait3A_263 : memref<1x1x128xi32, #tpu.memory_space<vmem>> -> memref<128xi32, #tpu.memory_space<vmem>>
          %dma_wait3A_265 = arith.constant 0 : i32
          %dma_wait3A_266 = arith.constant 0 : i32
          %dma_wait3A_267 = tpu.memref_slice %arg9[%dma_wait3A_265, %dma_wait3A_266] : memref<10000x128xf32, #tpu.memory_space<vmem_shared>> -> memref<10000x128xf32, #tpu.memory_space<vmem_shared>>
          tpu.wait_indirect_dma semaphore(%arg20 : memref<!tpu.dma_semaphore, #tpu.memory_space<semaphore_mem>>) src(%dma_wait3A_261 : memref<128x128xf32, #tpu.memory_space<vmem>>) dst(%dma_wait3A_267 : memref<10000x128xf32, #tpu.memory_space<vmem_shared>>)
        } else {
        }
        %add3A_217 = arith.constant 2 : i32
        %add3A_218 = arith.addi %add3A_177, %add3A_217 : i32
        %lt3A_219 = arith.cmpi slt, %add3A_218, %select_n3A : i32
        %convert_element_type3A_220 = arith.extui %lt3A_219 : i1 to i32
        %cond3A_221 = arith.constant 0 : i32
        %cond3A_222 = arith.cmpi ne, %convert_element_type3A_220, %cond3A_221 : i32
        scf.if %cond3A_222 {
          %add3A_255 = arith.constant 2 : i32
          %add3A_256 = arith.addi %add3A_177, %add3A_255 : i32
          %add3A_257 = arith.addi %add3A_6, %add3A_256 : i32
          %mul3A_258 = arith.constant 128 : i32
          %mul3A_259 = arith.muli %add3A_257, %mul3A_258 : i32
          %dma_start3A_260 = arith.constant 2 : i32
          %dma_start3A_261 = arith.constant 0 : i32
          %dma_start3A_262 = arith.constant 0 : i32
          %dma_start3A_263 = tpu.memref_slice %arg6[%dma_start3A_260, %dma_start3A_261, %dma_start3A_262] : memref<6x1x128xi32, #tpu.memory_space<vmem>> -> memref<1x1x128xi32, #tpu.memory_space<vmem>>
          %dma_start3A_264 = tpu.memref_squeeze %dma_start3A_263 : memref<1x1x128xi32, #tpu.memory_space<vmem>> -> memref<1x128xi32, #tpu.memory_space<vmem>>
          %dma_start3A_265 = arith.constant 0 : i32
          %dma_start3A_266 = tpu.memref_slice %arg3[%dma_start3A_265, %mul3A_259] : memref<2x320000xi32, #tpu.memory_space<hbm>> -> memref<1x128xi32, #tpu.memory_space<hbm>>
          %dma_start3A_267 = arith.constant 0 : i32
          %dma_start3A_268 = arith.constant 0 : i32
          %dma_start3A_269 = tpu.memref_slice %arg6[%dma_start3A_260, %dma_start3A_267, %dma_start3A_268] : memref<6x1x128xi32, #tpu.memory_space<vmem>> -> memref<1x1x128xi32, #tpu.memory_space<vmem>>
          %dma_start3A_270 = tpu.memref_squeeze %dma_start3A_269 : memref<1x1x128xi32, #tpu.memory_space<vmem>> -> memref<1x128xi32, #tpu.memory_space<vmem>>
          %dma_start3A_271 = arith.constant 0 : i32
          %dma_start3A_272 = tpu.memref_slice %arg3[%dma_start3A_271, %mul3A_259] : memref<2x320000xi32, #tpu.memory_space<hbm>> -> memref<1x128xi32, #tpu.memory_space<hbm>>
          tpu.enqueue_dma source(%dma_start3A_272 : memref<1x128xi32, #tpu.memory_space<hbm>>) target(%dma_start3A_270 : memref<1x128xi32, #tpu.memory_space<vmem>>) target_semaphore(%arg12 : memref<!tpu.dma_semaphore, #tpu.memory_space<semaphore_mem>>)
          %add3A_273 = arith.addi %add3A_6, %add3A_256 : i32
          %mul3A_274 = arith.constant 128 : i32
          %mul3A_275 = arith.muli %add3A_273, %mul3A_274 : i32
          %dma_start3A_276 = arith.constant 2 : i32
          %dma_start3A_277 = arith.constant 0 : i32
          %dma_start3A_278 = arith.constant 0 : i32
          %dma_start3A_279 = tpu.memref_slice %arg7[%dma_start3A_276, %dma_start3A_277, %dma_start3A_278] : memref<6x1x128xi32, #tpu.memory_space<vmem>> -> memref<1x1x128xi32, #tpu.memory_space<vmem>>
          %dma_start3A_280 = tpu.memref_squeeze %dma_start3A_279 : memref<1x1x128xi32, #tpu.memory_space<vmem>> -> memref<1x128xi32, #tpu.memory_space<vmem>>
          %dma_start3A_281 = arith.constant 1 : i32
          %dma_start3A_282 = tpu.memref_slice %arg3[%dma_start3A_281, %mul3A_275] : memref<2x320000xi32, #tpu.memory_space<hbm>> -> memref<1x128xi32, #tpu.memory_space<hbm>>
          %dma_start3A_283 = arith.constant 0 : i32
          %dma_start3A_284 = arith.constant 0 : i32
          %dma_start3A_285 = tpu.memref_slice %arg7[%dma_start3A_276, %dma_start3A_283, %dma_start3A_284] : memref<6x1x128xi32, #tpu.memory_space<vmem>> -> memref<1x1x128xi32, #tpu.memory_space<vmem>>
          %dma_start3A_286 = tpu.memref_squeeze %dma_start3A_285 : memref<1x1x128xi32, #tpu.memory_space<vmem>> -> memref<1x128xi32, #tpu.memory_space<vmem>>
          %dma_start3A_287 = arith.constant 1 : i32
          %dma_start3A_288 = tpu.memref_slice %arg3[%dma_start3A_287, %mul3A_275] : memref<2x320000xi32, #tpu.memory_space<hbm>> -> memref<1x128xi32, #tpu.memory_space<hbm>>
          tpu.enqueue_dma source(%dma_start3A_288 : memref<1x128xi32, #tpu.memory_space<hbm>>) target(%dma_start3A_286 : memref<1x128xi32, #tpu.memory_space<vmem>>) target_semaphore(%arg12 : memref<!tpu.dma_semaphore, #tpu.memory_space<semaphore_mem>>)
        } else {
        }
        %add3A_223 = arith.constant 1 : i32
        %add3A_224 = arith.addi %add3A_177, %add3A_223 : i32
        %lt3A_225 = arith.cmpi slt, %add3A_224, %select_n3A : i32
        %convert_element_type3A_226 = arith.extui %lt3A_225 : i1 to i32
        %cond3A_227 = arith.constant 0 : i32
        %cond3A_228 = arith.cmpi ne, %convert_element_type3A_226, %cond3A_227 : i32
        scf.if %cond3A_228 {
          %add3A_255 = arith.constant 1 : i32
          %add3A_256 = arith.addi %add3A_177, %add3A_255 : i32
          %add3A_257 = arith.addi %add3A_6, %add3A_256 : i32
          %mul3A_258 = arith.constant 128 : i32
          %mul3A_259 = arith.muli %add3A_257, %mul3A_258 : i32
          %dma_wait3A_260 = arith.constant 1 : i32
          %dma_wait3A_261 = arith.constant 0 : i32
          %dma_wait3A_262 = arith.constant 0 : i32
          %dma_wait3A_263 = tpu.memref_slice %arg6[%dma_wait3A_260, %dma_wait3A_261, %dma_wait3A_262] : memref<6x1x128xi32, #tpu.memory_space<vmem>> -> memref<1x1x128xi32, #tpu.memory_space<vmem>>
          %dma_wait3A_264 = tpu.memref_squeeze %dma_wait3A_263 : memref<1x1x128xi32, #tpu.memory_space<vmem>> -> memref<1x128xi32, #tpu.memory_space<vmem>>
          %dma_wait3A_265 = arith.constant 0 : i32
          %dma_wait3A_266 = tpu.memref_slice %arg3[%dma_wait3A_265, %mul3A_259] : memref<2x320000xi32, #tpu.memory_space<hbm>> -> memref<1x128xi32, #tpu.memory_space<hbm>>
          %dma_wait3A_267 = arith.constant 0 : i32
          %dma_wait3A_268 = arith.constant 0 : i32
          %dma_wait3A_269 = tpu.memref_slice %arg6[%dma_wait3A_260, %dma_wait3A_267, %dma_wait3A_268] : memref<6x1x128xi32, #tpu.memory_space<vmem>> -> memref<1x1x128xi32, #tpu.memory_space<vmem>>
          %dma_wait3A_270 = tpu.memref_squeeze %dma_wait3A_269 : memref<1x1x128xi32, #tpu.memory_space<vmem>> -> memref<1x128xi32, #tpu.memory_space<vmem>>
          %dma_wait3A_271 = arith.constant 0 : i32
          %dma_wait3A_272 = tpu.memref_slice %arg3[%dma_wait3A_271, %mul3A_259] : memref<2x320000xi32, #tpu.memory_space<hbm>> -> memref<1x128xi32, #tpu.memory_space<hbm>>
          tpu.wait_dma2 semaphore(%arg11 : memref<!tpu.dma_semaphore, #tpu.memory_space<semaphore_mem>>) src(%dma_wait3A_272 : memref<1x128xi32, #tpu.memory_space<hbm>>) dst(%dma_wait3A_270 : memref<1x128xi32, #tpu.memory_space<vmem>>)
          %add3A_273 = arith.addi %add3A_6, %add3A_256 : i32
          %mul3A_274 = arith.constant 128 : i32
          %mul3A_275 = arith.muli %add3A_273, %mul3A_274 : i32
          %dma_wait3A_276 = arith.constant 1 : i32
          %dma_wait3A_277 = arith.constant 0 : i32
          %dma_wait3A_278 = arith.constant 0 : i32
          %dma_wait3A_279 = tpu.memref_slice %arg7[%dma_wait3A_276, %dma_wait3A_277, %dma_wait3A_278] : memref<6x1x128xi32, #tpu.memory_space<vmem>> -> memref<1x1x128xi32, #tpu.memory_space<vmem>>
          %dma_wait3A_280 = tpu.memref_squeeze %dma_wait3A_279 : memref<1x1x128xi32, #tpu.memory_space<vmem>> -> memref<1x128xi32, #tpu.memory_space<vmem>>
          %dma_wait3A_281 = arith.constant 1 : i32
          %dma_wait3A_282 = tpu.memref_slice %arg3[%dma_wait3A_281, %mul3A_275] : memref<2x320000xi32, #tpu.memory_space<hbm>> -> memref<1x128xi32, #tpu.memory_space<hbm>>
          %dma_wait3A_283 = arith.constant 0 : i32
          %dma_wait3A_284 = arith.constant 0 : i32
          %dma_wait3A_285 = tpu.memref_slice %arg7[%dma_wait3A_276, %dma_wait3A_283, %dma_wait3A_284] : memref<6x1x128xi32, #tpu.memory_space<vmem>> -> memref<1x1x128xi32, #tpu.memory_space<vmem>>
          %dma_wait3A_286 = tpu.memref_squeeze %dma_wait3A_285 : memref<1x1x128xi32, #tpu.memory_space<vmem>> -> memref<1x128xi32, #tpu.memory_space<vmem>>
          %dma_wait3A_287 = arith.constant 1 : i32
          %dma_wait3A_288 = tpu.memref_slice %arg3[%dma_wait3A_287, %mul3A_275] : memref<2x320000xi32, #tpu.memory_space<hbm>> -> memref<1x128xi32, #tpu.memory_space<hbm>>
          tpu.wait_dma2 semaphore(%arg11 : memref<!tpu.dma_semaphore, #tpu.memory_space<semaphore_mem>>) src(%dma_wait3A_288 : memref<1x128xi32, #tpu.memory_space<hbm>>) dst(%dma_wait3A_286 : memref<1x128xi32, #tpu.memory_space<vmem>>)
          %dma_start3A_289 = arith.constant 1 : i32
          %dma_start3A_290 = arith.constant 0 : i32
          %dma_start3A_291 = arith.constant 1 : i32
          %dma_start3A_292 = arith.constant 0 : i32
          %dma_start3A_293 = arith.constant 0 : i32
          %dma_start3A_294 = tpu.memref_slice %arg8[%dma_start3A_291, %dma_start3A_292, %dma_start3A_293] : memref<3x128x128xf32, #tpu.memory_space<vmem>> -> memref<1x128x128xf32, #tpu.memory_space<vmem>>
          %dma_start3A_295 = tpu.memref_squeeze %dma_start3A_294 : memref<1x128x128xf32, #tpu.memory_space<vmem>> -> memref<128x128xf32, #tpu.memory_space<vmem>>
          %dma_start3A_296 = arith.constant 0 : i32
          %dma_start3A_297 = tpu.memref_slice %arg6[%dma_start3A_289, %dma_start3A_290, %dma_start3A_296] : memref<6x1x128xi32, #tpu.memory_space<vmem>> -> memref<1x1x128xi32, #tpu.memory_space<vmem>>
          %dma_start3A_298 = tpu.memref_squeeze %dma_start3A_297 : memref<1x1x128xi32, #tpu.memory_space<vmem>> -> memref<128xi32, #tpu.memory_space<vmem>>
          %dma_start3A_299 = arith.constant 0 : i32
          %dma_start3A_300 = arith.constant 0 : i32
          %dma_start3A_301 = tpu.memref_slice %arg2[%dma_start3A_299, %dma_start3A_300] : memref<10000x128xf32, #tpu.memory_space<hbm>> -> memref<10000x128xf32, #tpu.memory_space<hbm>>
          tpu.enqueue_indirect_dma source(%dma_start3A_301 : memref<10000x128xf32, #tpu.memory_space<hbm>>) target(%dma_start3A_295 : memref<128x128xf32, #tpu.memory_space<vmem>>) offsets(%dma_start3A_298 : memref<128xi32, #tpu.memory_space<vmem>>) semaphore(%arg17 : memref<!tpu.dma_semaphore, #tpu.memory_space<semaphore_mem>>)
        } else {
        }
        %dma_wait3A_229 = arith.constant 0 : i32
        %dma_wait3A_230 = arith.constant 0 : i32
        %dma_wait3A_231 = arith.constant 0 : i32
        %dma_wait3A_232 = arith.constant 0 : i32
        %dma_wait3A_233 = arith.constant 0 : i32
        %dma_wait3A_234 = tpu.memref_slice %arg8[%dma_wait3A_231, %dma_wait3A_232, %dma_wait3A_233] : memref<3x128x128xf32, #tpu.memory_space<vmem>> -> memref<1x128x128xf32, #tpu.memory_space<vmem>>
        %dma_wait3A_235 = tpu.memref_squeeze %dma_wait3A_234 : memref<1x128x128xf32, #tpu.memory_space<vmem>> -> memref<128x128xf32, #tpu.memory_space<vmem>>
        %dma_wait3A_236 = arith.constant 0 : i32
        %dma_wait3A_237 = tpu.memref_slice %arg6[%dma_wait3A_229, %dma_wait3A_230, %dma_wait3A_236] : memref<6x1x128xi32, #tpu.memory_space<vmem>> -> memref<1x1x128xi32, #tpu.memory_space<vmem>>
        %dma_wait3A_238 = tpu.memref_squeeze %dma_wait3A_237 : memref<1x1x128xi32, #tpu.memory_space<vmem>> -> memref<128xi32, #tpu.memory_space<vmem>>
        %dma_wait3A_239 = arith.constant 0 : i32
        %dma_wait3A_240 = arith.constant 0 : i32
        %dma_wait3A_241 = tpu.memref_slice %arg2[%dma_wait3A_239, %dma_wait3A_240] : memref<10000x128xf32, #tpu.memory_space<hbm>> -> memref<10000x128xf32, #tpu.memory_space<hbm>>
        tpu.wait_indirect_dma semaphore(%arg16 : memref<!tpu.dma_semaphore, #tpu.memory_space<semaphore_mem>>) src(%dma_wait3A_241 : memref<10000x128xf32, #tpu.memory_space<hbm>>) dst(%dma_wait3A_235 : memref<128x128xf32, #tpu.memory_space<vmem>>)
        %dma_start3A_242 = arith.constant 0 : i32
        %dma_start3A_243 = arith.constant 0 : i32
        %dma_start3A_244 = arith.constant 0 : i32
        %dma_start3A_245 = arith.constant 0 : i32
        %dma_start3A_246 = arith.constant 0 : i32
        %dma_start3A_247 = tpu.memref_slice %arg8[%dma_start3A_242, %dma_start3A_245, %dma_start3A_246] : memref<3x128x128xf32, #tpu.memory_space<vmem>> -> memref<1x128x128xf32, #tpu.memory_space<vmem>>
        %dma_start3A_248 = tpu.memref_squeeze %dma_start3A_247 : memref<1x128x128xf32, #tpu.memory_space<vmem>> -> memref<128x128xf32, #tpu.memory_space<vmem>>
        %dma_start3A_249 = arith.constant 0 : i32
        %dma_start3A_250 = tpu.memref_slice %arg7[%dma_start3A_243, %dma_start3A_244, %dma_start3A_249] : memref<6x1x128xi32, #tpu.memory_space<vmem>> -> memref<1x1x128xi32, #tpu.memory_space<vmem>>
        %dma_start3A_251 = tpu.memref_squeeze %dma_start3A_250 : memref<1x1x128xi32, #tpu.memory_space<vmem>> -> memref<128xi32, #tpu.memory_space<vmem>>
        %dma_start3A_252 = arith.constant 0 : i32
        %dma_start3A_253 = arith.constant 0 : i32
        %dma_start3A_254 = tpu.memref_slice %arg9[%dma_start3A_252, %dma_start3A_253] : memref<10000x128xf32, #tpu.memory_space<vmem_shared>> -> memref<10000x128xf32, #tpu.memory_space<vmem_shared>>
        tpu.enqueue_indirect_dma source(%dma_start3A_248 : memref<128x128xf32, #tpu.memory_space<vmem>>) target(%dma_start3A_254 : memref<10000x128xf32, #tpu.memory_space<vmem_shared>>) offsets(%dma_start3A_251 : memref<128xi32, #tpu.memory_space<vmem>>) semaphore(%arg19 : memref<!tpu.dma_semaphore, #tpu.memory_space<semaphore_mem>>) {add = true}
      } else {
      }
      %add3A_182 = arith.constant 1 : i32
      %add3A_183 = arith.addi %add3A_175, %add3A_182 : i32
      %lt3A_184 = arith.cmpi slt, %add3A_183, %select_n3A : i32
      %convert_element_type3A_185 = arith.extui %lt3A_184 : i1 to i32
      %cond3A_186 = arith.constant 0 : i32
      %cond3A_187 = arith.cmpi ne, %convert_element_type3A_185, %cond3A_186 : i32
      scf.if %cond3A_187 {
        %ge3A_212 = arith.constant 2 : i32
        %ge3A_213 = arith.cmpi sge, %add3A_183, %ge3A_212 : i32
        %convert_element_type3A_214 = arith.extui %ge3A_213 : i1 to i32
        %cond3A_215 = arith.constant 0 : i32
        %cond3A_216 = arith.cmpi ne, %convert_element_type3A_214, %cond3A_215 : i32
        scf.if %cond3A_216 {
          %dma_wait3A_255 = arith.constant 2 : i32
          %dma_wait3A_256 = arith.constant 5 : i32
          %dma_wait3A_257 = arith.constant 0 : i32
          %dma_wait3A_258 = arith.constant 0 : i32
          %dma_wait3A_259 = arith.constant 0 : i32
          %dma_wait3A_260 = tpu.memref_slice %arg8[%dma_wait3A_255, %dma_wait3A_258, %dma_wait3A_259] : memref<3x128x128xf32, #tpu.memory_space<vmem>> -> memref<1x128x128xf32, #tpu.memory_space<vmem>>
          %dma_wait3A_261 = tpu.memref_squeeze %dma_wait3A_260 : memref<1x128x128xf32, #tpu.memory_space<vmem>> -> memref<128x128xf32, #tpu.memory_space<vmem>>
          %dma_wait3A_262 = arith.constant 0 : i32
          %dma_wait3A_263 = tpu.memref_slice %arg7[%dma_wait3A_256, %dma_wait3A_257, %dma_wait3A_262] : memref<6x1x128xi32, #tpu.memory_space<vmem>> -> memref<1x1x128xi32, #tpu.memory_space<vmem>>
          %dma_wait3A_264 = tpu.memref_squeeze %dma_wait3A_263 : memref<1x1x128xi32, #tpu.memory_space<vmem>> -> memref<128xi32, #tpu.memory_space<vmem>>
          %dma_wait3A_265 = arith.constant 0 : i32
          %dma_wait3A_266 = arith.constant 0 : i32
          %dma_wait3A_267 = tpu.memref_slice %arg9[%dma_wait3A_265, %dma_wait3A_266] : memref<10000x128xf32, #tpu.memory_space<vmem_shared>> -> memref<10000x128xf32, #tpu.memory_space<vmem_shared>>
          tpu.wait_indirect_dma semaphore(%arg21 : memref<!tpu.dma_semaphore, #tpu.memory_space<semaphore_mem>>) src(%dma_wait3A_261 : memref<128x128xf32, #tpu.memory_space<vmem>>) dst(%dma_wait3A_267 : memref<10000x128xf32, #tpu.memory_space<vmem_shared>>)
        } else {
        }
        %add3A_217 = arith.constant 2 : i32
        %add3A_218 = arith.addi %add3A_183, %add3A_217 : i32
        %lt3A_219 = arith.cmpi slt, %add3A_218, %select_n3A : i32
        %convert_element_type3A_220 = arith.extui %lt3A_219 : i1 to i32
        %cond3A_221 = arith.constant 0 : i32
        %cond3A_222 = arith.cmpi ne, %convert_element_type3A_220, %cond3A_221 : i32
        scf.if %cond3A_222 {
          %add3A_255 = arith.constant 2 : i32
          %add3A_256 = arith.addi %add3A_183, %add3A_255 : i32
          %add3A_257 = arith.addi %add3A_6, %add3A_256 : i32
          %mul3A_258 = arith.constant 128 : i32
          %mul3A_259 = arith.muli %add3A_257, %mul3A_258 : i32
          %dma_start3A_260 = arith.constant 3 : i32
          %dma_start3A_261 = arith.constant 0 : i32
          %dma_start3A_262 = arith.constant 0 : i32
          %dma_start3A_263 = tpu.memref_slice %arg6[%dma_start3A_260, %dma_start3A_261, %dma_start3A_262] : memref<6x1x128xi32, #tpu.memory_space<vmem>> -> memref<1x1x128xi32, #tpu.memory_space<vmem>>
          %dma_start3A_264 = tpu.memref_squeeze %dma_start3A_263 : memref<1x1x128xi32, #tpu.memory_space<vmem>> -> memref<1x128xi32, #tpu.memory_space<vmem>>
          %dma_start3A_265 = arith.constant 0 : i32
          %dma_start3A_266 = tpu.memref_slice %arg3[%dma_start3A_265, %mul3A_259] : memref<2x320000xi32, #tpu.memory_space<hbm>> -> memref<1x128xi32, #tpu.memory_space<hbm>>
          %dma_start3A_267 = arith.constant 0 : i32
          %dma_start3A_268 = arith.constant 0 : i32
          %dma_start3A_269 = tpu.memref_slice %arg6[%dma_start3A_260, %dma_start3A_267, %dma_start3A_268] : memref<6x1x128xi32, #tpu.memory_space<vmem>> -> memref<1x1x128xi32, #tpu.memory_space<vmem>>
          %dma_start3A_270 = tpu.memref_squeeze %dma_start3A_269 : memref<1x1x128xi32, #tpu.memory_space<vmem>> -> memref<1x128xi32, #tpu.memory_space<vmem>>
          %dma_start3A_271 = arith.constant 0 : i32
          %dma_start3A_272 = tpu.memref_slice %arg3[%dma_start3A_271, %mul3A_259] : memref<2x320000xi32, #tpu.memory_space<hbm>> -> memref<1x128xi32, #tpu.memory_space<hbm>>
          tpu.enqueue_dma source(%dma_start3A_272 : memref<1x128xi32, #tpu.memory_space<hbm>>) target(%dma_start3A_270 : memref<1x128xi32, #tpu.memory_space<vmem>>) target_semaphore(%arg13 : memref<!tpu.dma_semaphore, #tpu.memory_space<semaphore_mem>>)
          %add3A_273 = arith.addi %add3A_6, %add3A_256 : i32
          %mul3A_274 = arith.constant 128 : i32
          %mul3A_275 = arith.muli %add3A_273, %mul3A_274 : i32
          %dma_start3A_276 = arith.constant 3 : i32
          %dma_start3A_277 = arith.constant 0 : i32
          %dma_start3A_278 = arith.constant 0 : i32
          %dma_start3A_279 = tpu.memref_slice %arg7[%dma_start3A_276, %dma_start3A_277, %dma_start3A_278] : memref<6x1x128xi32, #tpu.memory_space<vmem>> -> memref<1x1x128xi32, #tpu.memory_space<vmem>>
          %dma_start3A_280 = tpu.memref_squeeze %dma_start3A_279 : memref<1x1x128xi32, #tpu.memory_space<vmem>> -> memref<1x128xi32, #tpu.memory_space<vmem>>
          %dma_start3A_281 = arith.constant 1 : i32
          %dma_start3A_282 = tpu.memref_slice %arg3[%dma_start3A_281, %mul3A_275] : memref<2x320000xi32, #tpu.memory_space<hbm>> -> memref<1x128xi32, #tpu.memory_space<hbm>>
          %dma_start3A_283 = arith.constant 0 : i32
          %dma_start3A_284 = arith.constant 0 : i32
          %dma_start3A_285 = tpu.memref_slice %arg7[%dma_start3A_276, %dma_start3A_283, %dma_start3A_284] : memref<6x1x128xi32, #tpu.memory_space<vmem>> -> memref<1x1x128xi32, #tpu.memory_space<vmem>>
          %dma_start3A_286 = tpu.memref_squeeze %dma_start3A_285 : memref<1x1x128xi32, #tpu.memory_space<vmem>> -> memref<1x128xi32, #tpu.memory_space<vmem>>
          %dma_start3A_287 = arith.constant 1 : i32
          %dma_start3A_288 = tpu.memref_slice %arg3[%dma_start3A_287, %mul3A_275] : memref<2x320000xi32, #tpu.memory_space<hbm>> -> memref<1x128xi32, #tpu.memory_space<hbm>>
          tpu.enqueue_dma source(%dma_start3A_288 : memref<1x128xi32, #tpu.memory_space<hbm>>) target(%dma_start3A_286 : memref<1x128xi32, #tpu.memory_space<vmem>>) target_semaphore(%arg13 : memref<!tpu.dma_semaphore, #tpu.memory_space<semaphore_mem>>)
        } else {
        }
        %add3A_223 = arith.constant 1 : i32
        %add3A_224 = arith.addi %add3A_183, %add3A_223 : i32
        %lt3A_225 = arith.cmpi slt, %add3A_224, %select_n3A : i32
        %convert_element_type3A_226 = arith.extui %lt3A_225 : i1 to i32
        %cond3A_227 = arith.constant 0 : i32
        %cond3A_228 = arith.cmpi ne, %convert_element_type3A_226, %cond3A_227 : i32
        scf.if %cond3A_228 {
          %add3A_255 = arith.constant 1 : i32
          %add3A_256 = arith.addi %add3A_183, %add3A_255 : i32
          %add3A_257 = arith.addi %add3A_6, %add3A_256 : i32
          %mul3A_258 = arith.constant 128 : i32
          %mul3A_259 = arith.muli %add3A_257, %mul3A_258 : i32
          %dma_wait3A_260 = arith.constant 2 : i32
          %dma_wait3A_261 = arith.constant 0 : i32
          %dma_wait3A_262 = arith.constant 0 : i32
          %dma_wait3A_263 = tpu.memref_slice %arg6[%dma_wait3A_260, %dma_wait3A_261, %dma_wait3A_262] : memref<6x1x128xi32, #tpu.memory_space<vmem>> -> memref<1x1x128xi32, #tpu.memory_space<vmem>>
          %dma_wait3A_264 = tpu.memref_squeeze %dma_wait3A_263 : memref<1x1x128xi32, #tpu.memory_space<vmem>> -> memref<1x128xi32, #tpu.memory_space<vmem>>
          %dma_wait3A_265 = arith.constant 0 : i32
          %dma_wait3A_266 = tpu.memref_slice %arg3[%dma_wait3A_265, %mul3A_259] : memref<2x320000xi32, #tpu.memory_space<hbm>> -> memref<1x128xi32, #tpu.memory_space<hbm>>
          %dma_wait3A_267 = arith.constant 0 : i32
          %dma_wait3A_268 = arith.constant 0 : i32
          %dma_wait3A_269 = tpu.memref_slice %arg6[%dma_wait3A_260, %dma_wait3A_267, %dma_wait3A_268] : memref<6x1x128xi32, #tpu.memory_space<vmem>> -> memref<1x1x128xi32, #tpu.memory_space<vmem>>
          %dma_wait3A_270 = tpu.memref_squeeze %dma_wait3A_269 : memref<1x1x128xi32, #tpu.memory_space<vmem>> -> memref<1x128xi32, #tpu.memory_space<vmem>>
          %dma_wait3A_271 = arith.constant 0 : i32
          %dma_wait3A_272 = tpu.memref_slice %arg3[%dma_wait3A_271, %mul3A_259] : memref<2x320000xi32, #tpu.memory_space<hbm>> -> memref<1x128xi32, #tpu.memory_space<hbm>>
          tpu.wait_dma2 semaphore(%arg12 : memref<!tpu.dma_semaphore, #tpu.memory_space<semaphore_mem>>) src(%dma_wait3A_272 : memref<1x128xi32, #tpu.memory_space<hbm>>) dst(%dma_wait3A_270 : memref<1x128xi32, #tpu.memory_space<vmem>>)
          %add3A_273 = arith.addi %add3A_6, %add3A_256 : i32
          %mul3A_274 = arith.constant 128 : i32
          %mul3A_275 = arith.muli %add3A_273, %mul3A_274 : i32
          %dma_wait3A_276 = arith.constant 2 : i32
          %dma_wait3A_277 = arith.constant 0 : i32
          %dma_wait3A_278 = arith.constant 0 : i32
          %dma_wait3A_279 = tpu.memref_slice %arg7[%dma_wait3A_276, %dma_wait3A_277, %dma_wait3A_278] : memref<6x1x128xi32, #tpu.memory_space<vmem>> -> memref<1x1x128xi32, #tpu.memory_space<vmem>>
          %dma_wait3A_280 = tpu.memref_squeeze %dma_wait3A_279 : memref<1x1x128xi32, #tpu.memory_space<vmem>> -> memref<1x128xi32, #tpu.memory_space<vmem>>
          %dma_wait3A_281 = arith.constant 1 : i32
          %dma_wait3A_282 = tpu.memref_slice %arg3[%dma_wait3A_281, %mul3A_275] : memref<2x320000xi32, #tpu.memory_space<hbm>> -> memref<1x128xi32, #tpu.memory_space<hbm>>
          %dma_wait3A_283 = arith.constant 0 : i32
          %dma_wait3A_284 = arith.constant 0 : i32
          %dma_wait3A_285 = tpu.memref_slice %arg7[%dma_wait3A_276, %dma_wait3A_283, %dma_wait3A_284] : memref<6x1x128xi32, #tpu.memory_space<vmem>> -> memref<1x1x128xi32, #tpu.memory_space<vmem>>
          %dma_wait3A_286 = tpu.memref_squeeze %dma_wait3A_285 : memref<1x1x128xi32, #tpu.memory_space<vmem>> -> memref<1x128xi32, #tpu.memory_space<vmem>>
          %dma_wait3A_287 = arith.constant 1 : i32
          %dma_wait3A_288 = tpu.memref_slice %arg3[%dma_wait3A_287, %mul3A_275] : memref<2x320000xi32, #tpu.memory_space<hbm>> -> memref<1x128xi32, #tpu.memory_space<hbm>>
          tpu.wait_dma2 semaphore(%arg12 : memref<!tpu.dma_semaphore, #tpu.memory_space<semaphore_mem>>) src(%dma_wait3A_288 : memref<1x128xi32, #tpu.memory_space<hbm>>) dst(%dma_wait3A_286 : memref<1x128xi32, #tpu.memory_space<vmem>>)
          %dma_start3A_289 = arith.constant 2 : i32
          %dma_start3A_290 = arith.constant 0 : i32
          %dma_start3A_291 = arith.constant 2 : i32
          %dma_start3A_292 = arith.constant 0 : i32
          %dma_start3A_293 = arith.constant 0 : i32
          %dma_start3A_294 = tpu.memref_slice %arg8[%dma_start3A_291, %dma_start3A_292, %dma_start3A_293] : memref<3x128x128xf32, #tpu.memory_space<vmem>> -> memref<1x128x128xf32, #tpu.memory_space<vmem>>
          %dma_start3A_295 = tpu.memref_squeeze %dma_start3A_294 : memref<1x128x128xf32, #tpu.memory_space<vmem>> -> memref<128x128xf32, #tpu.memory_space<vmem>>
          %dma_start3A_296 = arith.constant 0 : i32
          %dma_start3A_297 = tpu.memref_slice %arg6[%dma_start3A_289, %dma_start3A_290, %dma_start3A_296] : memref<6x1x128xi32, #tpu.memory_space<vmem>> -> memref<1x1x128xi32, #tpu.memory_space<vmem>>
          %dma_start3A_298 = tpu.memref_squeeze %dma_start3A_297 : memref<1x1x128xi32, #tpu.memory_space<vmem>> -> memref<128xi32, #tpu.memory_space<vmem>>
          %dma_start3A_299 = arith.constant 0 : i32
          %dma_start3A_300 = arith.constant 0 : i32
          %dma_start3A_301 = tpu.memref_slice %arg2[%dma_start3A_299, %dma_start3A_300] : memref<10000x128xf32, #tpu.memory_space<hbm>> -> memref<10000x128xf32, #tpu.memory_space<hbm>>
          tpu.enqueue_indirect_dma source(%dma_start3A_301 : memref<10000x128xf32, #tpu.memory_space<hbm>>) target(%dma_start3A_295 : memref<128x128xf32, #tpu.memory_space<vmem>>) offsets(%dma_start3A_298 : memref<128xi32, #tpu.memory_space<vmem>>) semaphore(%arg18 : memref<!tpu.dma_semaphore, #tpu.memory_space<semaphore_mem>>)
        } else {
        }
        %dma_wait3A_229 = arith.constant 1 : i32
        %dma_wait3A_230 = arith.constant 0 : i32
        %dma_wait3A_231 = arith.constant 1 : i32
        %dma_wait3A_232 = arith.constant 0 : i32
        %dma_wait3A_233 = arith.constant 0 : i32
        %dma_wait3A_234 = tpu.memref_slice %arg8[%dma_wait3A_231, %dma_wait3A_232, %dma_wait3A_233] : memref<3x128x128xf32, #tpu.memory_space<vmem>> -> memref<1x128x128xf32, #tpu.memory_space<vmem>>
        %dma_wait3A_235 = tpu.memref_squeeze %dma_wait3A_234 : memref<1x128x128xf32, #tpu.memory_space<vmem>> -> memref<128x128xf32, #tpu.memory_space<vmem>>
        %dma_wait3A_236 = arith.constant 0 : i32
        %dma_wait3A_237 = tpu.memref_slice %arg6[%dma_wait3A_229, %dma_wait3A_230, %dma_wait3A_236] : memref<6x1x128xi32, #tpu.memory_space<vmem>> -> memref<1x1x128xi32, #tpu.memory_space<vmem>>
        %dma_wait3A_238 = tpu.memref_squeeze %dma_wait3A_237 : memref<1x1x128xi32, #tpu.memory_space<vmem>> -> memref<128xi32, #tpu.memory_space<vmem>>
        %dma_wait3A_239 = arith.constant 0 : i32
        %dma_wait3A_240 = arith.constant 0 : i32
        %dma_wait3A_241 = tpu.memref_slice %arg2[%dma_wait3A_239, %dma_wait3A_240] : memref<10000x128xf32, #tpu.memory_space<hbm>> -> memref<10000x128xf32, #tpu.memory_space<hbm>>
        tpu.wait_indirect_dma semaphore(%arg17 : memref<!tpu.dma_semaphore, #tpu.memory_space<semaphore_mem>>) src(%dma_wait3A_241 : memref<10000x128xf32, #tpu.memory_space<hbm>>) dst(%dma_wait3A_235 : memref<128x128xf32, #tpu.memory_space<vmem>>)
        %dma_start3A_242 = arith.constant 1 : i32
        %dma_start3A_243 = arith.constant 1 : i32
        %dma_start3A_244 = arith.constant 0 : i32
        %dma_start3A_245 = arith.constant 0 : i32
        %dma_start3A_246 = arith.constant 0 : i32
        %dma_start3A_247 = tpu.memref_slice %arg8[%dma_start3A_242, %dma_start3A_245, %dma_start3A_246] : memref<3x128x128xf32, #tpu.memory_space<vmem>> -> memref<1x128x128xf32, #tpu.memory_space<vmem>>
        %dma_start3A_248 = tpu.memref_squeeze %dma_start3A_247 : memref<1x128x128xf32, #tpu.memory_space<vmem>> -> memref<128x128xf32, #tpu.memory_space<vmem>>
        %dma_start3A_249 = arith.constant 0 : i32
        %dma_start3A_250 = tpu.memref_slice %arg7[%dma_start3A_243, %dma_start3A_244, %dma_start3A_249] : memref<6x1x128xi32, #tpu.memory_space<vmem>> -> memref<1x1x128xi32, #tpu.memory_space<vmem>>
        %dma_start3A_251 = tpu.memref_squeeze %dma_start3A_250 : memref<1x1x128xi32, #tpu.memory_space<vmem>> -> memref<128xi32, #tpu.memory_space<vmem>>
        %dma_start3A_252 = arith.constant 0 : i32
        %dma_start3A_253 = arith.constant 0 : i32
        %dma_start3A_254 = tpu.memref_slice %arg9[%dma_start3A_252, %dma_start3A_253] : memref<10000x128xf32, #tpu.memory_space<vmem_shared>> -> memref<10000x128xf32, #tpu.memory_space<vmem_shared>>
        tpu.enqueue_indirect_dma source(%dma_start3A_248 : memref<128x128xf32, #tpu.memory_space<vmem>>) target(%dma_start3A_254 : memref<10000x128xf32, #tpu.memory_space<vmem_shared>>) offsets(%dma_start3A_251 : memref<128xi32, #tpu.memory_space<vmem>>) semaphore(%arg20 : memref<!tpu.dma_semaphore, #tpu.memory_space<semaphore_mem>>) {add = true}
      } else {
      }
      %add3A_188 = arith.constant 2 : i32
      %add3A_189 = arith.addi %add3A_175, %add3A_188 : i32
      %lt3A_190 = arith.cmpi slt, %add3A_189, %select_n3A : i32
      %convert_element_type3A_191 = arith.extui %lt3A_190 : i1 to i32
      %cond3A_192 = arith.constant 0 : i32
      %cond3A_193 = arith.cmpi ne, %convert_element_type3A_191, %cond3A_192 : i32
      scf.if %cond3A_193 {
        %ge3A_212 = arith.constant 2 : i32
        %ge3A_213 = arith.cmpi sge, %add3A_189, %ge3A_212 : i32
        %convert_element_type3A_214 = arith.extui %ge3A_213 : i1 to i32
        %cond3A_215 = arith.constant 0 : i32
        %cond3A_216 = arith.cmpi ne, %convert_element_type3A_214, %cond3A_215 : i32
        scf.if %cond3A_216 {
          %dma_wait3A_255 = arith.constant 0 : i32
          %dma_wait3A_256 = arith.constant 0 : i32
          %dma_wait3A_257 = arith.constant 0 : i32
          %dma_wait3A_258 = arith.constant 0 : i32
          %dma_wait3A_259 = arith.constant 0 : i32
          %dma_wait3A_260 = tpu.memref_slice %arg8[%dma_wait3A_255, %dma_wait3A_258, %dma_wait3A_259] : memref<3x128x128xf32, #tpu.memory_space<vmem>> -> memref<1x128x128xf32, #tpu.memory_space<vmem>>
          %dma_wait3A_261 = tpu.memref_squeeze %dma_wait3A_260 : memref<1x128x128xf32, #tpu.memory_space<vmem>> -> memref<128x128xf32, #tpu.memory_space<vmem>>
          %dma_wait3A_262 = arith.constant 0 : i32
          %dma_wait3A_263 = tpu.memref_slice %arg7[%dma_wait3A_256, %dma_wait3A_257, %dma_wait3A_262] : memref<6x1x128xi32, #tpu.memory_space<vmem>> -> memref<1x1x128xi32, #tpu.memory_space<vmem>>
          %dma_wait3A_264 = tpu.memref_squeeze %dma_wait3A_263 : memref<1x1x128xi32, #tpu.memory_space<vmem>> -> memref<128xi32, #tpu.memory_space<vmem>>
          %dma_wait3A_265 = arith.constant 0 : i32
          %dma_wait3A_266 = arith.constant 0 : i32
          %dma_wait3A_267 = tpu.memref_slice %arg9[%dma_wait3A_265, %dma_wait3A_266] : memref<10000x128xf32, #tpu.memory_space<vmem_shared>> -> memref<10000x128xf32, #tpu.memory_space<vmem_shared>>
          tpu.wait_indirect_dma semaphore(%arg19 : memref<!tpu.dma_semaphore, #tpu.memory_space<semaphore_mem>>) src(%dma_wait3A_261 : memref<128x128xf32, #tpu.memory_space<vmem>>) dst(%dma_wait3A_267 : memref<10000x128xf32, #tpu.memory_space<vmem_shared>>)
        } else {
        }
        %add3A_217 = arith.constant 2 : i32
        %add3A_218 = arith.addi %add3A_189, %add3A_217 : i32
        %lt3A_219 = arith.cmpi slt, %add3A_218, %select_n3A : i32
        %convert_element_type3A_220 = arith.extui %lt3A_219 : i1 to i32
        %cond3A_221 = arith.constant 0 : i32
        %cond3A_222 = arith.cmpi ne, %convert_element_type3A_220, %cond3A_221 : i32
        scf.if %cond3A_222 {
          %add3A_255 = arith.constant 2 : i32
          %add3A_256 = arith.addi %add3A_189, %add3A_255 : i32
          %add3A_257 = arith.addi %add3A_6, %add3A_256 : i32
          %mul3A_258 = arith.constant 128 : i32
          %mul3A_259 = arith.muli %add3A_257, %mul3A_258 : i32
          %dma_start3A_260 = arith.constant 4 : i32
          %dma_start3A_261 = arith.constant 0 : i32
          %dma_start3A_262 = arith.constant 0 : i32
          %dma_start3A_263 = tpu.memref_slice %arg6[%dma_start3A_260, %dma_start3A_261, %dma_start3A_262] : memref<6x1x128xi32, #tpu.memory_space<vmem>> -> memref<1x1x128xi32, #tpu.memory_space<vmem>>
          %dma_start3A_264 = tpu.memref_squeeze %dma_start3A_263 : memref<1x1x128xi32, #tpu.memory_space<vmem>> -> memref<1x128xi32, #tpu.memory_space<vmem>>
          %dma_start3A_265 = arith.constant 0 : i32
          %dma_start3A_266 = tpu.memref_slice %arg3[%dma_start3A_265, %mul3A_259] : memref<2x320000xi32, #tpu.memory_space<hbm>> -> memref<1x128xi32, #tpu.memory_space<hbm>>
          %dma_start3A_267 = arith.constant 0 : i32
          %dma_start3A_268 = arith.constant 0 : i32
          %dma_start3A_269 = tpu.memref_slice %arg6[%dma_start3A_260, %dma_start3A_267, %dma_start3A_268] : memref<6x1x128xi32, #tpu.memory_space<vmem>> -> memref<1x1x128xi32, #tpu.memory_space<vmem>>
          %dma_start3A_270 = tpu.memref_squeeze %dma_start3A_269 : memref<1x1x128xi32, #tpu.memory_space<vmem>> -> memref<1x128xi32, #tpu.memory_space<vmem>>
          %dma_start3A_271 = arith.constant 0 : i32
          %dma_start3A_272 = tpu.memref_slice %arg3[%dma_start3A_271, %mul3A_259] : memref<2x320000xi32, #tpu.memory_space<hbm>> -> memref<1x128xi32, #tpu.memory_space<hbm>>
          tpu.enqueue_dma source(%dma_start3A_272 : memref<1x128xi32, #tpu.memory_space<hbm>>) target(%dma_start3A_270 : memref<1x128xi32, #tpu.memory_space<vmem>>) target_semaphore(%arg14 : memref<!tpu.dma_semaphore, #tpu.memory_space<semaphore_mem>>)
          %add3A_273 = arith.addi %add3A_6, %add3A_256 : i32
          %mul3A_274 = arith.constant 128 : i32
          %mul3A_275 = arith.muli %add3A_273, %mul3A_274 : i32
          %dma_start3A_276 = arith.constant 4 : i32
          %dma_start3A_277 = arith.constant 0 : i32
          %dma_start3A_278 = arith.constant 0 : i32
          %dma_start3A_279 = tpu.memref_slice %arg7[%dma_start3A_276, %dma_start3A_277, %dma_start3A_278] : memref<6x1x128xi32, #tpu.memory_space<vmem>> -> memref<1x1x128xi32, #tpu.memory_space<vmem>>
          %dma_start3A_280 = tpu.memref_squeeze %dma_start3A_279 : memref<1x1x128xi32, #tpu.memory_space<vmem>> -> memref<1x128xi32, #tpu.memory_space<vmem>>
          %dma_start3A_281 = arith.constant 1 : i32
          %dma_start3A_282 = tpu.memref_slice %arg3[%dma_start3A_281, %mul3A_275] : memref<2x320000xi32, #tpu.memory_space<hbm>> -> memref<1x128xi32, #tpu.memory_space<hbm>>
          %dma_start3A_283 = arith.constant 0 : i32
          %dma_start3A_284 = arith.constant 0 : i32
          %dma_start3A_285 = tpu.memref_slice %arg7[%dma_start3A_276, %dma_start3A_283, %dma_start3A_284] : memref<6x1x128xi32, #tpu.memory_space<vmem>> -> memref<1x1x128xi32, #tpu.memory_space<vmem>>
          %dma_start3A_286 = tpu.memref_squeeze %dma_start3A_285 : memref<1x1x128xi32, #tpu.memory_space<vmem>> -> memref<1x128xi32, #tpu.memory_space<vmem>>
          %dma_start3A_287 = arith.constant 1 : i32
          %dma_start3A_288 = tpu.memref_slice %arg3[%dma_start3A_287, %mul3A_275] : memref<2x320000xi32, #tpu.memory_space<hbm>> -> memref<1x128xi32, #tpu.memory_space<hbm>>
          tpu.enqueue_dma source(%dma_start3A_288 : memref<1x128xi32, #tpu.memory_space<hbm>>) target(%dma_start3A_286 : memref<1x128xi32, #tpu.memory_space<vmem>>) target_semaphore(%arg14 : memref<!tpu.dma_semaphore, #tpu.memory_space<semaphore_mem>>)
        } else {
        }
        %add3A_223 = arith.constant 1 : i32
        %add3A_224 = arith.addi %add3A_189, %add3A_223 : i32
        %lt3A_225 = arith.cmpi slt, %add3A_224, %select_n3A : i32
        %convert_element_type3A_226 = arith.extui %lt3A_225 : i1 to i32
        %cond3A_227 = arith.constant 0 : i32
        %cond3A_228 = arith.cmpi ne, %convert_element_type3A_226, %cond3A_227 : i32
        scf.if %cond3A_228 {
          %add3A_255 = arith.constant 1 : i32
          %add3A_256 = arith.addi %add3A_189, %add3A_255 : i32
          %add3A_257 = arith.addi %add3A_6, %add3A_256 : i32
          %mul3A_258 = arith.constant 128 : i32
          %mul3A_259 = arith.muli %add3A_257, %mul3A_258 : i32
          %dma_wait3A_260 = arith.constant 3 : i32
          %dma_wait3A_261 = arith.constant 0 : i32
          %dma_wait3A_262 = arith.constant 0 : i32
          %dma_wait3A_263 = tpu.memref_slice %arg6[%dma_wait3A_260, %dma_wait3A_261, %dma_wait3A_262] : memref<6x1x128xi32, #tpu.memory_space<vmem>> -> memref<1x1x128xi32, #tpu.memory_space<vmem>>
          %dma_wait3A_264 = tpu.memref_squeeze %dma_wait3A_263 : memref<1x1x128xi32, #tpu.memory_space<vmem>> -> memref<1x128xi32, #tpu.memory_space<vmem>>
          %dma_wait3A_265 = arith.constant 0 : i32
          %dma_wait3A_266 = tpu.memref_slice %arg3[%dma_wait3A_265, %mul3A_259] : memref<2x320000xi32, #tpu.memory_space<hbm>> -> memref<1x128xi32, #tpu.memory_space<hbm>>
          %dma_wait3A_267 = arith.constant 0 : i32
          %dma_wait3A_268 = arith.constant 0 : i32
          %dma_wait3A_269 = tpu.memref_slice %arg6[%dma_wait3A_260, %dma_wait3A_267, %dma_wait3A_268] : memref<6x1x128xi32, #tpu.memory_space<vmem>> -> memref<1x1x128xi32, #tpu.memory_space<vmem>>
          %dma_wait3A_270 = tpu.memref_squeeze %dma_wait3A_269 : memref<1x1x128xi32, #tpu.memory_space<vmem>> -> memref<1x128xi32, #tpu.memory_space<vmem>>
          %dma_wait3A_271 = arith.constant 0 : i32
          %dma_wait3A_272 = tpu.memref_slice %arg3[%dma_wait3A_271, %mul3A_259] : memref<2x320000xi32, #tpu.memory_space<hbm>> -> memref<1x128xi32, #tpu.memory_space<hbm>>
          tpu.wait_dma2 semaphore(%arg13 : memref<!tpu.dma_semaphore, #tpu.memory_space<semaphore_mem>>) src(%dma_wait3A_272 : memref<1x128xi32, #tpu.memory_space<hbm>>) dst(%dma_wait3A_270 : memref<1x128xi32, #tpu.memory_space<vmem>>)
          %add3A_273 = arith.addi %add3A_6, %add3A_256 : i32
          %mul3A_274 = arith.constant 128 : i32
          %mul3A_275 = arith.muli %add3A_273, %mul3A_274 : i32
          %dma_wait3A_276 = arith.constant 3 : i32
          %dma_wait3A_277 = arith.constant 0 : i32
          %dma_wait3A_278 = arith.constant 0 : i32
          %dma_wait3A_279 = tpu.memref_slice %arg7[%dma_wait3A_276, %dma_wait3A_277, %dma_wait3A_278] : memref<6x1x128xi32, #tpu.memory_space<vmem>> -> memref<1x1x128xi32, #tpu.memory_space<vmem>>
          %dma_wait3A_280 = tpu.memref_squeeze %dma_wait3A_279 : memref<1x1x128xi32, #tpu.memory_space<vmem>> -> memref<1x128xi32, #tpu.memory_space<vmem>>
          %dma_wait3A_281 = arith.constant 1 : i32
          %dma_wait3A_282 = tpu.memref_slice %arg3[%dma_wait3A_281, %mul3A_275] : memref<2x320000xi32, #tpu.memory_space<hbm>> -> memref<1x128xi32, #tpu.memory_space<hbm>>
          %dma_wait3A_283 = arith.constant 0 : i32
          %dma_wait3A_284 = arith.constant 0 : i32
          %dma_wait3A_285 = tpu.memref_slice %arg7[%dma_wait3A_276, %dma_wait3A_283, %dma_wait3A_284] : memref<6x1x128xi32, #tpu.memory_space<vmem>> -> memref<1x1x128xi32, #tpu.memory_space<vmem>>
          %dma_wait3A_286 = tpu.memref_squeeze %dma_wait3A_285 : memref<1x1x128xi32, #tpu.memory_space<vmem>> -> memref<1x128xi32, #tpu.memory_space<vmem>>
          %dma_wait3A_287 = arith.constant 1 : i32
          %dma_wait3A_288 = tpu.memref_slice %arg3[%dma_wait3A_287, %mul3A_275] : memref<2x320000xi32, #tpu.memory_space<hbm>> -> memref<1x128xi32, #tpu.memory_space<hbm>>
          tpu.wait_dma2 semaphore(%arg13 : memref<!tpu.dma_semaphore, #tpu.memory_space<semaphore_mem>>) src(%dma_wait3A_288 : memref<1x128xi32, #tpu.memory_space<hbm>>) dst(%dma_wait3A_286 : memref<1x128xi32, #tpu.memory_space<vmem>>)
          %dma_start3A_289 = arith.constant 3 : i32
          %dma_start3A_290 = arith.constant 0 : i32
          %dma_start3A_291 = arith.constant 0 : i32
          %dma_start3A_292 = arith.constant 0 : i32
          %dma_start3A_293 = arith.constant 0 : i32
          %dma_start3A_294 = tpu.memref_slice %arg8[%dma_start3A_291, %dma_start3A_292, %dma_start3A_293] : memref<3x128x128xf32, #tpu.memory_space<vmem>> -> memref<1x128x128xf32, #tpu.memory_space<vmem>>
          %dma_start3A_295 = tpu.memref_squeeze %dma_start3A_294 : memref<1x128x128xf32, #tpu.memory_space<vmem>> -> memref<128x128xf32, #tpu.memory_space<vmem>>
          %dma_start3A_296 = arith.constant 0 : i32
          %dma_start3A_297 = tpu.memref_slice %arg6[%dma_start3A_289, %dma_start3A_290, %dma_start3A_296] : memref<6x1x128xi32, #tpu.memory_space<vmem>> -> memref<1x1x128xi32, #tpu.memory_space<vmem>>
          %dma_start3A_298 = tpu.memref_squeeze %dma_start3A_297 : memref<1x1x128xi32, #tpu.memory_space<vmem>> -> memref<128xi32, #tpu.memory_space<vmem>>
          %dma_start3A_299 = arith.constant 0 : i32
          %dma_start3A_300 = arith.constant 0 : i32
          %dma_start3A_301 = tpu.memref_slice %arg2[%dma_start3A_299, %dma_start3A_300] : memref<10000x128xf32, #tpu.memory_space<hbm>> -> memref<10000x128xf32, #tpu.memory_space<hbm>>
          tpu.enqueue_indirect_dma source(%dma_start3A_301 : memref<10000x128xf32, #tpu.memory_space<hbm>>) target(%dma_start3A_295 : memref<128x128xf32, #tpu.memory_space<vmem>>) offsets(%dma_start3A_298 : memref<128xi32, #tpu.memory_space<vmem>>) semaphore(%arg16 : memref<!tpu.dma_semaphore, #tpu.memory_space<semaphore_mem>>)
        } else {
        }
        %dma_wait3A_229 = arith.constant 2 : i32
        %dma_wait3A_230 = arith.constant 0 : i32
        %dma_wait3A_231 = arith.constant 2 : i32
        %dma_wait3A_232 = arith.constant 0 : i32
        %dma_wait3A_233 = arith.constant 0 : i32
        %dma_wait3A_234 = tpu.memref_slice %arg8[%dma_wait3A_231, %dma_wait3A_232, %dma_wait3A_233] : memref<3x128x128xf32, #tpu.memory_space<vmem>> -> memref<1x128x128xf32, #tpu.memory_space<vmem>>
        %dma_wait3A_235 = tpu.memref_squeeze %dma_wait3A_234 : memref<1x128x128xf32, #tpu.memory_space<vmem>> -> memref<128x128xf32, #tpu.memory_space<vmem>>
        %dma_wait3A_236 = arith.constant 0 : i32
        %dma_wait3A_237 = tpu.memref_slice %arg6[%dma_wait3A_229, %dma_wait3A_230, %dma_wait3A_236] : memref<6x1x128xi32, #tpu.memory_space<vmem>> -> memref<1x1x128xi32, #tpu.memory_space<vmem>>
        %dma_wait3A_238 = tpu.memref_squeeze %dma_wait3A_237 : memref<1x1x128xi32, #tpu.memory_space<vmem>> -> memref<128xi32, #tpu.memory_space<vmem>>
        %dma_wait3A_239 = arith.constant 0 : i32
        %dma_wait3A_240 = arith.constant 0 : i32
        %dma_wait3A_241 = tpu.memref_slice %arg2[%dma_wait3A_239, %dma_wait3A_240] : memref<10000x128xf32, #tpu.memory_space<hbm>> -> memref<10000x128xf32, #tpu.memory_space<hbm>>
        tpu.wait_indirect_dma semaphore(%arg18 : memref<!tpu.dma_semaphore, #tpu.memory_space<semaphore_mem>>) src(%dma_wait3A_241 : memref<10000x128xf32, #tpu.memory_space<hbm>>) dst(%dma_wait3A_235 : memref<128x128xf32, #tpu.memory_space<vmem>>)
        %dma_start3A_242 = arith.constant 2 : i32
        %dma_start3A_243 = arith.constant 2 : i32
        %dma_start3A_244 = arith.constant 0 : i32
        %dma_start3A_245 = arith.constant 0 : i32
        %dma_start3A_246 = arith.constant 0 : i32
        %dma_start3A_247 = tpu.memref_slice %arg8[%dma_start3A_242, %dma_start3A_245, %dma_start3A_246] : memref<3x128x128xf32, #tpu.memory_space<vmem>> -> memref<1x128x128xf32, #tpu.memory_space<vmem>>
        %dma_start3A_248 = tpu.memref_squeeze %dma_start3A_247 : memref<1x128x128xf32, #tpu.memory_space<vmem>> -> memref<128x128xf32, #tpu.memory_space<vmem>>
        %dma_start3A_249 = arith.constant 0 : i32
        %dma_start3A_250 = tpu.memref_slice %arg7[%dma_start3A_243, %dma_start3A_244, %dma_start3A_249] : memref<6x1x128xi32, #tpu.memory_space<vmem>> -> memref<1x1x128xi32, #tpu.memory_space<vmem>>
        %dma_start3A_251 = tpu.memref_squeeze %dma_start3A_250 : memref<1x1x128xi32, #tpu.memory_space<vmem>> -> memref<128xi32, #tpu.memory_space<vmem>>
        %dma_start3A_252 = arith.constant 0 : i32
        %dma_start3A_253 = arith.constant 0 : i32
        %dma_start3A_254 = tpu.memref_slice %arg9[%dma_start3A_252, %dma_start3A_253] : memref<10000x128xf32, #tpu.memory_space<vmem_shared>> -> memref<10000x128xf32, #tpu.memory_space<vmem_shared>>
        tpu.enqueue_indirect_dma source(%dma_start3A_248 : memref<128x128xf32, #tpu.memory_space<vmem>>) target(%dma_start3A_254 : memref<10000x128xf32, #tpu.memory_space<vmem_shared>>) offsets(%dma_start3A_251 : memref<128xi32, #tpu.memory_space<vmem>>) semaphore(%arg21 : memref<!tpu.dma_semaphore, #tpu.memory_space<semaphore_mem>>) {add = true}
      } else {
      }
      %add3A_194 = arith.constant 3 : i32
      %add3A_195 = arith.addi %add3A_175, %add3A_194 : i32
      %lt3A_196 = arith.cmpi slt, %add3A_195, %select_n3A : i32
      %convert_element_type3A_197 = arith.extui %lt3A_196 : i1 to i32
      %cond3A_198 = arith.constant 0 : i32
      %cond3A_199 = arith.cmpi ne, %convert_element_type3A_197, %cond3A_198 : i32
      scf.if %cond3A_199 {
        %ge3A_212 = arith.constant 2 : i32
        %ge3A_213 = arith.cmpi sge, %add3A_195, %ge3A_212 : i32
        %convert_element_type3A_214 = arith.extui %ge3A_213 : i1 to i32
        %cond3A_215 = arith.constant 0 : i32
        %cond3A_216 = arith.cmpi ne, %convert_element_type3A_214, %cond3A_215 : i32
        scf.if %cond3A_216 {
          %dma_wait3A_255 = arith.constant 1 : i32
          %dma_wait3A_256 = arith.constant 1 : i32
          %dma_wait3A_257 = arith.constant 0 : i32
          %dma_wait3A_258 = arith.constant 0 : i32
          %dma_wait3A_259 = arith.constant 0 : i32
          %dma_wait3A_260 = tpu.memref_slice %arg8[%dma_wait3A_255, %dma_wait3A_258, %dma_wait3A_259] : memref<3x128x128xf32, #tpu.memory_space<vmem>> -> memref<1x128x128xf32, #tpu.memory_space<vmem>>
          %dma_wait3A_261 = tpu.memref_squeeze %dma_wait3A_260 : memref<1x128x128xf32, #tpu.memory_space<vmem>> -> memref<128x128xf32, #tpu.memory_space<vmem>>
          %dma_wait3A_262 = arith.constant 0 : i32
          %dma_wait3A_263 = tpu.memref_slice %arg7[%dma_wait3A_256, %dma_wait3A_257, %dma_wait3A_262] : memref<6x1x128xi32, #tpu.memory_space<vmem>> -> memref<1x1x128xi32, #tpu.memory_space<vmem>>
          %dma_wait3A_264 = tpu.memref_squeeze %dma_wait3A_263 : memref<1x1x128xi32, #tpu.memory_space<vmem>> -> memref<128xi32, #tpu.memory_space<vmem>>
          %dma_wait3A_265 = arith.constant 0 : i32
          %dma_wait3A_266 = arith.constant 0 : i32
          %dma_wait3A_267 = tpu.memref_slice %arg9[%dma_wait3A_265, %dma_wait3A_266] : memref<10000x128xf32, #tpu.memory_space<vmem_shared>> -> memref<10000x128xf32, #tpu.memory_space<vmem_shared>>
          tpu.wait_indirect_dma semaphore(%arg20 : memref<!tpu.dma_semaphore, #tpu.memory_space<semaphore_mem>>) src(%dma_wait3A_261 : memref<128x128xf32, #tpu.memory_space<vmem>>) dst(%dma_wait3A_267 : memref<10000x128xf32, #tpu.memory_space<vmem_shared>>)
        } else {
        }
        %add3A_217 = arith.constant 2 : i32
        %add3A_218 = arith.addi %add3A_195, %add3A_217 : i32
        %lt3A_219 = arith.cmpi slt, %add3A_218, %select_n3A : i32
        %convert_element_type3A_220 = arith.extui %lt3A_219 : i1 to i32
        %cond3A_221 = arith.constant 0 : i32
        %cond3A_222 = arith.cmpi ne, %convert_element_type3A_220, %cond3A_221 : i32
        scf.if %cond3A_222 {
          %add3A_255 = arith.constant 2 : i32
          %add3A_256 = arith.addi %add3A_195, %add3A_255 : i32
          %add3A_257 = arith.addi %add3A_6, %add3A_256 : i32
          %mul3A_258 = arith.constant 128 : i32
          %mul3A_259 = arith.muli %add3A_257, %mul3A_258 : i32
          %dma_start3A_260 = arith.constant 5 : i32
          %dma_start3A_261 = arith.constant 0 : i32
          %dma_start3A_262 = arith.constant 0 : i32
          %dma_start3A_263 = tpu.memref_slice %arg6[%dma_start3A_260, %dma_start3A_261, %dma_start3A_262] : memref<6x1x128xi32, #tpu.memory_space<vmem>> -> memref<1x1x128xi32, #tpu.memory_space<vmem>>
          %dma_start3A_264 = tpu.memref_squeeze %dma_start3A_263 : memref<1x1x128xi32, #tpu.memory_space<vmem>> -> memref<1x128xi32, #tpu.memory_space<vmem>>
          %dma_start3A_265 = arith.constant 0 : i32
          %dma_start3A_266 = tpu.memref_slice %arg3[%dma_start3A_265, %mul3A_259] : memref<2x320000xi32, #tpu.memory_space<hbm>> -> memref<1x128xi32, #tpu.memory_space<hbm>>
          %dma_start3A_267 = arith.constant 0 : i32
          %dma_start3A_268 = arith.constant 0 : i32
          %dma_start3A_269 = tpu.memref_slice %arg6[%dma_start3A_260, %dma_start3A_267, %dma_start3A_268] : memref<6x1x128xi32, #tpu.memory_space<vmem>> -> memref<1x1x128xi32, #tpu.memory_space<vmem>>
          %dma_start3A_270 = tpu.memref_squeeze %dma_start3A_269 : memref<1x1x128xi32, #tpu.memory_space<vmem>> -> memref<1x128xi32, #tpu.memory_space<vmem>>
          %dma_start3A_271 = arith.constant 0 : i32
          %dma_start3A_272 = tpu.memref_slice %arg3[%dma_start3A_271, %mul3A_259] : memref<2x320000xi32, #tpu.memory_space<hbm>> -> memref<1x128xi32, #tpu.memory_space<hbm>>
          tpu.enqueue_dma source(%dma_start3A_272 : memref<1x128xi32, #tpu.memory_space<hbm>>) target(%dma_start3A_270 : memref<1x128xi32, #tpu.memory_space<vmem>>) target_semaphore(%arg15 : memref<!tpu.dma_semaphore, #tpu.memory_space<semaphore_mem>>)
          %add3A_273 = arith.addi %add3A_6, %add3A_256 : i32
          %mul3A_274 = arith.constant 128 : i32
          %mul3A_275 = arith.muli %add3A_273, %mul3A_274 : i32
          %dma_start3A_276 = arith.constant 5 : i32
          %dma_start3A_277 = arith.constant 0 : i32
          %dma_start3A_278 = arith.constant 0 : i32
          %dma_start3A_279 = tpu.memref_slice %arg7[%dma_start3A_276, %dma_start3A_277, %dma_start3A_278] : memref<6x1x128xi32, #tpu.memory_space<vmem>> -> memref<1x1x128xi32, #tpu.memory_space<vmem>>
          %dma_start3A_280 = tpu.memref_squeeze %dma_start3A_279 : memref<1x1x128xi32, #tpu.memory_space<vmem>> -> memref<1x128xi32, #tpu.memory_space<vmem>>
          %dma_start3A_281 = arith.constant 1 : i32
          %dma_start3A_282 = tpu.memref_slice %arg3[%dma_start3A_281, %mul3A_275] : memref<2x320000xi32, #tpu.memory_space<hbm>> -> memref<1x128xi32, #tpu.memory_space<hbm>>
          %dma_start3A_283 = arith.constant 0 : i32
          %dma_start3A_284 = arith.constant 0 : i32
          %dma_start3A_285 = tpu.memref_slice %arg7[%dma_start3A_276, %dma_start3A_283, %dma_start3A_284] : memref<6x1x128xi32, #tpu.memory_space<vmem>> -> memref<1x1x128xi32, #tpu.memory_space<vmem>>
          %dma_start3A_286 = tpu.memref_squeeze %dma_start3A_285 : memref<1x1x128xi32, #tpu.memory_space<vmem>> -> memref<1x128xi32, #tpu.memory_space<vmem>>
          %dma_start3A_287 = arith.constant 1 : i32
          %dma_start3A_288 = tpu.memref_slice %arg3[%dma_start3A_287, %mul3A_275] : memref<2x320000xi32, #tpu.memory_space<hbm>> -> memref<1x128xi32, #tpu.memory_space<hbm>>
          tpu.enqueue_dma source(%dma_start3A_288 : memref<1x128xi32, #tpu.memory_space<hbm>>) target(%dma_start3A_286 : memref<1x128xi32, #tpu.memory_space<vmem>>) target_semaphore(%arg15 : memref<!tpu.dma_semaphore, #tpu.memory_space<semaphore_mem>>)
        } else {
        }
        %add3A_223 = arith.constant 1 : i32
        %add3A_224 = arith.addi %add3A_195, %add3A_223 : i32
        %lt3A_225 = arith.cmpi slt, %add3A_224, %select_n3A : i32
        %convert_element_type3A_226 = arith.extui %lt3A_225 : i1 to i32
        %cond3A_227 = arith.constant 0 : i32
        %cond3A_228 = arith.cmpi ne, %convert_element_type3A_226, %cond3A_227 : i32
        scf.if %cond3A_228 {
          %add3A_255 = arith.constant 1 : i32
          %add3A_256 = arith.addi %add3A_195, %add3A_255 : i32
          %add3A_257 = arith.addi %add3A_6, %add3A_256 : i32
          %mul3A_258 = arith.constant 128 : i32
          %mul3A_259 = arith.muli %add3A_257, %mul3A_258 : i32
          %dma_wait3A_260 = arith.constant 4 : i32
          %dma_wait3A_261 = arith.constant 0 : i32
          %dma_wait3A_262 = arith.constant 0 : i32
          %dma_wait3A_263 = tpu.memref_slice %arg6[%dma_wait3A_260, %dma_wait3A_261, %dma_wait3A_262] : memref<6x1x128xi32, #tpu.memory_space<vmem>> -> memref<1x1x128xi32, #tpu.memory_space<vmem>>
          %dma_wait3A_264 = tpu.memref_squeeze %dma_wait3A_263 : memref<1x1x128xi32, #tpu.memory_space<vmem>> -> memref<1x128xi32, #tpu.memory_space<vmem>>
          %dma_wait3A_265 = arith.constant 0 : i32
          %dma_wait3A_266 = tpu.memref_slice %arg3[%dma_wait3A_265, %mul3A_259] : memref<2x320000xi32, #tpu.memory_space<hbm>> -> memref<1x128xi32, #tpu.memory_space<hbm>>
          %dma_wait3A_267 = arith.constant 0 : i32
          %dma_wait3A_268 = arith.constant 0 : i32
          %dma_wait3A_269 = tpu.memref_slice %arg6[%dma_wait3A_260, %dma_wait3A_267, %dma_wait3A_268] : memref<6x1x128xi32, #tpu.memory_space<vmem>> -> memref<1x1x128xi32, #tpu.memory_space<vmem>>
          %dma_wait3A_270 = tpu.memref_squeeze %dma_wait3A_269 : memref<1x1x128xi32, #tpu.memory_space<vmem>> -> memref<1x128xi32, #tpu.memory_space<vmem>>
          %dma_wait3A_271 = arith.constant 0 : i32
          %dma_wait3A_272 = tpu.memref_slice %arg3[%dma_wait3A_271, %mul3A_259] : memref<2x320000xi32, #tpu.memory_space<hbm>> -> memref<1x128xi32, #tpu.memory_space<hbm>>
          tpu.wait_dma2 semaphore(%arg14 : memref<!tpu.dma_semaphore, #tpu.memory_space<semaphore_mem>>) src(%dma_wait3A_272 : memref<1x128xi32, #tpu.memory_space<hbm>>) dst(%dma_wait3A_270 : memref<1x128xi32, #tpu.memory_space<vmem>>)
          %add3A_273 = arith.addi %add3A_6, %add3A_256 : i32
          %mul3A_274 = arith.constant 128 : i32
          %mul3A_275 = arith.muli %add3A_273, %mul3A_274 : i32
          %dma_wait3A_276 = arith.constant 4 : i32
          %dma_wait3A_277 = arith.constant 0 : i32
          %dma_wait3A_278 = arith.constant 0 : i32
          %dma_wait3A_279 = tpu.memref_slice %arg7[%dma_wait3A_276, %dma_wait3A_277, %dma_wait3A_278] : memref<6x1x128xi32, #tpu.memory_space<vmem>> -> memref<1x1x128xi32, #tpu.memory_space<vmem>>
          %dma_wait3A_280 = tpu.memref_squeeze %dma_wait3A_279 : memref<1x1x128xi32, #tpu.memory_space<vmem>> -> memref<1x128xi32, #tpu.memory_space<vmem>>
          %dma_wait3A_281 = arith.constant 1 : i32
          %dma_wait3A_282 = tpu.memref_slice %arg3[%dma_wait3A_281, %mul3A_275] : memref<2x320000xi32, #tpu.memory_space<hbm>> -> memref<1x128xi32, #tpu.memory_space<hbm>>
          %dma_wait3A_283 = arith.constant 0 : i32
          %dma_wait3A_284 = arith.constant 0 : i32
          %dma_wait3A_285 = tpu.memref_slice %arg7[%dma_wait3A_276, %dma_wait3A_283, %dma_wait3A_284] : memref<6x1x128xi32, #tpu.memory_space<vmem>> -> memref<1x1x128xi32, #tpu.memory_space<vmem>>
          %dma_wait3A_286 = tpu.memref_squeeze %dma_wait3A_285 : memref<1x1x128xi32, #tpu.memory_space<vmem>> -> memref<1x128xi32, #tpu.memory_space<vmem>>
          %dma_wait3A_287 = arith.constant 1 : i32
          %dma_wait3A_288 = tpu.memref_slice %arg3[%dma_wait3A_287, %mul3A_275] : memref<2x320000xi32, #tpu.memory_space<hbm>> -> memref<1x128xi32, #tpu.memory_space<hbm>>
          tpu.wait_dma2 semaphore(%arg14 : memref<!tpu.dma_semaphore, #tpu.memory_space<semaphore_mem>>) src(%dma_wait3A_288 : memref<1x128xi32, #tpu.memory_space<hbm>>) dst(%dma_wait3A_286 : memref<1x128xi32, #tpu.memory_space<vmem>>)
          %dma_start3A_289 = arith.constant 4 : i32
          %dma_start3A_290 = arith.constant 0 : i32
          %dma_start3A_291 = arith.constant 1 : i32
          %dma_start3A_292 = arith.constant 0 : i32
          %dma_start3A_293 = arith.constant 0 : i32
          %dma_start3A_294 = tpu.memref_slice %arg8[%dma_start3A_291, %dma_start3A_292, %dma_start3A_293] : memref<3x128x128xf32, #tpu.memory_space<vmem>> -> memref<1x128x128xf32, #tpu.memory_space<vmem>>
          %dma_start3A_295 = tpu.memref_squeeze %dma_start3A_294 : memref<1x128x128xf32, #tpu.memory_space<vmem>> -> memref<128x128xf32, #tpu.memory_space<vmem>>
          %dma_start3A_296 = arith.constant 0 : i32
          %dma_start3A_297 = tpu.memref_slice %arg6[%dma_start3A_289, %dma_start3A_290, %dma_start3A_296] : memref<6x1x128xi32, #tpu.memory_space<vmem>> -> memref<1x1x128xi32, #tpu.memory_space<vmem>>
          %dma_start3A_298 = tpu.memref_squeeze %dma_start3A_297 : memref<1x1x128xi32, #tpu.memory_space<vmem>> -> memref<128xi32, #tpu.memory_space<vmem>>
          %dma_start3A_299 = arith.constant 0 : i32
          %dma_start3A_300 = arith.constant 0 : i32
          %dma_start3A_301 = tpu.memref_slice %arg2[%dma_start3A_299, %dma_start3A_300] : memref<10000x128xf32, #tpu.memory_space<hbm>> -> memref<10000x128xf32, #tpu.memory_space<hbm>>
          tpu.enqueue_indirect_dma source(%dma_start3A_301 : memref<10000x128xf32, #tpu.memory_space<hbm>>) target(%dma_start3A_295 : memref<128x128xf32, #tpu.memory_space<vmem>>) offsets(%dma_start3A_298 : memref<128xi32, #tpu.memory_space<vmem>>) semaphore(%arg17 : memref<!tpu.dma_semaphore, #tpu.memory_space<semaphore_mem>>)
        } else {
        }
        %dma_wait3A_229 = arith.constant 3 : i32
        %dma_wait3A_230 = arith.constant 0 : i32
        %dma_wait3A_231 = arith.constant 0 : i32
        %dma_wait3A_232 = arith.constant 0 : i32
        %dma_wait3A_233 = arith.constant 0 : i32
        %dma_wait3A_234 = tpu.memref_slice %arg8[%dma_wait3A_231, %dma_wait3A_232, %dma_wait3A_233] : memref<3x128x128xf32, #tpu.memory_space<vmem>> -> memref<1x128x128xf32, #tpu.memory_space<vmem>>
        %dma_wait3A_235 = tpu.memref_squeeze %dma_wait3A_234 : memref<1x128x128xf32, #tpu.memory_space<vmem>> -> memref<128x128xf32, #tpu.memory_space<vmem>>
        %dma_wait3A_236 = arith.constant 0 : i32
        %dma_wait3A_237 = tpu.memref_slice %arg6[%dma_wait3A_229, %dma_wait3A_230, %dma_wait3A_236] : memref<6x1x128xi32, #tpu.memory_space<vmem>> -> memref<1x1x128xi32, #tpu.memory_space<vmem>>
        %dma_wait3A_238 = tpu.memref_squeeze %dma_wait3A_237 : memref<1x1x128xi32, #tpu.memory_space<vmem>> -> memref<128xi32, #tpu.memory_space<vmem>>
        %dma_wait3A_239 = arith.constant 0 : i32
        %dma_wait3A_240 = arith.constant 0 : i32
        %dma_wait3A_241 = tpu.memref_slice %arg2[%dma_wait3A_239, %dma_wait3A_240] : memref<10000x128xf32, #tpu.memory_space<hbm>> -> memref<10000x128xf32, #tpu.memory_space<hbm>>
        tpu.wait_indirect_dma semaphore(%arg16 : memref<!tpu.dma_semaphore, #tpu.memory_space<semaphore_mem>>) src(%dma_wait3A_241 : memref<10000x128xf32, #tpu.memory_space<hbm>>) dst(%dma_wait3A_235 : memref<128x128xf32, #tpu.memory_space<vmem>>)
        %dma_start3A_242 = arith.constant 0 : i32
        %dma_start3A_243 = arith.constant 3 : i32
        %dma_start3A_244 = arith.constant 0 : i32
        %dma_start3A_245 = arith.constant 0 : i32
        %dma_start3A_246 = arith.constant 0 : i32
        %dma_start3A_247 = tpu.memref_slice %arg8[%dma_start3A_242, %dma_start3A_245, %dma_start3A_246] : memref<3x128x128xf32, #tpu.memory_space<vmem>> -> memref<1x128x128xf32, #tpu.memory_space<vmem>>
        %dma_start3A_248 = tpu.memref_squeeze %dma_start3A_247 : memref<1x128x128xf32, #tpu.memory_space<vmem>> -> memref<128x128xf32, #tpu.memory_space<vmem>>
        %dma_start3A_249 = arith.constant 0 : i32
        %dma_start3A_250 = tpu.memref_slice %arg7[%dma_start3A_243, %dma_start3A_244, %dma_start3A_249] : memref<6x1x128xi32, #tpu.memory_space<vmem>> -> memref<1x1x128xi32, #tpu.memory_space<vmem>>
        %dma_start3A_251 = tpu.memref_squeeze %dma_start3A_250 : memref<1x1x128xi32, #tpu.memory_space<vmem>> -> memref<128xi32, #tpu.memory_space<vmem>>
        %dma_start3A_252 = arith.constant 0 : i32
        %dma_start3A_253 = arith.constant 0 : i32
        %dma_start3A_254 = tpu.memref_slice %arg9[%dma_start3A_252, %dma_start3A_253] : memref<10000x128xf32, #tpu.memory_space<vmem_shared>> -> memref<10000x128xf32, #tpu.memory_space<vmem_shared>>
        tpu.enqueue_indirect_dma source(%dma_start3A_248 : memref<128x128xf32, #tpu.memory_space<vmem>>) target(%dma_start3A_254 : memref<10000x128xf32, #tpu.memory_space<vmem_shared>>) offsets(%dma_start3A_251 : memref<128xi32, #tpu.memory_space<vmem>>) semaphore(%arg19 : memref<!tpu.dma_semaphore, #tpu.memory_space<semaphore_mem>>) {add = true}
      } else {
      }
      %add3A_200 = arith.constant 4 : i32
      %add3A_201 = arith.addi %add3A_175, %add3A_200 : i32
      %lt3A_202 = arith.cmpi slt, %add3A_201, %select_n3A : i32
      %convert_element_type3A_203 = arith.extui %lt3A_202 : i1 to i32
      %cond3A_204 = arith.constant 0 : i32
      %cond3A_205 = arith.cmpi ne, %convert_element_type3A_203, %cond3A_204 : i32
      scf.if %cond3A_205 {
        %ge3A_212 = arith.constant 2 : i32
        %ge3A_213 = arith.cmpi sge, %add3A_201, %ge3A_212 : i32
        %convert_element_type3A_214 = arith.extui %ge3A_213 : i1 to i32
        %cond3A_215 = arith.constant 0 : i32
        %cond3A_216 = arith.cmpi ne, %convert_element_type3A_214, %cond3A_215 : i32
        scf.if %cond3A_216 {
          %dma_wait3A_255 = arith.constant 2 : i32
          %dma_wait3A_256 = arith.constant 2 : i32
          %dma_wait3A_257 = arith.constant 0 : i32
          %dma_wait3A_258 = arith.constant 0 : i32
          %dma_wait3A_259 = arith.constant 0 : i32
          %dma_wait3A_260 = tpu.memref_slice %arg8[%dma_wait3A_255, %dma_wait3A_258, %dma_wait3A_259] : memref<3x128x128xf32, #tpu.memory_space<vmem>> -> memref<1x128x128xf32, #tpu.memory_space<vmem>>
          %dma_wait3A_261 = tpu.memref_squeeze %dma_wait3A_260 : memref<1x128x128xf32, #tpu.memory_space<vmem>> -> memref<128x128xf32, #tpu.memory_space<vmem>>
          %dma_wait3A_262 = arith.constant 0 : i32
          %dma_wait3A_263 = tpu.memref_slice %arg7[%dma_wait3A_256, %dma_wait3A_257, %dma_wait3A_262] : memref<6x1x128xi32, #tpu.memory_space<vmem>> -> memref<1x1x128xi32, #tpu.memory_space<vmem>>
          %dma_wait3A_264 = tpu.memref_squeeze %dma_wait3A_263 : memref<1x1x128xi32, #tpu.memory_space<vmem>> -> memref<128xi32, #tpu.memory_space<vmem>>
          %dma_wait3A_265 = arith.constant 0 : i32
          %dma_wait3A_266 = arith.constant 0 : i32
          %dma_wait3A_267 = tpu.memref_slice %arg9[%dma_wait3A_265, %dma_wait3A_266] : memref<10000x128xf32, #tpu.memory_space<vmem_shared>> -> memref<10000x128xf32, #tpu.memory_space<vmem_shared>>
          tpu.wait_indirect_dma semaphore(%arg21 : memref<!tpu.dma_semaphore, #tpu.memory_space<semaphore_mem>>) src(%dma_wait3A_261 : memref<128x128xf32, #tpu.memory_space<vmem>>) dst(%dma_wait3A_267 : memref<10000x128xf32, #tpu.memory_space<vmem_shared>>)
        } else {
        }
        %add3A_217 = arith.constant 2 : i32
        %add3A_218 = arith.addi %add3A_201, %add3A_217 : i32
        %lt3A_219 = arith.cmpi slt, %add3A_218, %select_n3A : i32
        %convert_element_type3A_220 = arith.extui %lt3A_219 : i1 to i32
        %cond3A_221 = arith.constant 0 : i32
        %cond3A_222 = arith.cmpi ne, %convert_element_type3A_220, %cond3A_221 : i32
        scf.if %cond3A_222 {
          %add3A_255 = arith.constant 2 : i32
          %add3A_256 = arith.addi %add3A_201, %add3A_255 : i32
          %add3A_257 = arith.addi %add3A_6, %add3A_256 : i32
          %mul3A_258 = arith.constant 128 : i32
          %mul3A_259 = arith.muli %add3A_257, %mul3A_258 : i32
          %dma_start3A_260 = arith.constant 0 : i32
          %dma_start3A_261 = arith.constant 0 : i32
          %dma_start3A_262 = arith.constant 0 : i32
          %dma_start3A_263 = tpu.memref_slice %arg6[%dma_start3A_260, %dma_start3A_261, %dma_start3A_262] : memref<6x1x128xi32, #tpu.memory_space<vmem>> -> memref<1x1x128xi32, #tpu.memory_space<vmem>>
          %dma_start3A_264 = tpu.memref_squeeze %dma_start3A_263 : memref<1x1x128xi32, #tpu.memory_space<vmem>> -> memref<1x128xi32, #tpu.memory_space<vmem>>
          %dma_start3A_265 = arith.constant 0 : i32
          %dma_start3A_266 = tpu.memref_slice %arg3[%dma_start3A_265, %mul3A_259] : memref<2x320000xi32, #tpu.memory_space<hbm>> -> memref<1x128xi32, #tpu.memory_space<hbm>>
          %dma_start3A_267 = arith.constant 0 : i32
          %dma_start3A_268 = arith.constant 0 : i32
          %dma_start3A_269 = tpu.memref_slice %arg6[%dma_start3A_260, %dma_start3A_267, %dma_start3A_268] : memref<6x1x128xi32, #tpu.memory_space<vmem>> -> memref<1x1x128xi32, #tpu.memory_space<vmem>>
          %dma_start3A_270 = tpu.memref_squeeze %dma_start3A_269 : memref<1x1x128xi32, #tpu.memory_space<vmem>> -> memref<1x128xi32, #tpu.memory_space<vmem>>
          %dma_start3A_271 = arith.constant 0 : i32
          %dma_start3A_272 = tpu.memref_slice %arg3[%dma_start3A_271, %mul3A_259] : memref<2x320000xi32, #tpu.memory_space<hbm>> -> memref<1x128xi32, #tpu.memory_space<hbm>>
          tpu.enqueue_dma source(%dma_start3A_272 : memref<1x128xi32, #tpu.memory_space<hbm>>) target(%dma_start3A_270 : memref<1x128xi32, #tpu.memory_space<vmem>>) target_semaphore(%arg10 : memref<!tpu.dma_semaphore, #tpu.memory_space<semaphore_mem>>)
          %add3A_273 = arith.addi %add3A_6, %add3A_256 : i32
          %mul3A_274 = arith.constant 128 : i32
          %mul3A_275 = arith.muli %add3A_273, %mul3A_274 : i32
          %dma_start3A_276 = arith.constant 0 : i32
          %dma_start3A_277 = arith.constant 0 : i32
          %dma_start3A_278 = arith.constant 0 : i32
          %dma_start3A_279 = tpu.memref_slice %arg7[%dma_start3A_276, %dma_start3A_277, %dma_start3A_278] : memref<6x1x128xi32, #tpu.memory_space<vmem>> -> memref<1x1x128xi32, #tpu.memory_space<vmem>>
          %dma_start3A_280 = tpu.memref_squeeze %dma_start3A_279 : memref<1x1x128xi32, #tpu.memory_space<vmem>> -> memref<1x128xi32, #tpu.memory_space<vmem>>
          %dma_start3A_281 = arith.constant 1 : i32
          %dma_start3A_282 = tpu.memref_slice %arg3[%dma_start3A_281, %mul3A_275] : memref<2x320000xi32, #tpu.memory_space<hbm>> -> memref<1x128xi32, #tpu.memory_space<hbm>>
          %dma_start3A_283 = arith.constant 0 : i32
          %dma_start3A_284 = arith.constant 0 : i32
          %dma_start3A_285 = tpu.memref_slice %arg7[%dma_start3A_276, %dma_start3A_283, %dma_start3A_284] : memref<6x1x128xi32, #tpu.memory_space<vmem>> -> memref<1x1x128xi32, #tpu.memory_space<vmem>>
          %dma_start3A_286 = tpu.memref_squeeze %dma_start3A_285 : memref<1x1x128xi32, #tpu.memory_space<vmem>> -> memref<1x128xi32, #tpu.memory_space<vmem>>
          %dma_start3A_287 = arith.constant 1 : i32
          %dma_start3A_288 = tpu.memref_slice %arg3[%dma_start3A_287, %mul3A_275] : memref<2x320000xi32, #tpu.memory_space<hbm>> -> memref<1x128xi32, #tpu.memory_space<hbm>>
          tpu.enqueue_dma source(%dma_start3A_288 : memref<1x128xi32, #tpu.memory_space<hbm>>) target(%dma_start3A_286 : memref<1x128xi32, #tpu.memory_space<vmem>>) target_semaphore(%arg10 : memref<!tpu.dma_semaphore, #tpu.memory_space<semaphore_mem>>)
        } else {
        }
        %add3A_223 = arith.constant 1 : i32
        %add3A_224 = arith.addi %add3A_201, %add3A_223 : i32
        %lt3A_225 = arith.cmpi slt, %add3A_224, %select_n3A : i32
        %convert_element_type3A_226 = arith.extui %lt3A_225 : i1 to i32
        %cond3A_227 = arith.constant 0 : i32
        %cond3A_228 = arith.cmpi ne, %convert_element_type3A_226, %cond3A_227 : i32
        scf.if %cond3A_228 {
          %add3A_255 = arith.constant 1 : i32
          %add3A_256 = arith.addi %add3A_201, %add3A_255 : i32
          %add3A_257 = arith.addi %add3A_6, %add3A_256 : i32
          %mul3A_258 = arith.constant 128 : i32
          %mul3A_259 = arith.muli %add3A_257, %mul3A_258 : i32
          %dma_wait3A_260 = arith.constant 5 : i32
          %dma_wait3A_261 = arith.constant 0 : i32
          %dma_wait3A_262 = arith.constant 0 : i32
          %dma_wait3A_263 = tpu.memref_slice %arg6[%dma_wait3A_260, %dma_wait3A_261, %dma_wait3A_262] : memref<6x1x128xi32, #tpu.memory_space<vmem>> -> memref<1x1x128xi32, #tpu.memory_space<vmem>>
          %dma_wait3A_264 = tpu.memref_squeeze %dma_wait3A_263 : memref<1x1x128xi32, #tpu.memory_space<vmem>> -> memref<1x128xi32, #tpu.memory_space<vmem>>
          %dma_wait3A_265 = arith.constant 0 : i32
          %dma_wait3A_266 = tpu.memref_slice %arg3[%dma_wait3A_265, %mul3A_259] : memref<2x320000xi32, #tpu.memory_space<hbm>> -> memref<1x128xi32, #tpu.memory_space<hbm>>
          %dma_wait3A_267 = arith.constant 0 : i32
          %dma_wait3A_268 = arith.constant 0 : i32
          %dma_wait3A_269 = tpu.memref_slice %arg6[%dma_wait3A_260, %dma_wait3A_267, %dma_wait3A_268] : memref<6x1x128xi32, #tpu.memory_space<vmem>> -> memref<1x1x128xi32, #tpu.memory_space<vmem>>
          %dma_wait3A_270 = tpu.memref_squeeze %dma_wait3A_269 : memref<1x1x128xi32, #tpu.memory_space<vmem>> -> memref<1x128xi32, #tpu.memory_space<vmem>>
          %dma_wait3A_271 = arith.constant 0 : i32
          %dma_wait3A_272 = tpu.memref_slice %arg3[%dma_wait3A_271, %mul3A_259] : memref<2x320000xi32, #tpu.memory_space<hbm>> -> memref<1x128xi32, #tpu.memory_space<hbm>>
          tpu.wait_dma2 semaphore(%arg15 : memref<!tpu.dma_semaphore, #tpu.memory_space<semaphore_mem>>) src(%dma_wait3A_272 : memref<1x128xi32, #tpu.memory_space<hbm>>) dst(%dma_wait3A_270 : memref<1x128xi32, #tpu.memory_space<vmem>>)
          %add3A_273 = arith.addi %add3A_6, %add3A_256 : i32
          %mul3A_274 = arith.constant 128 : i32
          %mul3A_275 = arith.muli %add3A_273, %mul3A_274 : i32
          %dma_wait3A_276 = arith.constant 5 : i32
          %dma_wait3A_277 = arith.constant 0 : i32
          %dma_wait3A_278 = arith.constant 0 : i32
          %dma_wait3A_279 = tpu.memref_slice %arg7[%dma_wait3A_276, %dma_wait3A_277, %dma_wait3A_278] : memref<6x1x128xi32, #tpu.memory_space<vmem>> -> memref<1x1x128xi32, #tpu.memory_space<vmem>>
          %dma_wait3A_280 = tpu.memref_squeeze %dma_wait3A_279 : memref<1x1x128xi32, #tpu.memory_space<vmem>> -> memref<1x128xi32, #tpu.memory_space<vmem>>
          %dma_wait3A_281 = arith.constant 1 : i32
          %dma_wait3A_282 = tpu.memref_slice %arg3[%dma_wait3A_281, %mul3A_275] : memref<2x320000xi32, #tpu.memory_space<hbm>> -> memref<1x128xi32, #tpu.memory_space<hbm>>
          %dma_wait3A_283 = arith.constant 0 : i32
          %dma_wait3A_284 = arith.constant 0 : i32
          %dma_wait3A_285 = tpu.memref_slice %arg7[%dma_wait3A_276, %dma_wait3A_283, %dma_wait3A_284] : memref<6x1x128xi32, #tpu.memory_space<vmem>> -> memref<1x1x128xi32, #tpu.memory_space<vmem>>
          %dma_wait3A_286 = tpu.memref_squeeze %dma_wait3A_285 : memref<1x1x128xi32, #tpu.memory_space<vmem>> -> memref<1x128xi32, #tpu.memory_space<vmem>>
          %dma_wait3A_287 = arith.constant 1 : i32
          %dma_wait3A_288 = tpu.memref_slice %arg3[%dma_wait3A_287, %mul3A_275] : memref<2x320000xi32, #tpu.memory_space<hbm>> -> memref<1x128xi32, #tpu.memory_space<hbm>>
          tpu.wait_dma2 semaphore(%arg15 : memref<!tpu.dma_semaphore, #tpu.memory_space<semaphore_mem>>) src(%dma_wait3A_288 : memref<1x128xi32, #tpu.memory_space<hbm>>) dst(%dma_wait3A_286 : memref<1x128xi32, #tpu.memory_space<vmem>>)
          %dma_start3A_289 = arith.constant 5 : i32
          %dma_start3A_290 = arith.constant 0 : i32
          %dma_start3A_291 = arith.constant 2 : i32
          %dma_start3A_292 = arith.constant 0 : i32
          %dma_start3A_293 = arith.constant 0 : i32
          %dma_start3A_294 = tpu.memref_slice %arg8[%dma_start3A_291, %dma_start3A_292, %dma_start3A_293] : memref<3x128x128xf32, #tpu.memory_space<vmem>> -> memref<1x128x128xf32, #tpu.memory_space<vmem>>
          %dma_start3A_295 = tpu.memref_squeeze %dma_start3A_294 : memref<1x128x128xf32, #tpu.memory_space<vmem>> -> memref<128x128xf32, #tpu.memory_space<vmem>>
          %dma_start3A_296 = arith.constant 0 : i32
          %dma_start3A_297 = tpu.memref_slice %arg6[%dma_start3A_289, %dma_start3A_290, %dma_start3A_296] : memref<6x1x128xi32, #tpu.memory_space<vmem>> -> memref<1x1x128xi32, #tpu.memory_space<vmem>>
          %dma_start3A_298 = tpu.memref_squeeze %dma_start3A_297 : memref<1x1x128xi32, #tpu.memory_space<vmem>> -> memref<128xi32, #tpu.memory_space<vmem>>
          %dma_start3A_299 = arith.constant 0 : i32
          %dma_start3A_300 = arith.constant 0 : i32
          %dma_start3A_301 = tpu.memref_slice %arg2[%dma_start3A_299, %dma_start3A_300] : memref<10000x128xf32, #tpu.memory_space<hbm>> -> memref<10000x128xf32, #tpu.memory_space<hbm>>
          tpu.enqueue_indirect_dma source(%dma_start3A_301 : memref<10000x128xf32, #tpu.memory_space<hbm>>) target(%dma_start3A_295 : memref<128x128xf32, #tpu.memory_space<vmem>>) offsets(%dma_start3A_298 : memref<128xi32, #tpu.memory_space<vmem>>) semaphore(%arg18 : memref<!tpu.dma_semaphore, #tpu.memory_space<semaphore_mem>>)
        } else {
        }
        %dma_wait3A_229 = arith.constant 4 : i32
        %dma_wait3A_230 = arith.constant 0 : i32
        %dma_wait3A_231 = arith.constant 1 : i32
        %dma_wait3A_232 = arith.constant 0 : i32
        %dma_wait3A_233 = arith.constant 0 : i32
        %dma_wait3A_234 = tpu.memref_slice %arg8[%dma_wait3A_231, %dma_wait3A_232, %dma_wait3A_233] : memref<3x128x128xf32, #tpu.memory_space<vmem>> -> memref<1x128x128xf32, #tpu.memory_space<vmem>>
        %dma_wait3A_235 = tpu.memref_squeeze %dma_wait3A_234 : memref<1x128x128xf32, #tpu.memory_space<vmem>> -> memref<128x128xf32, #tpu.memory_space<vmem>>
        %dma_wait3A_236 = arith.constant 0 : i32
        %dma_wait3A_237 = tpu.memref_slice %arg6[%dma_wait3A_229, %dma_wait3A_230, %dma_wait3A_236] : memref<6x1x128xi32, #tpu.memory_space<vmem>> -> memref<1x1x128xi32, #tpu.memory_space<vmem>>
        %dma_wait3A_238 = tpu.memref_squeeze %dma_wait3A_237 : memref<1x1x128xi32, #tpu.memory_space<vmem>> -> memref<128xi32, #tpu.memory_space<vmem>>
        %dma_wait3A_239 = arith.constant 0 : i32
        %dma_wait3A_240 = arith.constant 0 : i32
        %dma_wait3A_241 = tpu.memref_slice %arg2[%dma_wait3A_239, %dma_wait3A_240] : memref<10000x128xf32, #tpu.memory_space<hbm>> -> memref<10000x128xf32, #tpu.memory_space<hbm>>
        tpu.wait_indirect_dma semaphore(%arg17 : memref<!tpu.dma_semaphore, #tpu.memory_space<semaphore_mem>>) src(%dma_wait3A_241 : memref<10000x128xf32, #tpu.memory_space<hbm>>) dst(%dma_wait3A_235 : memref<128x128xf32, #tpu.memory_space<vmem>>)
        %dma_start3A_242 = arith.constant 1 : i32
        %dma_start3A_243 = arith.constant 4 : i32
        %dma_start3A_244 = arith.constant 0 : i32
        %dma_start3A_245 = arith.constant 0 : i32
        %dma_start3A_246 = arith.constant 0 : i32
        %dma_start3A_247 = tpu.memref_slice %arg8[%dma_start3A_242, %dma_start3A_245, %dma_start3A_246] : memref<3x128x128xf32, #tpu.memory_space<vmem>> -> memref<1x128x128xf32, #tpu.memory_space<vmem>>
        %dma_start3A_248 = tpu.memref_squeeze %dma_start3A_247 : memref<1x128x128xf32, #tpu.memory_space<vmem>> -> memref<128x128xf32, #tpu.memory_space<vmem>>
        %dma_start3A_249 = arith.constant 0 : i32
        %dma_start3A_250 = tpu.memref_slice %arg7[%dma_start3A_243, %dma_start3A_244, %dma_start3A_249] : memref<6x1x128xi32, #tpu.memory_space<vmem>> -> memref<1x1x128xi32, #tpu.memory_space<vmem>>
        %dma_start3A_251 = tpu.memref_squeeze %dma_start3A_250 : memref<1x1x128xi32, #tpu.memory_space<vmem>> -> memref<128xi32, #tpu.memory_space<vmem>>
        %dma_start3A_252 = arith.constant 0 : i32
        %dma_start3A_253 = arith.constant 0 : i32
        %dma_start3A_254 = tpu.memref_slice %arg9[%dma_start3A_252, %dma_start3A_253] : memref<10000x128xf32, #tpu.memory_space<vmem_shared>> -> memref<10000x128xf32, #tpu.memory_space<vmem_shared>>
        tpu.enqueue_indirect_dma source(%dma_start3A_248 : memref<128x128xf32, #tpu.memory_space<vmem>>) target(%dma_start3A_254 : memref<10000x128xf32, #tpu.memory_space<vmem_shared>>) offsets(%dma_start3A_251 : memref<128xi32, #tpu.memory_space<vmem>>) semaphore(%arg20 : memref<!tpu.dma_semaphore, #tpu.memory_space<semaphore_mem>>) {add = true}
      } else {
      }
      %add3A_206 = arith.constant 5 : i32
      %add3A_207 = arith.addi %add3A_175, %add3A_206 : i32
      %lt3A_208 = arith.cmpi slt, %add3A_207, %select_n3A : i32
      %convert_element_type3A_209 = arith.extui %lt3A_208 : i1 to i32
      %cond3A_210 = arith.constant 0 : i32
      %cond3A_211 = arith.cmpi ne, %convert_element_type3A_209, %cond3A_210 : i32
      scf.if %cond3A_211 {
        %ge3A_212 = arith.constant 2 : i32
        %ge3A_213 = arith.cmpi sge, %add3A_207, %ge3A_212 : i32
        %convert_element_type3A_214 = arith.extui %ge3A_213 : i1 to i32
        %cond3A_215 = arith.constant 0 : i32
        %cond3A_216 = arith.cmpi ne, %convert_element_type3A_214, %cond3A_215 : i32
        scf.if %cond3A_216 {
          %dma_wait3A_255 = arith.constant 0 : i32
          %dma_wait3A_256 = arith.constant 3 : i32
          %dma_wait3A_257 = arith.constant 0 : i32
          %dma_wait3A_258 = arith.constant 0 : i32
          %dma_wait3A_259 = arith.constant 0 : i32
          %dma_wait3A_260 = tpu.memref_slice %arg8[%dma_wait3A_255, %dma_wait3A_258, %dma_wait3A_259] : memref<3x128x128xf32, #tpu.memory_space<vmem>> -> memref<1x128x128xf32, #tpu.memory_space<vmem>>
          %dma_wait3A_261 = tpu.memref_squeeze %dma_wait3A_260 : memref<1x128x128xf32, #tpu.memory_space<vmem>> -> memref<128x128xf32, #tpu.memory_space<vmem>>
          %dma_wait3A_262 = arith.constant 0 : i32
          %dma_wait3A_263 = tpu.memref_slice %arg7[%dma_wait3A_256, %dma_wait3A_257, %dma_wait3A_262] : memref<6x1x128xi32, #tpu.memory_space<vmem>> -> memref<1x1x128xi32, #tpu.memory_space<vmem>>
          %dma_wait3A_264 = tpu.memref_squeeze %dma_wait3A_263 : memref<1x1x128xi32, #tpu.memory_space<vmem>> -> memref<128xi32, #tpu.memory_space<vmem>>
          %dma_wait3A_265 = arith.constant 0 : i32
          %dma_wait3A_266 = arith.constant 0 : i32
          %dma_wait3A_267 = tpu.memref_slice %arg9[%dma_wait3A_265, %dma_wait3A_266] : memref<10000x128xf32, #tpu.memory_space<vmem_shared>> -> memref<10000x128xf32, #tpu.memory_space<vmem_shared>>
          tpu.wait_indirect_dma semaphore(%arg19 : memref<!tpu.dma_semaphore, #tpu.memory_space<semaphore_mem>>) src(%dma_wait3A_261 : memref<128x128xf32, #tpu.memory_space<vmem>>) dst(%dma_wait3A_267 : memref<10000x128xf32, #tpu.memory_space<vmem_shared>>)
        } else {
        }
        %add3A_217 = arith.constant 2 : i32
        %add3A_218 = arith.addi %add3A_207, %add3A_217 : i32
        %lt3A_219 = arith.cmpi slt, %add3A_218, %select_n3A : i32
        %convert_element_type3A_220 = arith.extui %lt3A_219 : i1 to i32
        %cond3A_221 = arith.constant 0 : i32
        %cond3A_222 = arith.cmpi ne, %convert_element_type3A_220, %cond3A_221 : i32
        scf.if %cond3A_222 {
          %add3A_255 = arith.constant 2 : i32
          %add3A_256 = arith.addi %add3A_207, %add3A_255 : i32
          %add3A_257 = arith.addi %add3A_6, %add3A_256 : i32
          %mul3A_258 = arith.constant 128 : i32
          %mul3A_259 = arith.muli %add3A_257, %mul3A_258 : i32
          %dma_start3A_260 = arith.constant 1 : i32
          %dma_start3A_261 = arith.constant 0 : i32
          %dma_start3A_262 = arith.constant 0 : i32
          %dma_start3A_263 = tpu.memref_slice %arg6[%dma_start3A_260, %dma_start3A_261, %dma_start3A_262] : memref<6x1x128xi32, #tpu.memory_space<vmem>> -> memref<1x1x128xi32, #tpu.memory_space<vmem>>
          %dma_start3A_264 = tpu.memref_squeeze %dma_start3A_263 : memref<1x1x128xi32, #tpu.memory_space<vmem>> -> memref<1x128xi32, #tpu.memory_space<vmem>>
          %dma_start3A_265 = arith.constant 0 : i32
          %dma_start3A_266 = tpu.memref_slice %arg3[%dma_start3A_265, %mul3A_259] : memref<2x320000xi32, #tpu.memory_space<hbm>> -> memref<1x128xi32, #tpu.memory_space<hbm>>
          %dma_start3A_267 = arith.constant 0 : i32
          %dma_start3A_268 = arith.constant 0 : i32
          %dma_start3A_269 = tpu.memref_slice %arg6[%dma_start3A_260, %dma_start3A_267, %dma_start3A_268] : memref<6x1x128xi32, #tpu.memory_space<vmem>> -> memref<1x1x128xi32, #tpu.memory_space<vmem>>
          %dma_start3A_270 = tpu.memref_squeeze %dma_start3A_269 : memref<1x1x128xi32, #tpu.memory_space<vmem>> -> memref<1x128xi32, #tpu.memory_space<vmem>>
          %dma_start3A_271 = arith.constant 0 : i32
          %dma_start3A_272 = tpu.memref_slice %arg3[%dma_start3A_271, %mul3A_259] : memref<2x320000xi32, #tpu.memory_space<hbm>> -> memref<1x128xi32, #tpu.memory_space<hbm>>
          tpu.enqueue_dma source(%dma_start3A_272 : memref<1x128xi32, #tpu.memory_space<hbm>>) target(%dma_start3A_270 : memref<1x128xi32, #tpu.memory_space<vmem>>) target_semaphore(%arg11 : memref<!tpu.dma_semaphore, #tpu.memory_space<semaphore_mem>>)
          %add3A_273 = arith.addi %add3A_6, %add3A_256 : i32
          %mul3A_274 = arith.constant 128 : i32
          %mul3A_275 = arith.muli %add3A_273, %mul3A_274 : i32
          %dma_start3A_276 = arith.constant 1 : i32
          %dma_start3A_277 = arith.constant 0 : i32
          %dma_start3A_278 = arith.constant 0 : i32
          %dma_start3A_279 = tpu.memref_slice %arg7[%dma_start3A_276, %dma_start3A_277, %dma_start3A_278] : memref<6x1x128xi32, #tpu.memory_space<vmem>> -> memref<1x1x128xi32, #tpu.memory_space<vmem>>
          %dma_start3A_280 = tpu.memref_squeeze %dma_start3A_279 : memref<1x1x128xi32, #tpu.memory_space<vmem>> -> memref<1x128xi32, #tpu.memory_space<vmem>>
          %dma_start3A_281 = arith.constant 1 : i32
          %dma_start3A_282 = tpu.memref_slice %arg3[%dma_start3A_281, %mul3A_275] : memref<2x320000xi32, #tpu.memory_space<hbm>> -> memref<1x128xi32, #tpu.memory_space<hbm>>
          %dma_start3A_283 = arith.constant 0 : i32
          %dma_start3A_284 = arith.constant 0 : i32
          %dma_start3A_285 = tpu.memref_slice %arg7[%dma_start3A_276, %dma_start3A_283, %dma_start3A_284] : memref<6x1x128xi32, #tpu.memory_space<vmem>> -> memref<1x1x128xi32, #tpu.memory_space<vmem>>
          %dma_start3A_286 = tpu.memref_squeeze %dma_start3A_285 : memref<1x1x128xi32, #tpu.memory_space<vmem>> -> memref<1x128xi32, #tpu.memory_space<vmem>>
          %dma_start3A_287 = arith.constant 1 : i32
          %dma_start3A_288 = tpu.memref_slice %arg3[%dma_start3A_287, %mul3A_275] : memref<2x320000xi32, #tpu.memory_space<hbm>> -> memref<1x128xi32, #tpu.memory_space<hbm>>
          tpu.enqueue_dma source(%dma_start3A_288 : memref<1x128xi32, #tpu.memory_space<hbm>>) target(%dma_start3A_286 : memref<1x128xi32, #tpu.memory_space<vmem>>) target_semaphore(%arg11 : memref<!tpu.dma_semaphore, #tpu.memory_space<semaphore_mem>>)
        } else {
        }
        %add3A_223 = arith.constant 1 : i32
        %add3A_224 = arith.addi %add3A_207, %add3A_223 : i32
        %lt3A_225 = arith.cmpi slt, %add3A_224, %select_n3A : i32
        %convert_element_type3A_226 = arith.extui %lt3A_225 : i1 to i32
        %cond3A_227 = arith.constant 0 : i32
        %cond3A_228 = arith.cmpi ne, %convert_element_type3A_226, %cond3A_227 : i32
        scf.if %cond3A_228 {
          %add3A_255 = arith.constant 1 : i32
          %add3A_256 = arith.addi %add3A_207, %add3A_255 : i32
          %add3A_257 = arith.addi %add3A_6, %add3A_256 : i32
          %mul3A_258 = arith.constant 128 : i32
          %mul3A_259 = arith.muli %add3A_257, %mul3A_258 : i32
          %dma_wait3A_260 = arith.constant 0 : i32
          %dma_wait3A_261 = arith.constant 0 : i32
          %dma_wait3A_262 = arith.constant 0 : i32
          %dma_wait3A_263 = tpu.memref_slice %arg6[%dma_wait3A_260, %dma_wait3A_261, %dma_wait3A_262] : memref<6x1x128xi32, #tpu.memory_space<vmem>> -> memref<1x1x128xi32, #tpu.memory_space<vmem>>
          %dma_wait3A_264 = tpu.memref_squeeze %dma_wait3A_263 : memref<1x1x128xi32, #tpu.memory_space<vmem>> -> memref<1x128xi32, #tpu.memory_space<vmem>>
          %dma_wait3A_265 = arith.constant 0 : i32
          %dma_wait3A_266 = tpu.memref_slice %arg3[%dma_wait3A_265, %mul3A_259] : memref<2x320000xi32, #tpu.memory_space<hbm>> -> memref<1x128xi32, #tpu.memory_space<hbm>>
          %dma_wait3A_267 = arith.constant 0 : i32
          %dma_wait3A_268 = arith.constant 0 : i32
          %dma_wait3A_269 = tpu.memref_slice %arg6[%dma_wait3A_260, %dma_wait3A_267, %dma_wait3A_268] : memref<6x1x128xi32, #tpu.memory_space<vmem>> -> memref<1x1x128xi32, #tpu.memory_space<vmem>>
          %dma_wait3A_270 = tpu.memref_squeeze %dma_wait3A_269 : memref<1x1x128xi32, #tpu.memory_space<vmem>> -> memref<1x128xi32, #tpu.memory_space<vmem>>
          %dma_wait3A_271 = arith.constant 0 : i32
          %dma_wait3A_272 = tpu.memref_slice %arg3[%dma_wait3A_271, %mul3A_259] : memref<2x320000xi32, #tpu.memory_space<hbm>> -> memref<1x128xi32, #tpu.memory_space<hbm>>
          tpu.wait_dma2 semaphore(%arg10 : memref<!tpu.dma_semaphore, #tpu.memory_space<semaphore_mem>>) src(%dma_wait3A_272 : memref<1x128xi32, #tpu.memory_space<hbm>>) dst(%dma_wait3A_270 : memref<1x128xi32, #tpu.memory_space<vmem>>)
          %add3A_273 = arith.addi %add3A_6, %add3A_256 : i32
          %mul3A_274 = arith.constant 128 : i32
          %mul3A_275 = arith.muli %add3A_273, %mul3A_274 : i32
          %dma_wait3A_276 = arith.constant 0 : i32
          %dma_wait3A_277 = arith.constant 0 : i32
          %dma_wait3A_278 = arith.constant 0 : i32
          %dma_wait3A_279 = tpu.memref_slice %arg7[%dma_wait3A_276, %dma_wait3A_277, %dma_wait3A_278] : memref<6x1x128xi32, #tpu.memory_space<vmem>> -> memref<1x1x128xi32, #tpu.memory_space<vmem>>
          %dma_wait3A_280 = tpu.memref_squeeze %dma_wait3A_279 : memref<1x1x128xi32, #tpu.memory_space<vmem>> -> memref<1x128xi32, #tpu.memory_space<vmem>>
          %dma_wait3A_281 = arith.constant 1 : i32
          %dma_wait3A_282 = tpu.memref_slice %arg3[%dma_wait3A_281, %mul3A_275] : memref<2x320000xi32, #tpu.memory_space<hbm>> -> memref<1x128xi32, #tpu.memory_space<hbm>>
          %dma_wait3A_283 = arith.constant 0 : i32
          %dma_wait3A_284 = arith.constant 0 : i32
          %dma_wait3A_285 = tpu.memref_slice %arg7[%dma_wait3A_276, %dma_wait3A_283, %dma_wait3A_284] : memref<6x1x128xi32, #tpu.memory_space<vmem>> -> memref<1x1x128xi32, #tpu.memory_space<vmem>>
          %dma_wait3A_286 = tpu.memref_squeeze %dma_wait3A_285 : memref<1x1x128xi32, #tpu.memory_space<vmem>> -> memref<1x128xi32, #tpu.memory_space<vmem>>
          %dma_wait3A_287 = arith.constant 1 : i32
          %dma_wait3A_288 = tpu.memref_slice %arg3[%dma_wait3A_287, %mul3A_275] : memref<2x320000xi32, #tpu.memory_space<hbm>> -> memref<1x128xi32, #tpu.memory_space<hbm>>
          tpu.wait_dma2 semaphore(%arg10 : memref<!tpu.dma_semaphore, #tpu.memory_space<semaphore_mem>>) src(%dma_wait3A_288 : memref<1x128xi32, #tpu.memory_space<hbm>>) dst(%dma_wait3A_286 : memref<1x128xi32, #tpu.memory_space<vmem>>)
          %dma_start3A_289 = arith.constant 0 : i32
          %dma_start3A_290 = arith.constant 0 : i32
          %dma_start3A_291 = arith.constant 0 : i32
          %dma_start3A_292 = arith.constant 0 : i32
          %dma_start3A_293 = arith.constant 0 : i32
          %dma_start3A_294 = tpu.memref_slice %arg8[%dma_start3A_291, %dma_start3A_292, %dma_start3A_293] : memref<3x128x128xf32, #tpu.memory_space<vmem>> -> memref<1x128x128xf32, #tpu.memory_space<vmem>>
          %dma_start3A_295 = tpu.memref_squeeze %dma_start3A_294 : memref<1x128x128xf32, #tpu.memory_space<vmem>> -> memref<128x128xf32, #tpu.memory_space<vmem>>
          %dma_start3A_296 = arith.constant 0 : i32
          %dma_start3A_297 = tpu.memref_slice %arg6[%dma_start3A_289, %dma_start3A_290, %dma_start3A_296] : memref<6x1x128xi32, #tpu.memory_space<vmem>> -> memref<1x1x128xi32, #tpu.memory_space<vmem>>
          %dma_start3A_298 = tpu.memref_squeeze %dma_start3A_297 : memref<1x1x128xi32, #tpu.memory_space<vmem>> -> memref<128xi32, #tpu.memory_space<vmem>>
          %dma_start3A_299 = arith.constant 0 : i32
          %dma_start3A_300 = arith.constant 0 : i32
          %dma_start3A_301 = tpu.memref_slice %arg2[%dma_start3A_299, %dma_start3A_300] : memref<10000x128xf32, #tpu.memory_space<hbm>> -> memref<10000x128xf32, #tpu.memory_space<hbm>>
          tpu.enqueue_indirect_dma source(%dma_start3A_301 : memref<10000x128xf32, #tpu.memory_space<hbm>>) target(%dma_start3A_295 : memref<128x128xf32, #tpu.memory_space<vmem>>) offsets(%dma_start3A_298 : memref<128xi32, #tpu.memory_space<vmem>>) semaphore(%arg16 : memref<!tpu.dma_semaphore, #tpu.memory_space<semaphore_mem>>)
        } else {
        }
        %dma_wait3A_229 = arith.constant 5 : i32
        %dma_wait3A_230 = arith.constant 0 : i32
        %dma_wait3A_231 = arith.constant 2 : i32
        %dma_wait3A_232 = arith.constant 0 : i32
        %dma_wait3A_233 = arith.constant 0 : i32
        %dma_wait3A_234 = tpu.memref_slice %arg8[%dma_wait3A_231, %dma_wait3A_232, %dma_wait3A_233] : memref<3x128x128xf32, #tpu.memory_space<vmem>> -> memref<1x128x128xf32, #tpu.memory_space<vmem>>
        %dma_wait3A_235 = tpu.memref_squeeze %dma_wait3A_234 : memref<1x128x128xf32, #tpu.memory_space<vmem>> -> memref<128x128xf32, #tpu.memory_space<vmem>>
        %dma_wait3A_236 = arith.constant 0 : i32
        %dma_wait3A_237 = tpu.memref_slice %arg6[%dma_wait3A_229, %dma_wait3A_230, %dma_wait3A_236] : memref<6x1x128xi32, #tpu.memory_space<vmem>> -> memref<1x1x128xi32, #tpu.memory_space<vmem>>
        %dma_wait3A_238 = tpu.memref_squeeze %dma_wait3A_237 : memref<1x1x128xi32, #tpu.memory_space<vmem>> -> memref<128xi32, #tpu.memory_space<vmem>>
        %dma_wait3A_239 = arith.constant 0 : i32
        %dma_wait3A_240 = arith.constant 0 : i32
        %dma_wait3A_241 = tpu.memref_slice %arg2[%dma_wait3A_239, %dma_wait3A_240] : memref<10000x128xf32, #tpu.memory_space<hbm>> -> memref<10000x128xf32, #tpu.memory_space<hbm>>
        tpu.wait_indirect_dma semaphore(%arg18 : memref<!tpu.dma_semaphore, #tpu.memory_space<semaphore_mem>>) src(%dma_wait3A_241 : memref<10000x128xf32, #tpu.memory_space<hbm>>) dst(%dma_wait3A_235 : memref<128x128xf32, #tpu.memory_space<vmem>>)
        %dma_start3A_242 = arith.constant 2 : i32
        %dma_start3A_243 = arith.constant 5 : i32
        %dma_start3A_244 = arith.constant 0 : i32
        %dma_start3A_245 = arith.constant 0 : i32
        %dma_start3A_246 = arith.constant 0 : i32
        %dma_start3A_247 = tpu.memref_slice %arg8[%dma_start3A_242, %dma_start3A_245, %dma_start3A_246] : memref<3x128x128xf32, #tpu.memory_space<vmem>> -> memref<1x128x128xf32, #tpu.memory_space<vmem>>
        %dma_start3A_248 = tpu.memref_squeeze %dma_start3A_247 : memref<1x128x128xf32, #tpu.memory_space<vmem>> -> memref<128x128xf32, #tpu.memory_space<vmem>>
        %dma_start3A_249 = arith.constant 0 : i32
        %dma_start3A_250 = tpu.memref_slice %arg7[%dma_start3A_243, %dma_start3A_244, %dma_start3A_249] : memref<6x1x128xi32, #tpu.memory_space<vmem>> -> memref<1x1x128xi32, #tpu.memory_space<vmem>>
        %dma_start3A_251 = tpu.memref_squeeze %dma_start3A_250 : memref<1x1x128xi32, #tpu.memory_space<vmem>> -> memref<128xi32, #tpu.memory_space<vmem>>
        %dma_start3A_252 = arith.constant 0 : i32
        %dma_start3A_253 = arith.constant 0 : i32
        %dma_start3A_254 = tpu.memref_slice %arg9[%dma_start3A_252, %dma_start3A_253] : memref<10000x128xf32, #tpu.memory_space<vmem_shared>> -> memref<10000x128xf32, #tpu.memory_space<vmem_shared>>
        tpu.enqueue_indirect_dma source(%dma_start3A_248 : memref<128x128xf32, #tpu.memory_space<vmem>>) target(%dma_start3A_254 : memref<10000x128xf32, #tpu.memory_space<vmem_shared>>) offsets(%dma_start3A_251 : memref<128xi32, #tpu.memory_space<vmem>>) semaphore(%arg21 : memref<!tpu.dma_semaphore, #tpu.memory_space<semaphore_mem>>) {add = true}
      } else {
      }
    }
    %lt3A_153 = arith.constant 4 : i32
    %lt3A_154 = arith.cmpi slt, %add3A, %lt3A_153 : i32
    %convert_element_type3A_155 = arith.extui %lt3A_154 : i1 to i32
    %cond3A_156 = arith.constant 0 : i32
    %cond3A_157 = arith.cmpi ne, %convert_element_type3A_155, %cond3A_156 : i32
    scf.if %cond3A_157 {
      %dma_wait3A_173 = arith.constant 2 : i32
      %dma_wait3A_174 = arith.constant 5 : i32
      %dma_wait3A_175 = arith.constant 0 : i32
      %dma_wait3A_176 = arith.constant 0 : i32
      %dma_wait3A_177 = arith.constant 0 : i32
      %dma_wait3A_178 = tpu.memref_slice %arg8[%dma_wait3A_173, %dma_wait3A_176, %dma_wait3A_177] : memref<3x128x128xf32, #tpu.memory_space<vmem>> -> memref<1x128x128xf32, #tpu.memory_space<vmem>>
      %dma_wait3A_179 = tpu.memref_squeeze %dma_wait3A_178 : memref<1x128x128xf32, #tpu.memory_space<vmem>> -> memref<128x128xf32, #tpu.memory_space<vmem>>
      %dma_wait3A_180 = arith.constant 0 : i32
      %dma_wait3A_181 = tpu.memref_slice %arg7[%dma_wait3A_174, %dma_wait3A_175, %dma_wait3A_180] : memref<6x1x128xi32, #tpu.memory_space<vmem>> -> memref<1x1x128xi32, #tpu.memory_space<vmem>>
      %dma_wait3A_182 = tpu.memref_squeeze %dma_wait3A_181 : memref<1x1x128xi32, #tpu.memory_space<vmem>> -> memref<128xi32, #tpu.memory_space<vmem>>
      %dma_wait3A_183 = arith.constant 0 : i32
      %dma_wait3A_184 = arith.constant 0 : i32
      %dma_wait3A_185 = tpu.memref_slice %arg9[%dma_wait3A_183, %dma_wait3A_184] : memref<10000x128xf32, #tpu.memory_space<vmem_shared>> -> memref<10000x128xf32, #tpu.memory_space<vmem_shared>>
      tpu.wait_indirect_dma semaphore(%arg21 : memref<!tpu.dma_semaphore, #tpu.memory_space<semaphore_mem>>) src(%dma_wait3A_179 : memref<128x128xf32, #tpu.memory_space<vmem>>) dst(%dma_wait3A_185 : memref<10000x128xf32, #tpu.memory_space<vmem_shared>>)
      %dma_wait3A_186 = arith.constant 0 : i32
      %dma_wait3A_187 = arith.constant 0 : i32
      %dma_wait3A_188 = arith.constant 0 : i32
      %dma_wait3A_189 = arith.constant 0 : i32
      %dma_wait3A_190 = arith.constant 0 : i32
      %dma_wait3A_191 = tpu.memref_slice %arg8[%dma_wait3A_186, %dma_wait3A_189, %dma_wait3A_190] : memref<3x128x128xf32, #tpu.memory_space<vmem>> -> memref<1x128x128xf32, #tpu.memory_space<vmem>>
      %dma_wait3A_192 = tpu.memref_squeeze %dma_wait3A_191 : memref<1x128x128xf32, #tpu.memory_space<vmem>> -> memref<128x128xf32, #tpu.memory_space<vmem>>
      %dma_wait3A_193 = arith.constant 0 : i32
      %dma_wait3A_194 = tpu.memref_slice %arg7[%dma_wait3A_187, %dma_wait3A_188, %dma_wait3A_193] : memref<6x1x128xi32, #tpu.memory_space<vmem>> -> memref<1x1x128xi32, #tpu.memory_space<vmem>>
      %dma_wait3A_195 = tpu.memref_squeeze %dma_wait3A_194 : memref<1x1x128xi32, #tpu.memory_space<vmem>> -> memref<128xi32, #tpu.memory_space<vmem>>
      %dma_wait3A_196 = arith.constant 0 : i32
      %dma_wait3A_197 = arith.constant 0 : i32
      %dma_wait3A_198 = tpu.memref_slice %arg9[%dma_wait3A_196, %dma_wait3A_197] : memref<10000x128xf32, #tpu.memory_space<vmem_shared>> -> memref<10000x128xf32, #tpu.memory_space<vmem_shared>>
      tpu.wait_indirect_dma semaphore(%arg19 : memref<!tpu.dma_semaphore, #tpu.memory_space<semaphore_mem>>) src(%dma_wait3A_192 : memref<128x128xf32, #tpu.memory_space<vmem>>) dst(%dma_wait3A_198 : memref<10000x128xf32, #tpu.memory_space<vmem_shared>>)
    } else {
    }
    %ge3A = arith.constant 4 : i32
    %ge3A_158 = arith.cmpi sge, %add3A, %ge3A : i32
    %convert_element_type3A_159 = arith.extui %ge3A_158 : i1 to i32
    %cond3A_160 = arith.constant 0 : i32
    %cond3A_161 = arith.cmpi ne, %convert_element_type3A_159, %cond3A_160 : i32
    scf.if %cond3A_161 {
      %dma_wait3A_173 = arith.constant 1 : i32
      %dma_wait3A_174 = arith.constant 4 : i32
      %dma_wait3A_175 = arith.constant 0 : i32
      %dma_wait3A_176 = arith.constant 0 : i32
      %dma_wait3A_177 = arith.constant 0 : i32
      %dma_wait3A_178 = tpu.memref_slice %arg8[%dma_wait3A_173, %dma_wait3A_176, %dma_wait3A_177] : memref<3x128x128xf32, #tpu.memory_space<vmem>> -> memref<1x128x128xf32, #tpu.memory_space<vmem>>
      %dma_wait3A_179 = tpu.memref_squeeze %dma_wait3A_178 : memref<1x128x128xf32, #tpu.memory_space<vmem>> -> memref<128x128xf32, #tpu.memory_space<vmem>>
      %dma_wait3A_180 = arith.constant 0 : i32
      %dma_wait3A_181 = tpu.memref_slice %arg7[%dma_wait3A_174, %dma_wait3A_175, %dma_wait3A_180] : memref<6x1x128xi32, #tpu.memory_space<vmem>> -> memref<1x1x128xi32, #tpu.memory_space<vmem>>
      %dma_wait3A_182 = tpu.memref_squeeze %dma_wait3A_181 : memref<1x1x128xi32, #tpu.memory_space<vmem>> -> memref<128xi32, #tpu.memory_space<vmem>>
      %dma_wait3A_183 = arith.constant 0 : i32
      %dma_wait3A_184 = arith.constant 0 : i32
      %dma_wait3A_185 = tpu.memref_slice %arg9[%dma_wait3A_183, %dma_wait3A_184] : memref<10000x128xf32, #tpu.memory_space<vmem_shared>> -> memref<10000x128xf32, #tpu.memory_space<vmem_shared>>
      tpu.wait_indirect_dma semaphore(%arg20 : memref<!tpu.dma_semaphore, #tpu.memory_space<semaphore_mem>>) src(%dma_wait3A_179 : memref<128x128xf32, #tpu.memory_space<vmem>>) dst(%dma_wait3A_185 : memref<10000x128xf32, #tpu.memory_space<vmem_shared>>)
      %dma_wait3A_186 = arith.constant 2 : i32
      %dma_wait3A_187 = arith.constant 5 : i32
      %dma_wait3A_188 = arith.constant 0 : i32
      %dma_wait3A_189 = arith.constant 0 : i32
      %dma_wait3A_190 = arith.constant 0 : i32
      %dma_wait3A_191 = tpu.memref_slice %arg8[%dma_wait3A_186, %dma_wait3A_189, %dma_wait3A_190] : memref<3x128x128xf32, #tpu.memory_space<vmem>> -> memref<1x128x128xf32, #tpu.memory_space<vmem>>
      %dma_wait3A_192 = tpu.memref_squeeze %dma_wait3A_191 : memref<1x128x128xf32, #tpu.memory_space<vmem>> -> memref<128x128xf32, #tpu.memory_space<vmem>>
      %dma_wait3A_193 = arith.constant 0 : i32
      %dma_wait3A_194 = tpu.memref_slice %arg7[%dma_wait3A_187, %dma_wait3A_188, %dma_wait3A_193] : memref<6x1x128xi32, #tpu.memory_space<vmem>> -> memref<1x1x128xi32, #tpu.memory_space<vmem>>
      %dma_wait3A_195 = tpu.memref_squeeze %dma_wait3A_194 : memref<1x1x128xi32, #tpu.memory_space<vmem>> -> memref<128xi32, #tpu.memory_space<vmem>>
      %dma_wait3A_196 = arith.constant 0 : i32
      %dma_wait3A_197 = arith.constant 0 : i32
      %dma_wait3A_198 = tpu.memref_slice %arg9[%dma_wait3A_196, %dma_wait3A_197] : memref<10000x128xf32, #tpu.memory_space<vmem_shared>> -> memref<10000x128xf32, #tpu.memory_space<vmem_shared>>
      tpu.wait_indirect_dma semaphore(%arg21 : memref<!tpu.dma_semaphore, #tpu.memory_space<semaphore_mem>>) src(%dma_wait3A_192 : memref<128x128xf32, #tpu.memory_space<vmem>>) dst(%dma_wait3A_198 : memref<10000x128xf32, #tpu.memory_space<vmem_shared>>)
    } else {
    }
    %barrier3A_162 = arith.constant 0 : index
    tpu.barrier barrier_id(%barrier3A_162)
    %lt3A_163 = arith.constant 15 : i32
    %lt3A_164 = arith.cmpi slt, %arg1, %lt3A_163 : i32
    %convert_element_type3A_165 = arith.extui %lt3A_164 : i1 to i32
    %cond3A_166 = arith.constant 0 : i32
    %cond3A_167 = arith.cmpi ne, %convert_element_type3A_165, %cond3A_166 : i32
    scf.if %cond3A_167 {
      %mul3A_173 = arith.constant 624 : i32
      %mul3A_174 = arith.muli %arg1, %mul3A_173 : i32
      %mul3A_175 = arith.constant 624 : i32
      %mul3A_176 = arith.muli %arg1, %mul3A_175 : i32
      "tpu.region"() ({
        %run_scoped3A = tpu.sem_alloc : memref<!tpu.dma_semaphore, #tpu.memory_space<semaphore_mem>>
        %dma_start3A_177 = arith.constant 0 : i32
        %dma_start3A_178 = tpu.memref_slice %arg5[%arg0, %mul3A_176, %dma_start3A_177] : memref<2x10000x128xf32, #tpu.memory_space<hbm>> -> memref<1x624x128xf32, #tpu.memory_space<hbm>>
        %dma_start3A_179 = tpu.memref_squeeze %dma_start3A_178 : memref<1x624x128xf32, #tpu.memory_space<hbm>> -> memref<624x128xf32, #tpu.memory_space<hbm>>
        %dma_start3A_180 = arith.constant 0 : i32
        %dma_start3A_181 = tpu.memref_slice %arg9[%mul3A_174, %dma_start3A_180] : memref<10000x128xf32, #tpu.memory_space<vmem_shared>> -> memref<624x128xf32, #tpu.memory_space<vmem_shared>>
        tpu.enqueue_dma source(%dma_start3A_181 : memref<624x128xf32, #tpu.memory_space<vmem_shared>>) target(%dma_start3A_179 : memref<624x128xf32, #tpu.memory_space<hbm>>) target_semaphore(%run_scoped3A : memref<!tpu.dma_semaphore, #tpu.memory_space<semaphore_mem>>)
        %dma_wait3A_182 = arith.constant 0 : i32
        %dma_wait3A_183 = tpu.memref_slice %arg5[%arg0, %mul3A_176, %dma_wait3A_182] : memref<2x10000x128xf32, #tpu.memory_space<hbm>> -> memref<1x624x128xf32, #tpu.memory_space<hbm>>
        %dma_wait3A_184 = tpu.memref_squeeze %dma_wait3A_183 : memref<1x624x128xf32, #tpu.memory_space<hbm>> -> memref<624x128xf32, #tpu.memory_space<hbm>>
        %dma_wait3A_185 = arith.constant 0 : i32
        %dma_wait3A_186 = tpu.memref_slice %arg9[%mul3A_174, %dma_wait3A_185] : memref<10000x128xf32, #tpu.memory_space<vmem_shared>> -> memref<624x128xf32, #tpu.memory_space<vmem_shared>>
        tpu.wait_dma2 semaphore(%run_scoped3A : memref<!tpu.dma_semaphore, #tpu.memory_space<semaphore_mem>>) src(%dma_wait3A_186 : memref<624x128xf32, #tpu.memory_space<vmem_shared>>) dst(%dma_wait3A_184 : memref<624x128xf32, #tpu.memory_space<hbm>>)
        tpu.yield
      }) : () -> ()
    } else {
    }
    %eq3A_168 = arith.constant 15 : i32
    %eq3A_169 = arith.cmpi eq, %arg1, %eq3A_168 : i32
    %convert_element_type3A_170 = arith.extui %eq3A_169 : i1 to i32
    %cond3A_171 = arith.constant 0 : i32
    %cond3A_172 = arith.cmpi ne, %convert_element_type3A_170, %cond3A_171 : i32
    scf.if %cond3A_172 {
      "tpu.region"() ({
        %run_scoped3A = tpu.sem_alloc : memref<!tpu.dma_semaphore, #tpu.memory_space<semaphore_mem>>
        %dma_start3A_173 = arith.constant 9360 : i32
        %dma_start3A_174 = arith.constant 0 : i32
        %dma_start3A_175 = tpu.memref_slice %arg5[%arg0, %dma_start3A_173, %dma_start3A_174] : memref<2x10000x128xf32, #tpu.memory_space<hbm>> -> memref<1x640x128xf32, #tpu.memory_space<hbm>>
        %dma_start3A_176 = tpu.memref_squeeze %dma_start3A_175 : memref<1x640x128xf32, #tpu.memory_space<hbm>> -> memref<640x128xf32, #tpu.memory_space<hbm>>
        %dma_start3A_177 = arith.constant 9360 : i32
        %dma_start3A_178 = arith.constant 0 : i32
        %dma_start3A_179 = tpu.memref_slice %arg9[%dma_start3A_177, %dma_start3A_178] : memref<10000x128xf32, #tpu.memory_space<vmem_shared>> -> memref<640x128xf32, #tpu.memory_space<vmem_shared>>
        tpu.enqueue_dma source(%dma_start3A_179 : memref<640x128xf32, #tpu.memory_space<vmem_shared>>) target(%dma_start3A_176 : memref<640x128xf32, #tpu.memory_space<hbm>>) target_semaphore(%run_scoped3A : memref<!tpu.dma_semaphore, #tpu.memory_space<semaphore_mem>>)
        %dma_wait3A_180 = arith.constant 9360 : i32
        %dma_wait3A_181 = arith.constant 0 : i32
        %dma_wait3A_182 = tpu.memref_slice %arg5[%arg0, %dma_wait3A_180, %dma_wait3A_181] : memref<2x10000x128xf32, #tpu.memory_space<hbm>> -> memref<1x640x128xf32, #tpu.memory_space<hbm>>
        %dma_wait3A_183 = tpu.memref_squeeze %dma_wait3A_182 : memref<1x640x128xf32, #tpu.memory_space<hbm>> -> memref<640x128xf32, #tpu.memory_space<hbm>>
        %dma_wait3A_184 = arith.constant 9360 : i32
        %dma_wait3A_185 = arith.constant 0 : i32
        %dma_wait3A_186 = tpu.memref_slice %arg9[%dma_wait3A_184, %dma_wait3A_185] : memref<10000x128xf32, #tpu.memory_space<vmem_shared>> -> memref<640x128xf32, #tpu.memory_space<vmem_shared>>
        tpu.wait_dma2 semaphore(%run_scoped3A : memref<!tpu.dma_semaphore, #tpu.memory_space<semaphore_mem>>) src(%dma_wait3A_186 : memref<640x128xf32, #tpu.memory_space<vmem_shared>>) dst(%dma_wait3A_183 : memref<640x128xf32, #tpu.memory_space<hbm>>)
        tpu.yield
      }) : () -> ()
    } else {
    }
    return
  }
}

module attributes {stable_mosaic.version = 14 : i64} {
  func.func @_comb_g1_body(%arg0: i32, %arg1: memref<2x5000x128xf32, #tpu.memory_space<vmem>>, %arg2: memref<1x128xf32, #tpu.memory_space<vmem>>, %arg3: memref<128x128xf32, #tpu.memory_space<vmem>>, %arg4: memref<5000x128xf32, #tpu.memory_space<vmem>>) attributes {dimension_semantics = [#tpu.dimension_semantics<arbitrary>], iteration_bounds = array<i64: 2>, scalar_prefetch = 0 : i64, scratch_operands = 0 : i64, tpu.core_type = #tpu.core_type<tc>, window_params = [{transform_indices = @transform_0, window_bounds = array<i64: 2, 5000, 128>}, {pipeline_mode = #tpu.pipeline_mode<synchronous>, transform_indices = @transform_1, window_bounds = array<i64: 1, 128>}, {pipeline_mode = #tpu.pipeline_mode<synchronous>, transform_indices = @transform_2, window_bounds = array<i64: 128, 128>}, {transform_indices = @transform_3, window_bounds = array<i64: 5000, 128>}]} {
    %get3A = arith.constant 0 : index
    %get3A_0 = arith.constant 0 : index
    %get3A_1 = arith.constant 0 : index
    %get3A_2 = vector.load %arg1[%get3A, %get3A_0, %get3A_1] : memref<2x5000x128xf32, #tpu.memory_space<vmem>>, vector<1x5000x128xf32>
    %get3A_3 = vector.shape_cast %get3A_2 : vector<1x5000x128xf32> to vector<5000x128xf32>
    %get3A_4 = arith.constant 1 : index
    %get3A_5 = arith.constant 0 : index
    %get3A_6 = arith.constant 0 : index
    %get3A_7 = vector.load %arg1[%get3A_4, %get3A_5, %get3A_6] : memref<2x5000x128xf32, #tpu.memory_space<vmem>>, vector<1x5000x128xf32>
    %get3A_8 = vector.shape_cast %get3A_7 : vector<1x5000x128xf32> to vector<5000x128xf32>
    %add3A = arith.addf %get3A_3, %get3A_8 : vector<5000x128xf32>
    %get3A_9 = arith.constant 0 : index
    %get3A_10 = arith.constant 0 : index
    %get3A_11 = vector.load %arg2[%get3A_9, %get3A_10] : memref<1x128xf32, #tpu.memory_space<vmem>>, vector<1x128xf32>
    %add3A_12 = vector.broadcast %get3A_11 : vector<1x128xf32> to vector<5000x128xf32>
    %add3A_13 = arith.addf %add3A, %add3A_12 : vector<5000x128xf32>
    %max3A = arith.constant 0.000000e+00 : f32
    %max3A_14 = vector.broadcast %max3A : f32 to vector<5000x128xf32>
    %max3A_15 = arith.maximumf %add3A_13, %max3A_14 : vector<5000x128xf32>
    %get3A_16 = arith.constant 0 : index
    %get3A_17 = arith.constant 0 : index
    %get3A_18 = vector.load %arg3[%get3A_16, %get3A_17] : memref<128x128xf32, #tpu.memory_space<vmem>>, vector<128x128xf32>
    %dot_general3A = arith.constant dense<0.000000e+00> : vector<5000x128xf32>
    %dot_general3A_19 = tpu.matmul %max3A_15, %get3A_18, %dot_general3A {dimension_numbers = #tpu.dot_dimension_numbers<[1], [1], [0], [0], [0, 0, 1, 0], [], []>, transpose_lhs_hint = false} : vector<5000x128xf32>, vector<128x128xf32>, vector<5000x128xf32> -> vector<5000x128xf32>
    %swap3A = arith.constant 0 : index
    %swap3A_20 = arith.constant 0 : index
    %swap3A_21 = vector.load %arg4[%swap3A, %swap3A_20] : memref<5000x128xf32, #tpu.memory_space<vmem>>, vector<5000x128xf32>
    tpu.vector_store %arg4[%swap3A, %swap3A_20], %dot_general3A_19 {strides = array<i32>} : memref<5000x128xf32, #tpu.memory_space<vmem>>, vector<5000x128xf32>,
    return
  }
  func.func @transform_0(%arg0: i32) -> (i32, i32, i32) {
    %c0_i32 = arith.constant 0 : i32
    %c0_i32_0 = arith.constant 0 : i32
    %c0_i32_1 = arith.constant 0 : i32
    return %c0_i32, %arg0, %c0_i32_0 : i32, i32, i32
  }
  func.func @transform_1(%arg0: i32) -> (i32, i32) {
    %c0_i32 = arith.constant 0 : i32
    %c0_i32_0 = arith.constant 0 : i32
    %c0_i32_1 = arith.constant 0 : i32
    return %c0_i32, %c0_i32_0 : i32, i32
  }
  func.func @transform_2(%arg0: i32) -> (i32, i32) {
    %c0_i32 = arith.constant 0 : i32
    %c0_i32_0 = arith.constant 0 : i32
    %c0_i32_1 = arith.constant 0 : i32
    return %c0_i32, %c0_i32_0 : i32, i32
  }
  func.func @transform_3(%arg0: i32) -> (i32, i32) {
    %c0_i32 = arith.constant 0 : i32
    %c0_i32_0 = arith.constant 0 : i32
    return %arg0, %c0_i32 : i32, i32
  }
}

module attributes {stable_mosaic.version = 14 : i64} {
  func.func @_dec_body(%arg0: i32, %arg1: memref<2x5000x128xf32, #tpu.memory_space<vmem>>, %arg2: memref<1x128xf32, #tpu.memory_space<vmem>>, %arg3: memref<128x128xf32, #tpu.memory_space<vmem>>, %arg4: memref<1x128xf32, #tpu.memory_space<vmem>>, %arg5: memref<128x128xf32, #tpu.memory_space<vmem>>, %arg6: memref<1x128xf32, #tpu.memory_space<vmem>>, %arg7: memref<128x128xf32, #tpu.memory_space<vmem>>, %arg8: memref<1x128xf32, #tpu.memory_space<vmem>>, %arg9: memref<5000x128xf32, #tpu.memory_space<vmem>>) attributes {dimension_semantics = [#tpu.dimension_semantics<arbitrary>], iteration_bounds = array<i64: 2>, scalar_prefetch = 0 : i64, scratch_operands = 0 : i64, tpu.core_type = #tpu.core_type<tc>, window_params = [{transform_indices = @transform_0, window_bounds = array<i64: 2, 5000, 128>}, {pipeline_mode = #tpu.pipeline_mode<synchronous>, transform_indices = @transform_1, window_bounds = array<i64: 1, 128>}, {pipeline_mode = #tpu.pipeline_mode<synchronous>, transform_indices = @transform_2, window_bounds = array<i64: 128, 128>}, {pipeline_mode = #tpu.pipeline_mode<synchronous>, transform_indices = @transform_3, window_bounds = array<i64: 1, 128>}, {pipeline_mode = #tpu.pipeline_mode<synchronous>, transform_indices = @transform_4, window_bounds = array<i64: 128, 128>}, {pipeline_mode = #tpu.pipeline_mode<synchronous>, transform_indices = @transform_5, window_bounds = array<i64: 1, 128>}, {pipeline_mode = #tpu.pipeline_mode<synchronous>, transform_indices = @transform_6, window_bounds = array<i64: 128, 128>}, {pipeline_mode = #tpu.pipeline_mode<synchronous>, transform_indices = @transform_7, window_bounds = array<i64: 1, 128>}, {transform_indices = @transform_8, window_bounds = array<i64: 5000, 128>}]} {
    %get3A = arith.constant 0 : index
    %get3A_0 = arith.constant 0 : index
    %get3A_1 = arith.constant 0 : index
    %get3A_2 = vector.load %arg1[%get3A, %get3A_0, %get3A_1] : memref<2x5000x128xf32, #tpu.memory_space<vmem>>, vector<1x5000x128xf32>
    %get3A_3 = vector.shape_cast %get3A_2 : vector<1x5000x128xf32> to vector<5000x128xf32>
    %get3A_4 = arith.constant 1 : index
    %get3A_5 = arith.constant 0 : index
    %get3A_6 = arith.constant 0 : index
    %get3A_7 = vector.load %arg1[%get3A_4, %get3A_5, %get3A_6] : memref<2x5000x128xf32, #tpu.memory_space<vmem>>, vector<1x5000x128xf32>
    %get3A_8 = vector.shape_cast %get3A_7 : vector<1x5000x128xf32> to vector<5000x128xf32>
    %add3A = arith.addf %get3A_3, %get3A_8 : vector<5000x128xf32>
    %get3A_9 = arith.constant 0 : index
    %get3A_10 = arith.constant 0 : index
    %get3A_11 = vector.load %arg2[%get3A_9, %get3A_10] : memref<1x128xf32, #tpu.memory_space<vmem>>, vector<1x128xf32>
    %add3A_12 = vector.broadcast %get3A_11 : vector<1x128xf32> to vector<5000x128xf32>
    %add3A_13 = arith.addf %add3A, %add3A_12 : vector<5000x128xf32>
    %max3A = arith.constant 0.000000e+00 : f32
    %max3A_14 = vector.broadcast %max3A : f32 to vector<5000x128xf32>
    %max3A_15 = arith.maximumf %add3A_13, %max3A_14 : vector<5000x128xf32>
    %get3A_16 = arith.constant 0 : index
    %get3A_17 = arith.constant 0 : index
    %get3A_18 = vector.load %arg3[%get3A_16, %get3A_17] : memref<128x128xf32, #tpu.memory_space<vmem>>, vector<128x128xf32>
    %dot_general3A = arith.constant dense<0.000000e+00> : vector<5000x128xf32>
    %dot_general3A_19 = tpu.matmul %max3A_15, %get3A_18, %dot_general3A {dimension_numbers = #tpu.dot_dimension_numbers<[1], [1], [0], [0], [0, 0, 1, 0], [], []>, transpose_lhs_hint = false} : vector<5000x128xf32>, vector<128x128xf32>, vector<5000x128xf32> -> vector<5000x128xf32>
    %get3A_20 = arith.constant 0 : index
    %get3A_21 = arith.constant 0 : index
    %get3A_22 = vector.load %arg4[%get3A_20, %get3A_21] : memref<1x128xf32, #tpu.memory_space<vmem>>, vector<1x128xf32>
    %add3A_23 = vector.broadcast %get3A_22 : vector<1x128xf32> to vector<5000x128xf32>
    %add3A_24 = arith.addf %dot_general3A_19, %add3A_23 : vector<5000x128xf32>
    %max3A_25 = arith.constant 0.000000e+00 : f32
    %max3A_26 = vector.broadcast %max3A_25 : f32 to vector<5000x128xf32>
    %max3A_27 = arith.maximumf %add3A_24, %max3A_26 : vector<5000x128xf32>
    %get3A_28 = arith.constant 0 : index
    %get3A_29 = arith.constant 0 : index
    %get3A_30 = vector.load %arg5[%get3A_28, %get3A_29] : memref<128x128xf32, #tpu.memory_space<vmem>>, vector<128x128xf32>
    %dot_general3A_31 = arith.constant dense<0.000000e+00> : vector<5000x128xf32>
    %dot_general3A_32 = tpu.matmul %max3A_27, %get3A_30, %dot_general3A_31 {dimension_numbers = #tpu.dot_dimension_numbers<[1], [1], [0], [0], [0, 0, 1, 0], [], []>, transpose_lhs_hint = false} : vector<5000x128xf32>, vector<128x128xf32>, vector<5000x128xf32> -> vector<5000x128xf32>
    %get3A_33 = arith.constant 0 : index
    %get3A_34 = arith.constant 0 : index
    %get3A_35 = vector.load %arg6[%get3A_33, %get3A_34] : memref<1x128xf32, #tpu.memory_space<vmem>>, vector<1x128xf32>
    %add3A_36 = vector.broadcast %get3A_35 : vector<1x128xf32> to vector<5000x128xf32>
    %add3A_37 = arith.addf %dot_general3A_32, %add3A_36 : vector<5000x128xf32>
    %max3A_38 = arith.constant 0.000000e+00 : f32
    %max3A_39 = vector.broadcast %max3A_38 : f32 to vector<5000x128xf32>
    %max3A_40 = arith.maximumf %add3A_37, %max3A_39 : vector<5000x128xf32>
    %get3A_41 = arith.constant 0 : index
    %get3A_42 = arith.constant 0 : index
    %get3A_43 = vector.load %arg7[%get3A_41, %get3A_42] : memref<128x128xf32, #tpu.memory_space<vmem>>, vector<128x128xf32>
    %dot_general3A_44 = arith.constant dense<0.000000e+00> : vector<5000x128xf32>
    %dot_general3A_45 = tpu.matmul %max3A_40, %get3A_43, %dot_general3A_44 {dimension_numbers = #tpu.dot_dimension_numbers<[1], [1], [0], [0], [0, 0, 1, 0], [], []>, transpose_lhs_hint = false} : vector<5000x128xf32>, vector<128x128xf32>, vector<5000x128xf32> -> vector<5000x128xf32>
    %get3A_46 = arith.constant 0 : index
    %get3A_47 = arith.constant 0 : index
    %get3A_48 = vector.load %arg8[%get3A_46, %get3A_47] : memref<1x128xf32, #tpu.memory_space<vmem>>, vector<1x128xf32>
    %add3A_49 = vector.broadcast %get3A_48 : vector<1x128xf32> to vector<5000x128xf32>
    %add3A_50 = arith.addf %dot_general3A_45, %add3A_49 : vector<5000x128xf32>
    %swap3A = arith.constant 0 : index
    %swap3A_51 = arith.constant 0 : index
    %swap3A_52 = vector.load %arg9[%swap3A, %swap3A_51] : memref<5000x128xf32, #tpu.memory_space<vmem>>, vector<5000x128xf32>
    tpu.vector_store %arg9[%swap3A, %swap3A_51], %add3A_50 {strides = array<i32>} : memref<5000x128xf32, #tpu.memory_space<vmem>>, vector<5000x128xf32>,
    return
  }
  func.func @transform_0(%arg0: i32) -> (i32, i32, i32) {
    %c0_i32 = arith.constant 0 : i32
    %c0_i32_0 = arith.constant 0 : i32
    %c0_i32_1 = arith.constant 0 : i32
    return %c0_i32, %arg0, %c0_i32_0 : i32, i32, i32
  }
  func.func @transform_1(%arg0: i32) -> (i32, i32) {
    %c0_i32 = arith.constant 0 : i32
    %c0_i32_0 = arith.constant 0 : i32
    %c0_i32_1 = arith.constant 0 : i32
    return %c0_i32, %c0_i32_0 : i32, i32
  }
  func.func @transform_2(%arg0: i32) -> (i32, i32) {
    %c0_i32 = arith.constant 0 : i32
    %c0_i32_0 = arith.constant 0 : i32
    %c0_i32_1 = arith.constant 0 : i32
    return %c0_i32, %c0_i32_0 : i32, i32
  }
  func.func @transform_3(%arg0: i32) -> (i32, i32) {
    %c0_i32 = arith.constant 0 : i32
    %c0_i32_0 = arith.constant 0 : i32
    %c0_i32_1 = arith.constant 0 : i32
    return %c0_i32, %c0_i32_0 : i32, i32
  }
  func.func @transform_4(%arg0: i32) -> (i32, i32) {
    %c0_i32 = arith.constant 0 : i32
    %c0_i32_0 = arith.constant 0 : i32
    %c0_i32_1 = arith.constant 0 : i32
    return %c0_i32, %c0_i32_0 : i32, i32
  }
  func.func @transform_5(%arg0: i32) -> (i32, i32) {
    %c0_i32 = arith.constant 0 : i32
    %c0_i32_0 = arith.constant 0 : i32
    %c0_i32_1 = arith.constant 0 : i32
    return %c0_i32, %c0_i32_0 : i32, i32
  }
  func.func @transform_6(%arg0: i32) -> (i32, i32) {
    %c0_i32 = arith.constant 0 : i32
    %c0_i32_0 = arith.constant 0 : i32
    %c0_i32_1 = arith.constant 0 : i32
    return %c0_i32, %c0_i32_0 : i32, i32
  }
  func.func @transform_7(%arg0: i32) -> (i32, i32) {
    %c0_i32 = arith.constant 0 : i32
    %c0_i32_0 = arith.constant 0 : i32
    %c0_i32_1 = arith.constant 0 : i32
    return %c0_i32, %c0_i32_0 : i32, i32
  }
  func.func @transform_8(%arg0: i32) -> (i32, i32) {
    %c0_i32 = arith.constant 0 : i32
    %c0_i32_0 = arith.constant 0 : i32
    return %arg0, %c0_i32 : i32, i32
  }
}

module attributes {stable_mosaic.version = 14 : i64} {
  func.func @_enc_body(%arg0: i32, %arg1: memref<5000x128xf32, #tpu.memory_space<vmem>>, %arg2: memref<128x128xf32, #tpu.memory_space<vmem>>, %arg3: memref<1x128xf32, #tpu.memory_space<vmem>>, %arg4: memref<128x128xf32, #tpu.memory_space<vmem>>, %arg5: memref<1x128xf32, #tpu.memory_space<vmem>>, %arg6: memref<128x128xf32, #tpu.memory_space<vmem>>, %arg7: memref<1x128xf32, #tpu.memory_space<vmem>>, %arg8: memref<128x128xf32, #tpu.memory_space<vmem>>, %arg9: memref<5000x128xf32, #tpu.memory_space<vmem>>) attributes {dimension_semantics = [#tpu.dimension_semantics<arbitrary>], iteration_bounds = array<i64: 2>, scalar_prefetch = 0 : i64, scratch_operands = 0 : i64, tpu.core_type = #tpu.core_type<tc>, window_params = [{transform_indices = @transform_0, window_bounds = array<i64: 5000, 128>}, {pipeline_mode = #tpu.pipeline_mode<synchronous>, transform_indices = @transform_1, window_bounds = array<i64: 128, 128>}, {pipeline_mode = #tpu.pipeline_mode<synchronous>, transform_indices = @transform_2, window_bounds = array<i64: 1, 128>}, {pipeline_mode = #tpu.pipeline_mode<synchronous>, transform_indices = @transform_3, window_bounds = array<i64: 128, 128>}, {pipeline_mode = #tpu.pipeline_mode<synchronous>, transform_indices = @transform_4, window_bounds = array<i64: 1, 128>}, {pipeline_mode = #tpu.pipeline_mode<synchronous>, transform_indices = @transform_5, window_bounds = array<i64: 128, 128>}, {pipeline_mode = #tpu.pipeline_mode<synchronous>, transform_indices = @transform_6, window_bounds = array<i64: 1, 128>}, {pipeline_mode = #tpu.pipeline_mode<synchronous>, transform_indices = @transform_7, window_bounds = array<i64: 128, 128>}, {transform_indices = @transform_8, window_bounds = array<i64: 5000, 128>}]} {
    %get3A = arith.constant 0 : index
    %get3A_0 = arith.constant 0 : index
    %get3A_1 = vector.load %arg1[%get3A, %get3A_0] : memref<5000x128xf32, #tpu.memory_space<vmem>>, vector<5000x128xf32>
    %get3A_2 = arith.constant 0 : index
    %get3A_3 = arith.constant 0 : index
    %get3A_4 = vector.load %arg2[%get3A_2, %get3A_3] : memref<128x128xf32, #tpu.memory_space<vmem>>, vector<128x128xf32>
    %dot_general3A = arith.constant dense<0.000000e+00> : vector<5000x128xf32>
    %dot_general3A_5 = tpu.matmul %get3A_1, %get3A_4, %dot_general3A {dimension_numbers = #tpu.dot_dimension_numbers<[1], [1], [0], [0], [0, 0, 1, 0], [], []>, transpose_lhs_hint = false} : vector<5000x128xf32>, vector<128x128xf32>, vector<5000x128xf32> -> vector<5000x128xf32>
    %get3A_6 = arith.constant 0 : index
    %get3A_7 = arith.constant 0 : index
    %get3A_8 = vector.load %arg3[%get3A_6, %get3A_7] : memref<1x128xf32, #tpu.memory_space<vmem>>, vector<1x128xf32>
    %add3A = vector.broadcast %get3A_8 : vector<1x128xf32> to vector<5000x128xf32>
    %add3A_9 = arith.addf %dot_general3A_5, %add3A : vector<5000x128xf32>
    %max3A = arith.constant 0.000000e+00 : f32
    %max3A_10 = vector.broadcast %max3A : f32 to vector<5000x128xf32>
    %max3A_11 = arith.maximumf %add3A_9, %max3A_10 : vector<5000x128xf32>
    %get3A_12 = arith.constant 0 : index
    %get3A_13 = arith.constant 0 : index
    %get3A_14 = vector.load %arg4[%get3A_12, %get3A_13] : memref<128x128xf32, #tpu.memory_space<vmem>>, vector<128x128xf32>
    %dot_general3A_15 = arith.constant dense<0.000000e+00> : vector<5000x128xf32>
    %dot_general3A_16 = tpu.matmul %max3A_11, %get3A_14, %dot_general3A_15 {dimension_numbers = #tpu.dot_dimension_numbers<[1], [1], [0], [0], [0, 0, 1, 0], [], []>, transpose_lhs_hint = false} : vector<5000x128xf32>, vector<128x128xf32>, vector<5000x128xf32> -> vector<5000x128xf32>
    %get3A_17 = arith.constant 0 : index
    %get3A_18 = arith.constant 0 : index
    %get3A_19 = vector.load %arg5[%get3A_17, %get3A_18] : memref<1x128xf32, #tpu.memory_space<vmem>>, vector<1x128xf32>
    %add3A_20 = vector.broadcast %get3A_19 : vector<1x128xf32> to vector<5000x128xf32>
    %add3A_21 = arith.addf %dot_general3A_16, %add3A_20 : vector<5000x128xf32>
    %max3A_22 = arith.constant 0.000000e+00 : f32
    %max3A_23 = vector.broadcast %max3A_22 : f32 to vector<5000x128xf32>
    %max3A_24 = arith.maximumf %add3A_21, %max3A_23 : vector<5000x128xf32>
    %get3A_25 = arith.constant 0 : index
    %get3A_26 = arith.constant 0 : index
    %get3A_27 = vector.load %arg6[%get3A_25, %get3A_26] : memref<128x128xf32, #tpu.memory_space<vmem>>, vector<128x128xf32>
    %dot_general3A_28 = arith.constant dense<0.000000e+00> : vector<5000x128xf32>
    %dot_general3A_29 = tpu.matmul %max3A_24, %get3A_27, %dot_general3A_28 {dimension_numbers = #tpu.dot_dimension_numbers<[1], [1], [0], [0], [0, 0, 1, 0], [], []>, transpose_lhs_hint = false} : vector<5000x128xf32>, vector<128x128xf32>, vector<5000x128xf32> -> vector<5000x128xf32>
    %get3A_30 = arith.constant 0 : index
    %get3A_31 = arith.constant 0 : index
    %get3A_32 = vector.load %arg7[%get3A_30, %get3A_31] : memref<1x128xf32, #tpu.memory_space<vmem>>, vector<1x128xf32>
    %add3A_33 = vector.broadcast %get3A_32 : vector<1x128xf32> to vector<5000x128xf32>
    %add3A_34 = arith.addf %dot_general3A_29, %add3A_33 : vector<5000x128xf32>
    %get3A_35 = arith.constant 0 : index
    %get3A_36 = arith.constant 0 : index
    %get3A_37 = vector.load %arg8[%get3A_35, %get3A_36] : memref<128x128xf32, #tpu.memory_space<vmem>>, vector<128x128xf32>
    %dot_general3A_38 = arith.constant dense<0.000000e+00> : vector<5000x128xf32>
    %dot_general3A_39 = tpu.matmul %add3A_34, %get3A_37, %dot_general3A_38 {dimension_numbers = #tpu.dot_dimension_numbers<[1], [1], [0], [0], [0, 0, 1, 0], [], []>, transpose_lhs_hint = false} : vector<5000x128xf32>, vector<128x128xf32>, vector<5000x128xf32> -> vector<5000x128xf32>
    %swap3A = arith.constant 0 : index
    %swap3A_40 = arith.constant 0 : index
    %swap3A_41 = vector.load %arg9[%swap3A, %swap3A_40] : memref<5000x128xf32, #tpu.memory_space<vmem>>, vector<5000x128xf32>
    tpu.vector_store %arg9[%swap3A, %swap3A_40], %dot_general3A_39 {strides = array<i32>} : memref<5000x128xf32, #tpu.memory_space<vmem>>, vector<5000x128xf32>,
    return
  }
  func.func @transform_0(%arg0: i32) -> (i32, i32) {
    %c0_i32 = arith.constant 0 : i32
    %c0_i32_0 = arith.constant 0 : i32
    return %arg0, %c0_i32 : i32, i32
  }
  func.func @transform_1(%arg0: i32) -> (i32, i32) {
    %c0_i32 = arith.constant 0 : i32
    %c0_i32_0 = arith.constant 0 : i32
    %c0_i32_1 = arith.constant 0 : i32
    return %c0_i32, %c0_i32_0 : i32, i32
  }
  func.func @transform_2(%arg0: i32) -> (i32, i32) {
    %c0_i32 = arith.constant 0 : i32
    %c0_i32_0 = arith.constant 0 : i32
    %c0_i32_1 = arith.constant 0 : i32
    return %c0_i32, %c0_i32_0 : i32, i32
  }
  func.func @transform_3(%arg0: i32) -> (i32, i32) {
    %c0_i32 = arith.constant 0 : i32
    %c0_i32_0 = arith.constant 0 : i32
    %c0_i32_1 = arith.constant 0 : i32
    return %c0_i32, %c0_i32_0 : i32, i32
  }
  func.func @transform_4(%arg0: i32) -> (i32, i32) {
    %c0_i32 = arith.constant 0 : i32
    %c0_i32_0 = arith.constant 0 : i32
    %c0_i32_1 = arith.constant 0 : i32
    return %c0_i32, %c0_i32_0 : i32, i32
  }
  func.func @transform_5(%arg0: i32) -> (i32, i32) {
    %c0_i32 = arith.constant 0 : i32
    %c0_i32_0 = arith.constant 0 : i32
    %c0_i32_1 = arith.constant 0 : i32
    return %c0_i32, %c0_i32_0 : i32, i32
  }
  func.func @transform_6(%arg0: i32) -> (i32, i32) {
    %c0_i32 = arith.constant 0 : i32
    %c0_i32_0 = arith.constant 0 : i32
    %c0_i32_1 = arith.constant 0 : i32
    return %c0_i32, %c0_i32_0 : i32, i32
  }
  func.func @transform_7(%arg0: i32) -> (i32, i32) {
    %c0_i32 = arith.constant 0 : i32
    %c0_i32_0 = arith.constant 0 : i32
    %c0_i32_1 = arith.constant 0 : i32
    return %c0_i32, %c0_i32_0 : i32, i32
  }
  func.func @transform_8(%arg0: i32) -> (i32, i32) {
    %c0_i32 = arith.constant 0 : i32
    %c0_i32_0 = arith.constant 0 : i32
    return %arg0, %c0_i32 : i32, i32
  }
}

</mosaic_0001>

<sc_bundles>
// kernel: kernel.10.cloned.1.call-start
scs
__scs_entry_jumppad:
0x0: {  	(pc) =	sbr.rel $0x88, $3  }
0x1: {  	(tag) =	ssettag $0x0;
	lr =	simm.s32 $0x1  }
0x2: {  	[smem:$0x3F8F] =	sst lr;
	_ =	strace $0xD0000000  }
0x3: {  	_ = 	snop  }
0x4: {  	_ = 	snop  }
0x5: {  	_ = 	snop  }
0x6: {  	_ = 	snop  }
0x7: {  	_ = 	snop  }
__scs_overlays_trampoline_lowered:
0x8: {  	[smem:$0x3F9E] =	sst s0  }
0x9: {  	[smem:$0x3F9F] =	sst s1  }
0xa: {  	[smem:$0x3FA0] =	sst s2  }
0xb: {  	[smem:$0x3FA1] =	sst s3  }
0xc: {  	[smem:$0x3FA2] =	sst s4  }
0xd: {  	[smem:$0x3FA3] =	sst s5  }
0xe: {  	[smem:$0x3FA4] =	sst s6  }
0xf: {  	[smem:$0x3FA5] =	sst s7  }
0x10: {  	[smem:$0x3FA6] =	sst s8  }
0x11: {  	[smem:$0x3FA7] =	sst s9;
	s0 =	simm.s32 @!p0 $0x0  }
0x12: {  	s1 =	sld [smem:$0x3F8D];
	s0 =	simm.s32 @p0 $0x1  }
0x13: {  	[smem:$0x3FA8] =	sst s0;
	s0 =	simm.s32 @!p1 $0x0  }
0x14: {  	s2 =	sld [smem:$0x3F8C];
	s0 =	simm.s32 @p1 $0x1  }
0x15: {  	[smem:$0x3FA9] =	sst s0;
	s0 =	simm.s32 @!p2 $0x0  }
0x16: {  	s3 =	sld [smem:$0x3FDB];
	s0 =	simm.s32 @p2 $0x1  }
0x17: {  	s4 =	simm.s32 $0x1BF5;
	[smem:$0x3FAB] =	sst s0  }
0x18: {  	s0 =	sld [smem:$0x3F8E];
	_ =	swait.ge [sflag:s4], $0x0  }
0x19: {  	s7 =	sld [smem:$0x3F8F]  }
0x1a: {  	s8 =	sadd.s32 $0xFFFFE003, lr  }
0x1b: {  	s9 =	sadd.s32 $0xFFFFFEF7, lr;
	s5 =	simm.s32 $0xFFFFFFFF;
	p2 =	slt.u32 s8, $0xFFFFF086  }
0x1c: {  	p1 =	slt.u32 s9, $0xF7A;
	s5 =	simm.s32 @!p2 $0x0  }
0x1d: {  	s5 =	simm.s32 @p1 $0x1;
	p0 =	seq.s32 s7, s2  }
0x1e: {  	s7 =	smul.u32 @!p0 $0xF7A, s2;
	p2 =	seq.s32 @!p0 s5, $0x0  }
0x1f: {  	s9 =	smul.u32 $0xF7A, s1;
	s8 =	simm.s32 @!p0 $0x1BF5;
	p2 =	por !p2, p0  }
0x20: {  	[sflag:s8] =	ssyncset.s32 @!p0 $0xFFFFF086;
	s6 =	sadd.s32 @!p0 s3, s7;
	s7 =	simm.s32 @!p0 $0x108  }
0x21: {  	s3 =	sadd.s32 s3, s9;
	s6 =	sadd.s32 @!p0 $0x88, s6;
	s7 =	simm.s32 @p2 $0x1082  }
0x22: {  	[simem:s7], [sflag:s8] =	dma.local @!p0 [hbm:s6], $0xF7A  }
0x23: {  	s9 =	sor.u32 $0xD0000000, s2;
	s6 =	simm.s32 $0x108;
	_ =	swait.ge @!p0 [sflag:s8], $0x0  }
0x24: {  	s3 =	sadd.s32 $0x88, s3;
	s6 =	simm.s32 @!p1 $0x1082;
	[sflag:s4] =	ssyncset.s32 $0xFFFFF086  }
0x25: {  	[simem:s6], [sflag:s4] =	dma.local [hbm:s3], $0xF7A  }
0x26: {  	[smem:$0x3F8F] =	sst s1;
	(tag) =	ssettag s2;
	_ =	strace s9  }
0x27: {  	s1 =	sld [smem:$0x3F9F]  }
0x28: {  	s2 =	sld [smem:$0x3FA0]  }
0x29: {  	s4 =	sld [smem:$0x3FA2]  }
0x2a: {  	p0 =	seq.s32 s5, $0x0;
	s5 =	sld [smem:$0x3FA3]  }
0x2b: {  	s6 =	sld [smem:$0x3FA4]  }
0x2c: {  	s7 =	sld [smem:$0x3FA5]  }
0x2d: {  	s3 =	simm.s32 $0x108;
	s8 =	sld [smem:$0x3FA6]  }
0x2e: {  	s3 =	simm.s32 @!p0 $0x1082;
	s9 =	sld [smem:$0x3FA7]  }
0x2f: {  	lr =	sadd.s32 s0, s3;
	s0 =	sld [smem:$0x3F9E]  }
0x30: {  	s3 =	sld [smem:$0x3FA1]  }
0x31: {  	[smem:$0x3FAA] =	sst s10  }
0x32: {  	s10 =	sld [smem:$0x3FA8];
	_ =	sdelay $0x3  }
0x33: {  	p0 =	seq.s32 s10, $0x1;
	s10 =	sld [smem:$0x3FAA];
	_ =	sdelay $0x3  }
0x34: {  	[smem:$0x3FAA] =	sst s10  }
0x35: {  	s10 =	sld [smem:$0x3FA9];
	_ =	sdelay $0x3  }
0x36: {  	p1 =	seq.s32 s10, $0x1;
	s10 =	sld [smem:$0x3FAA];
	_ =	sdelay $0x3  }
0x37: {  	[smem:$0x3FAA] =	sst s10  }
0x38: {  	s10 =	sld [smem:$0x3FAB]  }
0x39: {  	_ = 	snop;
	(pc) =	sbr.ind lr, $3  }
0x3a: {  	_ = 	snop  }
0x3b: {  	_ = 	snop  }
0x3c: {  	p2 =	seq.s32 s10, $0x1;
	s10 =	sld [smem:$0x3FAA]  }
0x3d: {  	_ =	shalt  }
0x3e: {  	_ =	shalt  }
0x3f: {  	_ =	shalt  }
0x40: {  	_ =	shalt  }
0x41: {  	_ =	shalt  }
0x42: {  	_ =	shalt  }
0x43: {  	_ =	shalt  }
0x44: {  	_ =	shalt  }
0x45: {  	_ =	shalt  }
0x46: {  	_ =	shalt  }
0x47: {  	_ =	shalt  }
0x48: {  	_ =	shalt  }
0x49: {  	_ =	shalt  }
0x4a: {  	_ =	shalt  }
0x4b: {  	_ =	shalt  }
0x4c: {  	_ =	shalt  }
0x4d: {  	_ =	shalt  }
0x4e: {  	_ =	shalt  }
0x4f: {  	_ =	shalt  }
0x50: {  	_ =	shalt  }
0x51: {  	_ =	shalt  }
0x52: {  	_ =	shalt  }
0x53: {  	_ =	shalt  }
0x54: {  	_ =	shalt  }
0x55: {  	_ =	shalt  }
0x56: {  	_ =	shalt  }
0x57: {  	_ =	shalt  }
0x58: {  	_ =	shalt  }
0x59: {  	_ =	shalt  }
0x5a: {  	_ =	shalt  }
0x5b: {  	_ =	shalt  }
0x5c: {  	_ =	shalt  }
0x5d: {  	_ =	shalt  }
0x5e: {  	_ =	shalt  }
0x5f: {  	_ =	shalt  }
0x60: {  	_ =	shalt  }
0x61: {  	_ =	shalt  }
0x62: {  	_ =	shalt  }
0x63: {  	_ =	shalt  }
0x64: {  	_ =	shalt  }
0x65: {  	_ =	shalt  }
0x66: {  	_ =	shalt  }
0x67: {  	_ =	shalt  }
0x68: {  	_ =	shalt  }
0x69: {  	_ =	shalt  }
0x6a: {  	_ =	shalt  }
0x6b: {  	_ =	shalt  }
0x6c: {  	_ =	shalt  }
0x6d: {  	_ =	shalt  }
0x6e: {  	_ =	shalt  }
0x6f: {  	_ =	shalt  }
0x70: {  	_ =	shalt  }
0x71: {  	_ =	shalt  }
0x72: {  	_ =	shalt  }
0x73: {  	_ =	shalt  }
0x74: {  	_ =	shalt  }
0x75: {  	_ =	shalt  }
0x76: {  	_ =	shalt  }
0x77: {  	_ =	shalt  }
0x78: {  	_ =	shalt  }
0x79: {  	_ =	shalt  }
0x7a: {  	_ =	shalt  }
0x7b: {  	_ =	shalt  }
0x7c: {  	_ =	shalt  }
0x7d: {  	_ =	shalt  }
0x7e: {  	_ =	shalt  }
0x7f: {  	_ =	shalt  }
0x80: {  	_ =	shalt  }
0x81: {  	_ =	shalt  }
0x82: {  	_ =	shalt  }
0x83: {  	_ =	shalt  }
0x84: {  	_ =	shalt  }
0x85: {  	_ =	shalt  }
0x86: {  	_ =	shalt  }
0x87: {  	_ =	shalt  }
.Lfunc_end0:
.L_simem_size_0:
called_computation.1_lowered:
.L_overlay_start_0:
0x88: {  	s2 =	sld [smem:$0x3FD9]  }
0x89: {  	s3 =	sld [smem:$0x3FFE];
	_ =	sdelay $0x1  }
0x8a: {  	s1 =	srdreg.scid  }
0x8b: {  	s0 =	sand.u32 $0x1, s1  }
0x8c: {  	s17 =	sshll.u32 s0, $0xA;
	s2 =	sadd.s32 s3, s2  }
0x8d: {  	s2 =	sadd.s32 s2, s17  }
0x8e: {  	[smem:$0x3FB6] =	sst s2  }
0x8f: {  	_ = 	snop  }
0x90: {  	s2 =	sld [smem:$0x3FC8]  }
0x91: {  	s18 =	sld [smem:$0x3FD0];
	(tm) =	ssettm $0x1  }
0x92: {  	s4 =	sld [smem:$0x3FFB];
	_ =	sdelay $0x3  }
0x93: {  	_ =	strace s4  }
0x94: {  	s4 =	sld [smem:$0x3FFC];
	_ =	sdelay $0x3  }
0x95: {  	_ =	strace s4  }
0x96: {  	s4 =	sld [smem:$0x3FFD];
	_ =	sdelay $0x3  }
0x97: {  	_ =	strace s4  }
0x98: {  	_ =	strace $0x8FFFFFFF  }
0x99: {  	s19 =	sld [smem:$0x3FDB];
	_ =	sdelay $0x1  }
0x9a: {  	s5 =	simm.s32 $_scs_section_size  }
0x9b: {  	s6 =	simm.s32 $_size__tile_overlayer_lowered;
	s7 =	simm.s32 $_tile_overlayer_lowered  }
0x9c: {  	s22 =	simm.s32 $0x1BFF;
	s21 =	sshll.u32 s7, $0x1;
	s4 =	sadd.s32 s5, s19  }
0x9d: {  	s8 =	simm.s32 $0x0;
	s20 =	sshll.u32 s6, $0x1;
	s6 =	sadd.s32 s21, s4  }
0x9e: {  	[timem:s8], [sflag:s22] =	dma.local [hbm:s6], s20  }
0x9f: {  	_ =	swait.ge [sflag:s22], s20  }
0xa0: {  	s5 =	ssub.s32 $0x0, s20;
	[sflag:s22] =	ssyncset.done $0x0  }
0xa1: {  	[sflag:s22] =	ssyncadd.s32 s5;
	_ =	sdelay $0x1  }
0xa2: {  	s23 =	simm.s32 $0x1B8B  }
0xa3: {  	_ =	swait.ge [sflag:s23], $0x1  }
0xa4: {  	[sflag:s23] =	ssyncset.done $0x0  }
0xa5: {  	s25 =	simm.s32 $0x1B8E;
	s24 =	sld [smem:$0x3FFE];
	[sflag:s23] =	ssyncadd.s32 $0xFFFFFFFF  }
0xa6: {  	s26 =	simm.s32 $execute0_lowered;
	[smem:$0x3FD2] =	sst s25  }
0xa7: {  	s6 =	sshll.u32 s26, $0x1;
	_ =	strace $0x80000049;
	[dreg:$0x1] =	wrdreg $0xFFFFFFFF  }
0xa8: {  	s28 =	simm.s32 $_size_execute0_lowered;
	s4 =	sadd.s32 s4, s6;
	[dreg:$0x0] =	wrdreg $0x0  }
0xa9: {  	s6 =	sshll.u32 s28, $0x1;
	[dreg:$0x2] =	wrdreg s4  }
0xaa: {  	[dreg:$0x3] =	wrdreg s6  }
0xab: {  	[dreg:$0x4] =	wrdreg $0xC0  }
0xac: {  	_ =	task [dreg:s8], $0x5FFFF  }
0xad: {  	[dreg:$0x1] =	wrdreg $0xFFFFFFFF  }
0xae: {  	[dreg:$0x0] =	wrdreg $0x60  }
0xaf: {  	[dreg:$0x2] =	wrdreg s18  }
0xb0: {  	[dreg:$0x3] =	wrdreg s2  }
0xb1: {  	[dreg:$0x4] =	wrdreg s24  }
0xb2: {  	[dreg:$0x5] =	wrdreg $0xC6000  }
0xb3: {  	[dreg:$0x6] =	wrdreg $0x9  }
0xb4: {  	_ =	task.clear_ibuf [dreg:s8], $0x7FFFF;
	_ =	strace $0x90000049  }
0xb5: {  	s29 =	simm.s32 $0x9;
	_ =	strace $0x8000004B  }
0xb6: {  	_ =	swait.ge [sflag:s29], $0x1  }
0xb7: {  	[sflag:s29] =	ssyncadd.s32 $0xFFFFFFFF  }
0xb8: {  	_ =	strace $0x9000004B  }
0xb9: {  	_ =	sfence  }
0xba: {  	s30 =	sld [smem:$0x0];
	_ =	sdelay $0x2  }
0xbb: {  	s31 =	sshll.u32 s1, $0xD;
	s1 =	sshrl.u32 s1, $0x2  }
0xbc: {  	s3 =	sand.u32 $0x4000, s31;
	s1 =	sadd.s32 s1, s30  }
0xbd: {  	s0 =	sor.u32 s3, s0;
	s1 =	sshll.u32 s1, $0x11  }
0xbe: {  	s0 =	sor.u32 s1, s0  }
0xbf: {  	s0 =	sadd.s32 $0x8F2B, s0  }
0xc0: {  	[sflag:s0] =	ssyncadd.remote.s32 $0x1  }
0xc1: {  	_ =	sfence.sel $0xFFFF  }
0xc2: {  	[dreg:$0x0] =	wrdreg $0xFFFFFFFF;
	(pc) =	sbr.abs _section_cstart, $3  }
0xc3: {  	[dreg:$0x1] =	wrdreg $0xFFFFFFFF  }
0xc4: {  	_ =	task.clear_ibuf [dreg:s8], $0x2FFFF;
	_ =	strace $0x9FFFFFFF  }
0xc5: {  	(tm) =	ssettm $0x7FFFFFFF  }
tec
execute0_lowered:
.L_overlay_start_1:
0x0: {  	(tag) =	ssettag $0x1  }
0x1: {  	s1 =	rddreg [dreg:$0x0]  }
0x2: {  	s14 =	rddreg [dreg:$0x1]  }
0x3: {  	s6 =	rddreg [dreg:$0x2]  }
0x4: {  	s2 =	rddreg [dreg:$0x3];
	s3 =	simm.s32 $0x0;
	s4 =	srdreg.scid  }
0x5: {  	s29 =	simm.s32 $0x0;
	s12 =	sand.u32 $0x1, s4;
	s4 =	stileid.u32  }
0x6: {  	[smem:$0x7FF] =	sst s3;
	s5 =	sadd.s32 $0x3200, s6;
	s10 =	smul.u32 $0x4E000, s4  }
0x7: {  	s16 =	sadd.s32 $0x5A00, s6;
	s6 =	simm.s32 $0x4F;
	s18 =	smul.u32 $0x4E0, s12  }
0x8: {  	_ =	strace $0x8000004A;
	s7 =	sshll.u32 s12, $0x4;
	s19 =	smul.u32 $0x4E, s4  }
0x9: {  	s8 =	ssub.s32 $0x2, s12;
	s20 =	smul.u32 $0x138800, s12;
	s23 =	sor.u32 s4, s7  }
0xa: {  	s24 =	smul.u32 $0x13800, s4;
	s28 =	sshrl.u32 s8, $0x1;
	p0 =	slt.u32 s23, $0x4  }
0xb: {  	s9 =	smul.u32 $0x4E, s23;
	s15 =	smin.u32 s23, $0x4;
	s17 =	ssub.s32 s8, s28  }
0xc: {  	s31 =	sshrl.u32 s10, $0x2;
	s18 =	sadd.s32 s19, s18;
	s0 =	sshrl.u32 s20, $0x3  }
0xd: {  	p1 =	sgt.u32 s23, $0x3;
	s23 =	simm.s32 $0xC;
	s6 =	simm.s32 @!p0 $0x4E  }
0xe: {  	s7 =	sadd.s32 s31, s2;
	s19 =	sadd.s32 s16, s0;
	s17 =	smax.u32 s17, $0x1  }
0xf: {  	p0 =	seq.s32 s4, $0xF;
	s30 =	sadd.s32 s15, s9;
	s13 =	smul.u32 $0x2B, s6  }
0x10: {  	s15 =	sadd.s32 s15, s18;
	s22 =	sadd.s32 $0xFFFFFFFA, s6;
	s0 =	sadd.s32 $0x24900, s19  }
0x11: {  	s18 =	sadd.s32 s24, s20;
	s19 =	simm.s32 $0x80;
	s20 =	simm.s32 $0x380  }
0x12: {  	s24 =	simm.s32 $0xA;
	s9 =	sshll.u32 s30, $0x5;
	[dreg:$0xa] =	wrdreg s22  }
0x13: {  	s15 =	sshll.u32 s15, $0x5;
	[dreg:$0xc] =	wrdreg s0;
	s18 =	sshrl.u32 s18, $0x3  }
0x14: {  	s22 =	simm.s32 $0x600;
	s8 =	sadd.s32 s14, s9;
	s9 =	sadd.s32 $0x124800, s2  }
0x15: {  	s13 =	sadd.s32 $0xD7, s13;
	s14 =	sadd.s32 s15, s14;
	s16 =	sadd.s32 s16, s18  }
0x16: {  	s10 =	sadd.s32 $0x10, s8;
	s11 =	sadd.s32 $0x20, s8;
	s25 =	sadd.s32 $0x60, s14  }
0x17: {  	s12 =	sadd.s32 $0x30, s8;
	s26 =	sadd.s32 $0x40, s14;
	[dreg:$0x6] =	wrdreg s25  }
.Ltmp0:
0x18: {  	s28 =	sadd.s32 $0xE0, s14;
	[dreg:$0x5] =	wrdreg s26;
	(pc) =	sbr.rel .LBB2_1-.Ltmp0, $4  }
0x19: {  	s21 =	sshrl.u32 s13, $0x8;
	s30 =	sadd.s32 $0xA0, s14;
	[dreg:$0x9] =	wrdreg s28  }
0x1a: {  	s31 =	sadd.s32 $0x80, s14;
	s21 =	smul.u32 $0xC0, s21;
	[dreg:$0x8] =	wrdreg s30  }
0x1b: {  	s13 =	sadd.s32 $0xFFFFFFFF, s6;
	[dreg:$0x7] =	wrdreg s31;
	s25 =	simm.s32 $0xE  }
0x1c: {  	s26 =	simm.s32 $0xB;
	[dreg:$0xb] =	wrdreg s21;
	s21 =	simm.s32 $0x1  }
.LBB2_7:
0x1d: {  	s0 =	sshrl.u32 s9, $0x3;
	s15 =	rddreg [dreg:$0xc];
	s18 =	simm.s32 $0x1FCE  }
0x1e: {  	[hbm:s15], [sflag:s18] =	dma.local [spmem:s0], $0x2800  }
0x1f: {  	_ =	swait.ge [sflag:s25], $0x2800  }
0x20: {  	[sflag:s25] =	ssyncset.done $0x0  }
0x21: {  	[sflag:s25] =	ssyncadd.s32 $0xFFFFD800  }
.LBB2_8:
0x22: {  	s29 =	sadd.s32 $0x1, s29  }
0x23: {  	p2 =	sne.s32 s29, s17  }
.Ltmp1:
0x24: {  	_ = 	snop;
	(pc) =	sbr.rel @!p2 .LBB2_9-.Ltmp1, $1  }
0x25: {  	_ =	sdelay $0x3  }
.LBB2_1:
0x26: {  	s30 =	sshrl.u32 @p0 s9, $0x3;
	s31 =	simm.s32 @p0 $0x1FCD  }
0x27: {  	[spmem:s30], [sflag:s31] =	dma.local @p0 [hbm:s5], $0x2800  }
0x28: {  	s30 =	sshll.u32 @!p0 s4, $0x6  }
0x29: {  	s31 =	sshrl.u32 @!p0 s7, $0x3;
	s30 =	sor.u32 @!p0 $0x1C0D, s30  }
0x2a: {  	[spmem:s31], [sflag:s30] =	dma.local @!p0 [hbm:s5], $0x2700  }
0x2b: {  	[tilespmem:s3], [sflag:$0x1] =	stream.linear.gather [hbm4b:s8+s3], $0x80, $0x38;
	[tilespmem:$0x1FE80] =	vst v63  }
0x2c: {  	s0 =	simm.s32 $0x300  }
0x2d: {  	[tilespmem:s0], [sflag:$0x1] =	stream.linear.gather [hbm4b:s10+s3], $0x80, $0x38;
	[tilespmem:$0x1FE80] =	vst v63  }
0x2e: {  	_ = 	snop  }
0x2f: {  	[tilespmem:s19], [sflag:$0x2] =	stream.linear.gather [hbm4b:s11+s3], $0x80, $0x38;
	[tilespmem:$0x1FE80] =	vst v63  }
0x30: {  	_ = 	snop  }
0x31: {  	[tilespmem:s20], [sflag:$0x2] =	stream.linear.gather [hbm4b:s12+s3], $0x80, $0x38;
	[tilespmem:$0x1FE80] =	vst v63  }
0x32: {  	_ =	swait.ge [sflag:s21], $0x80  }
0x33: {  	[sflag:s21] =	ssyncset.done $0x0  }
0x34: {  	[sflag:s21] =	ssyncadd.s32 $0xFFFFFF80  }
0x35: {  	_ =	swait.ge [sflag:s21], $0x80  }
0x36: {  	[sflag:s21] =	ssyncset.done $0x0  }
0x37: {  	s30 =	simm.s32 @p0 $0xD;
	[sflag:s21] =	ssyncadd.s32 $0xFFFFFF80  }
0x38: {  	[tilespmem:s22], [sflag:$0x7] =	stream.indirect.gather [hbm4b:s1+s19], $0x80, s3, s19, $0xb8;
	[tilespmem:$0x1FE80] =	vst v63  }
0x39: {  	_ =	swait.ge @p0 [sflag:s30], $0x2800  }
0x3a: {  	[sflag:s30] =	ssyncset.done @p0 $0x0  }
0x3b: {  	[sflag:s30] =	ssyncadd.s32 @p0 $0xFFFFD800;
	s30 =	simm.s32 @!p0 $0xD  }
0x3c: {  	_ =	swait.ge @!p0 [sflag:s30], $0x2700  }
0x3d: {  	[sflag:s30] =	ssyncset.done @!p0 $0x0  }
0x3e: {  	[sflag:s30] =	ssyncadd.s32 @!p0 $0xFFFFD900  }
0x3f: {  	s31 =	simm.s32 $0x0;
	s30 =	simm.s32 $0x0;
	[bflag:$0x0] =	sbarrier.arrive $0xFFFF  }
.LBB2_2:
0x40: {  	p2 =	sge.u32 s30, s6  }
0x41: {  	p3 =	seq.s32 @!p2 s31, $0x0  }
0x42: {  	p3 =	por p3, p2  }
0x43: {  	s0 =	simm.s32 @!p3 $0xB  }
0x44: {  	s28 =	sadd.s32 @!p2 $0x2, s30;
	_ =	swait.ge @!p3 [sflag:s0], $0x4000  }
0x45: {  	p4 =	sge.u32 @!p2 s28, s6;
	[sflag:s0] =	ssyncset.done @!p3 $0x0  }
0x46: {  	s15 =	rddreg [dreg:$0x5];
	[sflag:s0] =	ssyncadd.s32 @!p3 $0xFFFFC000;
	p3 =	por p4, p2  }
0x47: {  	s0 =	sadd.s32 @!p3 s31, s15;
	s15 =	simm.s32 @!p3 $0x0;
	s28 =	simm.s32 @!p3 $0x100  }
0x48: {  	[tilespmem:s28], [sflag:$0x3] =	stream.linear.gather @!p3 [hbm4b:s0+s15], $0x80, $0x38;
	[tilespmem:$0x1FE80] =	vst v63  }
0x49: {  	s0 =	sadd.s32 @!p3 $0x10, s0;
	s28 =	simm.s32 @!p3 $0x400  }
0x4a: {  	[tilespmem:s28], [sflag:$0x3] =	stream.linear.gather @!p3 [hbm4b:s0+s15], $0x80, $0x38;
	[tilespmem:$0x1FE80] =	vst v63  }
0x4b: {  	p3 =	sge.u32 @!p2 s30, s13  }
0x4c: {  	p3 =	por p3, p2  }
0x4d: {  	s0 =	simm.s32 @!p3 $0x2  }
0x4e: {  	_ =	swait.ge @!p3 [sflag:s0], $0x80  }
0x4f: {  	[sflag:s0] =	ssyncset.done @!p3 $0x0  }
0x50: {  	[sflag:s0] =	ssyncadd.s32 @!p3 $0xFFFFFF80  }
0x51: {  	_ =	swait.ge @!p3 [sflag:s0], $0x80  }
0x52: {  	[sflag:s0] =	ssyncset.done @!p3 $0x0  }
0x53: {  	s15 =	simm.s32 @!p3 $0x4600;
	[sflag:s0] =	ssyncadd.s32 @!p3 $0xFFFFFF80;
	s0 =	simm.s32 @!p3 $0x80  }
0x54: {  	[tilespmem:s15], [sflag:$0x8] =	stream.indirect.gather @!p3 [hbm4b:s1+s0], $0x80, s0, s0, $0xb8;
	[tilespmem:$0x1FE80] =	vst v63  }
0x55: {  	s0 =	simm.s32 @!p2 $0x7  }
0x56: {  	_ =	swait.ge @!p2 [sflag:s0], $0x4000  }
0x57: {  	s28 =	simm.s32 @!p2 $0x600;
	[sflag:s0] =	ssyncset.done @!p2 $0x0  }
0x58: {  	s15 =	simm.s32 @!p2 $0x300;
	[sflag:s0] =	ssyncadd.s32 @!p2 $0xFFFFC000;
	s0 =	simm.s32 @!p2 $0x80  }
0x59: {  	[spmem:s2] =	stream.indirect.scatter.add.f32 @!p2 [tilespmem:s28], [sflag:$0xA], $0x80, s15, s0, $0xb8;
	[tilespmem:$0x1FE80] =	vst v63  }
0x5a: {  	p2 =	sge.u32 s30, s13  }
0x5b: {  	p3 =	seq.s32 @!p2 s31, $0x0  }
0x5c: {  	p3 =	por p3, p2  }
0x5d: {  	s0 =	simm.s32 @!p3 $0xC  }
0x5e: {  	s15 =	sadd.s32 @!p2 $0x3, s30;
	_ =	swait.ge @!p3 [sflag:s0], $0x4000  }
0x5f: {  	p4 =	sge.u32 @!p2 s15, s6;
	[sflag:s0] =	ssyncset.done @!p3 $0x0  }
0x60: {  	s28 =	rddreg [dreg:$0x6];
	[sflag:s0] =	ssyncadd.s32 @!p3 $0xFFFFC000;
	p3 =	por p4, p2  }
0x61: {  	s0 =	sadd.s32 @!p3 s31, s28;
	s15 =	simm.s32 @!p3 $0x0;
	s28 =	simm.s32 @!p3 $0x180  }
0x62: {  	[tilespmem:s28], [sflag:$0x4] =	stream.linear.gather @!p3 [hbm4b:s0+s15], $0x80, $0x38;
	[tilespmem:$0x1FE80] =	vst v63  }
0x63: {  	s0 =	sadd.s32 @!p3 $0x10, s0;
	s28 =	simm.s32 @!p3 $0x480  }
0x64: {  	[tilespmem:s28], [sflag:$0x4] =	stream.linear.gather @!p3 [hbm4b:s0+s15], $0x80, $0x38;
	[tilespmem:$0x1FE80] =	vst v63  }
0x65: {  	s0 =	sadd.s32 @!p2 $0x2, s30  }
0x66: {  	p3 =	sge.u32 @!p2 s0, s6  }
0x67: {  	p3 =	por p3, p2  }
0x68: {  	s0 =	simm.s32 @!p3 $0x3  }
0x69: {  	_ =	swait.ge @!p3 [sflag:s0], $0x80  }
0x6a: {  	[sflag:s0] =	ssyncset.done @!p3 $0x0  }
0x6b: {  	[sflag:s0] =	ssyncadd.s32 @!p3 $0xFFFFFF80  }
0x6c: {  	_ =	swait.ge @!p3 [sflag:s0], $0x80  }
0x6d: {  	s15 =	simm.s32 @!p3 $0x100;
	[sflag:s0] =	ssyncset.done @!p3 $0x0  }
0x6e: {  	s28 =	simm.s32 @!p3 $0x8600;
	[sflag:s0] =	ssyncadd.s32 @!p3 $0xFFFFFF80;
	s0 =	simm.s32 @!p3 $0x80  }
0x6f: {  	[tilespmem:s28], [sflag:$0x9] =	stream.indirect.gather @!p3 [hbm4b:s1+s0], $0x80, s15, s0, $0xb8;
	[tilespmem:$0x1FE80] =	vst v63  }
0x70: {  	s0 =	simm.s32 @!p2 $0x8  }
0x71: {  	_ =	swait.ge @!p2 [sflag:s0], $0x4000  }
0x72: {  	s15 =	simm.s32 @!p2 $0x380;
	[sflag:s0] =	ssyncset.done @!p2 $0x0  }
0x73: {  	s28 =	simm.s32 @!p2 $0x4600;
	[sflag:s0] =	ssyncadd.s32 @!p2 $0xFFFFC000;
	s0 =	simm.s32 @!p2 $0x80  }
0x74: {  	[spmem:s2] =	stream.indirect.scatter.add.f32 @!p2 [tilespmem:s28], [sflag:$0xB], $0x80, s15, s0, $0xb8;
	[tilespmem:$0x1FE80] =	vst v63  }
0x75: {  	s28 =	sadd.s32 $0x2, s30  }
0x76: {  	p2 =	sge.u32 s28, s6  }
0x77: {  	s0 =	simm.s32 @!p2 $0xA  }
0x78: {  	s15 =	sadd.s32 @!p2 $0x4, s30;
	_ =	swait.ge @!p2 [sflag:s0], $0x4000  }
0x79: {  	p3 =	sge.u32 @!p2 s15, s6;
	[sflag:s0] =	ssyncset.done @!p2 $0x0  }
0x7a: {  	s28 =	rddreg [dreg:$0x7];
	p3 =	por p3, p2;
	[sflag:s0] =	ssyncadd.s32 @!p2 $0xFFFFC000  }
0x7b: {  	s0 =	sadd.s32 @!p3 s31, s28;
	s15 =	simm.s32 @!p3 $0x0;
	s28 =	simm.s32 @!p3 $0x200  }
0x7c: {  	[tilespmem:s28], [sflag:$0x5] =	stream.linear.gather @!p3 [hbm4b:s0+s15], $0x80, $0x38;
	[tilespmem:$0x1FE80] =	vst v63  }
0x7d: {  	s0 =	sadd.s32 @!p3 $0x10, s0;
	s28 =	simm.s32 @!p3 $0x500  }
0x7e: {  	[tilespmem:s28], [sflag:$0x5] =	stream.linear.gather @!p3 [hbm4b:s0+s15], $0x80, $0x38;
	[tilespmem:$0x1FE80] =	vst v63  }
0x7f: {  	s0 =	sadd.s32 @!p2 $0x3, s30  }
0x80: {  	p3 =	sge.u32 @!p2 s0, s6  }
0x81: {  	p3 =	por p3, p2  }
0x82: {  	s0 =	simm.s32 @!p3 $0x4  }
0x83: {  	_ =	swait.ge @!p3 [sflag:s0], $0x80  }
0x84: {  	[sflag:s0] =	ssyncset.done @!p3 $0x0  }
0x85: {  	[sflag:s0] =	ssyncadd.s32 @!p3 $0xFFFFFF80  }
0x86: {  	_ =	swait.ge @!p3 [sflag:s0], $0x80  }
0x87: {  	s15 =	simm.s32 @!p3 $0x180;
	[sflag:s0] =	ssyncset.done @!p3 $0x0  }
0x88: {  	s28 =	simm.s32 @!p3 $0x600;
	[sflag:s0] =	ssyncadd.s32 @!p3 $0xFFFFFF80;
	s0 =	simm.s32 @!p3 $0x80  }
0x89: {  	[tilespmem:s28], [sflag:$0x7] =	stream.indirect.gather @!p3 [hbm4b:s1+s0], $0x80, s15, s0, $0xb8;
	[tilespmem:$0x1FE80] =	vst v63  }
0x8a: {  	s0 =	simm.s32 @!p2 $0x9  }
0x8b: {  	_ =	swait.ge @!p2 [sflag:s0], $0x4000  }
0x8c: {  	s15 =	simm.s32 @!p2 $0x400;
	[sflag:s0] =	ssyncset.done @!p2 $0x0  }
0x8d: {  	s28 =	simm.s32 @!p2 $0x8600;
	[sflag:s0] =	ssyncadd.s32 @!p2 $0xFFFFC000;
	s0 =	simm.s32 @!p2 $0x80  }
0x8e: {  	[spmem:s2] =	stream.indirect.scatter.add.f32 @!p2 [tilespmem:s28], [sflag:$0xC], $0x80, s15, s0, $0xb8;
	[tilespmem:$0x1FE80] =	vst v63  }
0x8f: {  	s15 =	sadd.s32 $0x3, s30  }
0x90: {  	p2 =	sge.u32 s15, s6  }
0x91: {  	s0 =	simm.s32 @!p2 $0xB  }
0x92: {  	s15 =	sadd.s32 @!p2 $0x5, s30;
	_ =	swait.ge @!p2 [sflag:s0], $0x4000  }
0x93: {  	p3 =	sge.u32 @!p2 s15, s6;
	[sflag:s0] =	ssyncset.done @!p2 $0x0  }
0x94: {  	s28 =	rddreg [dreg:$0x8];
	p3 =	por p3, p2;
	[sflag:s0] =	ssyncadd.s32 @!p2 $0xFFFFC000  }
0x95: {  	s0 =	sadd.s32 @!p3 s31, s28;
	s15 =	simm.s32 @!p3 $0x0;
	s28 =	simm.s32 @!p3 $0x280  }
0x96: {  	[tilespmem:s28], [sflag:$0x6] =	stream.linear.gather @!p3 [hbm4b:s0+s15], $0x80, $0x38;
	[tilespmem:$0x1FE80] =	vst v63  }
0x97: {  	s0 =	sadd.s32 @!p3 $0x10, s0;
	s28 =	simm.s32 @!p3 $0x580  }
0x98: {  	[tilespmem:s28], [sflag:$0x6] =	stream.linear.gather @!p3 [hbm4b:s0+s15], $0x80, $0x38;
	[tilespmem:$0x1FE80] =	vst v63  }
0x99: {  	s0 =	sadd.s32 @!p2 $0x4, s30  }
0x9a: {  	p3 =	sge.u32 @!p2 s0, s6  }
0x9b: {  	p3 =	por p3, p2  }
0x9c: {  	s0 =	simm.s32 @!p3 $0x5  }
0x9d: {  	_ =	swait.ge @!p3 [sflag:s0], $0x80  }
0x9e: {  	[sflag:s0] =	ssyncset.done @!p3 $0x0  }
0x9f: {  	[sflag:s0] =	ssyncadd.s32 @!p3 $0xFFFFFF80  }
0xa0: {  	_ =	swait.ge @!p3 [sflag:s0], $0x80  }
0xa1: {  	s15 =	simm.s32 @!p3 $0x200;
	[sflag:s0] =	ssyncset.done @!p3 $0x0  }
0xa2: {  	s28 =	simm.s32 @!p3 $0x4600;
	[sflag:s0] =	ssyncadd.s32 @!p3 $0xFFFFFF80;
	s0 =	simm.s32 @!p3 $0x80  }
0xa3: {  	[tilespmem:s28], [sflag:$0x8] =	stream.indirect.gather @!p3 [hbm4b:s1+s0], $0x80, s15, s0, $0xb8;
	[tilespmem:$0x1FE80] =	vst v63  }
0xa4: {  	s0 =	simm.s32 @!p2 $0x7  }
0xa5: {  	_ =	swait.ge @!p2 [sflag:s0], $0x4000  }
0xa6: {  	s18 =	sadd.s32 $0x4, s30;
	s15 =	simm.s32 @!p2 $0x480;
	[sflag:s0] =	ssyncset.done @!p2 $0x0  }
0xa7: {  	s28 =	simm.s32 @!p2 $0x600;
	[sflag:s0] =	ssyncadd.s32 @!p2 $0xFFFFC000;
	s0 =	simm.s32 @!p2 $0x80  }
0xa8: {  	[spmem:s2] =	stream.indirect.scatter.add.f32 @!p2 [tilespmem:s28], [sflag:$0xA], $0x80, s15, s0, $0xb8;
	[tilespmem:$0x1FE80] =	vst v63  }
0xa9: {  	p2 =	sge.u32 s18, s6  }
0xaa: {  	s0 =	sadd.s32 @!p2 $0x6, s30  }
0xab: {  	s15 =	simm.s32 @!p2 $0xC;
	p3 =	sge.u32 @!p2 s0, s6  }
0xac: {  	_ =	swait.ge @!p2 [sflag:s15], $0x4000;
	p3 =	por p3, p2  }
0xad: {  	[sflag:s15] =	ssyncset.done @!p2 $0x0;
	s0 =	sadd.s32 @!p3 s31, s14  }
0xae: {  	[sflag:s15] =	ssyncadd.s32 @!p2 $0xFFFFC000;
	s28 =	simm.s32 @!p3 $0x0;
	s15 =	sadd.s32 @!p3 $0xC0, s0  }
0xaf: {  	[tilespmem:s28], [sflag:$0x1] =	stream.linear.gather @!p3 [hbm4b:s15+s28], $0x80, $0x38;
	[tilespmem:$0x1FE80] =	vst v63  }
0xb0: {  	s0 =	sadd.s32 @!p3 $0xD0, s0;
	s15 =	simm.s32 @!p3 $0x300  }
0xb1: {  	[tilespmem:s15], [sflag:$0x1] =	stream.linear.gather @!p3 [hbm4b:s0+s28], $0x80, $0x38;
	[tilespmem:$0x1FE80] =	vst v63  }
0xb2: {  	s0 =	sadd.s32 @!p2 $0x5, s30  }
0xb3: {  	p3 =	sge.u32 @!p2 s0, s6  }
0xb4: {  	p3 =	por p3, p2  }
0xb5: {  	s0 =	simm.s32 @!p3 $0x6  }
0xb6: {  	_ =	swait.ge @!p3 [sflag:s0], $0x80  }
0xb7: {  	[sflag:s0] =	ssyncset.done @!p3 $0x0  }
0xb8: {  	[sflag:s0] =	ssyncadd.s32 @!p3 $0xFFFFFF80  }
0xb9: {  	_ =	swait.ge @!p3 [sflag:s0], $0x80  }
0xba: {  	s15 =	simm.s32 @!p3 $0x280;
	[sflag:s0] =	ssyncset.done @!p3 $0x0  }
0xbb: {  	s28 =	simm.s32 @!p3 $0x8600;
	[sflag:s0] =	ssyncadd.s32 @!p3 $0xFFFFFF80;
	s0 =	simm.s32 @!p3 $0x80  }
0xbc: {  	[tilespmem:s28], [sflag:$0x9] =	stream.indirect.gather @!p3 [hbm4b:s1+s0], $0x80, s15, s0, $0xb8;
	[tilespmem:$0x1FE80] =	vst v63  }
0xbd: {  	s0 =	simm.s32 @!p2 $0x8  }
0xbe: {  	_ =	swait.ge @!p2 [sflag:s0], $0x4000  }
0xbf: {  	s15 =	simm.s32 @!p2 $0x500;
	[sflag:s0] =	ssyncset.done @!p2 $0x0  }
0xc0: {  	s28 =	simm.s32 @!p2 $0x4600;
	[sflag:s0] =	ssyncadd.s32 @!p2 $0xFFFFC000;
	s0 =	simm.s32 @!p2 $0x80  }
0xc1: {  	[spmem:s2] =	stream.indirect.scatter.add.f32 @!p2 [tilespmem:s28], [sflag:$0xB], $0x80, s15, s0, $0xb8;
	[tilespmem:$0x1FE80] =	vst v63  }
0xc2: {  	s28 =	sadd.s32 $0x5, s30  }
0xc3: {  	p2 =	sge.u32 s28, s6  }
0xc4: {  	s0 =	simm.s32 @!p2 $0xA  }
0xc5: {  	s15 =	sadd.s32 @!p2 $0x7, s30;
	_ =	swait.ge @!p2 [sflag:s0], $0x4000  }
0xc6: {  	p3 =	sge.u32 @!p2 s15, s6;
	[sflag:s0] =	ssyncset.done @!p2 $0x0  }
0xc7: {  	s28 =	rddreg [dreg:$0x9];
	p3 =	por p3, p2;
	[sflag:s0] =	ssyncadd.s32 @!p2 $0xFFFFC000  }
0xc8: {  	s0 =	sadd.s32 @!p3 s31, s28;
	s15 =	simm.s32 @!p3 $0x0;
	s28 =	simm.s32 @!p3 $0x80  }
0xc9: {  	[tilespmem:s28], [sflag:$0x2] =	stream.linear.gather @!p3 [hbm4b:s0+s15], $0x80, $0x38;
	[tilespmem:$0x1FE80] =	vst v63  }
0xca: {  	s18 =	simm.s32 @!p3 $0x380;
	s28 =	rddreg [dreg:$0xa];
	s0 =	sadd.s32 @!p3 $0x10, s0  }
0xcb: {  	[tilespmem:s18], [sflag:$0x2] =	stream.linear.gather @!p3 [hbm4b:s0+s15], $0x80, $0x38;
	[tilespmem:$0x1FE80] =	vst v63  }
0xcc: {  	p3 =	sge.u32 @!p2 s30, s28  }
0xcd: {  	p3 =	por p3, p2  }
0xce: {  	s0 =	simm.s32 @!p3 $0x1  }
0xcf: {  	_ =	swait.ge @!p3 [sflag:s0], $0x80  }
0xd0: {  	[sflag:s0] =	ssyncset.done @!p3 $0x0  }
0xd1: {  	[sflag:s0] =	ssyncadd.s32 @!p3 $0xFFFFFF80  }
0xd2: {  	_ =	swait.ge @!p3 [sflag:s0], $0x80  }
0xd3: {  	s15 =	simm.s32 @!p3 $0x0;
	[sflag:s0] =	ssyncset.done @!p3 $0x0  }
0xd4: {  	s18 =	simm.s32 @!p3 $0x600;
	[sflag:s0] =	ssyncadd.s32 @!p3 $0xFFFFFF80;
	s0 =	simm.s32 @!p3 $0x80  }
0xd5: {  	[tilespmem:s18], [sflag:$0x7] =	stream.indirect.gather @!p3 [hbm4b:s1+s0], $0x80, s15, s0, $0xb8;
	[tilespmem:$0x1FE80] =	vst v63  }
0xd6: {  	s0 =	simm.s32 @!p2 $0x9  }
0xd7: {  	s31 =	sadd.s32 $0xC0, s31;
	_ =	swait.ge @!p2 [sflag:s0], $0x4000  }
0xd8: {  	s15 =	simm.s32 @!p2 $0x580;
	s18 =	simm.s32 @!p2 $0x8600;
	[sflag:s0] =	ssyncset.done @!p2 $0x0  }
0xd9: {  	s28 =	rddreg [dreg:$0xb];
	[sflag:s0] =	ssyncadd.s32 @!p2 $0xFFFFC000;
	s0 =	simm.s32 @!p2 $0x80  }
0xda: {  	[spmem:s2] =	stream.indirect.scatter.add.f32 @!p2 [tilespmem:s18], [sflag:$0xC], $0x80, s15, s0, $0xb8;
	[tilespmem:$0x1FE80] =	vst v63  }
0xdb: {  	p2 =	sne.s32 s28, s31  }
.Ltmp2:
0xdc: {  	_ = 	snop;
	(pc) =	sbr.rel @p2 .LBB2_2-.Ltmp2, $2  }
0xdd: {  	_ =	sdelay $0x2  }
0xde: {  	s30 =	sadd.s32 $0x6, s30  }
.Ltmp3:
0xdf: {  	(pc) =	sbr.rel @p1 .LBB2_5-.Ltmp3, $1  }
0xe0: {  	_ =	sdelay $0x3  }
0xe1: {  	_ =	swait.ge [sflag:s23], $0x4000  }
0xe2: {  	[sflag:s23] =	ssyncset.done $0x0  }
0xe3: {  	[sflag:s23] =	ssyncadd.s32 $0xFFFFC000  }
.Ltmp4:
0xe4: {  	_ =	swait.ge [sflag:s24], $0x4000;
	(pc) =	sbr.rel .LBB2_6-.Ltmp4, $3  }
0xe5: {  	[sflag:s24] =	ssyncset.done $0x0  }
0xe6: {  	[sflag:s24] =	ssyncadd.s32 $0xFFFFC000  }
0xe7: {  	[bflag:$0x0] =	sbarrier.arrive $0xFFFF;
	_ =	sdelay $0x1  }
.LBB2_5:
0xe8: {  	_ =	swait.ge [sflag:s26], $0x4000  }
0xe9: {  	[sflag:s26] =	ssyncset.done $0x0  }
0xea: {  	[sflag:s26] =	ssyncadd.s32 $0xFFFFC000  }
.Ltmp5:
0xeb: {  	_ =	swait.ge [sflag:s23], $0x4000;
	(pc) =	sbr.rel @p0 .LBB2_7-.Ltmp5, $3  }
0xec: {  	[sflag:s23] =	ssyncset.done $0x0  }
0xed: {  	[sflag:s23] =	ssyncadd.s32 $0xFFFFC000  }
0xee: {  	[bflag:$0x0] =	sbarrier.arrive $0xFFFF;
	_ =	sdelay $0x1  }
.LBB2_6:
0xef: {  	s0 =	sshll.u32 s4, $0x6  }
.Ltmp6:
0xf0: {  	s15 =	sshrl.u32 s7, $0x3;
	s0 =	sor.u32 $0x1C0E, s0;
	(pc) =	sbr.rel .LBB2_8-.Ltmp6, $4  }
0xf1: {  	[hbm:s16], [sflag:s0] =	dma.local [spmem:s15], $0x2700  }
0xf2: {  	_ =	swait.ge [sflag:s25], $0x2700  }
0xf3: {  	[sflag:s25] =	ssyncset.done $0x0  }
0xf4: {  	[sflag:s25] =	ssyncadd.s32 $0xFFFFD900  }
.LBB2_9:
0xf5: {  	_ =	sfence.sel $0x180000  }
0xf6: {  	[bflag:$0x0] =	sbarrier.arrive $0xFFFF  }
0xf7: {  	_ =	strace $0x9000004A  }
0xf8: {  	[bflag:$0x2] =	sbarrier.arrive $0xFFFF  }
0xf9: {  	p0 =	sne.s32 s4, $0x0;
	s0 =	rddreg [dreg:$0x4]  }
0xfa: {  	s0 =	sadd.s32 @!p0 $0x100000, s0  }
0xfb: {  	[sflag:s0] =	ssyncadd.tile.s32 @!p0 $0x1;
	_ =	shalt  }
.Lfunc_end2:
_tile_overlayer_lowered:
.L_overlay_start_2:
0xfc: {  	(tag) =	ssettag $0x2  }
0xfd: {  	s0 =	rddreg [dreg:$0x0];
	s2 =	stileid.u32  }
0xfe: {  	s1 =	rddreg [dreg:$0x1];
	p0 =	sne.s32 s2, $0x0  }
0xff: {  	s3 =	rddreg [dreg:$0x2];
	[bflag:$0x3] =	sbarrier.arrive $0xFFFF;
	s2 =	simm.s32 @!p0 $0x1C0E  }
0x100: {  	[timem:s3], [sflag:s2] =	dma.local @!p0 [hbm:s0], s1  }
0x101: {  	s0 =	simm.s32 @!p0 $0xE  }
0x102: {  	_ =	swait.ge @!p0 [sflag:s0], s1  }
0x103: {  	s1 =	ssub.s32 @!p0 $0x0, s1;
	[sflag:s0] =	ssyncset.done @!p0 $0x0  }
0x104: {  	[sflag:s0] =	ssyncadd.s32 @!p0 s1  }
0x105: {  	[bflag:$0x3] =	sbarrier.arrive $0xFFFF  }
0x106: {  	_ =	shalt  }

// kernel: kernel.7.cloned.1.call-start
scs
__scs_entry_jumppad:
0x0: {  	(pc) =	sbr.rel $0x88, $3  }
0x1: {  	(tag) =	ssettag $0x0;
	lr =	simm.s32 $0x1  }
0x2: {  	[smem:$0x3F8F] =	sst lr;
	_ =	strace $0xD0000000  }
0x3: {  	_ = 	snop  }
0x4: {  	_ = 	snop  }
0x5: {  	_ = 	snop  }
0x6: {  	_ = 	snop  }
0x7: {  	_ = 	snop  }
__scs_overlays_trampoline_lowered:
0x8: {  	[smem:$0x3F9E] =	sst s0  }
0x9: {  	[smem:$0x3F9F] =	sst s1  }
0xa: {  	[smem:$0x3FA0] =	sst s2  }
0xb: {  	[smem:$0x3FA1] =	sst s3  }
0xc: {  	[smem:$0x3FA2] =	sst s4  }
0xd: {  	[smem:$0x3FA3] =	sst s5  }
0xe: {  	[smem:$0x3FA4] =	sst s6  }
0xf: {  	[smem:$0x3FA5] =	sst s7  }
0x10: {  	[smem:$0x3FA6] =	sst s8  }
0x11: {  	[smem:$0x3FA7] =	sst s9;
	s0 =	simm.s32 @!p0 $0x0  }
0x12: {  	s1 =	sld [smem:$0x3F8D];
	s0 =	simm.s32 @p0 $0x1  }
0x13: {  	[smem:$0x3FA8] =	sst s0;
	s0 =	simm.s32 @!p1 $0x0  }
0x14: {  	s2 =	sld [smem:$0x3F8C];
	s0 =	simm.s32 @p1 $0x1  }
0x15: {  	[smem:$0x3FA9] =	sst s0;
	s0 =	simm.s32 @!p2 $0x0  }
0x16: {  	s3 =	sld [smem:$0x3FDB];
	s0 =	simm.s32 @p2 $0x1  }
0x17: {  	s4 =	simm.s32 $0x1BF5;
	[smem:$0x3FAB] =	sst s0  }
0x18: {  	s0 =	sld [smem:$0x3F8E];
	_ =	swait.ge [sflag:s4], $0x0  }
0x19: {  	s7 =	sld [smem:$0x3F8F]  }
0x1a: {  	s8 =	sadd.s32 $0xFFFFE003, lr  }
0x1b: {  	s9 =	sadd.s32 $0xFFFFFEF7, lr;
	s5 =	simm.s32 $0xFFFFFFFF;
	p2 =	slt.u32 s8, $0xFFFFF086  }
0x1c: {  	p1 =	slt.u32 s9, $0xF7A;
	s5 =	simm.s32 @!p2 $0x0  }
0x1d: {  	s5 =	simm.s32 @p1 $0x1;
	p0 =	seq.s32 s7, s2  }
0x1e: {  	s7 =	smul.u32 @!p0 $0xF7A, s2;
	p2 =	seq.s32 @!p0 s5, $0x0  }
0x1f: {  	s9 =	smul.u32 $0xF7A, s1;
	s8 =	simm.s32 @!p0 $0x1BF5;
	p2 =	por !p2, p0  }
0x20: {  	[sflag:s8] =	ssyncset.s32 @!p0 $0xFFFFF086;
	s6 =	sadd.s32 @!p0 s3, s7;
	s7 =	simm.s32 @!p0 $0x108  }
0x21: {  	s3 =	sadd.s32 s3, s9;
	s6 =	sadd.s32 @!p0 $0x88, s6;
	s7 =	simm.s32 @p2 $0x1082  }
0x22: {  	[simem:s7], [sflag:s8] =	dma.local @!p0 [hbm:s6], $0xF7A  }
0x23: {  	s9 =	sor.u32 $0xD0000000, s2;
	s6 =	simm.s32 $0x108;
	_ =	swait.ge @!p0 [sflag:s8], $0x0  }
0x24: {  	s3 =	sadd.s32 $0x88, s3;
	s6 =	simm.s32 @!p1 $0x1082;
	[sflag:s4] =	ssyncset.s32 $0xFFFFF086  }
0x25: {  	[simem:s6], [sflag:s4] =	dma.local [hbm:s3], $0xF7A  }
0x26: {  	[smem:$0x3F8F] =	sst s1;
	(tag) =	ssettag s2;
	_ =	strace s9  }
0x27: {  	s1 =	sld [smem:$0x3F9F]  }
0x28: {  	s2 =	sld [smem:$0x3FA0]  }
0x29: {  	s4 =	sld [smem:$0x3FA2]  }
0x2a: {  	p0 =	seq.s32 s5, $0x0;
	s5 =	sld [smem:$0x3FA3]  }
0x2b: {  	s6 =	sld [smem:$0x3FA4]  }
0x2c: {  	s7 =	sld [smem:$0x3FA5]  }
0x2d: {  	s3 =	simm.s32 $0x108;
	s8 =	sld [smem:$0x3FA6]  }
0x2e: {  	s3 =	simm.s32 @!p0 $0x1082;
	s9 =	sld [smem:$0x3FA7]  }
0x2f: {  	lr =	sadd.s32 s0, s3;
	s0 =	sld [smem:$0x3F9E]  }
0x30: {  	s3 =	sld [smem:$0x3FA1]  }
0x31: {  	[smem:$0x3FAA] =	sst s10  }
0x32: {  	s10 =	sld [smem:$0x3FA8];
	_ =	sdelay $0x3  }
0x33: {  	p0 =	seq.s32 s10, $0x1;
	s10 =	sld [smem:$0x3FAA];
	_ =	sdelay $0x3  }
0x34: {  	[smem:$0x3FAA] =	sst s10  }
0x35: {  	s10 =	sld [smem:$0x3FA9];
	_ =	sdelay $0x3  }
0x36: {  	p1 =	seq.s32 s10, $0x1;
	s10 =	sld [smem:$0x3FAA];
	_ =	sdelay $0x3  }
0x37: {  	[smem:$0x3FAA] =	sst s10  }
0x38: {  	s10 =	sld [smem:$0x3FAB]  }
0x39: {  	_ = 	snop;
	(pc) =	sbr.ind lr, $3  }
0x3a: {  	_ = 	snop  }
0x3b: {  	_ = 	snop  }
0x3c: {  	p2 =	seq.s32 s10, $0x1;
	s10 =	sld [smem:$0x3FAA]  }
0x3d: {  	_ =	shalt  }
0x3e: {  	_ =	shalt  }
0x3f: {  	_ =	shalt  }
0x40: {  	_ =	shalt  }
0x41: {  	_ =	shalt  }
0x42: {  	_ =	shalt  }
0x43: {  	_ =	shalt  }
0x44: {  	_ =	shalt  }
0x45: {  	_ =	shalt  }
0x46: {  	_ =	shalt  }
0x47: {  	_ =	shalt  }
0x48: {  	_ =	shalt  }
0x49: {  	_ =	shalt  }
0x4a: {  	_ =	shalt  }
0x4b: {  	_ =	shalt  }
0x4c: {  	_ =	shalt  }
0x4d: {  	_ =	shalt  }
0x4e: {  	_ =	shalt  }
0x4f: {  	_ =	shalt  }
0x50: {  	_ =	shalt  }
0x51: {  	_ =	shalt  }
0x52: {  	_ =	shalt  }
0x53: {  	_ =	shalt  }
0x54: {  	_ =	shalt  }
0x55: {  	_ =	shalt  }
0x56: {  	_ =	shalt  }
0x57: {  	_ =	shalt  }
0x58: {  	_ =	shalt  }
0x59: {  	_ =	shalt  }
0x5a: {  	_ =	shalt  }
0x5b: {  	_ =	shalt  }
0x5c: {  	_ =	shalt  }
0x5d: {  	_ =	shalt  }
0x5e: {  	_ =	shalt  }
0x5f: {  	_ =	shalt  }
0x60: {  	_ =	shalt  }
0x61: {  	_ =	shalt  }
0x62: {  	_ =	shalt  }
0x63: {  	_ =	shalt  }
0x64: {  	_ =	shalt  }
0x65: {  	_ =	shalt  }
0x66: {  	_ =	shalt  }
0x67: {  	_ =	shalt  }
0x68: {  	_ =	shalt  }
0x69: {  	_ =	shalt  }
0x6a: {  	_ =	shalt  }
0x6b: {  	_ =	shalt  }
0x6c: {  	_ =	shalt  }
0x6d: {  	_ =	shalt  }
0x6e: {  	_ =	shalt  }
0x6f: {  	_ =	shalt  }
0x70: {  	_ =	shalt  }
0x71: {  	_ =	shalt  }
0x72: {  	_ =	shalt  }
0x73: {  	_ =	shalt  }
0x74: {  	_ =	shalt  }
0x75: {  	_ =	shalt  }
0x76: {  	_ =	shalt  }
0x77: {  	_ =	shalt  }
0x78: {  	_ =	shalt  }
0x79: {  	_ =	shalt  }
0x7a: {  	_ =	shalt  }
0x7b: {  	_ =	shalt  }
0x7c: {  	_ =	shalt  }
0x7d: {  	_ =	shalt  }
0x7e: {  	_ =	shalt  }
0x7f: {  	_ =	shalt  }
0x80: {  	_ =	shalt  }
0x81: {  	_ =	shalt  }
0x82: {  	_ =	shalt  }
0x83: {  	_ =	shalt  }
0x84: {  	_ =	shalt  }
0x85: {  	_ =	shalt  }
0x86: {  	_ =	shalt  }
0x87: {  	_ =	shalt  }
.Lfunc_end0:
.L_simem_size_0:
called_computation_lowered:
.L_overlay_start_0:
0x88: {  	s2 =	sld [smem:$0x3FD9]  }
0x89: {  	s3 =	sld [smem:$0x3FFE];
	_ =	sdelay $0x1  }
0x8a: {  	s1 =	srdreg.scid  }
0x8b: {  	s0 =	sand.u32 $0x1, s1  }
0x8c: {  	s17 =	sshll.u32 s0, $0xA;
	s2 =	sadd.s32 s3, s2  }
0x8d: {  	s2 =	sadd.s32 s2, s17  }
0x8e: {  	[smem:$0x3FB6] =	sst s2  }
0x8f: {  	_ = 	snop  }
0x90: {  	s2 =	sld [smem:$0x3FC8]  }
0x91: {  	s18 =	sld [smem:$0x3FD0];
	(tm) =	ssettm $0x1  }
0x92: {  	s4 =	sld [smem:$0x3FFB];
	_ =	sdelay $0x3  }
0x93: {  	_ =	strace s4  }
0x94: {  	s4 =	sld [smem:$0x3FFC];
	_ =	sdelay $0x3  }
0x95: {  	_ =	strace s4  }
0x96: {  	s4 =	sld [smem:$0x3FFD];
	_ =	sdelay $0x3  }
0x97: {  	_ =	strace s4  }
0x98: {  	_ =	strace $0x8FFFFFFF  }
0x99: {  	s19 =	sld [smem:$0x3FDB];
	_ =	sdelay $0x1  }
0x9a: {  	s5 =	simm.s32 $_scs_section_size  }
0x9b: {  	s6 =	simm.s32 $_size__tile_overlayer_lowered;
	s7 =	simm.s32 $_tile_overlayer_lowered  }
0x9c: {  	s22 =	simm.s32 $0x1BFF;
	s21 =	sshll.u32 s7, $0x1;
	s4 =	sadd.s32 s5, s19  }
0x9d: {  	s8 =	simm.s32 $0x0;
	s20 =	sshll.u32 s6, $0x1;
	s6 =	sadd.s32 s21, s4  }
0x9e: {  	[timem:s8], [sflag:s22] =	dma.local [hbm:s6], s20  }
0x9f: {  	_ =	swait.ge [sflag:s22], s20  }
0xa0: {  	s5 =	ssub.s32 $0x0, s20;
	[sflag:s22] =	ssyncset.done $0x0  }
0xa1: {  	[sflag:s22] =	ssyncadd.s32 s5;
	_ =	sdelay $0x1  }
0xa2: {  	s23 =	simm.s32 $0x1B8B  }
0xa3: {  	_ =	swait.ge [sflag:s23], $0x1  }
0xa4: {  	[sflag:s23] =	ssyncset.done $0x0  }
0xa5: {  	s25 =	simm.s32 $0x1B8E;
	s24 =	sld [smem:$0x3FFE];
	[sflag:s23] =	ssyncadd.s32 $0xFFFFFFFF  }
0xa6: {  	s26 =	simm.s32 $execute0_lowered;
	[smem:$0x3FD2] =	sst s25  }
0xa7: {  	s6 =	sshll.u32 s26, $0x1;
	_ =	strace $0x80000046;
	[dreg:$0x1] =	wrdreg $0xFFFFFFFF  }
0xa8: {  	s28 =	simm.s32 $_size_execute0_lowered;
	s4 =	sadd.s32 s4, s6;
	[dreg:$0x0] =	wrdreg $0x0  }
0xa9: {  	s6 =	sshll.u32 s28, $0x1;
	[dreg:$0x2] =	wrdreg s4  }
0xaa: {  	[dreg:$0x3] =	wrdreg s6  }
0xab: {  	[dreg:$0x4] =	wrdreg $0xC0  }
0xac: {  	_ =	task [dreg:s8], $0x5FFFF  }
0xad: {  	[dreg:$0x1] =	wrdreg $0xFFFFFFFF  }
0xae: {  	[dreg:$0x0] =	wrdreg $0x60  }
0xaf: {  	[dreg:$0x2] =	wrdreg s18  }
0xb0: {  	[dreg:$0x3] =	wrdreg s2  }
0xb1: {  	[dreg:$0x4] =	wrdreg s24  }
0xb2: {  	[dreg:$0x5] =	wrdreg $0xC6000  }
0xb3: {  	[dreg:$0x6] =	wrdreg $0x9  }
0xb4: {  	_ =	task.clear_ibuf [dreg:s8], $0x7FFFF;
	_ =	strace $0x90000046  }
0xb5: {  	s29 =	simm.s32 $0x9;
	_ =	strace $0x80000048  }
0xb6: {  	_ =	swait.ge [sflag:s29], $0x1  }
0xb7: {  	[sflag:s29] =	ssyncadd.s32 $0xFFFFFFFF  }
0xb8: {  	_ =	strace $0x90000048  }
0xb9: {  	_ =	sfence  }
0xba: {  	s30 =	sld [smem:$0x0];
	_ =	sdelay $0x2  }
0xbb: {  	s31 =	sshll.u32 s1, $0xD;
	s1 =	sshrl.u32 s1, $0x2  }
0xbc: {  	s3 =	sand.u32 $0x4000, s31;
	s1 =	sadd.s32 s1, s30  }
0xbd: {  	s0 =	sor.u32 s3, s0;
	s1 =	sshll.u32 s1, $0x11  }
0xbe: {  	s0 =	sor.u32 s1, s0  }
0xbf: {  	s0 =	sadd.s32 $0x8F2B, s0  }
0xc0: {  	[sflag:s0] =	ssyncadd.remote.s32 $0x1  }
0xc1: {  	_ =	sfence.sel $0xFFFF  }
0xc2: {  	[dreg:$0x0] =	wrdreg $0xFFFFFFFF;
	(pc) =	sbr.abs _section_cstart, $3  }
0xc3: {  	[dreg:$0x1] =	wrdreg $0xFFFFFFFF  }
0xc4: {  	_ =	task.clear_ibuf [dreg:s8], $0x2FFFF;
	_ =	strace $0x9FFFFFFF  }
0xc5: {  	(tm) =	ssettm $0x7FFFFFFF  }
tec
execute0_lowered:
.L_overlay_start_1:
0x0: {  	(tag) =	ssettag $0x1  }
0x1: {  	s1 =	rddreg [dreg:$0x0]  }
0x2: {  	s14 =	rddreg [dreg:$0x1]  }
0x3: {  	s6 =	rddreg [dreg:$0x2]  }
0x4: {  	s2 =	rddreg [dreg:$0x3];
	s3 =	simm.s32 $0x0;
	s4 =	srdreg.scid  }
0x5: {  	s29 =	simm.s32 $0x0;
	s12 =	sand.u32 $0x1, s4;
	s4 =	stileid.u32  }
0x6: {  	[smem:$0x7FF] =	sst s3;
	s5 =	sadd.s32 $0x3200, s6;
	s10 =	smul.u32 $0x4E000, s4  }
0x7: {  	s16 =	sadd.s32 $0x5A00, s6;
	s6 =	simm.s32 $0x4F;
	s18 =	smul.u32 $0x4E0, s12  }
0x8: {  	_ =	strace $0x80000047;
	s7 =	sshll.u32 s12, $0x4;
	s19 =	smul.u32 $0x4E, s4  }
0x9: {  	s8 =	ssub.s32 $0x2, s12;
	s20 =	smul.u32 $0x138800, s12;
	s23 =	sor.u32 s4, s7  }
0xa: {  	s24 =	smul.u32 $0x13800, s4;
	s28 =	sshrl.u32 s8, $0x1;
	p0 =	slt.u32 s23, $0x4  }
0xb: {  	s9 =	smul.u32 $0x4E, s23;
	s15 =	smin.u32 s23, $0x4;
	s17 =	ssub.s32 s8, s28  }
0xc: {  	s31 =	sshrl.u32 s10, $0x2;
	s18 =	sadd.s32 s19, s18;
	s0 =	sshrl.u32 s20, $0x3  }
0xd: {  	p1 =	sgt.u32 s23, $0x3;
	s23 =	simm.s32 $0xC;
	s6 =	simm.s32 @!p0 $0x4E  }
0xe: {  	s7 =	sadd.s32 s31, s2;
	s19 =	sadd.s32 s16, s0;
	s17 =	smax.u32 s17, $0x1  }
0xf: {  	p0 =	seq.s32 s4, $0xF;
	s30 =	sadd.s32 s15, s9;
	s13 =	smul.u32 $0x2B, s6  }
0x10: {  	s15 =	sadd.s32 s15, s18;
	s22 =	sadd.s32 $0xFFFFFFFA, s6;
	s0 =	sadd.s32 $0x24900, s19  }
0x11: {  	s18 =	sadd.s32 s24, s20;
	s19 =	simm.s32 $0x80;
	s20 =	simm.s32 $0x380  }
0x12: {  	s24 =	simm.s32 $0xA;
	s9 =	sshll.u32 s30, $0x5;
	[dreg:$0xa] =	wrdreg s22  }
0x13: {  	s15 =	sshll.u32 s15, $0x5;
	[dreg:$0xc] =	wrdreg s0;
	s18 =	sshrl.u32 s18, $0x3  }
0x14: {  	s22 =	simm.s32 $0x600;
	s8 =	sadd.s32 s14, s9;
	s9 =	sadd.s32 $0x124800, s2  }
0x15: {  	s13 =	sadd.s32 $0xD7, s13;
	s14 =	sadd.s32 s15, s14;
	s16 =	sadd.s32 s16, s18  }
0x16: {  	s10 =	sadd.s32 $0x10, s8;
	s11 =	sadd.s32 $0x20, s8;
	s25 =	sadd.s32 $0x60, s14  }
0x17: {  	s12 =	sadd.s32 $0x30, s8;
	s26 =	sadd.s32 $0x40, s14;
	[dreg:$0x6] =	wrdreg s25  }
.Ltmp0:
0x18: {  	s28 =	sadd.s32 $0xE0, s14;
	[dreg:$0x5] =	wrdreg s26;
	(pc) =	sbr.rel .LBB2_1-.Ltmp0, $4  }
0x19: {  	s21 =	sshrl.u32 s13, $0x8;
	s30 =	sadd.s32 $0xA0, s14;
	[dreg:$0x9] =	wrdreg s28  }
0x1a: {  	s31 =	sadd.s32 $0x80, s14;
	s21 =	smul.u32 $0xC0, s21;
	[dreg:$0x8] =	wrdreg s30  }
0x1b: {  	s13 =	sadd.s32 $0xFFFFFFFF, s6;
	[dreg:$0x7] =	wrdreg s31;
	s25 =	simm.s32 $0xE  }
0x1c: {  	s26 =	simm.s32 $0xB;
	[dreg:$0xb] =	wrdreg s21;
	s21 =	simm.s32 $0x1  }
.LBB2_7:
0x1d: {  	s0 =	sshrl.u32 s9, $0x3;
	s15 =	rddreg [dreg:$0xc];
	s18 =	simm.s32 $0x1FCE  }
0x1e: {  	[hbm:s15], [sflag:s18] =	dma.local [spmem:s0], $0x2800  }
0x1f: {  	_ =	swait.ge [sflag:s25], $0x2800  }
0x20: {  	[sflag:s25] =	ssyncset.done $0x0  }
0x21: {  	[sflag:s25] =	ssyncadd.s32 $0xFFFFD800  }
.LBB2_8:
0x22: {  	s29 =	sadd.s32 $0x1, s29  }
0x23: {  	p2 =	sne.s32 s29, s17  }
.Ltmp1:
0x24: {  	_ = 	snop;
	(pc) =	sbr.rel @!p2 .LBB2_9-.Ltmp1, $1  }
0x25: {  	_ =	sdelay $0x3  }
.LBB2_1:
0x26: {  	s30 =	sshrl.u32 @p0 s9, $0x3;
	s31 =	simm.s32 @p0 $0x1FCD  }
0x27: {  	[spmem:s30], [sflag:s31] =	dma.local @p0 [hbm:s5], $0x2800  }
0x28: {  	s30 =	sshll.u32 @!p0 s4, $0x6  }
0x29: {  	s31 =	sshrl.u32 @!p0 s7, $0x3;
	s30 =	sor.u32 @!p0 $0x1C0D, s30  }
0x2a: {  	[spmem:s31], [sflag:s30] =	dma.local @!p0 [hbm:s5], $0x2700  }
0x2b: {  	[tilespmem:s3], [sflag:$0x1] =	stream.linear.gather [hbm4b:s8+s3], $0x80, $0x38;
	[tilespmem:$0x1FE80] =	vst v63  }
0x2c: {  	s0 =	simm.s32 $0x300  }
0x2d: {  	[tilespmem:s0], [sflag:$0x1] =	stream.linear.gather [hbm4b:s10+s3], $0x80, $0x38;
	[tilespmem:$0x1FE80] =	vst v63  }
0x2e: {  	_ = 	snop  }
0x2f: {  	[tilespmem:s19], [sflag:$0x2] =	stream.linear.gather [hbm4b:s11+s3], $0x80, $0x38;
	[tilespmem:$0x1FE80] =	vst v63  }
0x30: {  	_ = 	snop  }
0x31: {  	[tilespmem:s20], [sflag:$0x2] =	stream.linear.gather [hbm4b:s12+s3], $0x80, $0x38;
	[tilespmem:$0x1FE80] =	vst v63  }
0x32: {  	_ =	swait.ge [sflag:s21], $0x80  }
0x33: {  	[sflag:s21] =	ssyncset.done $0x0  }
0x34: {  	[sflag:s21] =	ssyncadd.s32 $0xFFFFFF80  }
0x35: {  	_ =	swait.ge [sflag:s21], $0x80  }
0x36: {  	[sflag:s21] =	ssyncset.done $0x0  }
0x37: {  	s30 =	simm.s32 @p0 $0xD;
	[sflag:s21] =	ssyncadd.s32 $0xFFFFFF80  }
0x38: {  	[tilespmem:s22], [sflag:$0x7] =	stream.indirect.gather [hbm4b:s1+s19], $0x80, s3, s19, $0xb8;
	[tilespmem:$0x1FE80] =	vst v63  }
0x39: {  	_ =	swait.ge @p0 [sflag:s30], $0x2800  }
0x3a: {  	[sflag:s30] =	ssyncset.done @p0 $0x0  }
0x3b: {  	[sflag:s30] =	ssyncadd.s32 @p0 $0xFFFFD800;
	s30 =	simm.s32 @!p0 $0xD  }
0x3c: {  	_ =	swait.ge @!p0 [sflag:s30], $0x2700  }
0x3d: {  	[sflag:s30] =	ssyncset.done @!p0 $0x0  }
0x3e: {  	[sflag:s30] =	ssyncadd.s32 @!p0 $0xFFFFD900  }
0x3f: {  	s31 =	simm.s32 $0x0;
	s30 =	simm.s32 $0x0;
	[bflag:$0x0] =	sbarrier.arrive $0xFFFF  }
.LBB2_2:
0x40: {  	p2 =	sge.u32 s30, s6  }
0x41: {  	p3 =	seq.s32 @!p2 s31, $0x0  }
0x42: {  	p3 =	por p3, p2  }
0x43: {  	s0 =	simm.s32 @!p3 $0xB  }
0x44: {  	s28 =	sadd.s32 @!p2 $0x2, s30;
	_ =	swait.ge @!p3 [sflag:s0], $0x4000  }
0x45: {  	p4 =	sge.u32 @!p2 s28, s6;
	[sflag:s0] =	ssyncset.done @!p3 $0x0  }
0x46: {  	s15 =	rddreg [dreg:$0x5];
	[sflag:s0] =	ssyncadd.s32 @!p3 $0xFFFFC000;
	p3 =	por p4, p2  }
0x47: {  	s0 =	sadd.s32 @!p3 s31, s15;
	s15 =	simm.s32 @!p3 $0x0;
	s28 =	simm.s32 @!p3 $0x100  }
0x48: {  	[tilespmem:s28], [sflag:$0x3] =	stream.linear.gather @!p3 [hbm4b:s0+s15], $0x80, $0x38;
	[tilespmem:$0x1FE80] =	vst v63  }
0x49: {  	s0 =	sadd.s32 @!p3 $0x10, s0;
	s28 =	simm.s32 @!p3 $0x400  }
0x4a: {  	[tilespmem:s28], [sflag:$0x3] =	stream.linear.gather @!p3 [hbm4b:s0+s15], $0x80, $0x38;
	[tilespmem:$0x1FE80] =	vst v63  }
0x4b: {  	p3 =	sge.u32 @!p2 s30, s13  }
0x4c: {  	p3 =	por p3, p2  }
0x4d: {  	s0 =	simm.s32 @!p3 $0x2  }
0x4e: {  	_ =	swait.ge @!p3 [sflag:s0], $0x80  }
0x4f: {  	[sflag:s0] =	ssyncset.done @!p3 $0x0  }
0x50: {  	[sflag:s0] =	ssyncadd.s32 @!p3 $0xFFFFFF80  }
0x51: {  	_ =	swait.ge @!p3 [sflag:s0], $0x80  }
0x52: {  	[sflag:s0] =	ssyncset.done @!p3 $0x0  }
0x53: {  	s15 =	simm.s32 @!p3 $0x4600;
	[sflag:s0] =	ssyncadd.s32 @!p3 $0xFFFFFF80;
	s0 =	simm.s32 @!p3 $0x80  }
0x54: {  	[tilespmem:s15], [sflag:$0x8] =	stream.indirect.gather @!p3 [hbm4b:s1+s0], $0x80, s0, s0, $0xb8;
	[tilespmem:$0x1FE80] =	vst v63  }
0x55: {  	s0 =	simm.s32 @!p2 $0x7  }
0x56: {  	_ =	swait.ge @!p2 [sflag:s0], $0x4000  }
0x57: {  	s28 =	simm.s32 @!p2 $0x600;
	[sflag:s0] =	ssyncset.done @!p2 $0x0  }
0x58: {  	s15 =	simm.s32 @!p2 $0x300;
	[sflag:s0] =	ssyncadd.s32 @!p2 $0xFFFFC000;
	s0 =	simm.s32 @!p2 $0x80  }
0x59: {  	[spmem:s2] =	stream.indirect.scatter.add.f32 @!p2 [tilespmem:s28], [sflag:$0xA], $0x80, s15, s0, $0xb8;
	[tilespmem:$0x1FE80] =	vst v63  }
0x5a: {  	p2 =	sge.u32 s30, s13  }
0x5b: {  	p3 =	seq.s32 @!p2 s31, $0x0  }
0x5c: {  	p3 =	por p3, p2  }
0x5d: {  	s0 =	simm.s32 @!p3 $0xC  }
0x5e: {  	s15 =	sadd.s32 @!p2 $0x3, s30;
	_ =	swait.ge @!p3 [sflag:s0], $0x4000  }
0x5f: {  	p4 =	sge.u32 @!p2 s15, s6;
	[sflag:s0] =	ssyncset.done @!p3 $0x0  }
0x60: {  	s28 =	rddreg [dreg:$0x6];
	[sflag:s0] =	ssyncadd.s32 @!p3 $0xFFFFC000;
	p3 =	por p4, p2  }
0x61: {  	s0 =	sadd.s32 @!p3 s31, s28;
	s15 =	simm.s32 @!p3 $0x0;
	s28 =	simm.s32 @!p3 $0x180  }
0x62: {  	[tilespmem:s28], [sflag:$0x4] =	stream.linear.gather @!p3 [hbm4b:s0+s15], $0x80, $0x38;
	[tilespmem:$0x1FE80] =	vst v63  }
0x63: {  	s0 =	sadd.s32 @!p3 $0x10, s0;
	s28 =	simm.s32 @!p3 $0x480  }
0x64: {  	[tilespmem:s28], [sflag:$0x4] =	stream.linear.gather @!p3 [hbm4b:s0+s15], $0x80, $0x38;
	[tilespmem:$0x1FE80] =	vst v63  }
0x65: {  	s0 =	sadd.s32 @!p2 $0x2, s30  }
0x66: {  	p3 =	sge.u32 @!p2 s0, s6  }
0x67: {  	p3 =	por p3, p2  }
0x68: {  	s0 =	simm.s32 @!p3 $0x3  }
0x69: {  	_ =	swait.ge @!p3 [sflag:s0], $0x80  }
0x6a: {  	[sflag:s0] =	ssyncset.done @!p3 $0x0  }
0x6b: {  	[sflag:s0] =	ssyncadd.s32 @!p3 $0xFFFFFF80  }
0x6c: {  	_ =	swait.ge @!p3 [sflag:s0], $0x80  }
0x6d: {  	s15 =	simm.s32 @!p3 $0x100;
	[sflag:s0] =	ssyncset.done @!p3 $0x0  }
0x6e: {  	s28 =	simm.s32 @!p3 $0x8600;
	[sflag:s0] =	ssyncadd.s32 @!p3 $0xFFFFFF80;
	s0 =	simm.s32 @!p3 $0x80  }
0x6f: {  	[tilespmem:s28], [sflag:$0x9] =	stream.indirect.gather @!p3 [hbm4b:s1+s0], $0x80, s15, s0, $0xb8;
	[tilespmem:$0x1FE80] =	vst v63  }
0x70: {  	s0 =	simm.s32 @!p2 $0x8  }
0x71: {  	_ =	swait.ge @!p2 [sflag:s0], $0x4000  }
0x72: {  	s15 =	simm.s32 @!p2 $0x380;
	[sflag:s0] =	ssyncset.done @!p2 $0x0  }
0x73: {  	s28 =	simm.s32 @!p2 $0x4600;
	[sflag:s0] =	ssyncadd.s32 @!p2 $0xFFFFC000;
	s0 =	simm.s32 @!p2 $0x80  }
0x74: {  	[spmem:s2] =	stream.indirect.scatter.add.f32 @!p2 [tilespmem:s28], [sflag:$0xB], $0x80, s15, s0, $0xb8;
	[tilespmem:$0x1FE80] =	vst v63  }
0x75: {  	s28 =	sadd.s32 $0x2, s30  }
0x76: {  	p2 =	sge.u32 s28, s6  }
0x77: {  	s0 =	simm.s32 @!p2 $0xA  }
0x78: {  	s15 =	sadd.s32 @!p2 $0x4, s30;
	_ =	swait.ge @!p2 [sflag:s0], $0x4000  }
0x79: {  	p3 =	sge.u32 @!p2 s15, s6;
	[sflag:s0] =	ssyncset.done @!p2 $0x0  }
0x7a: {  	s28 =	rddreg [dreg:$0x7];
	p3 =	por p3, p2;
	[sflag:s0] =	ssyncadd.s32 @!p2 $0xFFFFC000  }
0x7b: {  	s0 =	sadd.s32 @!p3 s31, s28;
	s15 =	simm.s32 @!p3 $0x0;
	s28 =	simm.s32 @!p3 $0x200  }
0x7c: {  	[tilespmem:s28], [sflag:$0x5] =	stream.linear.gather @!p3 [hbm4b:s0+s15], $0x80, $0x38;
	[tilespmem:$0x1FE80] =	vst v63  }
0x7d: {  	s0 =	sadd.s32 @!p3 $0x10, s0;
	s28 =	simm.s32 @!p3 $0x500  }
0x7e: {  	[tilespmem:s28], [sflag:$0x5] =	stream.linear.gather @!p3 [hbm4b:s0+s15], $0x80, $0x38;
	[tilespmem:$0x1FE80] =	vst v63  }
0x7f: {  	s0 =	sadd.s32 @!p2 $0x3, s30  }
0x80: {  	p3 =	sge.u32 @!p2 s0, s6  }
0x81: {  	p3 =	por p3, p2  }
0x82: {  	s0 =	simm.s32 @!p3 $0x4  }
0x83: {  	_ =	swait.ge @!p3 [sflag:s0], $0x80  }
0x84: {  	[sflag:s0] =	ssyncset.done @!p3 $0x0  }
0x85: {  	[sflag:s0] =	ssyncadd.s32 @!p3 $0xFFFFFF80  }
0x86: {  	_ =	swait.ge @!p3 [sflag:s0], $0x80  }
0x87: {  	s15 =	simm.s32 @!p3 $0x180;
	[sflag:s0] =	ssyncset.done @!p3 $0x0  }
0x88: {  	s28 =	simm.s32 @!p3 $0x600;
	[sflag:s0] =	ssyncadd.s32 @!p3 $0xFFFFFF80;
	s0 =	simm.s32 @!p3 $0x80  }
0x89: {  	[tilespmem:s28], [sflag:$0x7] =	stream.indirect.gather @!p3 [hbm4b:s1+s0], $0x80, s15, s0, $0xb8;
	[tilespmem:$0x1FE80] =	vst v63  }
0x8a: {  	s0 =	simm.s32 @!p2 $0x9  }
0x8b: {  	_ =	swait.ge @!p2 [sflag:s0], $0x4000  }
0x8c: {  	s15 =	simm.s32 @!p2 $0x400;
	[sflag:s0] =	ssyncset.done @!p2 $0x0  }
0x8d: {  	s28 =	simm.s32 @!p2 $0x8600;
	[sflag:s0] =	ssyncadd.s32 @!p2 $0xFFFFC000;
	s0 =	simm.s32 @!p2 $0x80  }
0x8e: {  	[spmem:s2] =	stream.indirect.scatter.add.f32 @!p2 [tilespmem:s28], [sflag:$0xC], $0x80, s15, s0, $0xb8;
	[tilespmem:$0x1FE80] =	vst v63  }
0x8f: {  	s15 =	sadd.s32 $0x3, s30  }
0x90: {  	p2 =	sge.u32 s15, s6  }
0x91: {  	s0 =	simm.s32 @!p2 $0xB  }
0x92: {  	s15 =	sadd.s32 @!p2 $0x5, s30;
	_ =	swait.ge @!p2 [sflag:s0], $0x4000  }
0x93: {  	p3 =	sge.u32 @!p2 s15, s6;
	[sflag:s0] =	ssyncset.done @!p2 $0x0  }
0x94: {  	s28 =	rddreg [dreg:$0x8];
	p3 =	por p3, p2;
	[sflag:s0] =	ssyncadd.s32 @!p2 $0xFFFFC000  }
0x95: {  	s0 =	sadd.s32 @!p3 s31, s28;
	s15 =	simm.s32 @!p3 $0x0;
	s28 =	simm.s32 @!p3 $0x280  }
0x96: {  	[tilespmem:s28], [sflag:$0x6] =	stream.linear.gather @!p3 [hbm4b:s0+s15], $0x80, $0x38;
	[tilespmem:$0x1FE80] =	vst v63  }
0x97: {  	s0 =	sadd.s32 @!p3 $0x10, s0;
	s28 =	simm.s32 @!p3 $0x580  }
0x98: {  	[tilespmem:s28], [sflag:$0x6] =	stream.linear.gather @!p3 [hbm4b:s0+s15], $0x80, $0x38;
	[tilespmem:$0x1FE80] =	vst v63  }
0x99: {  	s0 =	sadd.s32 @!p2 $0x4, s30  }
0x9a: {  	p3 =	sge.u32 @!p2 s0, s6  }
0x9b: {  	p3 =	por p3, p2  }
0x9c: {  	s0 =	simm.s32 @!p3 $0x5  }
0x9d: {  	_ =	swait.ge @!p3 [sflag:s0], $0x80  }
0x9e: {  	[sflag:s0] =	ssyncset.done @!p3 $0x0  }
0x9f: {  	[sflag:s0] =	ssyncadd.s32 @!p3 $0xFFFFFF80  }
0xa0: {  	_ =	swait.ge @!p3 [sflag:s0], $0x80  }
0xa1: {  	s15 =	simm.s32 @!p3 $0x200;
	[sflag:s0] =	ssyncset.done @!p3 $0x0  }
0xa2: {  	s28 =	simm.s32 @!p3 $0x4600;
	[sflag:s0] =	ssyncadd.s32 @!p3 $0xFFFFFF80;
	s0 =	simm.s32 @!p3 $0x80  }
0xa3: {  	[tilespmem:s28], [sflag:$0x8] =	stream.indirect.gather @!p3 [hbm4b:s1+s0], $0x80, s15, s0, $0xb8;
	[tilespmem:$0x1FE80] =	vst v63  }
0xa4: {  	s0 =	simm.s32 @!p2 $0x7  }
0xa5: {  	_ =	swait.ge @!p2 [sflag:s0], $0x4000  }
0xa6: {  	s18 =	sadd.s32 $0x4, s30;
	s15 =	simm.s32 @!p2 $0x480;
	[sflag:s0] =	ssyncset.done @!p2 $0x0  }
0xa7: {  	s28 =	simm.s32 @!p2 $0x600;
	[sflag:s0] =	ssyncadd.s32 @!p2 $0xFFFFC000;
	s0 =	simm.s32 @!p2 $0x80  }
0xa8: {  	[spmem:s2] =	stream.indirect.scatter.add.f32 @!p2 [tilespmem:s28], [sflag:$0xA], $0x80, s15, s0, $0xb8;
	[tilespmem:$0x1FE80] =	vst v63  }
0xa9: {  	p2 =	sge.u32 s18, s6  }
0xaa: {  	s0 =	sadd.s32 @!p2 $0x6, s30  }
0xab: {  	s15 =	simm.s32 @!p2 $0xC;
	p3 =	sge.u32 @!p2 s0, s6  }
0xac: {  	_ =	swait.ge @!p2 [sflag:s15], $0x4000;
	p3 =	por p3, p2  }
0xad: {  	[sflag:s15] =	ssyncset.done @!p2 $0x0;
	s0 =	sadd.s32 @!p3 s31, s14  }
0xae: {  	[sflag:s15] =	ssyncadd.s32 @!p2 $0xFFFFC000;
	s28 =	simm.s32 @!p3 $0x0;
	s15 =	sadd.s32 @!p3 $0xC0, s0  }
0xaf: {  	[tilespmem:s28], [sflag:$0x1] =	stream.linear.gather @!p3 [hbm4b:s15+s28], $0x80, $0x38;
	[tilespmem:$0x1FE80] =	vst v63  }
0xb0: {  	s0 =	sadd.s32 @!p3 $0xD0, s0;
	s15 =	simm.s32 @!p3 $0x300  }
0xb1: {  	[tilespmem:s15], [sflag:$0x1] =	stream.linear.gather @!p3 [hbm4b:s0+s28], $0x80, $0x38;
	[tilespmem:$0x1FE80] =	vst v63  }
0xb2: {  	s0 =	sadd.s32 @!p2 $0x5, s30  }
0xb3: {  	p3 =	sge.u32 @!p2 s0, s6  }
0xb4: {  	p3 =	por p3, p2  }
0xb5: {  	s0 =	simm.s32 @!p3 $0x6  }
0xb6: {  	_ =	swait.ge @!p3 [sflag:s0], $0x80  }
0xb7: {  	[sflag:s0] =	ssyncset.done @!p3 $0x0  }
0xb8: {  	[sflag:s0] =	ssyncadd.s32 @!p3 $0xFFFFFF80  }
0xb9: {  	_ =	swait.ge @!p3 [sflag:s0], $0x80  }
0xba: {  	s15 =	simm.s32 @!p3 $0x280;
	[sflag:s0] =	ssyncset.done @!p3 $0x0  }
0xbb: {  	s28 =	simm.s32 @!p3 $0x8600;
	[sflag:s0] =	ssyncadd.s32 @!p3 $0xFFFFFF80;
	s0 =	simm.s32 @!p3 $0x80  }
0xbc: {  	[tilespmem:s28], [sflag:$0x9] =	stream.indirect.gather @!p3 [hbm4b:s1+s0], $0x80, s15, s0, $0xb8;
	[tilespmem:$0x1FE80] =	vst v63  }
0xbd: {  	s0 =	simm.s32 @!p2 $0x8  }
0xbe: {  	_ =	swait.ge @!p2 [sflag:s0], $0x4000  }
0xbf: {  	s15 =	simm.s32 @!p2 $0x500;
	[sflag:s0] =	ssyncset.done @!p2 $0x0  }
0xc0: {  	s28 =	simm.s32 @!p2 $0x4600;
	[sflag:s0] =	ssyncadd.s32 @!p2 $0xFFFFC000;
	s0 =	simm.s32 @!p2 $0x80  }
0xc1: {  	[spmem:s2] =	stream.indirect.scatter.add.f32 @!p2 [tilespmem:s28], [sflag:$0xB], $0x80, s15, s0, $0xb8;
	[tilespmem:$0x1FE80] =	vst v63  }
0xc2: {  	s28 =	sadd.s32 $0x5, s30  }
0xc3: {  	p2 =	sge.u32 s28, s6  }
0xc4: {  	s0 =	simm.s32 @!p2 $0xA  }
0xc5: {  	s15 =	sadd.s32 @!p2 $0x7, s30;
	_ =	swait.ge @!p2 [sflag:s0], $0x4000  }
0xc6: {  	p3 =	sge.u32 @!p2 s15, s6;
	[sflag:s0] =	ssyncset.done @!p2 $0x0  }
0xc7: {  	s28 =	rddreg [dreg:$0x9];
	p3 =	por p3, p2;
	[sflag:s0] =	ssyncadd.s32 @!p2 $0xFFFFC000  }
0xc8: {  	s0 =	sadd.s32 @!p3 s31, s28;
	s15 =	simm.s32 @!p3 $0x0;
	s28 =	simm.s32 @!p3 $0x80  }
0xc9: {  	[tilespmem:s28], [sflag:$0x2] =	stream.linear.gather @!p3 [hbm4b:s0+s15], $0x80, $0x38;
	[tilespmem:$0x1FE80] =	vst v63  }
0xca: {  	s18 =	simm.s32 @!p3 $0x380;
	s28 =	rddreg [dreg:$0xa];
	s0 =	sadd.s32 @!p3 $0x10, s0  }
0xcb: {  	[tilespmem:s18], [sflag:$0x2] =	stream.linear.gather @!p3 [hbm4b:s0+s15], $0x80, $0x38;
	[tilespmem:$0x1FE80] =	vst v63  }
0xcc: {  	p3 =	sge.u32 @!p2 s30, s28  }
0xcd: {  	p3 =	por p3, p2  }
0xce: {  	s0 =	simm.s32 @!p3 $0x1  }
0xcf: {  	_ =	swait.ge @!p3 [sflag:s0], $0x80  }
0xd0: {  	[sflag:s0] =	ssyncset.done @!p3 $0x0  }
0xd1: {  	[sflag:s0] =	ssyncadd.s32 @!p3 $0xFFFFFF80  }
0xd2: {  	_ =	swait.ge @!p3 [sflag:s0], $0x80  }
0xd3: {  	s15 =	simm.s32 @!p3 $0x0;
	[sflag:s0] =	ssyncset.done @!p3 $0x0  }
0xd4: {  	s18 =	simm.s32 @!p3 $0x600;
	[sflag:s0] =	ssyncadd.s32 @!p3 $0xFFFFFF80;
	s0 =	simm.s32 @!p3 $0x80  }
0xd5: {  	[tilespmem:s18], [sflag:$0x7] =	stream.indirect.gather @!p3 [hbm4b:s1+s0], $0x80, s15, s0, $0xb8;
	[tilespmem:$0x1FE80] =	vst v63  }
0xd6: {  	s0 =	simm.s32 @!p2 $0x9  }
0xd7: {  	s31 =	sadd.s32 $0xC0, s31;
	_ =	swait.ge @!p2 [sflag:s0], $0x4000  }
0xd8: {  	s15 =	simm.s32 @!p2 $0x580;
	s18 =	simm.s32 @!p2 $0x8600;
	[sflag:s0] =	ssyncset.done @!p2 $0x0  }
0xd9: {  	s28 =	rddreg [dreg:$0xb];
	[sflag:s0] =	ssyncadd.s32 @!p2 $0xFFFFC000;
	s0 =	simm.s32 @!p2 $0x80  }
0xda: {  	[spmem:s2] =	stream.indirect.scatter.add.f32 @!p2 [tilespmem:s18], [sflag:$0xC], $0x80, s15, s0, $0xb8;
	[tilespmem:$0x1FE80] =	vst v63  }
0xdb: {  	p2 =	sne.s32 s28, s31  }
.Ltmp2:
0xdc: {  	_ = 	snop;
	(pc) =	sbr.rel @p2 .LBB2_2-.Ltmp2, $2  }
0xdd: {  	_ =	sdelay $0x2  }
0xde: {  	s30 =	sadd.s32 $0x6, s30  }
.Ltmp3:
0xdf: {  	(pc) =	sbr.rel @p1 .LBB2_5-.Ltmp3, $1  }
0xe0: {  	_ =	sdelay $0x3  }
0xe1: {  	_ =	swait.ge [sflag:s23], $0x4000  }
0xe2: {  	[sflag:s23] =	ssyncset.done $0x0  }
0xe3: {  	[sflag:s23] =	ssyncadd.s32 $0xFFFFC000  }
.Ltmp4:
0xe4: {  	_ =	swait.ge [sflag:s24], $0x4000;
	(pc) =	sbr.rel .LBB2_6-.Ltmp4, $3  }
0xe5: {  	[sflag:s24] =	ssyncset.done $0x0  }
0xe6: {  	[sflag:s24] =	ssyncadd.s32 $0xFFFFC000  }
0xe7: {  	[bflag:$0x0] =	sbarrier.arrive $0xFFFF;
	_ =	sdelay $0x1  }
.LBB2_5:
0xe8: {  	_ =	swait.ge [sflag:s26], $0x4000  }
0xe9: {  	[sflag:s26] =	ssyncset.done $0x0  }
0xea: {  	[sflag:s26] =	ssyncadd.s32 $0xFFFFC000  }
.Ltmp5:
0xeb: {  	_ =	swait.ge [sflag:s23], $0x4000;
	(pc) =	sbr.rel @p0 .LBB2_7-.Ltmp5, $3  }
0xec: {  	[sflag:s23] =	ssyncset.done $0x0  }
0xed: {  	[sflag:s23] =	ssyncadd.s32 $0xFFFFC000  }
0xee: {  	[bflag:$0x0] =	sbarrier.arrive $0xFFFF;
	_ =	sdelay $0x1  }
.LBB2_6:
0xef: {  	s0 =	sshll.u32 s4, $0x6  }
.Ltmp6:
0xf0: {  	s15 =	sshrl.u32 s7, $0x3;
	s0 =	sor.u32 $0x1C0E, s0;
	(pc) =	sbr.rel .LBB2_8-.Ltmp6, $4  }
0xf1: {  	[hbm:s16], [sflag:s0] =	dma.local [spmem:s15], $0x2700  }
0xf2: {  	_ =	swait.ge [sflag:s25], $0x2700  }
0xf3: {  	[sflag:s25] =	ssyncset.done $0x0  }
0xf4: {  	[sflag:s25] =	ssyncadd.s32 $0xFFFFD900  }
.LBB2_9:
0xf5: {  	_ =	sfence.sel $0x180000  }
0xf6: {  	[bflag:$0x0] =	sbarrier.arrive $0xFFFF  }
0xf7: {  	_ =	strace $0x90000047  }
0xf8: {  	[bflag:$0x2] =	sbarrier.arrive $0xFFFF  }
0xf9: {  	p0 =	sne.s32 s4, $0x0;
	s0 =	rddreg [dreg:$0x4]  }
0xfa: {  	s0 =	sadd.s32 @!p0 $0x100000, s0  }
0xfb: {  	[sflag:s0] =	ssyncadd.tile.s32 @!p0 $0x1;
	_ =	shalt  }
.Lfunc_end2:
_tile_overlayer_lowered:
.L_overlay_start_2:
0xfc: {  	(tag) =	ssettag $0x2  }
0xfd: {  	s0 =	rddreg [dreg:$0x0];
	s2 =	stileid.u32  }
0xfe: {  	s1 =	rddreg [dreg:$0x1];
	p0 =	sne.s32 s2, $0x0  }
0xff: {  	s3 =	rddreg [dreg:$0x2];
	[bflag:$0x3] =	sbarrier.arrive $0xFFFF;
	s2 =	simm.s32 @!p0 $0x1C0E  }
0x100: {  	[timem:s3], [sflag:s2] =	dma.local @!p0 [hbm:s0], s1  }
0x101: {  	s0 =	simm.s32 @!p0 $0xE  }
0x102: {  	_ =	swait.ge @!p0 [sflag:s0], s1  }
0x103: {  	s1 =	ssub.s32 @!p0 $0x0, s1;
	[sflag:s0] =	ssyncset.done @!p0 $0x0  }
0x104: {  	[sflag:s0] =	ssyncadd.s32 @!p0 s1  }
0x105: {  	[bflag:$0x3] =	sbarrier.arrive $0xFFFF  }
0x106: {  	_ =	shalt  }

</sc_bundles>
